<compile_context>
chip_gen: v7x
topology: tpu7x:2x2x1
jax: 0.10.2.dev20260603
libtpu: 0.0.44.dev20260713+nightly
codegen_flags: <defaults>
</compile_context>

<pallas_src>
import functools

import jax
import jax.numpy as jnp
import numpy as np
from jax import lax
from jax.experimental import pallas as pl
from jax.experimental.pallas import tpu as pltpu
from jax.experimental.pallas import tpu_sc as plsc

_B = 4096
_S = 200
_C = 100000
_D = 128
_PAD = 208
_CHUNK = 104
_LANES = 16

_info = plsc.get_sparse_core_info()
_NC = _info.num_cores
_NS = _info.num_subcores
_NW = _NC * _NS
_RPW = _B // _NW


def _neg_idx() -> np.ndarray:
    rot0 = (13, 15, 26, 6)
    rot1 = (17, 29, 16, 24)

    def rotl(x, d):
        d = np.uint32(d)
        return (x << d) | (x >> np.uint32(32 - d))

    def tf2x32(k1, k2, x0, x1):
        ks0, ks1 = np.uint32(k1), np.uint32(k2)
        ks2 = ks0 ^ ks1 ^ np.uint32(0x1BD11BDA)
        x0 = x0 + ks0
        x1 = x1 + ks1

        def rounds(x0, x1, rots):
            for r in rots:
                x0 = x0 + x1
                x1 = rotl(x1, r)
                x1 = x0 ^ x1
            return x0, x1

        x0, x1 = rounds(x0, x1, rot0); x0 = x0 + ks1; x1 = x1 + ks2 + np.uint32(1)
        x0, x1 = rounds(x0, x1, rot1); x0 = x0 + ks2; x1 = x1 + ks0 + np.uint32(2)
        x0, x1 = rounds(x0, x1, rot0); x0 = x0 + ks0; x1 = x1 + ks1 + np.uint32(3)
        x0, x1 = rounds(x0, x1, rot1); x0 = x0 + ks1; x1 = x1 + ks2 + np.uint32(4)
        x0, x1 = rounds(x0, x1, rot0); x0 = x0 + ks2; x1 = x1 + ks0 + np.uint32(5)
        return x0, x1

    with np.errstate(over="ignore"):
        b1, b2 = tf2x32(0, 12345, np.array([0, 0], np.uint32),
                        np.array([0, 1], np.uint32))
        k1 = (b1[0], b2[0])
        k2 = (b1[1], b2[1])
        n = _B * _S
        c1 = np.zeros(n, np.uint32)
        c2 = np.arange(n, dtype=np.uint32)
        h1, h2 = tf2x32(k1[0], k1[1], c1, c2)
        l1, l2 = tf2x32(k2[0], k2[1], c1, c2)
        hi, lo = h1 ^ h2, l1 ^ l2
        span = np.uint32(_C - 1)
        mult = np.uint32(65536)
        mult = np.uint32(mult * mult) % span
        off = ((hi % span) * mult + (lo % span)) % span
    return (1 + off).astype(np.int32).reshape(_B, _S)


_NPAD = _PAD - 1 - _S
_IDX_TAIL = np.concatenate([
    _neg_idx(),
    (np.arange(_B, dtype=np.int32)[:, None] * _NPAD
     + np.arange(_NPAD, dtype=np.int32)[None, :]) % (_C - 1) + 1,
], axis=1)


def _sc_scores(W, x, idx, nb=_B):
    mesh = plsc.VectorSubcoreMesh(core_axis_name="c", subcore_axis_name="s")

    @functools.partial(
        pl.kernel,
        out_type=jax.ShapeDtypeStruct((nb, _PAD * _LANES // 2), jnp.float32),
        mesh=mesh,
        compiler_params=pltpu.CompilerParams(needs_layout_passes=False),
        scratch_types=[
            pltpu.VMEM((2, _D), jnp.float32),
            pltpu.VMEM((2, 2, _CHUNK), jnp.int32),
            pltpu.VMEM((2, _PAD, _D), jnp.float32),
            pltpu.VMEM((2, 8, _PAD * _LANES // 2), jnp.float32),
            pltpu.SemaphoreType.DMA,
            pltpu.SemaphoreType.DMA,
            pltpu.SemaphoreType.DMA,
            pltpu.SemaphoreType.DMA,
            pltpu.SemaphoreType.DMA,
            pltpu.SemaphoreType.DMA,
        ],
    )
    def k(W_hbm, x_hbm, idx_hbm, out_hbm, x_v, idx_v, rows_v, sc_v,
          g0, g1, o0, o1, i0, i1):
        wid = lax.axis_index("s") * _NC + lax.axis_index("c")
        rpw = nb // _NW
        base = wid * rpw
        gsem = [g0, g1]
        osem = [o0, o1]
        isem = [i0, i1]

        def issue_row(r, p):
            pltpu.async_copy(idx_hbm.at[base + r], idx_v.at[p], isem[p])
            pltpu.async_copy(x_hbm.at[base + r], x_v.at[p], isem[p])

        def wait_row(r, p):
            pltpu.make_async_copy(idx_hbm.at[base + r], idx_v.at[p], isem[p]).wait()
            pltpu.make_async_copy(x_hbm.at[base + r], x_v.at[p], isem[p]).wait()

        def issue(p):
            for c in range(2):
                pltpu.async_copy(
                    W_hbm.at[idx_v.at[p, c]],
                    rows_v.at[p, pl.ds(c * _CHUNK, _CHUNK)],
                    gsem[p],
                )

        def wait_gather(p):
            for c in range(2):
                pltpu.make_async_copy(
                    W_hbm.at[idx_v.at[p, c]],
                    rows_v.at[p, pl.ds(c * _CHUNK, _CHUNK)],
                    gsem[p],
                ).wait()

        def compute(p, r, q8):
            xs = [x_v[p, pl.ds(16 * k, 16)] for k in range(8)]
            rm8 = r % 8

            def group(t, carry):
                for q in range(0, 16, 2):
                    parts = []
                    for dq in range(2):
                        j = t * 16 + q + dq
                        a0 = xs[0] * rows_v[p, j, pl.ds(0, 16)]
                        a1 = xs[1] * rows_v[p, j, pl.ds(16, 16)]
                        for kk in range(2, 8, 2):
                            a0 = a0 + xs[kk] * rows_v[p, j, pl.ds(16 * kk, 16)]
                            a1 = a1 + xs[kk + 1] * rows_v[p, j, pl.ds(16 * kk + 16, 16)]
                        parts.append(a0 + a1)
                    packed = plsc.pack(parts[0], parts[1],
                                       format=plsc.PackFormat.INTERLEAVED)
                    words = plsc.bitcast(packed, jnp.float32)
                    sc_v[q8, rm8, pl.ds((t * 16 + q) * 8, _LANES)] = words
                return carry

            lax.fori_loop(0, _PAD // 16, group, 0)

        issue_row(0, 0)
        issue_row(1, 1)
        wait_row(0, 0)
        issue(0)

        def body(g, carry):
            for p in range(2):
                r = 2 * g + p
                wait_gather(p)

                @pl.when(r < rpw - 1)
                def _():
                    wait_row(r + 1, 1 - p)
                    issue(1 - p)

                q8 = (r // 8) % 2

                for q8s in range(2):
                    @pl.when((r % 8 == 0) & (r >= 16) & (q8 == q8s))
                    def _(q8s=q8s):
                        pltpu.make_async_copy(
                            sc_v.at[q8s],
                            out_hbm.at[pl.ds(pl.multiple_of(base + r - 16, 8), 8)],
                            osem[q8s],
                        ).wait()

                    @pl.when(q8 == q8s)
                    def _(q8s=q8s):
                        compute(p, r, q8s)

                    @pl.when((r % 8 == 7) & (q8 == q8s))
                    def _(q8s=q8s):
                        pltpu.async_copy(
                            sc_v.at[q8s],
                            out_hbm.at[pl.ds(pl.multiple_of(base + r - 7, 8), 8)],
                            osem[q8s],
                        )

                @pl.when(r < rpw - 2)
                def _():
                    issue_row(r + 2, p)
            return carry

        lax.fori_loop(0, rpw // 2, body, 0)
        for q8f in range(2):
            pltpu.make_async_copy(
                sc_v.at[q8f],
                out_hbm.at[pl.ds(
                    pl.multiple_of(base + rpw - 16 + 8 * q8f, 8), 8)],
                osem[q8f],
            ).wait()

    return k(W, x, idx)


_TC_BLK = 256


def _tc_loss(partials_flat, nb=_B):

    def body(s_ref, rlo_ref, rhi_ref, o_ref, acc_ref):
        i = pl.program_id(0)
        xi = jax.lax.bitcast_convert_type(s_ref[...], jnp.uint32)
        lo = jax.lax.bitcast_convert_type(xi << 16, jnp.float32)
        hi = jax.lax.bitcast_convert_type(xi & jnp.uint32(0xFFFF0000),
                                          jnp.float32)
        s = jax.lax.dot_general(
            lo.astype(jnp.bfloat16), rlo_ref[...], (((1,), (0,)), ((), ())),
            preferred_element_type=jnp.float32,
        ) + jax.lax.dot_general(
            hi.astype(jnp.bfloat16), rhi_ref[...], (((1,), (0,)), ((), ())),
            preferred_element_type=jnp.float32,
        )
        col = lax.broadcasted_iota(jnp.int32, (_TC_BLK, _PAD), 1)

        def logsig(z):
            return jnp.minimum(z, 0.0) - jnp.log1p(jnp.exp(-jnp.abs(z)))

        pos = jnp.where(col == 0, logsig(s), 0.0)
        neg = jnp.where((col >= 1) & (col <= _S), logsig(-s), 0.0)
        part = jnp.sum(pos + neg)

        @pl.when(i == 0)
        def _():
            acc_ref[0] = 0.0

        acc_ref[0] += part

        @pl.when(i == pl.num_programs(0) - 1)
        def _():
            o_ref[0, 0] = acc_ref[0]

    return pl.pallas_call(
        body,
        grid=(nb // _TC_BLK,),
        in_specs=[
            pl.BlockSpec((_TC_BLK, _PAD * _LANES // 2), lambda i: (i, 0)),
            pl.BlockSpec((_PAD * _LANES // 2, _PAD), lambda i: (0, 0)),
            pl.BlockSpec((_PAD * _LANES // 2, _PAD), lambda i: (0, 0)),
        ],
        out_shape=jax.ShapeDtypeStruct((1, 1), jnp.float32),
        out_specs=pl.BlockSpec((1, 1), lambda i: (0, 0), memory_space=pltpu.SMEM),
        scratch_shapes=[pltpu.SMEM((1,), jnp.float32)],
    )(partials_flat, _reduce_matrix(0), _reduce_matrix(1))


def _reduce_matrix(parity):
    nw = _PAD * _LANES // 2
    w = lax.broadcasted_iota(jnp.int32, (nw, _PAD), 0)
    row = 2 * (w // _LANES) + parity
    col = lax.broadcasted_iota(jnp.int32, (nw, _PAD), 1)
    return (row == col).astype(jnp.bfloat16)


def kernel(inputs, targets, W):
    tgt = targets.astype(jnp.int32)
    idx = jnp.concatenate([tgt, jnp.asarray(_IDX_TAIL)], axis=1)
    idx = idx.reshape(_B, 2, _CHUNK)
    partials = _sc_scores(W, inputs.astype(jnp.float32), idx)
    return -_tc_loss(partials)[0, 0] / _B

# --- scband reference (transcript-rebuilt; emitter-appended) ---
"""Pipeline reference for scband-nceloss-72696616452299 (READ-ONLY COPY).

The authoritative reference and input builder live on the scoring server;
editing this copy changes nothing except your own understanding.
"""

import jax, jax.numpy as jnp
import numpy as np

NUM_SAMPLED = 200
NUM_CLASSES = 100000
DIM = 128
BATCH = 4096


def setup_inputs(seed: int = 0) -> dict:
    key = jax.random.key(seed)
    k1, k2, k3 = jax.random.split(key, 3)
    inputs = jax.random.normal(k1, (BATCH, DIM), dtype=jnp.float32)
    # targets is 2D [B, 1] so that embedding lookup yields [B, 1, dim],
    # matching the permute(0, 2, 1) in the torch forward.
    targets = jax.random.randint(k2, (BATCH, 1), 0, NUM_CLASSES)
    # learned embedding table (nn.Embedding default init ~ N(0, 1); scale kept small for stability)
    W = jax.random.normal(k3, (NUM_CLASSES, DIM), dtype=jnp.float32) * 0.01
    return {"inputs": inputs, "targets": targets, "W": W}


def reference(inputs, targets, W):
    B = inputs.shape[0]
    # positive scores: bmm(inputs[B,1,d], pos_emb.permute -> [B,d,T]) -> [B,1,T] -> squeeze
    pos_emb = jnp.take(W, targets, axis=0)  # [B, 1, dim]
    pos_score = jnp.einsum('bd,btd->bt', inputs, pos_emb)
    pos_score = jnp.squeeze(pos_score)
    pos_loss = jnp.sum(jax.nn.log_sigmoid(pos_score))
    # negative sampling: torch.multinomial over uniform weights with weight[0]=0
    # (i.e. uniform over classes 1..num_classes-1, with replacement)
    nkey = jax.random.key(12345)
    neg_indices = jax.random.randint(nkey, (B * NUM_SAMPLED,), 1, NUM_CLASSES)
    neg_emb = jnp.take(W, neg_indices, axis=0).reshape(B, NUM_SAMPLED, DIM)
    neg_score = jnp.einsum('bd,bsd->bs', inputs, neg_emb)  # [B, num_sampled]
    neg_loss = jnp.sum(jax.nn.log_sigmoid(-neg_score))
    loss = -(pos_loss + neg_loss) / B
    return loss

if __name__ == "__main__":
    import jax
    _d = setup_inputs()
    print(jax.jit(kernel)(*tuple(_d.values())))

</pallas_src>

<mosaic_0001>
#map = affine_map<(d0, d1) -> (0, 0)>
#map1 = affine_map<(d0, d1) -> (0, 0, 0)>
module attributes {stable_mosaic.version = 14 : i64} {
  func.func @k(%arg0: i32, %arg1: i32, %arg2: memref<100000x128xf32, #tpu.memory_space<hbm>>, %arg3: memref<4096x128xf32, #tpu.memory_space<hbm>>, %arg4: memref<4096x2x104xi32, #tpu.memory_space<hbm>>, %arg5: memref<4096x1664xf32, #tpu.memory_space<hbm>>, %arg6: memref<2x128xf32, #tpu.memory_space<vmem>>, %arg7: memref<2x2x104xi32, #tpu.memory_space<vmem>>, %arg8: memref<2x208x128xf32, #tpu.memory_space<vmem>>, %arg9: memref<2x8x1664xf32, #tpu.memory_space<vmem>>, %arg10: memref<!tpu.dma_semaphore, #tpu.memory_space<semaphore_mem>>, %arg11: memref<!tpu.dma_semaphore, #tpu.memory_space<semaphore_mem>>, %arg12: memref<!tpu.dma_semaphore, #tpu.memory_space<semaphore_mem>>, %arg13: memref<!tpu.dma_semaphore, #tpu.memory_space<semaphore_mem>>, %arg14: memref<!tpu.dma_semaphore, #tpu.memory_space<semaphore_mem>>, %arg15: memref<!tpu.dma_semaphore, #tpu.memory_space<semaphore_mem>>) attributes {dimension_semantics = [#tpu.dimension_semantics<core_parallel>, #tpu.dimension_semantics<subcore_parallel>], iteration_bounds = array<i64: 2, 16>, scalar_prefetch = 0 : i64, scratch_operands = 10 : i64, tpu.core_type = #tpu.core_type<sc_vector_subcore>, window_params = [{transform_indices = #map}, {transform_indices = #map}, {transform_indices = #map1}, {transform_indices = #map}]} {
    %mul3A = arith.constant 2 : i32
    %mul3A_0 = arith.muli %arg1, %mul3A : i32
    %add3A = arith.addi %mul3A_0, %arg0 : i32
    %mul3A_1 = arith.constant 128 : i32
    %mul3A_2 = arith.muli %add3A, %mul3A_1 : i32
    %add3A_3 = arith.constant 0 : i32
    %add3A_4 = arith.addi %mul3A_2, %add3A_3 : i32
    %dma_start3A = arith.constant 0 : i32
    %dma_start3A_5 = arith.constant 0 : i32
    %dma_start3A_6 = arith.constant 0 : i32
    %dma_start3A_7 = tpu.memref_slice %arg7[%dma_start3A, %dma_start3A_5, %dma_start3A_6] : memref<2x2x104xi32, #tpu.memory_space<vmem>> -> memref<1x2x104xi32, #tpu.memory_space<vmem>>
    %dma_start3A_8 = tpu.memref_squeeze %dma_start3A_7 : memref<1x2x104xi32, #tpu.memory_space<vmem>> -> memref<2x104xi32, #tpu.memory_space<vmem>>
    %dma_start3A_9 = arith.constant 0 : i32
    %dma_start3A_10 = arith.constant 0 : i32
    %dma_start3A_11 = tpu.memref_slice %arg4[%add3A_4, %dma_start3A_9, %dma_start3A_10] : memref<4096x2x104xi32, #tpu.memory_space<hbm>> -> memref<1x2x104xi32, #tpu.memory_space<hbm>>
    %dma_start3A_12 = tpu.memref_squeeze %dma_start3A_11 : memref<1x2x104xi32, #tpu.memory_space<hbm>> -> memref<2x104xi32, #tpu.memory_space<hbm>>
    %dma_start3A_13 = arith.constant 0 : i32
    %dma_start3A_14 = arith.constant 0 : i32
    %dma_start3A_15 = tpu.memref_slice %arg7[%dma_start3A, %dma_start3A_13, %dma_start3A_14] : memref<2x2x104xi32, #tpu.memory_space<vmem>> -> memref<1x2x104xi32, #tpu.memory_space<vmem>>
    %dma_start3A_16 = tpu.memref_squeeze %dma_start3A_15 : memref<1x2x104xi32, #tpu.memory_space<vmem>> -> memref<2x104xi32, #tpu.memory_space<vmem>>
    %dma_start3A_17 = arith.constant 0 : i32
    %dma_start3A_18 = arith.constant 0 : i32
    %dma_start3A_19 = tpu.memref_slice %arg4[%add3A_4, %dma_start3A_17, %dma_start3A_18] : memref<4096x2x104xi32, #tpu.memory_space<hbm>> -> memref<1x2x104xi32, #tpu.memory_space<hbm>>
    %dma_start3A_20 = tpu.memref_squeeze %dma_start3A_19 : memref<1x2x104xi32, #tpu.memory_space<hbm>> -> memref<2x104xi32, #tpu.memory_space<hbm>>
    tpu.enqueue_dma source(%dma_start3A_20 : memref<2x104xi32, #tpu.memory_space<hbm>>) target(%dma_start3A_16 : memref<2x104xi32, #tpu.memory_space<vmem>>) target_semaphore(%arg14 : memref<!tpu.dma_semaphore, #tpu.memory_space<semaphore_mem>>)
    %add3A_21 = arith.constant 0 : i32
    %add3A_22 = arith.addi %mul3A_2, %add3A_21 : i32
    %dma_start3A_23 = arith.constant 0 : i32
    %dma_start3A_24 = arith.constant 0 : i32
    %dma_start3A_25 = tpu.memref_slice %arg6[%dma_start3A_23, %dma_start3A_24] : memref<2x128xf32, #tpu.memory_space<vmem>> -> memref<1x128xf32, #tpu.memory_space<vmem>>
    %dma_start3A_26 = tpu.memref_squeeze %dma_start3A_25 : memref<1x128xf32, #tpu.memory_space<vmem>> -> memref<128xf32, #tpu.memory_space<vmem>>
    %dma_start3A_27 = arith.constant 0 : i32
    %dma_start3A_28 = tpu.memref_slice %arg3[%add3A_22, %dma_start3A_27] : memref<4096x128xf32, #tpu.memory_space<hbm>> -> memref<1x128xf32, #tpu.memory_space<hbm>>
    %dma_start3A_29 = tpu.memref_squeeze %dma_start3A_28 : memref<1x128xf32, #tpu.memory_space<hbm>> -> memref<128xf32, #tpu.memory_space<hbm>>
    %dma_start3A_30 = arith.constant 0 : i32
    %dma_start3A_31 = tpu.memref_slice %arg6[%dma_start3A_23, %dma_start3A_30] : memref<2x128xf32, #tpu.memory_space<vmem>> -> memref<1x128xf32, #tpu.memory_space<vmem>>
    %dma_start3A_32 = tpu.memref_squeeze %dma_start3A_31 : memref<1x128xf32, #tpu.memory_space<vmem>> -> memref<128xf32, #tpu.memory_space<vmem>>
    %dma_start3A_33 = arith.constant 0 : i32
    %dma_start3A_34 = tpu.memref_slice %arg3[%add3A_22, %dma_start3A_33] : memref<4096x128xf32, #tpu.memory_space<hbm>> -> memref<1x128xf32, #tpu.memory_space<hbm>>
    %dma_start3A_35 = tpu.memref_squeeze %dma_start3A_34 : memref<1x128xf32, #tpu.memory_space<hbm>> -> memref<128xf32, #tpu.memory_space<hbm>>
    tpu.enqueue_dma source(%dma_start3A_35 : memref<128xf32, #tpu.memory_space<hbm>>) target(%dma_start3A_32 : memref<128xf32, #tpu.memory_space<vmem>>) target_semaphore(%arg14 : memref<!tpu.dma_semaphore, #tpu.memory_space<semaphore_mem>>)
    %add3A_36 = arith.constant 1 : i32
    %add3A_37 = arith.addi %mul3A_2, %add3A_36 : i32
    %dma_start3A_38 = arith.constant 1 : i32
    %dma_start3A_39 = arith.constant 0 : i32
    %dma_start3A_40 = arith.constant 0 : i32
    %dma_start3A_41 = tpu.memref_slice %arg7[%dma_start3A_38, %dma_start3A_39, %dma_start3A_40] : memref<2x2x104xi32, #tpu.memory_space<vmem>> -> memref<1x2x104xi32, #tpu.memory_space<vmem>>
    %dma_start3A_42 = tpu.memref_squeeze %dma_start3A_41 : memref<1x2x104xi32, #tpu.memory_space<vmem>> -> memref<2x104xi32, #tpu.memory_space<vmem>>
    %dma_start3A_43 = arith.constant 0 : i32
    %dma_start3A_44 = arith.constant 0 : i32
    %dma_start3A_45 = tpu.memref_slice %arg4[%add3A_37, %dma_start3A_43, %dma_start3A_44] : memref<4096x2x104xi32, #tpu.memory_space<hbm>> -> memref<1x2x104xi32, #tpu.memory_space<hbm>>
    %dma_start3A_46 = tpu.memref_squeeze %dma_start3A_45 : memref<1x2x104xi32, #tpu.memory_space<hbm>> -> memref<2x104xi32, #tpu.memory_space<hbm>>
    %dma_start3A_47 = arith.constant 0 : i32
    %dma_start3A_48 = arith.constant 0 : i32
    %dma_start3A_49 = tpu.memref_slice %arg7[%dma_start3A_38, %dma_start3A_47, %dma_start3A_48] : memref<2x2x104xi32, #tpu.memory_space<vmem>> -> memref<1x2x104xi32, #tpu.memory_space<vmem>>
    %dma_start3A_50 = tpu.memref_squeeze %dma_start3A_49 : memref<1x2x104xi32, #tpu.memory_space<vmem>> -> memref<2x104xi32, #tpu.memory_space<vmem>>
    %dma_start3A_51 = arith.constant 0 : i32
    %dma_start3A_52 = arith.constant 0 : i32
    %dma_start3A_53 = tpu.memref_slice %arg4[%add3A_37, %dma_start3A_51, %dma_start3A_52] : memref<4096x2x104xi32, #tpu.memory_space<hbm>> -> memref<1x2x104xi32, #tpu.memory_space<hbm>>
    %dma_start3A_54 = tpu.memref_squeeze %dma_start3A_53 : memref<1x2x104xi32, #tpu.memory_space<hbm>> -> memref<2x104xi32, #tpu.memory_space<hbm>>
    tpu.enqueue_dma source(%dma_start3A_54 : memref<2x104xi32, #tpu.memory_space<hbm>>) target(%dma_start3A_50 : memref<2x104xi32, #tpu.memory_space<vmem>>) target_semaphore(%arg15 : memref<!tpu.dma_semaphore, #tpu.memory_space<semaphore_mem>>)
    %add3A_55 = arith.constant 1 : i32
    %add3A_56 = arith.addi %mul3A_2, %add3A_55 : i32
    %dma_start3A_57 = arith.constant 1 : i32
    %dma_start3A_58 = arith.constant 0 : i32
    %dma_start3A_59 = tpu.memref_slice %arg6[%dma_start3A_57, %dma_start3A_58] : memref<2x128xf32, #tpu.memory_space<vmem>> -> memref<1x128xf32, #tpu.memory_space<vmem>>
    %dma_start3A_60 = tpu.memref_squeeze %dma_start3A_59 : memref<1x128xf32, #tpu.memory_space<vmem>> -> memref<128xf32, #tpu.memory_space<vmem>>
    %dma_start3A_61 = arith.constant 0 : i32
    %dma_start3A_62 = tpu.memref_slice %arg3[%add3A_56, %dma_start3A_61] : memref<4096x128xf32, #tpu.memory_space<hbm>> -> memref<1x128xf32, #tpu.memory_space<hbm>>
    %dma_start3A_63 = tpu.memref_squeeze %dma_start3A_62 : memref<1x128xf32, #tpu.memory_space<hbm>> -> memref<128xf32, #tpu.memory_space<hbm>>
    %dma_start3A_64 = arith.constant 0 : i32
    %dma_start3A_65 = tpu.memref_slice %arg6[%dma_start3A_57, %dma_start3A_64] : memref<2x128xf32, #tpu.memory_space<vmem>> -> memref<1x128xf32, #tpu.memory_space<vmem>>
    %dma_start3A_66 = tpu.memref_squeeze %dma_start3A_65 : memref<1x128xf32, #tpu.memory_space<vmem>> -> memref<128xf32, #tpu.memory_space<vmem>>
    %dma_start3A_67 = arith.constant 0 : i32
    %dma_start3A_68 = tpu.memref_slice %arg3[%add3A_56, %dma_start3A_67] : memref<4096x128xf32, #tpu.memory_space<hbm>> -> memref<1x128xf32, #tpu.memory_space<hbm>>
    %dma_start3A_69 = tpu.memref_squeeze %dma_start3A_68 : memref<1x128xf32, #tpu.memory_space<hbm>> -> memref<128xf32, #tpu.memory_space<hbm>>
    tpu.enqueue_dma source(%dma_start3A_69 : memref<128xf32, #tpu.memory_space<hbm>>) target(%dma_start3A_66 : memref<128xf32, #tpu.memory_space<vmem>>) target_semaphore(%arg15 : memref<!tpu.dma_semaphore, #tpu.memory_space<semaphore_mem>>)
    %add3A_70 = arith.constant 0 : i32
    %add3A_71 = arith.addi %mul3A_2, %add3A_70 : i32
    %dma_wait3A = arith.constant 0 : i32
    %dma_wait3A_72 = arith.constant 0 : i32
    %dma_wait3A_73 = arith.constant 0 : i32
    %dma_wait3A_74 = tpu.memref_slice %arg7[%dma_wait3A, %dma_wait3A_72, %dma_wait3A_73] : memref<2x2x104xi32, #tpu.memory_space<vmem>> -> memref<1x2x104xi32, #tpu.memory_space<vmem>>
    %dma_wait3A_75 = tpu.memref_squeeze %dma_wait3A_74 : memref<1x2x104xi32, #tpu.memory_space<vmem>> -> memref<2x104xi32, #tpu.memory_space<vmem>>
    %dma_wait3A_76 = arith.constant 0 : i32
    %dma_wait3A_77 = arith.constant 0 : i32
    %dma_wait3A_78 = tpu.memref_slice %arg4[%add3A_71, %dma_wait3A_76, %dma_wait3A_77] : memref<4096x2x104xi32, #tpu.memory_space<hbm>> -> memref<1x2x104xi32, #tpu.memory_space<hbm>>
    %dma_wait3A_79 = tpu.memref_squeeze %dma_wait3A_78 : memref<1x2x104xi32, #tpu.memory_space<hbm>> -> memref<2x104xi32, #tpu.memory_space<hbm>>
    %dma_wait3A_80 = arith.constant 0 : i32
    %dma_wait3A_81 = arith.constant 0 : i32
    %dma_wait3A_82 = tpu.memref_slice %arg7[%dma_wait3A, %dma_wait3A_80, %dma_wait3A_81] : memref<2x2x104xi32, #tpu.memory_space<vmem>> -> memref<1x2x104xi32, #tpu.memory_space<vmem>>
    %dma_wait3A_83 = tpu.memref_squeeze %dma_wait3A_82 : memref<1x2x104xi32, #tpu.memory_space<vmem>> -> memref<2x104xi32, #tpu.memory_space<vmem>>
    %dma_wait3A_84 = arith.constant 0 : i32
    %dma_wait3A_85 = arith.constant 0 : i32
    %dma_wait3A_86 = tpu.memref_slice %arg4[%add3A_71, %dma_wait3A_84, %dma_wait3A_85] : memref<4096x2x104xi32, #tpu.memory_space<hbm>> -> memref<1x2x104xi32, #tpu.memory_space<hbm>>
    %dma_wait3A_87 = tpu.memref_squeeze %dma_wait3A_86 : memref<1x2x104xi32, #tpu.memory_space<hbm>> -> memref<2x104xi32, #tpu.memory_space<hbm>>
    tpu.wait_dma2 semaphore(%arg14 : memref<!tpu.dma_semaphore, #tpu.memory_space<semaphore_mem>>) src(%dma_wait3A_87 : memref<2x104xi32, #tpu.memory_space<hbm>>) dst(%dma_wait3A_83 : memref<2x104xi32, #tpu.memory_space<vmem>>)
    %add3A_88 = arith.constant 0 : i32
    %add3A_89 = arith.addi %mul3A_2, %add3A_88 : i32
    %dma_wait3A_90 = arith.constant 0 : i32
    %dma_wait3A_91 = arith.constant 0 : i32
    %dma_wait3A_92 = tpu.memref_slice %arg6[%dma_wait3A_90, %dma_wait3A_91] : memref<2x128xf32, #tpu.memory_space<vmem>> -> memref<1x128xf32, #tpu.memory_space<vmem>>
    %dma_wait3A_93 = tpu.memref_squeeze %dma_wait3A_92 : memref<1x128xf32, #tpu.memory_space<vmem>> -> memref<128xf32, #tpu.memory_space<vmem>>
    %dma_wait3A_94 = arith.constant 0 : i32
    %dma_wait3A_95 = tpu.memref_slice %arg3[%add3A_89, %dma_wait3A_94] : memref<4096x128xf32, #tpu.memory_space<hbm>> -> memref<1x128xf32, #tpu.memory_space<hbm>>
    %dma_wait3A_96 = tpu.memref_squeeze %dma_wait3A_95 : memref<1x128xf32, #tpu.memory_space<hbm>> -> memref<128xf32, #tpu.memory_space<hbm>>
    %dma_wait3A_97 = arith.constant 0 : i32
    %dma_wait3A_98 = tpu.memref_slice %arg6[%dma_wait3A_90, %dma_wait3A_97] : memref<2x128xf32, #tpu.memory_space<vmem>> -> memref<1x128xf32, #tpu.memory_space<vmem>>
    %dma_wait3A_99 = tpu.memref_squeeze %dma_wait3A_98 : memref<1x128xf32, #tpu.memory_space<vmem>> -> memref<128xf32, #tpu.memory_space<vmem>>
    %dma_wait3A_100 = arith.constant 0 : i32
    %dma_wait3A_101 = tpu.memref_slice %arg3[%add3A_89, %dma_wait3A_100] : memref<4096x128xf32, #tpu.memory_space<hbm>> -> memref<1x128xf32, #tpu.memory_space<hbm>>
    %dma_wait3A_102 = tpu.memref_squeeze %dma_wait3A_101 : memref<1x128xf32, #tpu.memory_space<hbm>> -> memref<128xf32, #tpu.memory_space<hbm>>
    tpu.wait_dma2 semaphore(%arg14 : memref<!tpu.dma_semaphore, #tpu.memory_space<semaphore_mem>>) src(%dma_wait3A_102 : memref<128xf32, #tpu.memory_space<hbm>>) dst(%dma_wait3A_99 : memref<128xf32, #tpu.memory_space<vmem>>)
    %dma_start3A_103 = arith.constant 0 : i32
    %dma_start3A_104 = arith.constant 0 : i32
    %dma_start3A_105 = arith.constant 0 : i32
    %dma_start3A_106 = arith.constant 0 : i32
    %dma_start3A_107 = arith.constant 0 : i32
    %dma_start3A_108 = tpu.memref_slice %arg8[%dma_start3A_105, %dma_start3A_106, %dma_start3A_107] : memref<2x208x128xf32, #tpu.memory_space<vmem>> -> memref<1x104x128xf32, #tpu.memory_space<vmem>>
    %dma_start3A_109 = tpu.memref_squeeze %dma_start3A_108 : memref<1x104x128xf32, #tpu.memory_space<vmem>> -> memref<104x128xf32, #tpu.memory_space<vmem>>
    %dma_start3A_110 = arith.constant 0 : i32
    %dma_start3A_111 = tpu.memref_slice %arg7[%dma_start3A_103, %dma_start3A_104, %dma_start3A_110] : memref<2x2x104xi32, #tpu.memory_space<vmem>> -> memref<1x1x104xi32, #tpu.memory_space<vmem>>
    %dma_start3A_112 = tpu.memref_squeeze %dma_start3A_111 : memref<1x1x104xi32, #tpu.memory_space<vmem>> -> memref<104xi32, #tpu.memory_space<vmem>>
    %dma_start3A_113 = arith.constant 0 : i32
    %dma_start3A_114 = arith.constant 0 : i32
    %dma_start3A_115 = tpu.memref_slice %arg2[%dma_start3A_113, %dma_start3A_114] : memref<100000x128xf32, #tpu.memory_space<hbm>> -> memref<100000x128xf32, #tpu.memory_space<hbm>>
    tpu.enqueue_indirect_dma source(%dma_start3A_115 : memref<100000x128xf32, #tpu.memory_space<hbm>>) target(%dma_start3A_109 : memref<104x128xf32, #tpu.memory_space<vmem>>) offsets(%dma_start3A_112 : memref<104xi32, #tpu.memory_space<vmem>>) semaphore(%arg10 : memref<!tpu.dma_semaphore, #tpu.memory_space<semaphore_mem>>)
    %dma_start3A_116 = arith.constant 0 : i32
    %dma_start3A_117 = arith.constant 1 : i32
    %dma_start3A_118 = arith.constant 0 : i32
    %dma_start3A_119 = arith.constant 104 : i32
    %dma_start3A_120 = arith.constant 0 : i32
    %dma_start3A_121 = tpu.memref_slice %arg8[%dma_start3A_118, %dma_start3A_119, %dma_start3A_120] : memref<2x208x128xf32, #tpu.memory_space<vmem>> -> memref<1x104x128xf32, #tpu.memory_space<vmem>>
    %dma_start3A_122 = tpu.memref_squeeze %dma_start3A_121 : memref<1x104x128xf32, #tpu.memory_space<vmem>> -> memref<104x128xf32, #tpu.memory_space<vmem>>
    %dma_start3A_123 = arith.constant 0 : i32
    %dma_start3A_124 = tpu.memref_slice %arg7[%dma_start3A_116, %dma_start3A_117, %dma_start3A_123] : memref<2x2x104xi32, #tpu.memory_space<vmem>> -> memref<1x1x104xi32, #tpu.memory_space<vmem>>
    %dma_start3A_125 = tpu.memref_squeeze %dma_start3A_124 : memref<1x1x104xi32, #tpu.memory_space<vmem>> -> memref<104xi32, #tpu.memory_space<vmem>>
    %dma_start3A_126 = arith.constant 0 : i32
    %dma_start3A_127 = arith.constant 0 : i32
    %dma_start3A_128 = tpu.memref_slice %arg2[%dma_start3A_126, %dma_start3A_127] : memref<100000x128xf32, #tpu.memory_space<hbm>> -> memref<100000x128xf32, #tpu.memory_space<hbm>>
    tpu.enqueue_indirect_dma source(%dma_start3A_128 : memref<100000x128xf32, #tpu.memory_space<hbm>>) target(%dma_start3A_122 : memref<104x128xf32, #tpu.memory_space<vmem>>) offsets(%dma_start3A_125 : memref<104xi32, #tpu.memory_space<vmem>>) semaphore(%arg10 : memref<!tpu.dma_semaphore, #tpu.memory_space<semaphore_mem>>)
    %scan3A = arith.constant 0 : i32
    %scan3A_129 = arith.constant 0 : i32
    %scan3A_130 = arith.constant 64 : i32
    %scan3A_131 = arith.addi %scan3A_129, %scan3A_130 : i32
    %scan3A_132 = arith.constant 1 : i32
    scf.for %scan3A_172 = %scan3A_129 to %scan3A_131 step %scan3A_132  : i32 {
      %mul3A_173 = arith.constant 2 : i32
      %mul3A_174 = arith.muli %mul3A_173, %scan3A_172 : i32
      %add3A_175 = arith.constant 0 : i32
      %add3A_176 = arith.addi %mul3A_174, %add3A_175 : i32
      %dma_wait3A_177 = arith.constant 0 : i32
      %dma_wait3A_178 = arith.constant 0 : i32
      %dma_wait3A_179 = arith.constant 0 : i32
      %dma_wait3A_180 = arith.constant 0 : i32
      %dma_wait3A_181 = arith.constant 0 : i32
      %dma_wait3A_182 = tpu.memref_slice %arg8[%dma_wait3A_179, %dma_wait3A_180, %dma_wait3A_181] : memref<2x208x128xf32, #tpu.memory_space<vmem>> -> memref<1x104x128xf32, #tpu.memory_space<vmem>>
      %dma_wait3A_183 = tpu.memref_squeeze %dma_wait3A_182 : memref<1x104x128xf32, #tpu.memory_space<vmem>> -> memref<104x128xf32, #tpu.memory_space<vmem>>
      %dma_wait3A_184 = arith.constant 0 : i32
      %dma_wait3A_185 = tpu.memref_slice %arg7[%dma_wait3A_177, %dma_wait3A_178, %dma_wait3A_184] : memref<2x2x104xi32, #tpu.memory_space<vmem>> -> memref<1x1x104xi32, #tpu.memory_space<vmem>>
      %dma_wait3A_186 = tpu.memref_squeeze %dma_wait3A_185 : memref<1x1x104xi32, #tpu.memory_space<vmem>> -> memref<104xi32, #tpu.memory_space<vmem>>
      %dma_wait3A_187 = arith.constant 0 : i32
      %dma_wait3A_188 = arith.constant 0 : i32
      %dma_wait3A_189 = tpu.memref_slice %arg2[%dma_wait3A_187, %dma_wait3A_188] : memref<100000x128xf32, #tpu.memory_space<hbm>> -> memref<100000x128xf32, #tpu.memory_space<hbm>>
      tpu.wait_indirect_dma semaphore(%arg10 : memref<!tpu.dma_semaphore, #tpu.memory_space<semaphore_mem>>) src(%dma_wait3A_189 : memref<100000x128xf32, #tpu.memory_space<hbm>>) dst(%dma_wait3A_183 : memref<104x128xf32, #tpu.memory_space<vmem>>)
      %dma_wait3A_190 = arith.constant 0 : i32
      %dma_wait3A_191 = arith.constant 1 : i32
      %dma_wait3A_192 = arith.constant 0 : i32
      %dma_wait3A_193 = arith.constant 104 : i32
      %dma_wait3A_194 = arith.constant 0 : i32
      %dma_wait3A_195 = tpu.memref_slice %arg8[%dma_wait3A_192, %dma_wait3A_193, %dma_wait3A_194] : memref<2x208x128xf32, #tpu.memory_space<vmem>> -> memref<1x104x128xf32, #tpu.memory_space<vmem>>
      %dma_wait3A_196 = tpu.memref_squeeze %dma_wait3A_195 : memref<1x104x128xf32, #tpu.memory_space<vmem>> -> memref<104x128xf32, #tpu.memory_space<vmem>>
      %dma_wait3A_197 = arith.constant 0 : i32
      %dma_wait3A_198 = tpu.memref_slice %arg7[%dma_wait3A_190, %dma_wait3A_191, %dma_wait3A_197] : memref<2x2x104xi32, #tpu.memory_space<vmem>> -> memref<1x1x104xi32, #tpu.memory_space<vmem>>
      %dma_wait3A_199 = tpu.memref_squeeze %dma_wait3A_198 : memref<1x1x104xi32, #tpu.memory_space<vmem>> -> memref<104xi32, #tpu.memory_space<vmem>>
      %dma_wait3A_200 = arith.constant 0 : i32
      %dma_wait3A_201 = arith.constant 0 : i32
      %dma_wait3A_202 = tpu.memref_slice %arg2[%dma_wait3A_200, %dma_wait3A_201] : memref<100000x128xf32, #tpu.memory_space<hbm>> -> memref<100000x128xf32, #tpu.memory_space<hbm>>
      tpu.wait_indirect_dma semaphore(%arg10 : memref<!tpu.dma_semaphore, #tpu.memory_space<semaphore_mem>>) src(%dma_wait3A_202 : memref<100000x128xf32, #tpu.memory_space<hbm>>) dst(%dma_wait3A_196 : memref<104x128xf32, #tpu.memory_space<vmem>>)
      %lt3A = arith.constant 127 : i32
      %lt3A_203 = arith.cmpi slt, %add3A_176, %lt3A : i32
      %convert_element_type3A = arith.extui %lt3A_203 : i1 to i32
      %cond3A = arith.constant 0 : i32
      %cond3A_204 = arith.cmpi ne, %convert_element_type3A, %cond3A : i32
      scf.if %cond3A_204 {
        %add3A_545 = arith.constant 1 : i32
        %add3A_546 = arith.addi %add3A_176, %add3A_545 : i32
        %add3A_547 = arith.addi %mul3A_2, %add3A_546 : i32
        %dma_wait3A_548 = arith.constant 1 : i32
        %dma_wait3A_549 = arith.constant 0 : i32
        %dma_wait3A_550 = arith.constant 0 : i32
        %dma_wait3A_551 = tpu.memref_slice %arg7[%dma_wait3A_548, %dma_wait3A_549, %dma_wait3A_550] : memref<2x2x104xi32, #tpu.memory_space<vmem>> -> memref<1x2x104xi32, #tpu.memory_space<vmem>>
        %dma_wait3A_552 = tpu.memref_squeeze %dma_wait3A_551 : memref<1x2x104xi32, #tpu.memory_space<vmem>> -> memref<2x104xi32, #tpu.memory_space<vmem>>
        %dma_wait3A_553 = arith.constant 0 : i32
        %dma_wait3A_554 = arith.constant 0 : i32
        %dma_wait3A_555 = tpu.memref_slice %arg4[%add3A_547, %dma_wait3A_553, %dma_wait3A_554] : memref<4096x2x104xi32, #tpu.memory_space<hbm>> -> memref<1x2x104xi32, #tpu.memory_space<hbm>>
        %dma_wait3A_556 = tpu.memref_squeeze %dma_wait3A_555 : memref<1x2x104xi32, #tpu.memory_space<hbm>> -> memref<2x104xi32, #tpu.memory_space<hbm>>
        %dma_wait3A_557 = arith.constant 0 : i32
        %dma_wait3A_558 = arith.constant 0 : i32
        %dma_wait3A_559 = tpu.memref_slice %arg7[%dma_wait3A_548, %dma_wait3A_557, %dma_wait3A_558] : memref<2x2x104xi32, #tpu.memory_space<vmem>> -> memref<1x2x104xi32, #tpu.memory_space<vmem>>
        %dma_wait3A_560 = tpu.memref_squeeze %dma_wait3A_559 : memref<1x2x104xi32, #tpu.memory_space<vmem>> -> memref<2x104xi32, #tpu.memory_space<vmem>>
        %dma_wait3A_561 = arith.constant 0 : i32
        %dma_wait3A_562 = arith.constant 0 : i32
        %dma_wait3A_563 = tpu.memref_slice %arg4[%add3A_547, %dma_wait3A_561, %dma_wait3A_562] : memref<4096x2x104xi32, #tpu.memory_space<hbm>> -> memref<1x2x104xi32, #tpu.memory_space<hbm>>
        %dma_wait3A_564 = tpu.memref_squeeze %dma_wait3A_563 : memref<1x2x104xi32, #tpu.memory_space<hbm>> -> memref<2x104xi32, #tpu.memory_space<hbm>>
        tpu.wait_dma2 semaphore(%arg15 : memref<!tpu.dma_semaphore, #tpu.memory_space<semaphore_mem>>) src(%dma_wait3A_564 : memref<2x104xi32, #tpu.memory_space<hbm>>) dst(%dma_wait3A_560 : memref<2x104xi32, #tpu.memory_space<vmem>>)
        %add3A_565 = arith.addi %mul3A_2, %add3A_546 : i32
        %dma_wait3A_566 = arith.constant 1 : i32
        %dma_wait3A_567 = arith.constant 0 : i32
        %dma_wait3A_568 = tpu.memref_slice %arg6[%dma_wait3A_566, %dma_wait3A_567] : memref<2x128xf32, #tpu.memory_space<vmem>> -> memref<1x128xf32, #tpu.memory_space<vmem>>
        %dma_wait3A_569 = tpu.memref_squeeze %dma_wait3A_568 : memref<1x128xf32, #tpu.memory_space<vmem>> -> memref<128xf32, #tpu.memory_space<vmem>>
        %dma_wait3A_570 = arith.constant 0 : i32
        %dma_wait3A_571 = tpu.memref_slice %arg3[%add3A_565, %dma_wait3A_570] : memref<4096x128xf32, #tpu.memory_space<hbm>> -> memref<1x128xf32, #tpu.memory_space<hbm>>
        %dma_wait3A_572 = tpu.memref_squeeze %dma_wait3A_571 : memref<1x128xf32, #tpu.memory_space<hbm>> -> memref<128xf32, #tpu.memory_space<hbm>>
        %dma_wait3A_573 = arith.constant 0 : i32
        %dma_wait3A_574 = tpu.memref_slice %arg6[%dma_wait3A_566, %dma_wait3A_573] : memref<2x128xf32, #tpu.memory_space<vmem>> -> memref<1x128xf32, #tpu.memory_space<vmem>>
        %dma_wait3A_575 = tpu.memref_squeeze %dma_wait3A_574 : memref<1x128xf32, #tpu.memory_space<vmem>> -> memref<128xf32, #tpu.memory_space<vmem>>
        %dma_wait3A_576 = arith.constant 0 : i32
        %dma_wait3A_577 = tpu.memref_slice %arg3[%add3A_565, %dma_wait3A_576] : memref<4096x128xf32, #tpu.memory_space<hbm>> -> memref<1x128xf32, #tpu.memory_space<hbm>>
        %dma_wait3A_578 = tpu.memref_squeeze %dma_wait3A_577 : memref<1x128xf32, #tpu.memory_space<hbm>> -> memref<128xf32, #tpu.memory_space<hbm>>
        tpu.wait_dma2 semaphore(%arg15 : memref<!tpu.dma_semaphore, #tpu.memory_space<semaphore_mem>>) src(%dma_wait3A_578 : memref<128xf32, #tpu.memory_space<hbm>>) dst(%dma_wait3A_575 : memref<128xf32, #tpu.memory_space<vmem>>)
        %dma_start3A_579 = arith.constant 1 : i32
        %dma_start3A_580 = arith.constant 0 : i32
        %dma_start3A_581 = arith.constant 1 : i32
        %dma_start3A_582 = arith.constant 0 : i32
        %dma_start3A_583 = arith.constant 0 : i32
        %dma_start3A_584 = tpu.memref_slice %arg8[%dma_start3A_581, %dma_start3A_582, %dma_start3A_583] : memref<2x208x128xf32, #tpu.memory_space<vmem>> -> memref<1x104x128xf32, #tpu.memory_space<vmem>>
        %dma_start3A_585 = tpu.memref_squeeze %dma_start3A_584 : memref<1x104x128xf32, #tpu.memory_space<vmem>> -> memref<104x128xf32, #tpu.memory_space<vmem>>
        %dma_start3A_586 = arith.constant 0 : i32
        %dma_start3A_587 = tpu.memref_slice %arg7[%dma_start3A_579, %dma_start3A_580, %dma_start3A_586] : memref<2x2x104xi32, #tpu.memory_space<vmem>> -> memref<1x1x104xi32, #tpu.memory_space<vmem>>
        %dma_start3A_588 = tpu.memref_squeeze %dma_start3A_587 : memref<1x1x104xi32, #tpu.memory_space<vmem>> -> memref<104xi32, #tpu.memory_space<vmem>>
        %dma_start3A_589 = arith.constant 0 : i32
        %dma_start3A_590 = arith.constant 0 : i32
        %dma_start3A_591 = tpu.memref_slice %arg2[%dma_start3A_589, %dma_start3A_590] : memref<100000x128xf32, #tpu.memory_space<hbm>> -> memref<100000x128xf32, #tpu.memory_space<hbm>>
        tpu.enqueue_indirect_dma source(%dma_start3A_591 : memref<100000x128xf32, #tpu.memory_space<hbm>>) target(%dma_start3A_585 : memref<104x128xf32, #tpu.memory_space<vmem>>) offsets(%dma_start3A_588 : memref<104xi32, #tpu.memory_space<vmem>>) semaphore(%arg11 : memref<!tpu.dma_semaphore, #tpu.memory_space<semaphore_mem>>)
        %dma_start3A_592 = arith.constant 1 : i32
        %dma_start3A_593 = arith.constant 1 : i32
        %dma_start3A_594 = arith.constant 1 : i32
        %dma_start3A_595 = arith.constant 104 : i32
        %dma_start3A_596 = arith.constant 0 : i32
        %dma_start3A_597 = tpu.memref_slice %arg8[%dma_start3A_594, %dma_start3A_595, %dma_start3A_596] : memref<2x208x128xf32, #tpu.memory_space<vmem>> -> memref<1x104x128xf32, #tpu.memory_space<vmem>>
        %dma_start3A_598 = tpu.memref_squeeze %dma_start3A_597 : memref<1x104x128xf32, #tpu.memory_space<vmem>> -> memref<104x128xf32, #tpu.memory_space<vmem>>
        %dma_start3A_599 = arith.constant 0 : i32
        %dma_start3A_600 = tpu.memref_slice %arg7[%dma_start3A_592, %dma_start3A_593, %dma_start3A_599] : memref<2x2x104xi32, #tpu.memory_space<vmem>> -> memref<1x1x104xi32, #tpu.memory_space<vmem>>
        %dma_start3A_601 = tpu.memref_squeeze %dma_start3A_600 : memref<1x1x104xi32, #tpu.memory_space<vmem>> -> memref<104xi32, #tpu.memory_space<vmem>>
        %dma_start3A_602 = arith.constant 0 : i32
        %dma_start3A_603 = arith.constant 0 : i32
        %dma_start3A_604 = tpu.memref_slice %arg2[%dma_start3A_602, %dma_start3A_603] : memref<100000x128xf32, #tpu.memory_space<hbm>> -> memref<100000x128xf32, #tpu.memory_space<hbm>>
        tpu.enqueue_indirect_dma source(%dma_start3A_604 : memref<100000x128xf32, #tpu.memory_space<hbm>>) target(%dma_start3A_598 : memref<104x128xf32, #tpu.memory_space<vmem>>) offsets(%dma_start3A_601 : memref<104xi32, #tpu.memory_space<vmem>>) semaphore(%arg11 : memref<!tpu.dma_semaphore, #tpu.memory_space<semaphore_mem>>)
      } else {
      }
      %jit3A = arith.constant 8 : i32
      %div3A = arith.divsi %add3A_176, %jit3A : i32
      %sign3A = arith.constant 0 : i32
      %sign3A_205 = arith.cmpi sgt, %add3A_176, %sign3A : i32
      %sign3A_206 = arith.extui %sign3A_205 : i1 to i32
      %sign3A_207 = arith.constant 0 : i32
      %sign3A_208 = arith.cmpi slt, %add3A_176, %sign3A_207 : i32
      %sign3A_209 = arith.extui %sign3A_208 : i1 to i32
      %sign3A_210 = arith.subi %sign3A_206, %sign3A_209 : i32
      %sign3A_211 = arith.constant 0 : i32
      %sign3A_212 = arith.cmpi sgt, %jit3A, %sign3A_211 : i32
      %sign3A_213 = arith.extui %sign3A_212 : i1 to i32
      %sign3A_214 = arith.constant 0 : i32
      %sign3A_215 = arith.cmpi slt, %jit3A, %sign3A_214 : i32
      %sign3A_216 = arith.extui %sign3A_215 : i1 to i32
      %sign3A_217 = arith.subi %sign3A_213, %sign3A_216 : i32
      %ne3A = arith.cmpi ne, %sign3A_210, %sign3A_217 : i32
      %rem3A = arith.remsi %add3A_176, %jit3A : i32
      %ne3A_218 = arith.constant 0 : i32
      %ne3A_219 = arith.cmpi ne, %rem3A, %ne3A_218 : i32
      %and3A = arith.andi %ne3A, %ne3A_219 : i1
      %sub3A_220 = arith.constant 1 : i32
      %sub3A_221 = arith.subi %div3A, %sub3A_220 : i32
      %select_n3A = arith.select %and3A, %sub3A_221, %div3A : i32
      %jit3A_222 = arith.constant 2 : i32
      %eq3A = arith.constant 0 : i32
      %eq3A_223 = arith.cmpi eq, %jit3A_222, %eq3A : i32
      %jit3A_224 = arith.constant 1 : i32
      %select_n3A_225 = arith.select %eq3A_223, %jit3A_224, %jit3A_222 : i32
      %rem3A_226 = arith.remsi %select_n3A, %select_n3A_225 : i32
      %ne3A_227 = arith.constant 0 : i32
      %ne3A_228 = arith.cmpi ne, %rem3A_226, %ne3A_227 : i32
      %lt3A_229 = arith.constant 0 : i32
      %lt3A_230 = arith.cmpi slt, %rem3A_226, %lt3A_229 : i32
      %lt3A_231 = arith.constant 0 : i32
      %lt3A_232 = arith.cmpi slt, %select_n3A_225, %lt3A_231 : i32
      %ne3A_233 = arith.xori %lt3A_230, %lt3A_232 : i1
      %and3A_234 = arith.andi %ne3A_233, %ne3A_228 : i1
      %add3A_235 = arith.addi %rem3A_226, %select_n3A_225 : i32
      %select_n3A_236 = arith.select %and3A_234, %add3A_235, %rem3A_226 : i32
      %jit3A_237 = arith.constant 8 : i32
      %eq3A_238 = arith.constant 0 : i32
      %eq3A_239 = arith.cmpi eq, %jit3A_237, %eq3A_238 : i32
      %jit3A_240 = arith.constant 1 : i32
      %select_n3A_241 = arith.select %eq3A_239, %jit3A_240, %jit3A_237 : i32
      %rem3A_242 = arith.remsi %add3A_176, %select_n3A_241 : i32
      %ne3A_243 = arith.constant 0 : i32
      %ne3A_244 = arith.cmpi ne, %rem3A_242, %ne3A_243 : i32
      %lt3A_245 = arith.constant 0 : i32
      %lt3A_246 = arith.cmpi slt, %rem3A_242, %lt3A_245 : i32
      %lt3A_247 = arith.constant 0 : i32
      %lt3A_248 = arith.cmpi slt, %select_n3A_241, %lt3A_247 : i32
      %ne3A_249 = arith.xori %lt3A_246, %lt3A_248 : i1
      %and3A_250 = arith.andi %ne3A_249, %ne3A_244 : i1
      %add3A_251 = arith.addi %rem3A_242, %select_n3A_241 : i32
      %select_n3A_252 = arith.select %and3A_250, %add3A_251, %rem3A_242 : i32
      %eq3A_253 = arith.constant 0 : i32
      %eq3A_254 = arith.cmpi eq, %select_n3A_252, %eq3A_253 : i32
      %ge3A = arith.constant 16 : i32
      %ge3A_255 = arith.cmpi sge, %add3A_176, %ge3A : i32
      %and3A_256 = arith.andi %eq3A_254, %ge3A_255 : i1
      %eq3A_257 = arith.constant 0 : i32
      %eq3A_258 = arith.cmpi eq, %select_n3A_236, %eq3A_257 : i32
      %and3A_259 = arith.andi %and3A_256, %eq3A_258 : i1
      %convert_element_type3A_260 = arith.extui %and3A_259 : i1 to i32
      %cond3A_261 = arith.constant 0 : i32
      %cond3A_262 = arith.cmpi ne, %convert_element_type3A_260, %cond3A_261 : i32
      scf.if %cond3A_262 {
        %add3A_545 = arith.addi %mul3A_2, %add3A_176 : i32
        %sub3A_546 = arith.constant 16 : i32
        %sub3A_547 = arith.subi %add3A_545, %sub3A_546 : i32
        %multiple_of3A_548 = tpu.assume_multiple %sub3A_547, 8 : i32
        %dma_wait3A_549 = arith.constant 0 : i32
        %dma_wait3A_550 = arith.constant 0 : i32
        %dma_wait3A_551 = arith.constant 0 : i32
        %dma_wait3A_552 = tpu.memref_slice %arg9[%dma_wait3A_549, %dma_wait3A_550, %dma_wait3A_551] : memref<2x8x1664xf32, #tpu.memory_space<vmem>> -> memref<1x8x1664xf32, #tpu.memory_space<vmem>>
        %dma_wait3A_553 = tpu.memref_squeeze %dma_wait3A_552 : memref<1x8x1664xf32, #tpu.memory_space<vmem>> -> memref<8x1664xf32, #tpu.memory_space<vmem>>
        %dma_wait3A_554 = arith.constant 0 : i32
        %dma_wait3A_555 = tpu.memref_slice %arg5[%multiple_of3A_548, %dma_wait3A_554] : memref<4096x1664xf32, #tpu.memory_space<hbm>> -> memref<8x1664xf32, #tpu.memory_space<hbm>>
        %dma_wait3A_556 = arith.constant 0 : i32
        %dma_wait3A_557 = tpu.memref_slice %arg5[%multiple_of3A_548, %dma_wait3A_556] : memref<4096x1664xf32, #tpu.memory_space<hbm>> -> memref<8x1664xf32, #tpu.memory_space<hbm>>
        %dma_wait3A_558 = arith.constant 0 : i32
        %dma_wait3A_559 = arith.constant 0 : i32
        %dma_wait3A_560 = tpu.memref_slice %arg9[%dma_wait3A_549, %dma_wait3A_558, %dma_wait3A_559] : memref<2x8x1664xf32, #tpu.memory_space<vmem>> -> memref<1x8x1664xf32, #tpu.memory_space<vmem>>
        %dma_wait3A_561 = tpu.memref_squeeze %dma_wait3A_560 : memref<1x8x1664xf32, #tpu.memory_space<vmem>> -> memref<8x1664xf32, #tpu.memory_space<vmem>>
        tpu.wait_dma2 semaphore(%arg12 : memref<!tpu.dma_semaphore, #tpu.memory_space<semaphore_mem>>) src(%dma_wait3A_561 : memref<8x1664xf32, #tpu.memory_space<vmem>>) dst(%dma_wait3A_557 : memref<8x1664xf32, #tpu.memory_space<hbm>>)
      } else {
      }
      %eq3A_263 = arith.constant 0 : i32
      %eq3A_264 = arith.cmpi eq, %select_n3A_236, %eq3A_263 : i32
      %convert_element_type3A_265 = arith.extui %eq3A_264 : i1 to i32
      %cond3A_266 = arith.constant 0 : i32
      %cond3A_267 = arith.cmpi ne, %convert_element_type3A_265, %cond3A_266 : i32
      scf.if %cond3A_267 {
        %get3A = arith.constant 0 : i32
        %get3A_545 = arith.index_cast %get3A : i32 to index
        %get3A_546 = arith.constant 0 : index
        %get3A_547 = tpu.vector_load %arg6[%get3A_545, %get3A_546] {strides = array<i32>} : memref<2x128xf32, #tpu.memory_space<vmem>>, vector<16xf32>,
        %get3A_548 = arith.constant 0 : i32
        %get3A_549 = arith.index_cast %get3A_548 : i32 to index
        %get3A_550 = arith.constant 16 : index
        %get3A_551 = tpu.vector_load %arg6[%get3A_549, %get3A_550] {strides = array<i32>} : memref<2x128xf32, #tpu.memory_space<vmem>>, vector<16xf32>,
        %get3A_552 = arith.constant 0 : i32
        %get3A_553 = arith.index_cast %get3A_552 : i32 to index
        %get3A_554 = arith.constant 32 : index
        %get3A_555 = tpu.vector_load %arg6[%get3A_553, %get3A_554] {strides = array<i32>} : memref<2x128xf32, #tpu.memory_space<vmem>>, vector<16xf32>,
        %get3A_556 = arith.constant 0 : i32
        %get3A_557 = arith.index_cast %get3A_556 : i32 to index
        %get3A_558 = arith.constant 48 : index
        %get3A_559 = tpu.vector_load %arg6[%get3A_557, %get3A_558] {strides = array<i32>} : memref<2x128xf32, #tpu.memory_space<vmem>>, vector<16xf32>,
        %get3A_560 = arith.constant 0 : i32
        %get3A_561 = arith.index_cast %get3A_560 : i32 to index
        %get3A_562 = arith.constant 64 : index
        %get3A_563 = tpu.vector_load %arg6[%get3A_561, %get3A_562] {strides = array<i32>} : memref<2x128xf32, #tpu.memory_space<vmem>>, vector<16xf32>,
        %get3A_564 = arith.constant 0 : i32
        %get3A_565 = arith.index_cast %get3A_564 : i32 to index
        %get3A_566 = arith.constant 80 : index
        %get3A_567 = tpu.vector_load %arg6[%get3A_565, %get3A_566] {strides = array<i32>} : memref<2x128xf32, #tpu.memory_space<vmem>>, vector<16xf32>,
        %get3A_568 = arith.constant 0 : i32
        %get3A_569 = arith.index_cast %get3A_568 : i32 to index
        %get3A_570 = arith.constant 96 : index
        %get3A_571 = tpu.vector_load %arg6[%get3A_569, %get3A_570] {strides = array<i32>} : memref<2x128xf32, #tpu.memory_space<vmem>>, vector<16xf32>,
        %get3A_572 = arith.constant 0 : i32
        %get3A_573 = arith.index_cast %get3A_572 : i32 to index
        %get3A_574 = arith.constant 112 : index
        %get3A_575 = tpu.vector_load %arg6[%get3A_573, %get3A_574] {strides = array<i32>} : memref<2x128xf32, #tpu.memory_space<vmem>>, vector<16xf32>,
        %jit3A_576 = arith.constant 8 : i32
        %eq3A_577 = arith.constant 0 : i32
        %eq3A_578 = arith.cmpi eq, %jit3A_576, %eq3A_577 : i32
        %jit3A_579 = arith.constant 1 : i32
        %select_n3A_580 = arith.select %eq3A_578, %jit3A_579, %jit3A_576 : i32
        %rem3A_581 = arith.remsi %add3A_176, %select_n3A_580 : i32
        %ne3A_582 = arith.constant 0 : i32
        %ne3A_583 = arith.cmpi ne, %rem3A_581, %ne3A_582 : i32
        %lt3A_584 = arith.constant 0 : i32
        %lt3A_585 = arith.cmpi slt, %rem3A_581, %lt3A_584 : i32
        %lt3A_586 = arith.constant 0 : i32
        %lt3A_587 = arith.cmpi slt, %select_n3A_580, %lt3A_586 : i32
        %ne3A_588 = arith.xori %lt3A_585, %lt3A_587 : i1
        %and3A_589 = arith.andi %ne3A_588, %ne3A_583 : i1
        %add3A_590 = arith.addi %rem3A_581, %select_n3A_580 : i32
        %select_n3A_591 = arith.select %and3A_589, %add3A_590, %rem3A_581 : i32
        %scan3A_592 = arith.constant 0 : i32
        %scan3A_593 = arith.constant 0 : i32
        %scan3A_594 = arith.constant 13 : i32
        %scan3A_595 = arith.addi %scan3A_593, %scan3A_594 : i32
        %scan3A_596 = arith.constant 1 : i32
        scf.for %scan3A_598 = %scan3A_593 to %scan3A_595 step %scan3A_596  : i32 {
          %mul3A_599 = arith.constant 16 : i32
          %mul3A_600 = arith.muli %scan3A_598, %mul3A_599 : i32
          %add3A_601 = arith.constant 0 : i32
          %add3A_602 = arith.addi %mul3A_600, %add3A_601 : i32
          %add3A_603 = arith.constant 0 : i32
          %add3A_604 = arith.addi %add3A_602, %add3A_603 : i32
          %get3A_605 = arith.constant 0 : i32
          %get3A_606 = arith.index_cast %get3A_605 : i32 to index
          %get3A_607 = arith.index_cast %add3A_604 : i32 to index
          %get3A_608 = arith.constant 0 : index
          %get3A_609 = tpu.vector_load %arg8[%get3A_606, %get3A_607, %get3A_608] {strides = array<i32>} : memref<2x208x128xf32, #tpu.memory_space<vmem>>, vector<16xf32>,
          %mul3A_610 = arith.mulf %get3A_547, %get3A_609 : vector<16xf32>
          %get3A_611 = arith.constant 0 : i32
          %get3A_612 = arith.index_cast %get3A_611 : i32 to index
          %get3A_613 = arith.index_cast %add3A_604 : i32 to index
          %get3A_614 = arith.constant 16 : index
          %get3A_615 = tpu.vector_load %arg8[%get3A_612, %get3A_613, %get3A_614] {strides = array<i32>} : memref<2x208x128xf32, #tpu.memory_space<vmem>>, vector<16xf32>,
          %mul3A_616 = arith.mulf %get3A_551, %get3A_615 : vector<16xf32>
          %get3A_617 = arith.constant 0 : i32
          %get3A_618 = arith.index_cast %get3A_617 : i32 to index
          %get3A_619 = arith.index_cast %add3A_604 : i32 to index
          %get3A_620 = arith.constant 32 : index
          %get3A_621 = tpu.vector_load %arg8[%get3A_618, %get3A_619, %get3A_620] {strides = array<i32>} : memref<2x208x128xf32, #tpu.memory_space<vmem>>, vector<16xf32>,
          %mul3A_622 = arith.mulf %get3A_555, %get3A_621 : vector<16xf32>
          %add3A_623 = arith.addf %mul3A_610, %mul3A_622 : vector<16xf32>
          %get3A_624 = arith.constant 0 : i32
          %get3A_625 = arith.index_cast %get3A_624 : i32 to index
          %get3A_626 = arith.index_cast %add3A_604 : i32 to index
          %get3A_627 = arith.constant 48 : index
          %get3A_628 = tpu.vector_load %arg8[%get3A_625, %get3A_626, %get3A_627] {strides = array<i32>} : memref<2x208x128xf32, #tpu.memory_space<vmem>>, vector<16xf32>,
          %mul3A_629 = arith.mulf %get3A_559, %get3A_628 : vector<16xf32>
          %add3A_630 = arith.addf %mul3A_616, %mul3A_629 : vector<16xf32>
          %get3A_631 = arith.constant 0 : i32
          %get3A_632 = arith.index_cast %get3A_631 : i32 to index
          %get3A_633 = arith.index_cast %add3A_604 : i32 to index
          %get3A_634 = arith.constant 64 : index
          %get3A_635 = tpu.vector_load %arg8[%get3A_632, %get3A_633, %get3A_634] {strides = array<i32>} : memref<2x208x128xf32, #tpu.memory_space<vmem>>, vector<16xf32>,
          %mul3A_636 = arith.mulf %get3A_563, %get3A_635 : vector<16xf32>
          %add3A_637 = arith.addf %add3A_623, %mul3A_636 : vector<16xf32>
          %get3A_638 = arith.constant 0 : i32
          %get3A_639 = arith.index_cast %get3A_638 : i32 to index
          %get3A_640 = arith.index_cast %add3A_604 : i32 to index
          %get3A_641 = arith.constant 80 : index
          %get3A_642 = tpu.vector_load %arg8[%get3A_639, %get3A_640, %get3A_641] {strides = array<i32>} : memref<2x208x128xf32, #tpu.memory_space<vmem>>, vector<16xf32>,
          %mul3A_643 = arith.mulf %get3A_567, %get3A_642 : vector<16xf32>
          %add3A_644 = arith.addf %add3A_630, %mul3A_643 : vector<16xf32>
          %get3A_645 = arith.constant 0 : i32
          %get3A_646 = arith.index_cast %get3A_645 : i32 to index
          %get3A_647 = arith.index_cast %add3A_604 : i32 to index
          %get3A_648 = arith.constant 96 : index
          %get3A_649 = tpu.vector_load %arg8[%get3A_646, %get3A_647, %get3A_648] {strides = array<i32>} : memref<2x208x128xf32, #tpu.memory_space<vmem>>, vector<16xf32>,
          %mul3A_650 = arith.mulf %get3A_571, %get3A_649 : vector<16xf32>
          %add3A_651 = arith.addf %add3A_637, %mul3A_650 : vector<16xf32>
          %get3A_652 = arith.constant 0 : i32
          %get3A_653 = arith.index_cast %get3A_652 : i32 to index
          %get3A_654 = arith.index_cast %add3A_604 : i32 to index
          %get3A_655 = arith.constant 112 : index
          %get3A_656 = tpu.vector_load %arg8[%get3A_653, %get3A_654, %get3A_655] {strides = array<i32>} : memref<2x208x128xf32, #tpu.memory_space<vmem>>, vector<16xf32>,
          %mul3A_657 = arith.mulf %get3A_575, %get3A_656 : vector<16xf32>
          %add3A_658 = arith.addf %add3A_644, %mul3A_657 : vector<16xf32>
          %add3A_659 = arith.addf %add3A_651, %add3A_658 : vector<16xf32>
          %mul3A_660 = arith.constant 16 : i32
          %mul3A_661 = arith.muli %scan3A_598, %mul3A_660 : i32
          %add3A_662 = arith.constant 0 : i32
          %add3A_663 = arith.addi %mul3A_661, %add3A_662 : i32
          %add3A_664 = arith.constant 1 : i32
          %add3A_665 = arith.addi %add3A_663, %add3A_664 : i32
          %get3A_666 = arith.constant 0 : i32
          %get3A_667 = arith.index_cast %get3A_666 : i32 to index
          %get3A_668 = arith.index_cast %add3A_665 : i32 to index
          %get3A_669 = arith.constant 0 : index
          %get3A_670 = tpu.vector_load %arg8[%get3A_667, %get3A_668, %get3A_669] {strides = array<i32>} : memref<2x208x128xf32, #tpu.memory_space<vmem>>, vector<16xf32>,
          %mul3A_671 = arith.mulf %get3A_547, %get3A_670 : vector<16xf32>
          %get3A_672 = arith.constant 0 : i32
          %get3A_673 = arith.index_cast %get3A_672 : i32 to index
          %get3A_674 = arith.index_cast %add3A_665 : i32 to index
          %get3A_675 = arith.constant 16 : index
          %get3A_676 = tpu.vector_load %arg8[%get3A_673, %get3A_674, %get3A_675] {strides = array<i32>} : memref<2x208x128xf32, #tpu.memory_space<vmem>>, vector<16xf32>,
          %mul3A_677 = arith.mulf %get3A_551, %get3A_676 : vector<16xf32>
          %get3A_678 = arith.constant 0 : i32
          %get3A_679 = arith.index_cast %get3A_678 : i32 to index
          %get3A_680 = arith.index_cast %add3A_665 : i32 to index
          %get3A_681 = arith.constant 32 : index
          %get3A_682 = tpu.vector_load %arg8[%get3A_679, %get3A_680, %get3A_681] {strides = array<i32>} : memref<2x208x128xf32, #tpu.memory_space<vmem>>, vector<16xf32>,
          %mul3A_683 = arith.mulf %get3A_555, %get3A_682 : vector<16xf32>
          %add3A_684 = arith.addf %mul3A_671, %mul3A_683 : vector<16xf32>
          %get3A_685 = arith.constant 0 : i32
          %get3A_686 = arith.index_cast %get3A_685 : i32 to index
          %get3A_687 = arith.index_cast %add3A_665 : i32 to index
          %get3A_688 = arith.constant 48 : index
          %get3A_689 = tpu.vector_load %arg8[%get3A_686, %get3A_687, %get3A_688] {strides = array<i32>} : memref<2x208x128xf32, #tpu.memory_space<vmem>>, vector<16xf32>,
          %mul3A_690 = arith.mulf %get3A_559, %get3A_689 : vector<16xf32>
          %add3A_691 = arith.addf %mul3A_677, %mul3A_690 : vector<16xf32>
          %get3A_692 = arith.constant 0 : i32
          %get3A_693 = arith.index_cast %get3A_692 : i32 to index
          %get3A_694 = arith.index_cast %add3A_665 : i32 to index
          %get3A_695 = arith.constant 64 : index
          %get3A_696 = tpu.vector_load %arg8[%get3A_693, %get3A_694, %get3A_695] {strides = array<i32>} : memref<2x208x128xf32, #tpu.memory_space<vmem>>, vector<16xf32>,
          %mul3A_697 = arith.mulf %get3A_563, %get3A_696 : vector<16xf32>
          %add3A_698 = arith.addf %add3A_684, %mul3A_697 : vector<16xf32>
          %get3A_699 = arith.constant 0 : i32
          %get3A_700 = arith.index_cast %get3A_699 : i32 to index
          %get3A_701 = arith.index_cast %add3A_665 : i32 to index
          %get3A_702 = arith.constant 80 : index
          %get3A_703 = tpu.vector_load %arg8[%get3A_700, %get3A_701, %get3A_702] {strides = array<i32>} : memref<2x208x128xf32, #tpu.memory_space<vmem>>, vector<16xf32>,
          %mul3A_704 = arith.mulf %get3A_567, %get3A_703 : vector<16xf32>
          %add3A_705 = arith.addf %add3A_691, %mul3A_704 : vector<16xf32>
          %get3A_706 = arith.constant 0 : i32
          %get3A_707 = arith.index_cast %get3A_706 : i32 to index
          %get3A_708 = arith.index_cast %add3A_665 : i32 to index
          %get3A_709 = arith.constant 96 : index
          %get3A_710 = tpu.vector_load %arg8[%get3A_707, %get3A_708, %get3A_709] {strides = array<i32>} : memref<2x208x128xf32, #tpu.memory_space<vmem>>, vector<16xf32>,
          %mul3A_711 = arith.mulf %get3A_571, %get3A_710 : vector<16xf32>
          %add3A_712 = arith.addf %add3A_698, %mul3A_711 : vector<16xf32>
          %get3A_713 = arith.constant 0 : i32
          %get3A_714 = arith.index_cast %get3A_713 : i32 to index
          %get3A_715 = arith.index_cast %add3A_665 : i32 to index
          %get3A_716 = arith.constant 112 : index
          %get3A_717 = tpu.vector_load %arg8[%get3A_714, %get3A_715, %get3A_716] {strides = array<i32>} : memref<2x208x128xf32, #tpu.memory_space<vmem>>, vector<16xf32>,
          %mul3A_718 = arith.mulf %get3A_575, %get3A_717 : vector<16xf32>
          %add3A_719 = arith.addf %add3A_705, %mul3A_718 : vector<16xf32>
          %add3A_720 = arith.addf %add3A_712, %add3A_719 : vector<16xf32>
          %pack3A = tpu.pack_subelements %add3A_659, %add3A_720 {pack_format = #tpu.pack_format<interleaved>, positions = array<i32: 0, 1>} : vector<16xf32>, vector<16xf32> -> vector<32xbf16>
          %bitcast3A = vector.bitcast %pack3A : vector<32xbf16> to vector<16xf32>
          %mul3A_721 = arith.constant 16 : i32
          %mul3A_722 = arith.muli %scan3A_598, %mul3A_721 : i32
          %add3A_723 = arith.constant 0 : i32
          %add3A_724 = arith.addi %mul3A_722, %add3A_723 : i32
          %mul3A_725 = arith.constant 8 : i32
          %mul3A_726 = arith.muli %add3A_724, %mul3A_725 : i32
          %swap3A = arith.constant 0 : i32
          %swap3A_727 = arith.index_cast %swap3A : i32 to index
          %swap3A_728 = arith.index_cast %select_n3A_591 : i32 to index
          %swap3A_729 = arith.index_cast %mul3A_726 : i32 to index
          %swap3A_730 = tpu.vector_load %arg9[%swap3A_727, %swap3A_728, %swap3A_729] {strides = array<i32>} : memref<2x8x1664xf32, #tpu.memory_space<vmem>>, vector<16xf32>,
          tpu.vector_store %arg9[%swap3A_727, %swap3A_728, %swap3A_729], %bitcast3A {strides = array<i32>} : memref<2x8x1664xf32, #tpu.memory_space<vmem>>, vector<16xf32>,
          %mul3A_731 = arith.constant 16 : i32
          %mul3A_732 = arith.muli %scan3A_598, %mul3A_731 : i32
          %add3A_733 = arith.constant 2 : i32
          %add3A_734 = arith.addi %mul3A_732, %add3A_733 : i32
          %add3A_735 = arith.constant 0 : i32
          %add3A_736 = arith.addi %add3A_734, %add3A_735 : i32
          %get3A_737 = arith.constant 0 : i32
          %get3A_738 = arith.index_cast %get3A_737 : i32 to index
          %get3A_739 = arith.index_cast %add3A_736 : i32 to index
          %get3A_740 = arith.constant 0 : index
          %get3A_741 = tpu.vector_load %arg8[%get3A_738, %get3A_739, %get3A_740] {strides = array<i32>} : memref<2x208x128xf32, #tpu.memory_space<vmem>>, vector<16xf32>,
          %mul3A_742 = arith.mulf %get3A_547, %get3A_741 : vector<16xf32>
          %get3A_743 = arith.constant 0 : i32
          %get3A_744 = arith.index_cast %get3A_743 : i32 to index
          %get3A_745 = arith.index_cast %add3A_736 : i32 to index
          %get3A_746 = arith.constant 16 : index
          %get3A_747 = tpu.vector_load %arg8[%get3A_744, %get3A_745, %get3A_746] {strides = array<i32>} : memref<2x208x128xf32, #tpu.memory_space<vmem>>, vector<16xf32>,
          %mul3A_748 = arith.mulf %get3A_551, %get3A_747 : vector<16xf32>
          %get3A_749 = arith.constant 0 : i32
          %get3A_750 = arith.index_cast %get3A_749 : i32 to index
          %get3A_751 = arith.index_cast %add3A_736 : i32 to index
          %get3A_752 = arith.constant 32 : index
          %get3A_753 = tpu.vector_load %arg8[%get3A_750, %get3A_751, %get3A_752] {strides = array<i32>} : memref<2x208x128xf32, #tpu.memory_space<vmem>>, vector<16xf32>,
          %mul3A_754 = arith.mulf %get3A_555, %get3A_753 : vector<16xf32>
          %add3A_755 = arith.addf %mul3A_742, %mul3A_754 : vector<16xf32>
          %get3A_756 = arith.constant 0 : i32
          %get3A_757 = arith.index_cast %get3A_756 : i32 to index
          %get3A_758 = arith.index_cast %add3A_736 : i32 to index
          %get3A_759 = arith.constant 48 : index
          %get3A_760 = tpu.vector_load %arg8[%get3A_757, %get3A_758, %get3A_759] {strides = array<i32>} : memref<2x208x128xf32, #tpu.memory_space<vmem>>, vector<16xf32>,
          %mul3A_761 = arith.mulf %get3A_559, %get3A_760 : vector<16xf32>
          %add3A_762 = arith.addf %mul3A_748, %mul3A_761 : vector<16xf32>
          %get3A_763 = arith.constant 0 : i32
          %get3A_764 = arith.index_cast %get3A_763 : i32 to index
          %get3A_765 = arith.index_cast %add3A_736 : i32 to index
          %get3A_766 = arith.constant 64 : index
          %get3A_767 = tpu.vector_load %arg8[%get3A_764, %get3A_765, %get3A_766] {strides = array<i32>} : memref<2x208x128xf32, #tpu.memory_space<vmem>>, vector<16xf32>,
          %mul3A_768 = arith.mulf %get3A_563, %get3A_767 : vector<16xf32>
          %add3A_769 = arith.addf %add3A_755, %mul3A_768 : vector<16xf32>
          %get3A_770 = arith.constant 0 : i32
          %get3A_771 = arith.index_cast %get3A_770 : i32 to index
          %get3A_772 = arith.index_cast %add3A_736 : i32 to index
          %get3A_773 = arith.constant 80 : index
          %get3A_774 = tpu.vector_load %arg8[%get3A_771, %get3A_772, %get3A_773] {strides = array<i32>} : memref<2x208x128xf32, #tpu.memory_space<vmem>>, vector<16xf32>,
          %mul3A_775 = arith.mulf %get3A_567, %get3A_774 : vector<16xf32>
          %add3A_776 = arith.addf %add3A_762, %mul3A_775 : vector<16xf32>
          %get3A_777 = arith.constant 0 : i32
          %get3A_778 = arith.index_cast %get3A_777 : i32 to index
          %get3A_779 = arith.index_cast %add3A_736 : i32 to index
          %get3A_780 = arith.constant 96 : index
          %get3A_781 = tpu.vector_load %arg8[%get3A_778, %get3A_779, %get3A_780] {strides = array<i32>} : memref<2x208x128xf32, #tpu.memory_space<vmem>>, vector<16xf32>,
          %mul3A_782 = arith.mulf %get3A_571, %get3A_781 : vector<16xf32>
          %add3A_783 = arith.addf %add3A_769, %mul3A_782 : vector<16xf32>
          %get3A_784 = arith.constant 0 : i32
          %get3A_785 = arith.index_cast %get3A_784 : i32 to index
          %get3A_786 = arith.index_cast %add3A_736 : i32 to index
          %get3A_787 = arith.constant 112 : index
          %get3A_788 = tpu.vector_load %arg8[%get3A_785, %get3A_786, %get3A_787] {strides = array<i32>} : memref<2x208x128xf32, #tpu.memory_space<vmem>>, vector<16xf32>,
          %mul3A_789 = arith.mulf %get3A_575, %get3A_788 : vector<16xf32>
          %add3A_790 = arith.addf %add3A_776, %mul3A_789 : vector<16xf32>
          %add3A_791 = arith.addf %add3A_783, %add3A_790 : vector<16xf32>
          %mul3A_792 = arith.constant 16 : i32
          %mul3A_793 = arith.muli %scan3A_598, %mul3A_792 : i32
          %add3A_794 = arith.constant 2 : i32
          %add3A_795 = arith.addi %mul3A_793, %add3A_794 : i32
          %add3A_796 = arith.constant 1 : i32
          %add3A_797 = arith.addi %add3A_795, %add3A_796 : i32
          %get3A_798 = arith.constant 0 : i32
          %get3A_799 = arith.index_cast %get3A_798 : i32 to index
          %get3A_800 = arith.index_cast %add3A_797 : i32 to index
          %get3A_801 = arith.constant 0 : index
          %get3A_802 = tpu.vector_load %arg8[%get3A_799, %get3A_800, %get3A_801] {strides = array<i32>} : memref<2x208x128xf32, #tpu.memory_space<vmem>>, vector<16xf32>,
          %mul3A_803 = arith.mulf %get3A_547, %get3A_802 : vector<16xf32>
          %get3A_804 = arith.constant 0 : i32
          %get3A_805 = arith.index_cast %get3A_804 : i32 to index
          %get3A_806 = arith.index_cast %add3A_797 : i32 to index
          %get3A_807 = arith.constant 16 : index
          %get3A_808 = tpu.vector_load %arg8[%get3A_805, %get3A_806, %get3A_807] {strides = array<i32>} : memref<2x208x128xf32, #tpu.memory_space<vmem>>, vector<16xf32>,
          %mul3A_809 = arith.mulf %get3A_551, %get3A_808 : vector<16xf32>
          %get3A_810 = arith.constant 0 : i32
          %get3A_811 = arith.index_cast %get3A_810 : i32 to index
          %get3A_812 = arith.index_cast %add3A_797 : i32 to index
          %get3A_813 = arith.constant 32 : index
          %get3A_814 = tpu.vector_load %arg8[%get3A_811, %get3A_812, %get3A_813] {strides = array<i32>} : memref<2x208x128xf32, #tpu.memory_space<vmem>>, vector<16xf32>,
          %mul3A_815 = arith.mulf %get3A_555, %get3A_814 : vector<16xf32>
          %add3A_816 = arith.addf %mul3A_803, %mul3A_815 : vector<16xf32>
          %get3A_817 = arith.constant 0 : i32
          %get3A_818 = arith.index_cast %get3A_817 : i32 to index
          %get3A_819 = arith.index_cast %add3A_797 : i32 to index
          %get3A_820 = arith.constant 48 : index
          %get3A_821 = tpu.vector_load %arg8[%get3A_818, %get3A_819, %get3A_820] {strides = array<i32>} : memref<2x208x128xf32, #tpu.memory_space<vmem>>, vector<16xf32>,
          %mul3A_822 = arith.mulf %get3A_559, %get3A_821 : vector<16xf32>
          %add3A_823 = arith.addf %mul3A_809, %mul3A_822 : vector<16xf32>
          %get3A_824 = arith.constant 0 : i32
          %get3A_825 = arith.index_cast %get3A_824 : i32 to index
          %get3A_826 = arith.index_cast %add3A_797 : i32 to index
          %get3A_827 = arith.constant 64 : index
          %get3A_828 = tpu.vector_load %arg8[%get3A_825, %get3A_826, %get3A_827] {strides = array<i32>} : memref<2x208x128xf32, #tpu.memory_space<vmem>>, vector<16xf32>,
          %mul3A_829 = arith.mulf %get3A_563, %get3A_828 : vector<16xf32>
          %add3A_830 = arith.addf %add3A_816, %mul3A_829 : vector<16xf32>
          %get3A_831 = arith.constant 0 : i32
          %get3A_832 = arith.index_cast %get3A_831 : i32 to index
          %get3A_833 = arith.index_cast %add3A_797 : i32 to index
          %get3A_834 = arith.constant 80 : index
          %get3A_835 = tpu.vector_load %arg8[%get3A_832, %get3A_833, %get3A_834] {strides = array<i32>} : memref<2x208x128xf32, #tpu.memory_space<vmem>>, vector<16xf32>,
          %mul3A_836 = arith.mulf %get3A_567, %get3A_835 : vector<16xf32>
          %add3A_837 = arith.addf %add3A_823, %mul3A_836 : vector<16xf32>
          %get3A_838 = arith.constant 0 : i32
          %get3A_839 = arith.index_cast %get3A_838 : i32 to index
          %get3A_840 = arith.index_cast %add3A_797 : i32 to index
          %get3A_841 = arith.constant 96 : index
          %get3A_842 = tpu.vector_load %arg8[%get3A_839, %get3A_840, %get3A_841] {strides = array<i32>} : memref<2x208x128xf32, #tpu.memory_space<vmem>>, vector<16xf32>,
          %mul3A_843 = arith.mulf %get3A_571, %get3A_842 : vector<16xf32>
          %add3A_844 = arith.addf %add3A_830, %mul3A_843 : vector<16xf32>
          %get3A_845 = arith.constant 0 : i32
          %get3A_846 = arith.index_cast %get3A_845 : i32 to index
          %get3A_847 = arith.index_cast %add3A_797 : i32 to index
          %get3A_848 = arith.constant 112 : index
          %get3A_849 = tpu.vector_load %arg8[%get3A_846, %get3A_847, %get3A_848] {strides = array<i32>} : memref<2x208x128xf32, #tpu.memory_space<vmem>>, vector<16xf32>,
          %mul3A_850 = arith.mulf %get3A_575, %get3A_849 : vector<16xf32>
          %add3A_851 = arith.addf %add3A_837, %mul3A_850 : vector<16xf32>
          %add3A_852 = arith.addf %add3A_844, %add3A_851 : vector<16xf32>
          %pack3A_853 = tpu.pack_subelements %add3A_791, %add3A_852 {pack_format = #tpu.pack_format<interleaved>, positions = array<i32: 0, 1>} : vector<16xf32>, vector<16xf32> -> vector<32xbf16>
          %bitcast3A_854 = vector.bitcast %pack3A_853 : vector<32xbf16> to vector<16xf32>
          %mul3A_855 = arith.constant 16 : i32
          %mul3A_856 = arith.muli %scan3A_598, %mul3A_855 : i32
          %add3A_857 = arith.constant 2 : i32
          %add3A_858 = arith.addi %mul3A_856, %add3A_857 : i32
          %mul3A_859 = arith.constant 8 : i32
          %mul3A_860 = arith.muli %add3A_858, %mul3A_859 : i32
          %swap3A_861 = arith.constant 0 : i32
          %swap3A_862 = arith.index_cast %swap3A_861 : i32 to index
          %swap3A_863 = arith.index_cast %select_n3A_591 : i32 to index
          %swap3A_864 = arith.index_cast %mul3A_860 : i32 to index
          %swap3A_865 = tpu.vector_load %arg9[%swap3A_862, %swap3A_863, %swap3A_864] {strides = array<i32>} : memref<2x8x1664xf32, #tpu.memory_space<vmem>>, vector<16xf32>,
          tpu.vector_store %arg9[%swap3A_862, %swap3A_863, %swap3A_864], %bitcast3A_854 {strides = array<i32>} : memref<2x8x1664xf32, #tpu.memory_space<vmem>>, vector<16xf32>,
          %mul3A_866 = arith.constant 16 : i32
          %mul3A_867 = arith.muli %scan3A_598, %mul3A_866 : i32
          %add3A_868 = arith.constant 4 : i32
          %add3A_869 = arith.addi %mul3A_867, %add3A_868 : i32
          %add3A_870 = arith.constant 0 : i32
          %add3A_871 = arith.addi %add3A_869, %add3A_870 : i32
          %get3A_872 = arith.constant 0 : i32
          %get3A_873 = arith.index_cast %get3A_872 : i32 to index
          %get3A_874 = arith.index_cast %add3A_871 : i32 to index
          %get3A_875 = arith.constant 0 : index
          %get3A_876 = tpu.vector_load %arg8[%get3A_873, %get3A_874, %get3A_875] {strides = array<i32>} : memref<2x208x128xf32, #tpu.memory_space<vmem>>, vector<16xf32>,
          %mul3A_877 = arith.mulf %get3A_547, %get3A_876 : vector<16xf32>
          %get3A_878 = arith.constant 0 : i32
          %get3A_879 = arith.index_cast %get3A_878 : i32 to index
          %get3A_880 = arith.index_cast %add3A_871 : i32 to index
          %get3A_881 = arith.constant 16 : index
          %get3A_882 = tpu.vector_load %arg8[%get3A_879, %get3A_880, %get3A_881] {strides = array<i32>} : memref<2x208x128xf32, #tpu.memory_space<vmem>>, vector<16xf32>,
          %mul3A_883 = arith.mulf %get3A_551, %get3A_882 : vector<16xf32>
          %get3A_884 = arith.constant 0 : i32
          %get3A_885 = arith.index_cast %get3A_884 : i32 to index
          %get3A_886 = arith.index_cast %add3A_871 : i32 to index
          %get3A_887 = arith.constant 32 : index
          %get3A_888 = tpu.vector_load %arg8[%get3A_885, %get3A_886, %get3A_887] {strides = array<i32>} : memref<2x208x128xf32, #tpu.memory_space<vmem>>, vector<16xf32>,
          %mul3A_889 = arith.mulf %get3A_555, %get3A_888 : vector<16xf32>
          %add3A_890 = arith.addf %mul3A_877, %mul3A_889 : vector<16xf32>
          %get3A_891 = arith.constant 0 : i32
          %get3A_892 = arith.index_cast %get3A_891 : i32 to index
          %get3A_893 = arith.index_cast %add3A_871 : i32 to index
          %get3A_894 = arith.constant 48 : index
          %get3A_895 = tpu.vector_load %arg8[%get3A_892, %get3A_893, %get3A_894] {strides = array<i32>} : memref<2x208x128xf32, #tpu.memory_space<vmem>>, vector<16xf32>,
          %mul3A_896 = arith.mulf %get3A_559, %get3A_895 : vector<16xf32>
          %add3A_897 = arith.addf %mul3A_883, %mul3A_896 : vector<16xf32>
          %get3A_898 = arith.constant 0 : i32
          %get3A_899 = arith.index_cast %get3A_898 : i32 to index
          %get3A_900 = arith.index_cast %add3A_871 : i32 to index
          %get3A_901 = arith.constant 64 : index
          %get3A_902 = tpu.vector_load %arg8[%get3A_899, %get3A_900, %get3A_901] {strides = array<i32>} : memref<2x208x128xf32, #tpu.memory_space<vmem>>, vector<16xf32>,
          %mul3A_903 = arith.mulf %get3A_563, %get3A_902 : vector<16xf32>
          %add3A_904 = arith.addf %add3A_890, %mul3A_903 : vector<16xf32>
          %get3A_905 = arith.constant 0 : i32
          %get3A_906 = arith.index_cast %get3A_905 : i32 to index
          %get3A_907 = arith.index_cast %add3A_871 : i32 to index
          %get3A_908 = arith.constant 80 : index
          %get3A_909 = tpu.vector_load %arg8[%get3A_906, %get3A_907, %get3A_908] {strides = array<i32>} : memref<2x208x128xf32, #tpu.memory_space<vmem>>, vector<16xf32>,
          %mul3A_910 = arith.mulf %get3A_567, %get3A_909 : vector<16xf32>
          %add3A_911 = arith.addf %add3A_897, %mul3A_910 : vector<16xf32>
          %get3A_912 = arith.constant 0 : i32
          %get3A_913 = arith.index_cast %get3A_912 : i32 to index
          %get3A_914 = arith.index_cast %add3A_871 : i32 to index
          %get3A_915 = arith.constant 96 : index
          %get3A_916 = tpu.vector_load %arg8[%get3A_913, %get3A_914, %get3A_915] {strides = array<i32>} : memref<2x208x128xf32, #tpu.memory_space<vmem>>, vector<16xf32>,
          %mul3A_917 = arith.mulf %get3A_571, %get3A_916 : vector<16xf32>
          %add3A_918 = arith.addf %add3A_904, %mul3A_917 : vector<16xf32>
          %get3A_919 = arith.constant 0 : i32
          %get3A_920 = arith.index_cast %get3A_919 : i32 to index
          %get3A_921 = arith.index_cast %add3A_871 : i32 to index
          %get3A_922 = arith.constant 112 : index
          %get3A_923 = tpu.vector_load %arg8[%get3A_920, %get3A_921, %get3A_922] {strides = array<i32>} : memref<2x208x128xf32, #tpu.memory_space<vmem>>, vector<16xf32>,
          %mul3A_924 = arith.mulf %get3A_575, %get3A_923 : vector<16xf32>
          %add3A_925 = arith.addf %add3A_911, %mul3A_924 : vector<16xf32>
          %add3A_926 = arith.addf %add3A_918, %add3A_925 : vector<16xf32>
          %mul3A_927 = arith.constant 16 : i32
          %mul3A_928 = arith.muli %scan3A_598, %mul3A_927 : i32
          %add3A_929 = arith.constant 4 : i32
          %add3A_930 = arith.addi %mul3A_928, %add3A_929 : i32
          %add3A_931 = arith.constant 1 : i32
          %add3A_932 = arith.addi %add3A_930, %add3A_931 : i32
          %get3A_933 = arith.constant 0 : i32
          %get3A_934 = arith.index_cast %get3A_933 : i32 to index
          %get3A_935 = arith.index_cast %add3A_932 : i32 to index
          %get3A_936 = arith.constant 0 : index
          %get3A_937 = tpu.vector_load %arg8[%get3A_934, %get3A_935, %get3A_936] {strides = array<i32>} : memref<2x208x128xf32, #tpu.memory_space<vmem>>, vector<16xf32>,
          %mul3A_938 = arith.mulf %get3A_547, %get3A_937 : vector<16xf32>
          %get3A_939 = arith.constant 0 : i32
          %get3A_940 = arith.index_cast %get3A_939 : i32 to index
          %get3A_941 = arith.index_cast %add3A_932 : i32 to index
          %get3A_942 = arith.constant 16 : index
          %get3A_943 = tpu.vector_load %arg8[%get3A_940, %get3A_941, %get3A_942] {strides = array<i32>} : memref<2x208x128xf32, #tpu.memory_space<vmem>>, vector<16xf32>,
          %mul3A_944 = arith.mulf %get3A_551, %get3A_943 : vector<16xf32>
          %get3A_945 = arith.constant 0 : i32
          %get3A_946 = arith.index_cast %get3A_945 : i32 to index
          %get3A_947 = arith.index_cast %add3A_932 : i32 to index
          %get3A_948 = arith.constant 32 : index
          %get3A_949 = tpu.vector_load %arg8[%get3A_946, %get3A_947, %get3A_948] {strides = array<i32>} : memref<2x208x128xf32, #tpu.memory_space<vmem>>, vector<16xf32>,
          %mul3A_950 = arith.mulf %get3A_555, %get3A_949 : vector<16xf32>
          %add3A_951 = arith.addf %mul3A_938, %mul3A_950 : vector<16xf32>
          %get3A_952 = arith.constant 0 : i32
          %get3A_953 = arith.index_cast %get3A_952 : i32 to index
          %get3A_954 = arith.index_cast %add3A_932 : i32 to index
          %get3A_955 = arith.constant 48 : index
          %get3A_956 = tpu.vector_load %arg8[%get3A_953, %get3A_954, %get3A_955] {strides = array<i32>} : memref<2x208x128xf32, #tpu.memory_space<vmem>>, vector<16xf32>,
          %mul3A_957 = arith.mulf %get3A_559, %get3A_956 : vector<16xf32>
          %add3A_958 = arith.addf %mul3A_944, %mul3A_957 : vector<16xf32>
          %get3A_959 = arith.constant 0 : i32
          %get3A_960 = arith.index_cast %get3A_959 : i32 to index
          %get3A_961 = arith.index_cast %add3A_932 : i32 to index
          %get3A_962 = arith.constant 64 : index
          %get3A_963 = tpu.vector_load %arg8[%get3A_960, %get3A_961, %get3A_962] {strides = array<i32>} : memref<2x208x128xf32, #tpu.memory_space<vmem>>, vector<16xf32>,
          %mul3A_964 = arith.mulf %get3A_563, %get3A_963 : vector<16xf32>
          %add3A_965 = arith.addf %add3A_951, %mul3A_964 : vector<16xf32>
          %get3A_966 = arith.constant 0 : i32
          %get3A_967 = arith.index_cast %get3A_966 : i32 to index
          %get3A_968 = arith.index_cast %add3A_932 : i32 to index
          %get3A_969 = arith.constant 80 : index
          %get3A_970 = tpu.vector_load %arg8[%get3A_967, %get3A_968, %get3A_969] {strides = array<i32>} : memref<2x208x128xf32, #tpu.memory_space<vmem>>, vector<16xf32>,
          %mul3A_971 = arith.mulf %get3A_567, %get3A_970 : vector<16xf32>
          %add3A_972 = arith.addf %add3A_958, %mul3A_971 : vector<16xf32>
          %get3A_973 = arith.constant 0 : i32
          %get3A_974 = arith.index_cast %get3A_973 : i32 to index
          %get3A_975 = arith.index_cast %add3A_932 : i32 to index
          %get3A_976 = arith.constant 96 : index
          %get3A_977 = tpu.vector_load %arg8[%get3A_974, %get3A_975, %get3A_976] {strides = array<i32>} : memref<2x208x128xf32, #tpu.memory_space<vmem>>, vector<16xf32>,
          %mul3A_978 = arith.mulf %get3A_571, %get3A_977 : vector<16xf32>
          %add3A_979 = arith.addf %add3A_965, %mul3A_978 : vector<16xf32>
          %get3A_980 = arith.constant 0 : i32
          %get3A_981 = arith.index_cast %get3A_980 : i32 to index
          %get3A_982 = arith.index_cast %add3A_932 : i32 to index
          %get3A_983 = arith.constant 112 : index
          %get3A_984 = tpu.vector_load %arg8[%get3A_981, %get3A_982, %get3A_983] {strides = array<i32>} : memref<2x208x128xf32, #tpu.memory_space<vmem>>, vector<16xf32>,
          %mul3A_985 = arith.mulf %get3A_575, %get3A_984 : vector<16xf32>
          %add3A_986 = arith.addf %add3A_972, %mul3A_985 : vector<16xf32>
          %add3A_987 = arith.addf %add3A_979, %add3A_986 : vector<16xf32>
          %pack3A_988 = tpu.pack_subelements %add3A_926, %add3A_987 {pack_format = #tpu.pack_format<interleaved>, positions = array<i32: 0, 1>} : vector<16xf32>, vector<16xf32> -> vector<32xbf16>
          %bitcast3A_989 = vector.bitcast %pack3A_988 : vector<32xbf16> to vector<16xf32>
          %mul3A_990 = arith.constant 16 : i32
          %mul3A_991 = arith.muli %scan3A_598, %mul3A_990 : i32
          %add3A_992 = arith.constant 4 : i32
          %add3A_993 = arith.addi %mul3A_991, %add3A_992 : i32
          %mul3A_994 = arith.constant 8 : i32
          %mul3A_995 = arith.muli %add3A_993, %mul3A_994 : i32
          %swap3A_996 = arith.constant 0 : i32
          %swap3A_997 = arith.index_cast %swap3A_996 : i32 to index
          %swap3A_998 = arith.index_cast %select_n3A_591 : i32 to index
          %swap3A_999 = arith.index_cast %mul3A_995 : i32 to index
          %swap3A_1000 = tpu.vector_load %arg9[%swap3A_997, %swap3A_998, %swap3A_999] {strides = array<i32>} : memref<2x8x1664xf32, #tpu.memory_space<vmem>>, vector<16xf32>,
          tpu.vector_store %arg9[%swap3A_997, %swap3A_998, %swap3A_999], %bitcast3A_989 {strides = array<i32>} : memref<2x8x1664xf32, #tpu.memory_space<vmem>>, vector<16xf32>,
          %mul3A_1001 = arith.constant 16 : i32
          %mul3A_1002 = arith.muli %scan3A_598, %mul3A_1001 : i32
          %add3A_1003 = arith.constant 6 : i32
          %add3A_1004 = arith.addi %mul3A_1002, %add3A_1003 : i32
          %add3A_1005 = arith.constant 0 : i32
          %add3A_1006 = arith.addi %add3A_1004, %add3A_1005 : i32
          %get3A_1007 = arith.constant 0 : i32
          %get3A_1008 = arith.index_cast %get3A_1007 : i32 to index
          %get3A_1009 = arith.index_cast %add3A_1006 : i32 to index
          %get3A_1010 = arith.constant 0 : index
          %get3A_1011 = tpu.vector_load %arg8[%get3A_1008, %get3A_1009, %get3A_1010] {strides = array<i32>} : memref<2x208x128xf32, #tpu.memory_space<vmem>>, vector<16xf32>,
          %mul3A_1012 = arith.mulf %get3A_547, %get3A_1011 : vector<16xf32>
          %get3A_1013 = arith.constant 0 : i32
          %get3A_1014 = arith.index_cast %get3A_1013 : i32 to index
          %get3A_1015 = arith.index_cast %add3A_1006 : i32 to index
          %get3A_1016 = arith.constant 16 : index
          %get3A_1017 = tpu.vector_load %arg8[%get3A_1014, %get3A_1015, %get3A_1016] {strides = array<i32>} : memref<2x208x128xf32, #tpu.memory_space<vmem>>, vector<16xf32>,
          %mul3A_1018 = arith.mulf %get3A_551, %get3A_1017 : vector<16xf32>
          %get3A_1019 = arith.constant 0 : i32
          %get3A_1020 = arith.index_cast %get3A_1019 : i32 to index
          %get3A_1021 = arith.index_cast %add3A_1006 : i32 to index
          %get3A_1022 = arith.constant 32 : index
          %get3A_1023 = tpu.vector_load %arg8[%get3A_1020, %get3A_1021, %get3A_1022] {strides = array<i32>} : memref<2x208x128xf32, #tpu.memory_space<vmem>>, vector<16xf32>,
          %mul3A_1024 = arith.mulf %get3A_555, %get3A_1023 : vector<16xf32>
          %add3A_1025 = arith.addf %mul3A_1012, %mul3A_1024 : vector<16xf32>
          %get3A_1026 = arith.constant 0 : i32
          %get3A_1027 = arith.index_cast %get3A_1026 : i32 to index
          %get3A_1028 = arith.index_cast %add3A_1006 : i32 to index
          %get3A_1029 = arith.constant 48 : index
          %get3A_1030 = tpu.vector_load %arg8[%get3A_1027, %get3A_1028, %get3A_1029] {strides = array<i32>} : memref<2x208x128xf32, #tpu.memory_space<vmem>>, vector<16xf32>,
          %mul3A_1031 = arith.mulf %get3A_559, %get3A_1030 : vector<16xf32>
          %add3A_1032 = arith.addf %mul3A_1018, %mul3A_1031 : vector<16xf32>
          %get3A_1033 = arith.constant 0 : i32
          %get3A_1034 = arith.index_cast %get3A_1033 : i32 to index
          %get3A_1035 = arith.index_cast %add3A_1006 : i32 to index
          %get3A_1036 = arith.constant 64 : index
          %get3A_1037 = tpu.vector_load %arg8[%get3A_1034, %get3A_1035, %get3A_1036] {strides = array<i32>} : memref<2x208x128xf32, #tpu.memory_space<vmem>>, vector<16xf32>,
          %mul3A_1038 = arith.mulf %get3A_563, %get3A_1037 : vector<16xf32>
          %add3A_1039 = arith.addf %add3A_1025, %mul3A_1038 : vector<16xf32>
          %get3A_1040 = arith.constant 0 : i32
          %get3A_1041 = arith.index_cast %get3A_1040 : i32 to index
          %get3A_1042 = arith.index_cast %add3A_1006 : i32 to index
          %get3A_1043 = arith.constant 80 : index
          %get3A_1044 = tpu.vector_load %arg8[%get3A_1041, %get3A_1042, %get3A_1043] {strides = array<i32>} : memref<2x208x128xf32, #tpu.memory_space<vmem>>, vector<16xf32>,
          %mul3A_1045 = arith.mulf %get3A_567, %get3A_1044 : vector<16xf32>
          %add3A_1046 = arith.addf %add3A_1032, %mul3A_1045 : vector<16xf32>
          %get3A_1047 = arith.constant 0 : i32
          %get3A_1048 = arith.index_cast %get3A_1047 : i32 to index
          %get3A_1049 = arith.index_cast %add3A_1006 : i32 to index
          %get3A_1050 = arith.constant 96 : index
          %get3A_1051 = tpu.vector_load %arg8[%get3A_1048, %get3A_1049, %get3A_1050] {strides = array<i32>} : memref<2x208x128xf32, #tpu.memory_space<vmem>>, vector<16xf32>,
          %mul3A_1052 = arith.mulf %get3A_571, %get3A_1051 : vector<16xf32>
          %add3A_1053 = arith.addf %add3A_1039, %mul3A_1052 : vector<16xf32>
          %get3A_1054 = arith.constant 0 : i32
          %get3A_1055 = arith.index_cast %get3A_1054 : i32 to index
          %get3A_1056 = arith.index_cast %add3A_1006 : i32 to index
          %get3A_1057 = arith.constant 112 : index
          %get3A_1058 = tpu.vector_load %arg8[%get3A_1055, %get3A_1056, %get3A_1057] {strides = array<i32>} : memref<2x208x128xf32, #tpu.memory_space<vmem>>, vector<16xf32>,
          %mul3A_1059 = arith.mulf %get3A_575, %get3A_1058 : vector<16xf32>
          %add3A_1060 = arith.addf %add3A_1046, %mul3A_1059 : vector<16xf32>
          %add3A_1061 = arith.addf %add3A_1053, %add3A_1060 : vector<16xf32>
          %mul3A_1062 = arith.constant 16 : i32
          %mul3A_1063 = arith.muli %scan3A_598, %mul3A_1062 : i32
          %add3A_1064 = arith.constant 6 : i32
          %add3A_1065 = arith.addi %mul3A_1063, %add3A_1064 : i32
          %add3A_1066 = arith.constant 1 : i32
          %add3A_1067 = arith.addi %add3A_1065, %add3A_1066 : i32
          %get3A_1068 = arith.constant 0 : i32
          %get3A_1069 = arith.index_cast %get3A_1068 : i32 to index
          %get3A_1070 = arith.index_cast %add3A_1067 : i32 to index
          %get3A_1071 = arith.constant 0 : index
          %get3A_1072 = tpu.vector_load %arg8[%get3A_1069, %get3A_1070, %get3A_1071] {strides = array<i32>} : memref<2x208x128xf32, #tpu.memory_space<vmem>>, vector<16xf32>,
          %mul3A_1073 = arith.mulf %get3A_547, %get3A_1072 : vector<16xf32>
          %get3A_1074 = arith.constant 0 : i32
          %get3A_1075 = arith.index_cast %get3A_1074 : i32 to index
          %get3A_1076 = arith.index_cast %add3A_1067 : i32 to index
          %get3A_1077 = arith.constant 16 : index
          %get3A_1078 = tpu.vector_load %arg8[%get3A_1075, %get3A_1076, %get3A_1077] {strides = array<i32>} : memref<2x208x128xf32, #tpu.memory_space<vmem>>, vector<16xf32>,
          %mul3A_1079 = arith.mulf %get3A_551, %get3A_1078 : vector<16xf32>
          %get3A_1080 = arith.constant 0 : i32
          %get3A_1081 = arith.index_cast %get3A_1080 : i32 to index
          %get3A_1082 = arith.index_cast %add3A_1067 : i32 to index
          %get3A_1083 = arith.constant 32 : index
          %get3A_1084 = tpu.vector_load %arg8[%get3A_1081, %get3A_1082, %get3A_1083] {strides = array<i32>} : memref<2x208x128xf32, #tpu.memory_space<vmem>>, vector<16xf32>,
          %mul3A_1085 = arith.mulf %get3A_555, %get3A_1084 : vector<16xf32>
          %add3A_1086 = arith.addf %mul3A_1073, %mul3A_1085 : vector<16xf32>
          %get3A_1087 = arith.constant 0 : i32
          %get3A_1088 = arith.index_cast %get3A_1087 : i32 to index
          %get3A_1089 = arith.index_cast %add3A_1067 : i32 to index
          %get3A_1090 = arith.constant 48 : index
          %get3A_1091 = tpu.vector_load %arg8[%get3A_1088, %get3A_1089, %get3A_1090] {strides = array<i32>} : memref<2x208x128xf32, #tpu.memory_space<vmem>>, vector<16xf32>,
          %mul3A_1092 = arith.mulf %get3A_559, %get3A_1091 : vector<16xf32>
          %add3A_1093 = arith.addf %mul3A_1079, %mul3A_1092 : vector<16xf32>
          %get3A_1094 = arith.constant 0 : i32
          %get3A_1095 = arith.index_cast %get3A_1094 : i32 to index
          %get3A_1096 = arith.index_cast %add3A_1067 : i32 to index
          %get3A_1097 = arith.constant 64 : index
          %get3A_1098 = tpu.vector_load %arg8[%get3A_1095, %get3A_1096, %get3A_1097] {strides = array<i32>} : memref<2x208x128xf32, #tpu.memory_space<vmem>>, vector<16xf32>,
          %mul3A_1099 = arith.mulf %get3A_563, %get3A_1098 : vector<16xf32>
          %add3A_1100 = arith.addf %add3A_1086, %mul3A_1099 : vector<16xf32>
          %get3A_1101 = arith.constant 0 : i32
          %get3A_1102 = arith.index_cast %get3A_1101 : i32 to index
          %get3A_1103 = arith.index_cast %add3A_1067 : i32 to index
          %get3A_1104 = arith.constant 80 : index
          %get3A_1105 = tpu.vector_load %arg8[%get3A_1102, %get3A_1103, %get3A_1104] {strides = array<i32>} : memref<2x208x128xf32, #tpu.memory_space<vmem>>, vector<16xf32>,
          %mul3A_1106 = arith.mulf %get3A_567, %get3A_1105 : vector<16xf32>
          %add3A_1107 = arith.addf %add3A_1093, %mul3A_1106 : vector<16xf32>
          %get3A_1108 = arith.constant 0 : i32
          %get3A_1109 = arith.index_cast %get3A_1108 : i32 to index
          %get3A_1110 = arith.index_cast %add3A_1067 : i32 to index
          %get3A_1111 = arith.constant 96 : index
          %get3A_1112 = tpu.vector_load %arg8[%get3A_1109, %get3A_1110, %get3A_1111] {strides = array<i32>} : memref<2x208x128xf32, #tpu.memory_space<vmem>>, vector<16xf32>,
          %mul3A_1113 = arith.mulf %get3A_571, %get3A_1112 : vector<16xf32>
          %add3A_1114 = arith.addf %add3A_1100, %mul3A_1113 : vector<16xf32>
          %get3A_1115 = arith.constant 0 : i32
          %get3A_1116 = arith.index_cast %get3A_1115 : i32 to index
          %get3A_1117 = arith.index_cast %add3A_1067 : i32 to index
          %get3A_1118 = arith.constant 112 : index
          %get3A_1119 = tpu.vector_load %arg8[%get3A_1116, %get3A_1117, %get3A_1118] {strides = array<i32>} : memref<2x208x128xf32, #tpu.memory_space<vmem>>, vector<16xf32>,
          %mul3A_1120 = arith.mulf %get3A_575, %get3A_1119 : vector<16xf32>
          %add3A_1121 = arith.addf %add3A_1107, %mul3A_1120 : vector<16xf32>
          %add3A_1122 = arith.addf %add3A_1114, %add3A_1121 : vector<16xf32>
          %pack3A_1123 = tpu.pack_subelements %add3A_1061, %add3A_1122 {pack_format = #tpu.pack_format<interleaved>, positions = array<i32: 0, 1>} : vector<16xf32>, vector<16xf32> -> vector<32xbf16>
          %bitcast3A_1124 = vector.bitcast %pack3A_1123 : vector<32xbf16> to vector<16xf32>
          %mul3A_1125 = arith.constant 16 : i32
          %mul3A_1126 = arith.muli %scan3A_598, %mul3A_1125 : i32
          %add3A_1127 = arith.constant 6 : i32
          %add3A_1128 = arith.addi %mul3A_1126, %add3A_1127 : i32
          %mul3A_1129 = arith.constant 8 : i32
          %mul3A_1130 = arith.muli %add3A_1128, %mul3A_1129 : i32
          %swap3A_1131 = arith.constant 0 : i32
          %swap3A_1132 = arith.index_cast %swap3A_1131 : i32 to index
          %swap3A_1133 = arith.index_cast %select_n3A_591 : i32 to index
          %swap3A_1134 = arith.index_cast %mul3A_1130 : i32 to index
          %swap3A_1135 = tpu.vector_load %arg9[%swap3A_1132, %swap3A_1133, %swap3A_1134] {strides = array<i32>} : memref<2x8x1664xf32, #tpu.memory_space<vmem>>, vector<16xf32>,
          tpu.vector_store %arg9[%swap3A_1132, %swap3A_1133, %swap3A_1134], %bitcast3A_1124 {strides = array<i32>} : memref<2x8x1664xf32, #tpu.memory_space<vmem>>, vector<16xf32>,
          %mul3A_1136 = arith.constant 16 : i32
          %mul3A_1137 = arith.muli %scan3A_598, %mul3A_1136 : i32
          %add3A_1138 = arith.constant 8 : i32
          %add3A_1139 = arith.addi %mul3A_1137, %add3A_1138 : i32
          %add3A_1140 = arith.constant 0 : i32
          %add3A_1141 = arith.addi %add3A_1139, %add3A_1140 : i32
          %get3A_1142 = arith.constant 0 : i32
          %get3A_1143 = arith.index_cast %get3A_1142 : i32 to index
          %get3A_1144 = arith.index_cast %add3A_1141 : i32 to index
          %get3A_1145 = arith.constant 0 : index
          %get3A_1146 = tpu.vector_load %arg8[%get3A_1143, %get3A_1144, %get3A_1145] {strides = array<i32>} : memref<2x208x128xf32, #tpu.memory_space<vmem>>, vector<16xf32>,
          %mul3A_1147 = arith.mulf %get3A_547, %get3A_1146 : vector<16xf32>
          %get3A_1148 = arith.constant 0 : i32
          %get3A_1149 = arith.index_cast %get3A_1148 : i32 to index
          %get3A_1150 = arith.index_cast %add3A_1141 : i32 to index
          %get3A_1151 = arith.constant 16 : index
          %get3A_1152 = tpu.vector_load %arg8[%get3A_1149, %get3A_1150, %get3A_1151] {strides = array<i32>} : memref<2x208x128xf32, #tpu.memory_space<vmem>>, vector<16xf32>,
          %mul3A_1153 = arith.mulf %get3A_551, %get3A_1152 : vector<16xf32>
          %get3A_1154 = arith.constant 0 : i32
          %get3A_1155 = arith.index_cast %get3A_1154 : i32 to index
          %get3A_1156 = arith.index_cast %add3A_1141 : i32 to index
          %get3A_1157 = arith.constant 32 : index
          %get3A_1158 = tpu.vector_load %arg8[%get3A_1155, %get3A_1156, %get3A_1157] {strides = array<i32>} : memref<2x208x128xf32, #tpu.memory_space<vmem>>, vector<16xf32>,
          %mul3A_1159 = arith.mulf %get3A_555, %get3A_1158 : vector<16xf32>
          %add3A_1160 = arith.addf %mul3A_1147, %mul3A_1159 : vector<16xf32>
          %get3A_1161 = arith.constant 0 : i32
          %get3A_1162 = arith.index_cast %get3A_1161 : i32 to index
          %get3A_1163 = arith.index_cast %add3A_1141 : i32 to index
          %get3A_1164 = arith.constant 48 : index
          %get3A_1165 = tpu.vector_load %arg8[%get3A_1162, %get3A_1163, %get3A_1164] {strides = array<i32>} : memref<2x208x128xf32, #tpu.memory_space<vmem>>, vector<16xf32>,
          %mul3A_1166 = arith.mulf %get3A_559, %get3A_1165 : vector<16xf32>
          %add3A_1167 = arith.addf %mul3A_1153, %mul3A_1166 : vector<16xf32>
          %get3A_1168 = arith.constant 0 : i32
          %get3A_1169 = arith.index_cast %get3A_1168 : i32 to index
          %get3A_1170 = arith.index_cast %add3A_1141 : i32 to index
          %get3A_1171 = arith.constant 64 : index
          %get3A_1172 = tpu.vector_load %arg8[%get3A_1169, %get3A_1170, %get3A_1171] {strides = array<i32>} : memref<2x208x128xf32, #tpu.memory_space<vmem>>, vector<16xf32>,
          %mul3A_1173 = arith.mulf %get3A_563, %get3A_1172 : vector<16xf32>
          %add3A_1174 = arith.addf %add3A_1160, %mul3A_1173 : vector<16xf32>
          %get3A_1175 = arith.constant 0 : i32
          %get3A_1176 = arith.index_cast %get3A_1175 : i32 to index
          %get3A_1177 = arith.index_cast %add3A_1141 : i32 to index
          %get3A_1178 = arith.constant 80 : index
          %get3A_1179 = tpu.vector_load %arg8[%get3A_1176, %get3A_1177, %get3A_1178] {strides = array<i32>} : memref<2x208x128xf32, #tpu.memory_space<vmem>>, vector<16xf32>,
          %mul3A_1180 = arith.mulf %get3A_567, %get3A_1179 : vector<16xf32>
          %add3A_1181 = arith.addf %add3A_1167, %mul3A_1180 : vector<16xf32>
          %get3A_1182 = arith.constant 0 : i32
          %get3A_1183 = arith.index_cast %get3A_1182 : i32 to index
          %get3A_1184 = arith.index_cast %add3A_1141 : i32 to index
          %get3A_1185 = arith.constant 96 : index
          %get3A_1186 = tpu.vector_load %arg8[%get3A_1183, %get3A_1184, %get3A_1185] {strides = array<i32>} : memref<2x208x128xf32, #tpu.memory_space<vmem>>, vector<16xf32>,
          %mul3A_1187 = arith.mulf %get3A_571, %get3A_1186 : vector<16xf32>
          %add3A_1188 = arith.addf %add3A_1174, %mul3A_1187 : vector<16xf32>
          %get3A_1189 = arith.constant 0 : i32
          %get3A_1190 = arith.index_cast %get3A_1189 : i32 to index
          %get3A_1191 = arith.index_cast %add3A_1141 : i32 to index
          %get3A_1192 = arith.constant 112 : index
          %get3A_1193 = tpu.vector_load %arg8[%get3A_1190, %get3A_1191, %get3A_1192] {strides = array<i32>} : memref<2x208x128xf32, #tpu.memory_space<vmem>>, vector<16xf32>,
          %mul3A_1194 = arith.mulf %get3A_575, %get3A_1193 : vector<16xf32>
          %add3A_1195 = arith.addf %add3A_1181, %mul3A_1194 : vector<16xf32>
          %add3A_1196 = arith.addf %add3A_1188, %add3A_1195 : vector<16xf32>
          %mul3A_1197 = arith.constant 16 : i32
          %mul3A_1198 = arith.muli %scan3A_598, %mul3A_1197 : i32
          %add3A_1199 = arith.constant 8 : i32
          %add3A_1200 = arith.addi %mul3A_1198, %add3A_1199 : i32
          %add3A_1201 = arith.constant 1 : i32
          %add3A_1202 = arith.addi %add3A_1200, %add3A_1201 : i32
          %get3A_1203 = arith.constant 0 : i32
          %get3A_1204 = arith.index_cast %get3A_1203 : i32 to index
          %get3A_1205 = arith.index_cast %add3A_1202 : i32 to index
          %get3A_1206 = arith.constant 0 : index
          %get3A_1207 = tpu.vector_load %arg8[%get3A_1204, %get3A_1205, %get3A_1206] {strides = array<i32>} : memref<2x208x128xf32, #tpu.memory_space<vmem>>, vector<16xf32>,
          %mul3A_1208 = arith.mulf %get3A_547, %get3A_1207 : vector<16xf32>
          %get3A_1209 = arith.constant 0 : i32
          %get3A_1210 = arith.index_cast %get3A_1209 : i32 to index
          %get3A_1211 = arith.index_cast %add3A_1202 : i32 to index
          %get3A_1212 = arith.constant 16 : index
          %get3A_1213 = tpu.vector_load %arg8[%get3A_1210, %get3A_1211, %get3A_1212] {strides = array<i32>} : memref<2x208x128xf32, #tpu.memory_space<vmem>>, vector<16xf32>,
          %mul3A_1214 = arith.mulf %get3A_551, %get3A_1213 : vector<16xf32>
          %get3A_1215 = arith.constant 0 : i32
          %get3A_1216 = arith.index_cast %get3A_1215 : i32 to index
          %get3A_1217 = arith.index_cast %add3A_1202 : i32 to index
          %get3A_1218 = arith.constant 32 : index
          %get3A_1219 = tpu.vector_load %arg8[%get3A_1216, %get3A_1217, %get3A_1218] {strides = array<i32>} : memref<2x208x128xf32, #tpu.memory_space<vmem>>, vector<16xf32>,
          %mul3A_1220 = arith.mulf %get3A_555, %get3A_1219 : vector<16xf32>
          %add3A_1221 = arith.addf %mul3A_1208, %mul3A_1220 : vector<16xf32>
          %get3A_1222 = arith.constant 0 : i32
          %get3A_1223 = arith.index_cast %get3A_1222 : i32 to index
          %get3A_1224 = arith.index_cast %add3A_1202 : i32 to index
          %get3A_1225 = arith.constant 48 : index
          %get3A_1226 = tpu.vector_load %arg8[%get3A_1223, %get3A_1224, %get3A_1225] {strides = array<i32>} : memref<2x208x128xf32, #tpu.memory_space<vmem>>, vector<16xf32>,
          %mul3A_1227 = arith.mulf %get3A_559, %get3A_1226 : vector<16xf32>
          %add3A_1228 = arith.addf %mul3A_1214, %mul3A_1227 : vector<16xf32>
          %get3A_1229 = arith.constant 0 : i32
          %get3A_1230 = arith.index_cast %get3A_1229 : i32 to index
          %get3A_1231 = arith.index_cast %add3A_1202 : i32 to index
          %get3A_1232 = arith.constant 64 : index
          %get3A_1233 = tpu.vector_load %arg8[%get3A_1230, %get3A_1231, %get3A_1232] {strides = array<i32>} : memref<2x208x128xf32, #tpu.memory_space<vmem>>, vector<16xf32>,
          %mul3A_1234 = arith.mulf %get3A_563, %get3A_1233 : vector<16xf32>
          %add3A_1235 = arith.addf %add3A_1221, %mul3A_1234 : vector<16xf32>
          %get3A_1236 = arith.constant 0 : i32
          %get3A_1237 = arith.index_cast %get3A_1236 : i32 to index
          %get3A_1238 = arith.index_cast %add3A_1202 : i32 to index
          %get3A_1239 = arith.constant 80 : index
          %get3A_1240 = tpu.vector_load %arg8[%get3A_1237, %get3A_1238, %get3A_1239] {strides = array<i32>} : memref<2x208x128xf32, #tpu.memory_space<vmem>>, vector<16xf32>,
          %mul3A_1241 = arith.mulf %get3A_567, %get3A_1240 : vector<16xf32>
          %add3A_1242 = arith.addf %add3A_1228, %mul3A_1241 : vector<16xf32>
          %get3A_1243 = arith.constant 0 : i32
          %get3A_1244 = arith.index_cast %get3A_1243 : i32 to index
          %get3A_1245 = arith.index_cast %add3A_1202 : i32 to index
          %get3A_1246 = arith.constant 96 : index
          %get3A_1247 = tpu.vector_load %arg8[%get3A_1244, %get3A_1245, %get3A_1246] {strides = array<i32>} : memref<2x208x128xf32, #tpu.memory_space<vmem>>, vector<16xf32>,
          %mul3A_1248 = arith.mulf %get3A_571, %get3A_1247 : vector<16xf32>
          %add3A_1249 = arith.addf %add3A_1235, %mul3A_1248 : vector<16xf32>
          %get3A_1250 = arith.constant 0 : i32
          %get3A_1251 = arith.index_cast %get3A_1250 : i32 to index
          %get3A_1252 = arith.index_cast %add3A_1202 : i32 to index
          %get3A_1253 = arith.constant 112 : index
          %get3A_1254 = tpu.vector_load %arg8[%get3A_1251, %get3A_1252, %get3A_1253] {strides = array<i32>} : memref<2x208x128xf32, #tpu.memory_space<vmem>>, vector<16xf32>,
          %mul3A_1255 = arith.mulf %get3A_575, %get3A_1254 : vector<16xf32>
          %add3A_1256 = arith.addf %add3A_1242, %mul3A_1255 : vector<16xf32>
          %add3A_1257 = arith.addf %add3A_1249, %add3A_1256 : vector<16xf32>
          %pack3A_1258 = tpu.pack_subelements %add3A_1196, %add3A_1257 {pack_format = #tpu.pack_format<interleaved>, positions = array<i32: 0, 1>} : vector<16xf32>, vector<16xf32> -> vector<32xbf16>
          %bitcast3A_1259 = vector.bitcast %pack3A_1258 : vector<32xbf16> to vector<16xf32>
          %mul3A_1260 = arith.constant 16 : i32
          %mul3A_1261 = arith.muli %scan3A_598, %mul3A_1260 : i32
          %add3A_1262 = arith.constant 8 : i32
          %add3A_1263 = arith.addi %mul3A_1261, %add3A_1262 : i32
          %mul3A_1264 = arith.constant 8 : i32
          %mul3A_1265 = arith.muli %add3A_1263, %mul3A_1264 : i32
          %swap3A_1266 = arith.constant 0 : i32
          %swap3A_1267 = arith.index_cast %swap3A_1266 : i32 to index
          %swap3A_1268 = arith.index_cast %select_n3A_591 : i32 to index
          %swap3A_1269 = arith.index_cast %mul3A_1265 : i32 to index
          %swap3A_1270 = tpu.vector_load %arg9[%swap3A_1267, %swap3A_1268, %swap3A_1269] {strides = array<i32>} : memref<2x8x1664xf32, #tpu.memory_space<vmem>>, vector<16xf32>,
          tpu.vector_store %arg9[%swap3A_1267, %swap3A_1268, %swap3A_1269], %bitcast3A_1259 {strides = array<i32>} : memref<2x8x1664xf32, #tpu.memory_space<vmem>>, vector<16xf32>,
          %mul3A_1271 = arith.constant 16 : i32
          %mul3A_1272 = arith.muli %scan3A_598, %mul3A_1271 : i32
          %add3A_1273 = arith.constant 10 : i32
          %add3A_1274 = arith.addi %mul3A_1272, %add3A_1273 : i32
          %add3A_1275 = arith.constant 0 : i32
          %add3A_1276 = arith.addi %add3A_1274, %add3A_1275 : i32
          %get3A_1277 = arith.constant 0 : i32
          %get3A_1278 = arith.index_cast %get3A_1277 : i32 to index
          %get3A_1279 = arith.index_cast %add3A_1276 : i32 to index
          %get3A_1280 = arith.constant 0 : index
          %get3A_1281 = tpu.vector_load %arg8[%get3A_1278, %get3A_1279, %get3A_1280] {strides = array<i32>} : memref<2x208x128xf32, #tpu.memory_space<vmem>>, vector<16xf32>,
          %mul3A_1282 = arith.mulf %get3A_547, %get3A_1281 : vector<16xf32>
          %get3A_1283 = arith.constant 0 : i32
          %get3A_1284 = arith.index_cast %get3A_1283 : i32 to index
          %get3A_1285 = arith.index_cast %add3A_1276 : i32 to index
          %get3A_1286 = arith.constant 16 : index
          %get3A_1287 = tpu.vector_load %arg8[%get3A_1284, %get3A_1285, %get3A_1286] {strides = array<i32>} : memref<2x208x128xf32, #tpu.memory_space<vmem>>, vector<16xf32>,
          %mul3A_1288 = arith.mulf %get3A_551, %get3A_1287 : vector<16xf32>
          %get3A_1289 = arith.constant 0 : i32
          %get3A_1290 = arith.index_cast %get3A_1289 : i32 to index
          %get3A_1291 = arith.index_cast %add3A_1276 : i32 to index
          %get3A_1292 = arith.constant 32 : index
          %get3A_1293 = tpu.vector_load %arg8[%get3A_1290, %get3A_1291, %get3A_1292] {strides = array<i32>} : memref<2x208x128xf32, #tpu.memory_space<vmem>>, vector<16xf32>,
          %mul3A_1294 = arith.mulf %get3A_555, %get3A_1293 : vector<16xf32>
          %add3A_1295 = arith.addf %mul3A_1282, %mul3A_1294 : vector<16xf32>
          %get3A_1296 = arith.constant 0 : i32
          %get3A_1297 = arith.index_cast %get3A_1296 : i32 to index
          %get3A_1298 = arith.index_cast %add3A_1276 : i32 to index
          %get3A_1299 = arith.constant 48 : index
          %get3A_1300 = tpu.vector_load %arg8[%get3A_1297, %get3A_1298, %get3A_1299] {strides = array<i32>} : memref<2x208x128xf32, #tpu.memory_space<vmem>>, vector<16xf32>,
          %mul3A_1301 = arith.mulf %get3A_559, %get3A_1300 : vector<16xf32>
          %add3A_1302 = arith.addf %mul3A_1288, %mul3A_1301 : vector<16xf32>
          %get3A_1303 = arith.constant 0 : i32
          %get3A_1304 = arith.index_cast %get3A_1303 : i32 to index
          %get3A_1305 = arith.index_cast %add3A_1276 : i32 to index
          %get3A_1306 = arith.constant 64 : index
          %get3A_1307 = tpu.vector_load %arg8[%get3A_1304, %get3A_1305, %get3A_1306] {strides = array<i32>} : memref<2x208x128xf32, #tpu.memory_space<vmem>>, vector<16xf32>,
          %mul3A_1308 = arith.mulf %get3A_563, %get3A_1307 : vector<16xf32>
          %add3A_1309 = arith.addf %add3A_1295, %mul3A_1308 : vector<16xf32>
          %get3A_1310 = arith.constant 0 : i32
          %get3A_1311 = arith.index_cast %get3A_1310 : i32 to index
          %get3A_1312 = arith.index_cast %add3A_1276 : i32 to index
          %get3A_1313 = arith.constant 80 : index
          %get3A_1314 = tpu.vector_load %arg8[%get3A_1311, %get3A_1312, %get3A_1313] {strides = array<i32>} : memref<2x208x128xf32, #tpu.memory_space<vmem>>, vector<16xf32>,
          %mul3A_1315 = arith.mulf %get3A_567, %get3A_1314 : vector<16xf32>
          %add3A_1316 = arith.addf %add3A_1302, %mul3A_1315 : vector<16xf32>
          %get3A_1317 = arith.constant 0 : i32
          %get3A_1318 = arith.index_cast %get3A_1317 : i32 to index
          %get3A_1319 = arith.index_cast %add3A_1276 : i32 to index
          %get3A_1320 = arith.constant 96 : index
          %get3A_1321 = tpu.vector_load %arg8[%get3A_1318, %get3A_1319, %get3A_1320] {strides = array<i32>} : memref<2x208x128xf32, #tpu.memory_space<vmem>>, vector<16xf32>,
          %mul3A_1322 = arith.mulf %get3A_571, %get3A_1321 : vector<16xf32>
          %add3A_1323 = arith.addf %add3A_1309, %mul3A_1322 : vector<16xf32>
          %get3A_1324 = arith.constant 0 : i32
          %get3A_1325 = arith.index_cast %get3A_1324 : i32 to index
          %get3A_1326 = arith.index_cast %add3A_1276 : i32 to index
          %get3A_1327 = arith.constant 112 : index
          %get3A_1328 = tpu.vector_load %arg8[%get3A_1325, %get3A_1326, %get3A_1327] {strides = array<i32>} : memref<2x208x128xf32, #tpu.memory_space<vmem>>, vector<16xf32>,
          %mul3A_1329 = arith.mulf %get3A_575, %get3A_1328 : vector<16xf32>
          %add3A_1330 = arith.addf %add3A_1316, %mul3A_1329 : vector<16xf32>
          %add3A_1331 = arith.addf %add3A_1323, %add3A_1330 : vector<16xf32>
          %mul3A_1332 = arith.constant 16 : i32
          %mul3A_1333 = arith.muli %scan3A_598, %mul3A_1332 : i32
          %add3A_1334 = arith.constant 10 : i32
          %add3A_1335 = arith.addi %mul3A_1333, %add3A_1334 : i32
          %add3A_1336 = arith.constant 1 : i32
          %add3A_1337 = arith.addi %add3A_1335, %add3A_1336 : i32
          %get3A_1338 = arith.constant 0 : i32
          %get3A_1339 = arith.index_cast %get3A_1338 : i32 to index
          %get3A_1340 = arith.index_cast %add3A_1337 : i32 to index
          %get3A_1341 = arith.constant 0 : index
          %get3A_1342 = tpu.vector_load %arg8[%get3A_1339, %get3A_1340, %get3A_1341] {strides = array<i32>} : memref<2x208x128xf32, #tpu.memory_space<vmem>>, vector<16xf32>,
          %mul3A_1343 = arith.mulf %get3A_547, %get3A_1342 : vector<16xf32>
          %get3A_1344 = arith.constant 0 : i32
          %get3A_1345 = arith.index_cast %get3A_1344 : i32 to index
          %get3A_1346 = arith.index_cast %add3A_1337 : i32 to index
          %get3A_1347 = arith.constant 16 : index
          %get3A_1348 = tpu.vector_load %arg8[%get3A_1345, %get3A_1346, %get3A_1347] {strides = array<i32>} : memref<2x208x128xf32, #tpu.memory_space<vmem>>, vector<16xf32>,
          %mul3A_1349 = arith.mulf %get3A_551, %get3A_1348 : vector<16xf32>
          %get3A_1350 = arith.constant 0 : i32
          %get3A_1351 = arith.index_cast %get3A_1350 : i32 to index
          %get3A_1352 = arith.index_cast %add3A_1337 : i32 to index
          %get3A_1353 = arith.constant 32 : index
          %get3A_1354 = tpu.vector_load %arg8[%get3A_1351, %get3A_1352, %get3A_1353] {strides = array<i32>} : memref<2x208x128xf32, #tpu.memory_space<vmem>>, vector<16xf32>,
          %mul3A_1355 = arith.mulf %get3A_555, %get3A_1354 : vector<16xf32>
          %add3A_1356 = arith.addf %mul3A_1343, %mul3A_1355 : vector<16xf32>
          %get3A_1357 = arith.constant 0 : i32
          %get3A_1358 = arith.index_cast %get3A_1357 : i32 to index
          %get3A_1359 = arith.index_cast %add3A_1337 : i32 to index
          %get3A_1360 = arith.constant 48 : index
          %get3A_1361 = tpu.vector_load %arg8[%get3A_1358, %get3A_1359, %get3A_1360] {strides = array<i32>} : memref<2x208x128xf32, #tpu.memory_space<vmem>>, vector<16xf32>,
          %mul3A_1362 = arith.mulf %get3A_559, %get3A_1361 : vector<16xf32>
          %add3A_1363 = arith.addf %mul3A_1349, %mul3A_1362 : vector<16xf32>
          %get3A_1364 = arith.constant 0 : i32
          %get3A_1365 = arith.index_cast %get3A_1364 : i32 to index
          %get3A_1366 = arith.index_cast %add3A_1337 : i32 to index
          %get3A_1367 = arith.constant 64 : index
          %get3A_1368 = tpu.vector_load %arg8[%get3A_1365, %get3A_1366, %get3A_1367] {strides = array<i32>} : memref<2x208x128xf32, #tpu.memory_space<vmem>>, vector<16xf32>,
          %mul3A_1369 = arith.mulf %get3A_563, %get3A_1368 : vector<16xf32>
          %add3A_1370 = arith.addf %add3A_1356, %mul3A_1369 : vector<16xf32>
          %get3A_1371 = arith.constant 0 : i32
          %get3A_1372 = arith.index_cast %get3A_1371 : i32 to index
          %get3A_1373 = arith.index_cast %add3A_1337 : i32 to index
          %get3A_1374 = arith.constant 80 : index
          %get3A_1375 = tpu.vector_load %arg8[%get3A_1372, %get3A_1373, %get3A_1374] {strides = array<i32>} : memref<2x208x128xf32, #tpu.memory_space<vmem>>, vector<16xf32>,
          %mul3A_1376 = arith.mulf %get3A_567, %get3A_1375 : vector<16xf32>
          %add3A_1377 = arith.addf %add3A_1363, %mul3A_1376 : vector<16xf32>
          %get3A_1378 = arith.constant 0 : i32
          %get3A_1379 = arith.index_cast %get3A_1378 : i32 to index
          %get3A_1380 = arith.index_cast %add3A_1337 : i32 to index
          %get3A_1381 = arith.constant 96 : index
          %get3A_1382 = tpu.vector_load %arg8[%get3A_1379, %get3A_1380, %get3A_1381] {strides = array<i32>} : memref<2x208x128xf32, #tpu.memory_space<vmem>>, vector<16xf32>,
          %mul3A_1383 = arith.mulf %get3A_571, %get3A_1382 : vector<16xf32>
          %add3A_1384 = arith.addf %add3A_1370, %mul3A_1383 : vector<16xf32>
          %get3A_1385 = arith.constant 0 : i32
          %get3A_1386 = arith.index_cast %get3A_1385 : i32 to index
          %get3A_1387 = arith.index_cast %add3A_1337 : i32 to index
          %get3A_1388 = arith.constant 112 : index
          %get3A_1389 = tpu.vector_load %arg8[%get3A_1386, %get3A_1387, %get3A_1388] {strides = array<i32>} : memref<2x208x128xf32, #tpu.memory_space<vmem>>, vector<16xf32>,
          %mul3A_1390 = arith.mulf %get3A_575, %get3A_1389 : vector<16xf32>
          %add3A_1391 = arith.addf %add3A_1377, %mul3A_1390 : vector<16xf32>
          %add3A_1392 = arith.addf %add3A_1384, %add3A_1391 : vector<16xf32>
          %pack3A_1393 = tpu.pack_subelements %add3A_1331, %add3A_1392 {pack_format = #tpu.pack_format<interleaved>, positions = array<i32: 0, 1>} : vector<16xf32>, vector<16xf32> -> vector<32xbf16>
          %bitcast3A_1394 = vector.bitcast %pack3A_1393 : vector<32xbf16> to vector<16xf32>
          %mul3A_1395 = arith.constant 16 : i32
          %mul3A_1396 = arith.muli %scan3A_598, %mul3A_1395 : i32
          %add3A_1397 = arith.constant 10 : i32
          %add3A_1398 = arith.addi %mul3A_1396, %add3A_1397 : i32
          %mul3A_1399 = arith.constant 8 : i32
          %mul3A_1400 = arith.muli %add3A_1398, %mul3A_1399 : i32
          %swap3A_1401 = arith.constant 0 : i32
          %swap3A_1402 = arith.index_cast %swap3A_1401 : i32 to index
          %swap3A_1403 = arith.index_cast %select_n3A_591 : i32 to index
          %swap3A_1404 = arith.index_cast %mul3A_1400 : i32 to index
          %swap3A_1405 = tpu.vector_load %arg9[%swap3A_1402, %swap3A_1403, %swap3A_1404] {strides = array<i32>} : memref<2x8x1664xf32, #tpu.memory_space<vmem>>, vector<16xf32>,
          tpu.vector_store %arg9[%swap3A_1402, %swap3A_1403, %swap3A_1404], %bitcast3A_1394 {strides = array<i32>} : memref<2x8x1664xf32, #tpu.memory_space<vmem>>, vector<16xf32>,
          %mul3A_1406 = arith.constant 16 : i32
          %mul3A_1407 = arith.muli %scan3A_598, %mul3A_1406 : i32
          %add3A_1408 = arith.constant 12 : i32
          %add3A_1409 = arith.addi %mul3A_1407, %add3A_1408 : i32
          %add3A_1410 = arith.constant 0 : i32
          %add3A_1411 = arith.addi %add3A_1409, %add3A_1410 : i32
          %get3A_1412 = arith.constant 0 : i32
          %get3A_1413 = arith.index_cast %get3A_1412 : i32 to index
          %get3A_1414 = arith.index_cast %add3A_1411 : i32 to index
          %get3A_1415 = arith.constant 0 : index
          %get3A_1416 = tpu.vector_load %arg8[%get3A_1413, %get3A_1414, %get3A_1415] {strides = array<i32>} : memref<2x208x128xf32, #tpu.memory_space<vmem>>, vector<16xf32>,
          %mul3A_1417 = arith.mulf %get3A_547, %get3A_1416 : vector<16xf32>
          %get3A_1418 = arith.constant 0 : i32
          %get3A_1419 = arith.index_cast %get3A_1418 : i32 to index
          %get3A_1420 = arith.index_cast %add3A_1411 : i32 to index
          %get3A_1421 = arith.constant 16 : index
          %get3A_1422 = tpu.vector_load %arg8[%get3A_1419, %get3A_1420, %get3A_1421] {strides = array<i32>} : memref<2x208x128xf32, #tpu.memory_space<vmem>>, vector<16xf32>,
          %mul3A_1423 = arith.mulf %get3A_551, %get3A_1422 : vector<16xf32>
          %get3A_1424 = arith.constant 0 : i32
          %get3A_1425 = arith.index_cast %get3A_1424 : i32 to index
          %get3A_1426 = arith.index_cast %add3A_1411 : i32 to index
          %get3A_1427 = arith.constant 32 : index
          %get3A_1428 = tpu.vector_load %arg8[%get3A_1425, %get3A_1426, %get3A_1427] {strides = array<i32>} : memref<2x208x128xf32, #tpu.memory_space<vmem>>, vector<16xf32>,
          %mul3A_1429 = arith.mulf %get3A_555, %get3A_1428 : vector<16xf32>
          %add3A_1430 = arith.addf %mul3A_1417, %mul3A_1429 : vector<16xf32>
          %get3A_1431 = arith.constant 0 : i32
          %get3A_1432 = arith.index_cast %get3A_1431 : i32 to index
          %get3A_1433 = arith.index_cast %add3A_1411 : i32 to index
          %get3A_1434 = arith.constant 48 : index
          %get3A_1435 = tpu.vector_load %arg8[%get3A_1432, %get3A_1433, %get3A_1434] {strides = array<i32>} : memref<2x208x128xf32, #tpu.memory_space<vmem>>, vector<16xf32>,
          %mul3A_1436 = arith.mulf %get3A_559, %get3A_1435 : vector<16xf32>
          %add3A_1437 = arith.addf %mul3A_1423, %mul3A_1436 : vector<16xf32>
          %get3A_1438 = arith.constant 0 : i32
          %get3A_1439 = arith.index_cast %get3A_1438 : i32 to index
          %get3A_1440 = arith.index_cast %add3A_1411 : i32 to index
          %get3A_1441 = arith.constant 64 : index
          %get3A_1442 = tpu.vector_load %arg8[%get3A_1439, %get3A_1440, %get3A_1441] {strides = array<i32>} : memref<2x208x128xf32, #tpu.memory_space<vmem>>, vector<16xf32>,
          %mul3A_1443 = arith.mulf %get3A_563, %get3A_1442 : vector<16xf32>
          %add3A_1444 = arith.addf %add3A_1430, %mul3A_1443 : vector<16xf32>
          %get3A_1445 = arith.constant 0 : i32
          %get3A_1446 = arith.index_cast %get3A_1445 : i32 to index
          %get3A_1447 = arith.index_cast %add3A_1411 : i32 to index
          %get3A_1448 = arith.constant 80 : index
          %get3A_1449 = tpu.vector_load %arg8[%get3A_1446, %get3A_1447, %get3A_1448] {strides = array<i32>} : memref<2x208x128xf32, #tpu.memory_space<vmem>>, vector<16xf32>,
          %mul3A_1450 = arith.mulf %get3A_567, %get3A_1449 : vector<16xf32>
          %add3A_1451 = arith.addf %add3A_1437, %mul3A_1450 : vector<16xf32>
          %get3A_1452 = arith.constant 0 : i32
          %get3A_1453 = arith.index_cast %get3A_1452 : i32 to index
          %get3A_1454 = arith.index_cast %add3A_1411 : i32 to index
          %get3A_1455 = arith.constant 96 : index
          %get3A_1456 = tpu.vector_load %arg8[%get3A_1453, %get3A_1454, %get3A_1455] {strides = array<i32>} : memref<2x208x128xf32, #tpu.memory_space<vmem>>, vector<16xf32>,
          %mul3A_1457 = arith.mulf %get3A_571, %get3A_1456 : vector<16xf32>
          %add3A_1458 = arith.addf %add3A_1444, %mul3A_1457 : vector<16xf32>
          %get3A_1459 = arith.constant 0 : i32
          %get3A_1460 = arith.index_cast %get3A_1459 : i32 to index
          %get3A_1461 = arith.index_cast %add3A_1411 : i32 to index
          %get3A_1462 = arith.constant 112 : index
          %get3A_1463 = tpu.vector_load %arg8[%get3A_1460, %get3A_1461, %get3A_1462] {strides = array<i32>} : memref<2x208x128xf32, #tpu.memory_space<vmem>>, vector<16xf32>,
          %mul3A_1464 = arith.mulf %get3A_575, %get3A_1463 : vector<16xf32>
          %add3A_1465 = arith.addf %add3A_1451, %mul3A_1464 : vector<16xf32>
          %add3A_1466 = arith.addf %add3A_1458, %add3A_1465 : vector<16xf32>
          %mul3A_1467 = arith.constant 16 : i32
          %mul3A_1468 = arith.muli %scan3A_598, %mul3A_1467 : i32
          %add3A_1469 = arith.constant 12 : i32
          %add3A_1470 = arith.addi %mul3A_1468, %add3A_1469 : i32
          %add3A_1471 = arith.constant 1 : i32
          %add3A_1472 = arith.addi %add3A_1470, %add3A_1471 : i32
          %get3A_1473 = arith.constant 0 : i32
          %get3A_1474 = arith.index_cast %get3A_1473 : i32 to index
          %get3A_1475 = arith.index_cast %add3A_1472 : i32 to index
          %get3A_1476 = arith.constant 0 : index
          %get3A_1477 = tpu.vector_load %arg8[%get3A_1474, %get3A_1475, %get3A_1476] {strides = array<i32>} : memref<2x208x128xf32, #tpu.memory_space<vmem>>, vector<16xf32>,
          %mul3A_1478 = arith.mulf %get3A_547, %get3A_1477 : vector<16xf32>
          %get3A_1479 = arith.constant 0 : i32
          %get3A_1480 = arith.index_cast %get3A_1479 : i32 to index
          %get3A_1481 = arith.index_cast %add3A_1472 : i32 to index
          %get3A_1482 = arith.constant 16 : index
          %get3A_1483 = tpu.vector_load %arg8[%get3A_1480, %get3A_1481, %get3A_1482] {strides = array<i32>} : memref<2x208x128xf32, #tpu.memory_space<vmem>>, vector<16xf32>,
          %mul3A_1484 = arith.mulf %get3A_551, %get3A_1483 : vector<16xf32>
          %get3A_1485 = arith.constant 0 : i32
          %get3A_1486 = arith.index_cast %get3A_1485 : i32 to index
          %get3A_1487 = arith.index_cast %add3A_1472 : i32 to index
          %get3A_1488 = arith.constant 32 : index
          %get3A_1489 = tpu.vector_load %arg8[%get3A_1486, %get3A_1487, %get3A_1488] {strides = array<i32>} : memref<2x208x128xf32, #tpu.memory_space<vmem>>, vector<16xf32>,
          %mul3A_1490 = arith.mulf %get3A_555, %get3A_1489 : vector<16xf32>
          %add3A_1491 = arith.addf %mul3A_1478, %mul3A_1490 : vector<16xf32>
          %get3A_1492 = arith.constant 0 : i32
          %get3A_1493 = arith.index_cast %get3A_1492 : i32 to index
          %get3A_1494 = arith.index_cast %add3A_1472 : i32 to index
          %get3A_1495 = arith.constant 48 : index
          %get3A_1496 = tpu.vector_load %arg8[%get3A_1493, %get3A_1494, %get3A_1495] {strides = array<i32>} : memref<2x208x128xf32, #tpu.memory_space<vmem>>, vector<16xf32>,
          %mul3A_1497 = arith.mulf %get3A_559, %get3A_1496 : vector<16xf32>
          %add3A_1498 = arith.addf %mul3A_1484, %mul3A_1497 : vector<16xf32>
          %get3A_1499 = arith.constant 0 : i32
          %get3A_1500 = arith.index_cast %get3A_1499 : i32 to index
          %get3A_1501 = arith.index_cast %add3A_1472 : i32 to index
          %get3A_1502 = arith.constant 64 : index
          %get3A_1503 = tpu.vector_load %arg8[%get3A_1500, %get3A_1501, %get3A_1502] {strides = array<i32>} : memref<2x208x128xf32, #tpu.memory_space<vmem>>, vector<16xf32>,
          %mul3A_1504 = arith.mulf %get3A_563, %get3A_1503 : vector<16xf32>
          %add3A_1505 = arith.addf %add3A_1491, %mul3A_1504 : vector<16xf32>
          %get3A_1506 = arith.constant 0 : i32
          %get3A_1507 = arith.index_cast %get3A_1506 : i32 to index
          %get3A_1508 = arith.index_cast %add3A_1472 : i32 to index
          %get3A_1509 = arith.constant 80 : index
          %get3A_1510 = tpu.vector_load %arg8[%get3A_1507, %get3A_1508, %get3A_1509] {strides = array<i32>} : memref<2x208x128xf32, #tpu.memory_space<vmem>>, vector<16xf32>,
          %mul3A_1511 = arith.mulf %get3A_567, %get3A_1510 : vector<16xf32>
          %add3A_1512 = arith.addf %add3A_1498, %mul3A_1511 : vector<16xf32>
          %get3A_1513 = arith.constant 0 : i32
          %get3A_1514 = arith.index_cast %get3A_1513 : i32 to index
          %get3A_1515 = arith.index_cast %add3A_1472 : i32 to index
          %get3A_1516 = arith.constant 96 : index
          %get3A_1517 = tpu.vector_load %arg8[%get3A_1514, %get3A_1515, %get3A_1516] {strides = array<i32>} : memref<2x208x128xf32, #tpu.memory_space<vmem>>, vector<16xf32>,
          %mul3A_1518 = arith.mulf %get3A_571, %get3A_1517 : vector<16xf32>
          %add3A_1519 = arith.addf %add3A_1505, %mul3A_1518 : vector<16xf32>
          %get3A_1520 = arith.constant 0 : i32
          %get3A_1521 = arith.index_cast %get3A_1520 : i32 to index
          %get3A_1522 = arith.index_cast %add3A_1472 : i32 to index
          %get3A_1523 = arith.constant 112 : index
          %get3A_1524 = tpu.vector_load %arg8[%get3A_1521, %get3A_1522, %get3A_1523] {strides = array<i32>} : memref<2x208x128xf32, #tpu.memory_space<vmem>>, vector<16xf32>,
          %mul3A_1525 = arith.mulf %get3A_575, %get3A_1524 : vector<16xf32>
          %add3A_1526 = arith.addf %add3A_1512, %mul3A_1525 : vector<16xf32>
          %add3A_1527 = arith.addf %add3A_1519, %add3A_1526 : vector<16xf32>
          %pack3A_1528 = tpu.pack_subelements %add3A_1466, %add3A_1527 {pack_format = #tpu.pack_format<interleaved>, positions = array<i32: 0, 1>} : vector<16xf32>, vector<16xf32> -> vector<32xbf16>
          %bitcast3A_1529 = vector.bitcast %pack3A_1528 : vector<32xbf16> to vector<16xf32>
          %mul3A_1530 = arith.constant 16 : i32
          %mul3A_1531 = arith.muli %scan3A_598, %mul3A_1530 : i32
          %add3A_1532 = arith.constant 12 : i32
          %add3A_1533 = arith.addi %mul3A_1531, %add3A_1532 : i32
          %mul3A_1534 = arith.constant 8 : i32
          %mul3A_1535 = arith.muli %add3A_1533, %mul3A_1534 : i32
          %swap3A_1536 = arith.constant 0 : i32
          %swap3A_1537 = arith.index_cast %swap3A_1536 : i32 to index
          %swap3A_1538 = arith.index_cast %select_n3A_591 : i32 to index
          %swap3A_1539 = arith.index_cast %mul3A_1535 : i32 to index
          %swap3A_1540 = tpu.vector_load %arg9[%swap3A_1537, %swap3A_1538, %swap3A_1539] {strides = array<i32>} : memref<2x8x1664xf32, #tpu.memory_space<vmem>>, vector<16xf32>,
          tpu.vector_store %arg9[%swap3A_1537, %swap3A_1538, %swap3A_1539], %bitcast3A_1529 {strides = array<i32>} : memref<2x8x1664xf32, #tpu.memory_space<vmem>>, vector<16xf32>,
          %mul3A_1541 = arith.constant 16 : i32
          %mul3A_1542 = arith.muli %scan3A_598, %mul3A_1541 : i32
          %add3A_1543 = arith.constant 14 : i32
          %add3A_1544 = arith.addi %mul3A_1542, %add3A_1543 : i32
          %add3A_1545 = arith.constant 0 : i32
          %add3A_1546 = arith.addi %add3A_1544, %add3A_1545 : i32
          %get3A_1547 = arith.constant 0 : i32
          %get3A_1548 = arith.index_cast %get3A_1547 : i32 to index
          %get3A_1549 = arith.index_cast %add3A_1546 : i32 to index
          %get3A_1550 = arith.constant 0 : index
          %get3A_1551 = tpu.vector_load %arg8[%get3A_1548, %get3A_1549, %get3A_1550] {strides = array<i32>} : memref<2x208x128xf32, #tpu.memory_space<vmem>>, vector<16xf32>,
          %mul3A_1552 = arith.mulf %get3A_547, %get3A_1551 : vector<16xf32>
          %get3A_1553 = arith.constant 0 : i32
          %get3A_1554 = arith.index_cast %get3A_1553 : i32 to index
          %get3A_1555 = arith.index_cast %add3A_1546 : i32 to index
          %get3A_1556 = arith.constant 16 : index
          %get3A_1557 = tpu.vector_load %arg8[%get3A_1554, %get3A_1555, %get3A_1556] {strides = array<i32>} : memref<2x208x128xf32, #tpu.memory_space<vmem>>, vector<16xf32>,
          %mul3A_1558 = arith.mulf %get3A_551, %get3A_1557 : vector<16xf32>
          %get3A_1559 = arith.constant 0 : i32
          %get3A_1560 = arith.index_cast %get3A_1559 : i32 to index
          %get3A_1561 = arith.index_cast %add3A_1546 : i32 to index
          %get3A_1562 = arith.constant 32 : index
          %get3A_1563 = tpu.vector_load %arg8[%get3A_1560, %get3A_1561, %get3A_1562] {strides = array<i32>} : memref<2x208x128xf32, #tpu.memory_space<vmem>>, vector<16xf32>,
          %mul3A_1564 = arith.mulf %get3A_555, %get3A_1563 : vector<16xf32>
          %add3A_1565 = arith.addf %mul3A_1552, %mul3A_1564 : vector<16xf32>
          %get3A_1566 = arith.constant 0 : i32
          %get3A_1567 = arith.index_cast %get3A_1566 : i32 to index
          %get3A_1568 = arith.index_cast %add3A_1546 : i32 to index
          %get3A_1569 = arith.constant 48 : index
          %get3A_1570 = tpu.vector_load %arg8[%get3A_1567, %get3A_1568, %get3A_1569] {strides = array<i32>} : memref<2x208x128xf32, #tpu.memory_space<vmem>>, vector<16xf32>,
          %mul3A_1571 = arith.mulf %get3A_559, %get3A_1570 : vector<16xf32>
          %add3A_1572 = arith.addf %mul3A_1558, %mul3A_1571 : vector<16xf32>
          %get3A_1573 = arith.constant 0 : i32
          %get3A_1574 = arith.index_cast %get3A_1573 : i32 to index
          %get3A_1575 = arith.index_cast %add3A_1546 : i32 to index
          %get3A_1576 = arith.constant 64 : index
          %get3A_1577 = tpu.vector_load %arg8[%get3A_1574, %get3A_1575, %get3A_1576] {strides = array<i32>} : memref<2x208x128xf32, #tpu.memory_space<vmem>>, vector<16xf32>,
          %mul3A_1578 = arith.mulf %get3A_563, %get3A_1577 : vector<16xf32>
          %add3A_1579 = arith.addf %add3A_1565, %mul3A_1578 : vector<16xf32>
          %get3A_1580 = arith.constant 0 : i32
          %get3A_1581 = arith.index_cast %get3A_1580 : i32 to index
          %get3A_1582 = arith.index_cast %add3A_1546 : i32 to index
          %get3A_1583 = arith.constant 80 : index
          %get3A_1584 = tpu.vector_load %arg8[%get3A_1581, %get3A_1582, %get3A_1583] {strides = array<i32>} : memref<2x208x128xf32, #tpu.memory_space<vmem>>, vector<16xf32>,
          %mul3A_1585 = arith.mulf %get3A_567, %get3A_1584 : vector<16xf32>
          %add3A_1586 = arith.addf %add3A_1572, %mul3A_1585 : vector<16xf32>
          %get3A_1587 = arith.constant 0 : i32
          %get3A_1588 = arith.index_cast %get3A_1587 : i32 to index
          %get3A_1589 = arith.index_cast %add3A_1546 : i32 to index
          %get3A_1590 = arith.constant 96 : index
          %get3A_1591 = tpu.vector_load %arg8[%get3A_1588, %get3A_1589, %get3A_1590] {strides = array<i32>} : memref<2x208x128xf32, #tpu.memory_space<vmem>>, vector<16xf32>,
          %mul3A_1592 = arith.mulf %get3A_571, %get3A_1591 : vector<16xf32>
          %add3A_1593 = arith.addf %add3A_1579, %mul3A_1592 : vector<16xf32>
          %get3A_1594 = arith.constant 0 : i32
          %get3A_1595 = arith.index_cast %get3A_1594 : i32 to index
          %get3A_1596 = arith.index_cast %add3A_1546 : i32 to index
          %get3A_1597 = arith.constant 112 : index
          %get3A_1598 = tpu.vector_load %arg8[%get3A_1595, %get3A_1596, %get3A_1597] {strides = array<i32>} : memref<2x208x128xf32, #tpu.memory_space<vmem>>, vector<16xf32>,
          %mul3A_1599 = arith.mulf %get3A_575, %get3A_1598 : vector<16xf32>
          %add3A_1600 = arith.addf %add3A_1586, %mul3A_1599 : vector<16xf32>
          %add3A_1601 = arith.addf %add3A_1593, %add3A_1600 : vector<16xf32>
          %mul3A_1602 = arith.constant 16 : i32
          %mul3A_1603 = arith.muli %scan3A_598, %mul3A_1602 : i32
          %add3A_1604 = arith.constant 14 : i32
          %add3A_1605 = arith.addi %mul3A_1603, %add3A_1604 : i32
          %add3A_1606 = arith.constant 1 : i32
          %add3A_1607 = arith.addi %add3A_1605, %add3A_1606 : i32
          %get3A_1608 = arith.constant 0 : i32
          %get3A_1609 = arith.index_cast %get3A_1608 : i32 to index
          %get3A_1610 = arith.index_cast %add3A_1607 : i32 to index
          %get3A_1611 = arith.constant 0 : index
          %get3A_1612 = tpu.vector_load %arg8[%get3A_1609, %get3A_1610, %get3A_1611] {strides = array<i32>} : memref<2x208x128xf32, #tpu.memory_space<vmem>>, vector<16xf32>,
          %mul3A_1613 = arith.mulf %get3A_547, %get3A_1612 : vector<16xf32>
          %get3A_1614 = arith.constant 0 : i32
          %get3A_1615 = arith.index_cast %get3A_1614 : i32 to index
          %get3A_1616 = arith.index_cast %add3A_1607 : i32 to index
          %get3A_1617 = arith.constant 16 : index
          %get3A_1618 = tpu.vector_load %arg8[%get3A_1615, %get3A_1616, %get3A_1617] {strides = array<i32>} : memref<2x208x128xf32, #tpu.memory_space<vmem>>, vector<16xf32>,
          %mul3A_1619 = arith.mulf %get3A_551, %get3A_1618 : vector<16xf32>
          %get3A_1620 = arith.constant 0 : i32
          %get3A_1621 = arith.index_cast %get3A_1620 : i32 to index
          %get3A_1622 = arith.index_cast %add3A_1607 : i32 to index
          %get3A_1623 = arith.constant 32 : index
          %get3A_1624 = tpu.vector_load %arg8[%get3A_1621, %get3A_1622, %get3A_1623] {strides = array<i32>} : memref<2x208x128xf32, #tpu.memory_space<vmem>>, vector<16xf32>,
          %mul3A_1625 = arith.mulf %get3A_555, %get3A_1624 : vector<16xf32>
          %add3A_1626 = arith.addf %mul3A_1613, %mul3A_1625 : vector<16xf32>
          %get3A_1627 = arith.constant 0 : i32
          %get3A_1628 = arith.index_cast %get3A_1627 : i32 to index
          %get3A_1629 = arith.index_cast %add3A_1607 : i32 to index
          %get3A_1630 = arith.constant 48 : index
          %get3A_1631 = tpu.vector_load %arg8[%get3A_1628, %get3A_1629, %get3A_1630] {strides = array<i32>} : memref<2x208x128xf32, #tpu.memory_space<vmem>>, vector<16xf32>,
          %mul3A_1632 = arith.mulf %get3A_559, %get3A_1631 : vector<16xf32>
          %add3A_1633 = arith.addf %mul3A_1619, %mul3A_1632 : vector<16xf32>
          %get3A_1634 = arith.constant 0 : i32
          %get3A_1635 = arith.index_cast %get3A_1634 : i32 to index
          %get3A_1636 = arith.index_cast %add3A_1607 : i32 to index
          %get3A_1637 = arith.constant 64 : index
          %get3A_1638 = tpu.vector_load %arg8[%get3A_1635, %get3A_1636, %get3A_1637] {strides = array<i32>} : memref<2x208x128xf32, #tpu.memory_space<vmem>>, vector<16xf32>,
          %mul3A_1639 = arith.mulf %get3A_563, %get3A_1638 : vector<16xf32>
          %add3A_1640 = arith.addf %add3A_1626, %mul3A_1639 : vector<16xf32>
          %get3A_1641 = arith.constant 0 : i32
          %get3A_1642 = arith.index_cast %get3A_1641 : i32 to index
          %get3A_1643 = arith.index_cast %add3A_1607 : i32 to index
          %get3A_1644 = arith.constant 80 : index
          %get3A_1645 = tpu.vector_load %arg8[%get3A_1642, %get3A_1643, %get3A_1644] {strides = array<i32>} : memref<2x208x128xf32, #tpu.memory_space<vmem>>, vector<16xf32>,
          %mul3A_1646 = arith.mulf %get3A_567, %get3A_1645 : vector<16xf32>
          %add3A_1647 = arith.addf %add3A_1633, %mul3A_1646 : vector<16xf32>
          %get3A_1648 = arith.constant 0 : i32
          %get3A_1649 = arith.index_cast %get3A_1648 : i32 to index
          %get3A_1650 = arith.index_cast %add3A_1607 : i32 to index
          %get3A_1651 = arith.constant 96 : index
          %get3A_1652 = tpu.vector_load %arg8[%get3A_1649, %get3A_1650, %get3A_1651] {strides = array<i32>} : memref<2x208x128xf32, #tpu.memory_space<vmem>>, vector<16xf32>,
          %mul3A_1653 = arith.mulf %get3A_571, %get3A_1652 : vector<16xf32>
          %add3A_1654 = arith.addf %add3A_1640, %mul3A_1653 : vector<16xf32>
          %get3A_1655 = arith.constant 0 : i32
          %get3A_1656 = arith.index_cast %get3A_1655 : i32 to index
          %get3A_1657 = arith.index_cast %add3A_1607 : i32 to index
          %get3A_1658 = arith.constant 112 : index
          %get3A_1659 = tpu.vector_load %arg8[%get3A_1656, %get3A_1657, %get3A_1658] {strides = array<i32>} : memref<2x208x128xf32, #tpu.memory_space<vmem>>, vector<16xf32>,
          %mul3A_1660 = arith.mulf %get3A_575, %get3A_1659 : vector<16xf32>
          %add3A_1661 = arith.addf %add3A_1647, %mul3A_1660 : vector<16xf32>
          %add3A_1662 = arith.addf %add3A_1654, %add3A_1661 : vector<16xf32>
          %pack3A_1663 = tpu.pack_subelements %add3A_1601, %add3A_1662 {pack_format = #tpu.pack_format<interleaved>, positions = array<i32: 0, 1>} : vector<16xf32>, vector<16xf32> -> vector<32xbf16>
          %bitcast3A_1664 = vector.bitcast %pack3A_1663 : vector<32xbf16> to vector<16xf32>
          %mul3A_1665 = arith.constant 16 : i32
          %mul3A_1666 = arith.muli %scan3A_598, %mul3A_1665 : i32
          %add3A_1667 = arith.constant 14 : i32
          %add3A_1668 = arith.addi %mul3A_1666, %add3A_1667 : i32
          %mul3A_1669 = arith.constant 8 : i32
          %mul3A_1670 = arith.muli %add3A_1668, %mul3A_1669 : i32
          %swap3A_1671 = arith.constant 0 : i32
          %swap3A_1672 = arith.index_cast %swap3A_1671 : i32 to index
          %swap3A_1673 = arith.index_cast %select_n3A_591 : i32 to index
          %swap3A_1674 = arith.index_cast %mul3A_1670 : i32 to index
          %swap3A_1675 = tpu.vector_load %arg9[%swap3A_1672, %swap3A_1673, %swap3A_1674] {strides = array<i32>} : memref<2x8x1664xf32, #tpu.memory_space<vmem>>, vector<16xf32>,
          tpu.vector_store %arg9[%swap3A_1672, %swap3A_1673, %swap3A_1674], %bitcast3A_1664 {strides = array<i32>} : memref<2x8x1664xf32, #tpu.memory_space<vmem>>, vector<16xf32>,
        }
        %scan3A_597 = arith.constant 13 : i32
      } else {
      }
      %jit3A_268 = arith.constant 8 : i32
      %eq3A_269 = arith.constant 0 : i32
      %eq3A_270 = arith.cmpi eq, %jit3A_268, %eq3A_269 : i32
      %jit3A_271 = arith.constant 1 : i32
      %select_n3A_272 = arith.select %eq3A_270, %jit3A_271, %jit3A_268 : i32
      %rem3A_273 = arith.remsi %add3A_176, %select_n3A_272 : i32
      %ne3A_274 = arith.constant 0 : i32
      %ne3A_275 = arith.cmpi ne, %rem3A_273, %ne3A_274 : i32
      %lt3A_276 = arith.constant 0 : i32
      %lt3A_277 = arith.cmpi slt, %rem3A_273, %lt3A_276 : i32
      %lt3A_278 = arith.constant 0 : i32
      %lt3A_279 = arith.cmpi slt, %select_n3A_272, %lt3A_278 : i32
      %ne3A_280 = arith.xori %lt3A_277, %lt3A_279 : i1
      %and3A_281 = arith.andi %ne3A_280, %ne3A_275 : i1
      %add3A_282 = arith.addi %rem3A_273, %select_n3A_272 : i32
      %select_n3A_283 = arith.select %and3A_281, %add3A_282, %rem3A_273 : i32
      %eq3A_284 = arith.constant 7 : i32
      %eq3A_285 = arith.cmpi eq, %select_n3A_283, %eq3A_284 : i32
      %eq3A_286 = arith.constant 0 : i32
      %eq3A_287 = arith.cmpi eq, %select_n3A_236, %eq3A_286 : i32
      %and3A_288 = arith.andi %eq3A_285, %eq3A_287 : i1
      %convert_element_type3A_289 = arith.extui %and3A_288 : i1 to i32
      %cond3A_290 = arith.constant 0 : i32
      %cond3A_291 = arith.cmpi ne, %convert_element_type3A_289, %cond3A_290 : i32
      scf.if %cond3A_291 {
        %add3A_545 = arith.addi %mul3A_2, %add3A_176 : i32
        %sub3A_546 = arith.constant 7 : i32
        %sub3A_547 = arith.subi %add3A_545, %sub3A_546 : i32
        %multiple_of3A_548 = tpu.assume_multiple %sub3A_547, 8 : i32
        %dma_start3A_549 = arith.constant 0 : i32
        %dma_start3A_550 = arith.constant 0 : i32
        %dma_start3A_551 = arith.constant 0 : i32
        %dma_start3A_552 = tpu.memref_slice %arg9[%dma_start3A_549, %dma_start3A_550, %dma_start3A_551] : memref<2x8x1664xf32, #tpu.memory_space<vmem>> -> memref<1x8x1664xf32, #tpu.memory_space<vmem>>
        %dma_start3A_553 = tpu.memref_squeeze %dma_start3A_552 : memref<1x8x1664xf32, #tpu.memory_space<vmem>> -> memref<8x1664xf32, #tpu.memory_space<vmem>>
        %dma_start3A_554 = arith.constant 0 : i32
        %dma_start3A_555 = tpu.memref_slice %arg5[%multiple_of3A_548, %dma_start3A_554] : memref<4096x1664xf32, #tpu.memory_space<hbm>> -> memref<8x1664xf32, #tpu.memory_space<hbm>>
        %dma_start3A_556 = arith.constant 0 : i32
        %dma_start3A_557 = tpu.memref_slice %arg5[%multiple_of3A_548, %dma_start3A_556] : memref<4096x1664xf32, #tpu.memory_space<hbm>> -> memref<8x1664xf32, #tpu.memory_space<hbm>>
        %dma_start3A_558 = arith.constant 0 : i32
        %dma_start3A_559 = arith.constant 0 : i32
        %dma_start3A_560 = tpu.memref_slice %arg9[%dma_start3A_549, %dma_start3A_558, %dma_start3A_559] : memref<2x8x1664xf32, #tpu.memory_space<vmem>> -> memref<1x8x1664xf32, #tpu.memory_space<vmem>>
        %dma_start3A_561 = tpu.memref_squeeze %dma_start3A_560 : memref<1x8x1664xf32, #tpu.memory_space<vmem>> -> memref<8x1664xf32, #tpu.memory_space<vmem>>
        tpu.enqueue_dma source(%dma_start3A_561 : memref<8x1664xf32, #tpu.memory_space<vmem>>) target(%dma_start3A_557 : memref<8x1664xf32, #tpu.memory_space<hbm>>) target_semaphore(%arg12 : memref<!tpu.dma_semaphore, #tpu.memory_space<semaphore_mem>>)
      } else {
      }
      %jit3A_292 = arith.constant 8 : i32
      %eq3A_293 = arith.constant 0 : i32
      %eq3A_294 = arith.cmpi eq, %jit3A_292, %eq3A_293 : i32
      %jit3A_295 = arith.constant 1 : i32
      %select_n3A_296 = arith.select %eq3A_294, %jit3A_295, %jit3A_292 : i32
      %rem3A_297 = arith.remsi %add3A_176, %select_n3A_296 : i32
      %ne3A_298 = arith.constant 0 : i32
      %ne3A_299 = arith.cmpi ne, %rem3A_297, %ne3A_298 : i32
      %lt3A_300 = arith.constant 0 : i32
      %lt3A_301 = arith.cmpi slt, %rem3A_297, %lt3A_300 : i32
      %lt3A_302 = arith.constant 0 : i32
      %lt3A_303 = arith.cmpi slt, %select_n3A_296, %lt3A_302 : i32
      %ne3A_304 = arith.xori %lt3A_301, %lt3A_303 : i1
      %and3A_305 = arith.andi %ne3A_304, %ne3A_299 : i1
      %add3A_306 = arith.addi %rem3A_297, %select_n3A_296 : i32
      %select_n3A_307 = arith.select %and3A_305, %add3A_306, %rem3A_297 : i32
      %eq3A_308 = arith.constant 0 : i32
      %eq3A_309 = arith.cmpi eq, %select_n3A_307, %eq3A_308 : i32
      %ge3A_310 = arith.constant 16 : i32
      %ge3A_311 = arith.cmpi sge, %add3A_176, %ge3A_310 : i32
      %and3A_312 = arith.andi %eq3A_309, %ge3A_311 : i1
      %eq3A_313 = arith.constant 1 : i32
      %eq3A_314 = arith.cmpi eq, %select_n3A_236, %eq3A_313 : i32
      %and3A_315 = arith.andi %and3A_312, %eq3A_314 : i1
      %convert_element_type3A_316 = arith.extui %and3A_315 : i1 to i32
      %cond3A_317 = arith.constant 0 : i32
      %cond3A_318 = arith.cmpi ne, %convert_element_type3A_316, %cond3A_317 : i32
      scf.if %cond3A_318 {
        %add3A_545 = arith.addi %mul3A_2, %add3A_176 : i32
        %sub3A_546 = arith.constant 16 : i32
        %sub3A_547 = arith.subi %add3A_545, %sub3A_546 : i32
        %multiple_of3A_548 = tpu.assume_multiple %sub3A_547, 8 : i32
        %dma_wait3A_549 = arith.constant 1 : i32
        %dma_wait3A_550 = arith.constant 0 : i32
        %dma_wait3A_551 = arith.constant 0 : i32
        %dma_wait3A_552 = tpu.memref_slice %arg9[%dma_wait3A_549, %dma_wait3A_550, %dma_wait3A_551] : memref<2x8x1664xf32, #tpu.memory_space<vmem>> -> memref<1x8x1664xf32, #tpu.memory_space<vmem>>
        %dma_wait3A_553 = tpu.memref_squeeze %dma_wait3A_552 : memref<1x8x1664xf32, #tpu.memory_space<vmem>> -> memref<8x1664xf32, #tpu.memory_space<vmem>>
        %dma_wait3A_554 = arith.constant 0 : i32
        %dma_wait3A_555 = tpu.memref_slice %arg5[%multiple_of3A_548, %dma_wait3A_554] : memref<4096x1664xf32, #tpu.memory_space<hbm>> -> memref<8x1664xf32, #tpu.memory_space<hbm>>
        %dma_wait3A_556 = arith.constant 0 : i32
        %dma_wait3A_557 = tpu.memref_slice %arg5[%multiple_of3A_548, %dma_wait3A_556] : memref<4096x1664xf32, #tpu.memory_space<hbm>> -> memref<8x1664xf32, #tpu.memory_space<hbm>>
        %dma_wait3A_558 = arith.constant 0 : i32
        %dma_wait3A_559 = arith.constant 0 : i32
        %dma_wait3A_560 = tpu.memref_slice %arg9[%dma_wait3A_549, %dma_wait3A_558, %dma_wait3A_559] : memref<2x8x1664xf32, #tpu.memory_space<vmem>> -> memref<1x8x1664xf32, #tpu.memory_space<vmem>>
        %dma_wait3A_561 = tpu.memref_squeeze %dma_wait3A_560 : memref<1x8x1664xf32, #tpu.memory_space<vmem>> -> memref<8x1664xf32, #tpu.memory_space<vmem>>
        tpu.wait_dma2 semaphore(%arg13 : memref<!tpu.dma_semaphore, #tpu.memory_space<semaphore_mem>>) src(%dma_wait3A_561 : memref<8x1664xf32, #tpu.memory_space<vmem>>) dst(%dma_wait3A_557 : memref<8x1664xf32, #tpu.memory_space<hbm>>)
      } else {
      }
      %eq3A_319 = arith.constant 1 : i32
      %eq3A_320 = arith.cmpi eq, %select_n3A_236, %eq3A_319 : i32
      %convert_element_type3A_321 = arith.extui %eq3A_320 : i1 to i32
      %cond3A_322 = arith.constant 0 : i32
      %cond3A_323 = arith.cmpi ne, %convert_element_type3A_321, %cond3A_322 : i32
      scf.if %cond3A_323 {
        %get3A = arith.constant 0 : i32
        %get3A_545 = arith.index_cast %get3A : i32 to index
        %get3A_546 = arith.constant 0 : index
        %get3A_547 = tpu.vector_load %arg6[%get3A_545, %get3A_546] {strides = array<i32>} : memref<2x128xf32, #tpu.memory_space<vmem>>, vector<16xf32>,
        %get3A_548 = arith.constant 0 : i32
        %get3A_549 = arith.index_cast %get3A_548 : i32 to index
        %get3A_550 = arith.constant 16 : index
        %get3A_551 = tpu.vector_load %arg6[%get3A_549, %get3A_550] {strides = array<i32>} : memref<2x128xf32, #tpu.memory_space<vmem>>, vector<16xf32>,
        %get3A_552 = arith.constant 0 : i32
        %get3A_553 = arith.index_cast %get3A_552 : i32 to index
        %get3A_554 = arith.constant 32 : index
        %get3A_555 = tpu.vector_load %arg6[%get3A_553, %get3A_554] {strides = array<i32>} : memref<2x128xf32, #tpu.memory_space<vmem>>, vector<16xf32>,
        %get3A_556 = arith.constant 0 : i32
        %get3A_557 = arith.index_cast %get3A_556 : i32 to index
        %get3A_558 = arith.constant 48 : index
        %get3A_559 = tpu.vector_load %arg6[%get3A_557, %get3A_558] {strides = array<i32>} : memref<2x128xf32, #tpu.memory_space<vmem>>, vector<16xf32>,
        %get3A_560 = arith.constant 0 : i32
        %get3A_561 = arith.index_cast %get3A_560 : i32 to index
        %get3A_562 = arith.constant 64 : index
        %get3A_563 = tpu.vector_load %arg6[%get3A_561, %get3A_562] {strides = array<i32>} : memref<2x128xf32, #tpu.memory_space<vmem>>, vector<16xf32>,
        %get3A_564 = arith.constant 0 : i32
        %get3A_565 = arith.index_cast %get3A_564 : i32 to index
        %get3A_566 = arith.constant 80 : index
        %get3A_567 = tpu.vector_load %arg6[%get3A_565, %get3A_566] {strides = array<i32>} : memref<2x128xf32, #tpu.memory_space<vmem>>, vector<16xf32>,
        %get3A_568 = arith.constant 0 : i32
        %get3A_569 = arith.index_cast %get3A_568 : i32 to index
        %get3A_570 = arith.constant 96 : index
        %get3A_571 = tpu.vector_load %arg6[%get3A_569, %get3A_570] {strides = array<i32>} : memref<2x128xf32, #tpu.memory_space<vmem>>, vector<16xf32>,
        %get3A_572 = arith.constant 0 : i32
        %get3A_573 = arith.index_cast %get3A_572 : i32 to index
        %get3A_574 = arith.constant 112 : index
        %get3A_575 = tpu.vector_load %arg6[%get3A_573, %get3A_574] {strides = array<i32>} : memref<2x128xf32, #tpu.memory_space<vmem>>, vector<16xf32>,
        %jit3A_576 = arith.constant 8 : i32
        %eq3A_577 = arith.constant 0 : i32
        %eq3A_578 = arith.cmpi eq, %jit3A_576, %eq3A_577 : i32
        %jit3A_579 = arith.constant 1 : i32
        %select_n3A_580 = arith.select %eq3A_578, %jit3A_579, %jit3A_576 : i32
        %rem3A_581 = arith.remsi %add3A_176, %select_n3A_580 : i32
        %ne3A_582 = arith.constant 0 : i32
        %ne3A_583 = arith.cmpi ne, %rem3A_581, %ne3A_582 : i32
        %lt3A_584 = arith.constant 0 : i32
        %lt3A_585 = arith.cmpi slt, %rem3A_581, %lt3A_584 : i32
        %lt3A_586 = arith.constant 0 : i32
        %lt3A_587 = arith.cmpi slt, %select_n3A_580, %lt3A_586 : i32
        %ne3A_588 = arith.xori %lt3A_585, %lt3A_587 : i1
        %and3A_589 = arith.andi %ne3A_588, %ne3A_583 : i1
        %add3A_590 = arith.addi %rem3A_581, %select_n3A_580 : i32
        %select_n3A_591 = arith.select %and3A_589, %add3A_590, %rem3A_581 : i32
        %scan3A_592 = arith.constant 0 : i32
        %scan3A_593 = arith.constant 0 : i32
        %scan3A_594 = arith.constant 13 : i32
        %scan3A_595 = arith.addi %scan3A_593, %scan3A_594 : i32
        %scan3A_596 = arith.constant 1 : i32
        scf.for %scan3A_598 = %scan3A_593 to %scan3A_595 step %scan3A_596  : i32 {
          %mul3A_599 = arith.constant 16 : i32
          %mul3A_600 = arith.muli %scan3A_598, %mul3A_599 : i32
          %add3A_601 = arith.constant 0 : i32
          %add3A_602 = arith.addi %mul3A_600, %add3A_601 : i32
          %add3A_603 = arith.constant 0 : i32
          %add3A_604 = arith.addi %add3A_602, %add3A_603 : i32
          %get3A_605 = arith.constant 0 : i32
          %get3A_606 = arith.index_cast %get3A_605 : i32 to index
          %get3A_607 = arith.index_cast %add3A_604 : i32 to index
          %get3A_608 = arith.constant 0 : index
          %get3A_609 = tpu.vector_load %arg8[%get3A_606, %get3A_607, %get3A_608] {strides = array<i32>} : memref<2x208x128xf32, #tpu.memory_space<vmem>>, vector<16xf32>,
          %mul3A_610 = arith.mulf %get3A_547, %get3A_609 : vector<16xf32>
          %get3A_611 = arith.constant 0 : i32
          %get3A_612 = arith.index_cast %get3A_611 : i32 to index
          %get3A_613 = arith.index_cast %add3A_604 : i32 to index
          %get3A_614 = arith.constant 16 : index
          %get3A_615 = tpu.vector_load %arg8[%get3A_612, %get3A_613, %get3A_614] {strides = array<i32>} : memref<2x208x128xf32, #tpu.memory_space<vmem>>, vector<16xf32>,
          %mul3A_616 = arith.mulf %get3A_551, %get3A_615 : vector<16xf32>
          %get3A_617 = arith.constant 0 : i32
          %get3A_618 = arith.index_cast %get3A_617 : i32 to index
          %get3A_619 = arith.index_cast %add3A_604 : i32 to index
          %get3A_620 = arith.constant 32 : index
          %get3A_621 = tpu.vector_load %arg8[%get3A_618, %get3A_619, %get3A_620] {strides = array<i32>} : memref<2x208x128xf32, #tpu.memory_space<vmem>>, vector<16xf32>,
          %mul3A_622 = arith.mulf %get3A_555, %get3A_621 : vector<16xf32>
          %add3A_623 = arith.addf %mul3A_610, %mul3A_622 : vector<16xf32>
          %get3A_624 = arith.constant 0 : i32
          %get3A_625 = arith.index_cast %get3A_624 : i32 to index
          %get3A_626 = arith.index_cast %add3A_604 : i32 to index
          %get3A_627 = arith.constant 48 : index
          %get3A_628 = tpu.vector_load %arg8[%get3A_625, %get3A_626, %get3A_627] {strides = array<i32>} : memref<2x208x128xf32, #tpu.memory_space<vmem>>, vector<16xf32>,
          %mul3A_629 = arith.mulf %get3A_559, %get3A_628 : vector<16xf32>
          %add3A_630 = arith.addf %mul3A_616, %mul3A_629 : vector<16xf32>
          %get3A_631 = arith.constant 0 : i32
          %get3A_632 = arith.index_cast %get3A_631 : i32 to index
          %get3A_633 = arith.index_cast %add3A_604 : i32 to index
          %get3A_634 = arith.constant 64 : index
          %get3A_635 = tpu.vector_load %arg8[%get3A_632, %get3A_633, %get3A_634] {strides = array<i32>} : memref<2x208x128xf32, #tpu.memory_space<vmem>>, vector<16xf32>,
          %mul3A_636 = arith.mulf %get3A_563, %get3A_635 : vector<16xf32>
          %add3A_637 = arith.addf %add3A_623, %mul3A_636 : vector<16xf32>
          %get3A_638 = arith.constant 0 : i32
          %get3A_639 = arith.index_cast %get3A_638 : i32 to index
          %get3A_640 = arith.index_cast %add3A_604 : i32 to index
          %get3A_641 = arith.constant 80 : index
          %get3A_642 = tpu.vector_load %arg8[%get3A_639, %get3A_640, %get3A_641] {strides = array<i32>} : memref<2x208x128xf32, #tpu.memory_space<vmem>>, vector<16xf32>,
          %mul3A_643 = arith.mulf %get3A_567, %get3A_642 : vector<16xf32>
          %add3A_644 = arith.addf %add3A_630, %mul3A_643 : vector<16xf32>
          %get3A_645 = arith.constant 0 : i32
          %get3A_646 = arith.index_cast %get3A_645 : i32 to index
          %get3A_647 = arith.index_cast %add3A_604 : i32 to index
          %get3A_648 = arith.constant 96 : index
          %get3A_649 = tpu.vector_load %arg8[%get3A_646, %get3A_647, %get3A_648] {strides = array<i32>} : memref<2x208x128xf32, #tpu.memory_space<vmem>>, vector<16xf32>,
          %mul3A_650 = arith.mulf %get3A_571, %get3A_649 : vector<16xf32>
          %add3A_651 = arith.addf %add3A_637, %mul3A_650 : vector<16xf32>
          %get3A_652 = arith.constant 0 : i32
          %get3A_653 = arith.index_cast %get3A_652 : i32 to index
          %get3A_654 = arith.index_cast %add3A_604 : i32 to index
          %get3A_655 = arith.constant 112 : index
          %get3A_656 = tpu.vector_load %arg8[%get3A_653, %get3A_654, %get3A_655] {strides = array<i32>} : memref<2x208x128xf32, #tpu.memory_space<vmem>>, vector<16xf32>,
          %mul3A_657 = arith.mulf %get3A_575, %get3A_656 : vector<16xf32>
          %add3A_658 = arith.addf %add3A_644, %mul3A_657 : vector<16xf32>
          %add3A_659 = arith.addf %add3A_651, %add3A_658 : vector<16xf32>
          %mul3A_660 = arith.constant 16 : i32
          %mul3A_661 = arith.muli %scan3A_598, %mul3A_660 : i32
          %add3A_662 = arith.constant 0 : i32
          %add3A_663 = arith.addi %mul3A_661, %add3A_662 : i32
          %add3A_664 = arith.constant 1 : i32
          %add3A_665 = arith.addi %add3A_663, %add3A_664 : i32
          %get3A_666 = arith.constant 0 : i32
          %get3A_667 = arith.index_cast %get3A_666 : i32 to index
          %get3A_668 = arith.index_cast %add3A_665 : i32 to index
          %get3A_669 = arith.constant 0 : index
          %get3A_670 = tpu.vector_load %arg8[%get3A_667, %get3A_668, %get3A_669] {strides = array<i32>} : memref<2x208x128xf32, #tpu.memory_space<vmem>>, vector<16xf32>,
          %mul3A_671 = arith.mulf %get3A_547, %get3A_670 : vector<16xf32>
          %get3A_672 = arith.constant 0 : i32
          %get3A_673 = arith.index_cast %get3A_672 : i32 to index
          %get3A_674 = arith.index_cast %add3A_665 : i32 to index
          %get3A_675 = arith.constant 16 : index
          %get3A_676 = tpu.vector_load %arg8[%get3A_673, %get3A_674, %get3A_675] {strides = array<i32>} : memref<2x208x128xf32, #tpu.memory_space<vmem>>, vector<16xf32>,
          %mul3A_677 = arith.mulf %get3A_551, %get3A_676 : vector<16xf32>
          %get3A_678 = arith.constant 0 : i32
          %get3A_679 = arith.index_cast %get3A_678 : i32 to index
          %get3A_680 = arith.index_cast %add3A_665 : i32 to index
          %get3A_681 = arith.constant 32 : index
          %get3A_682 = tpu.vector_load %arg8[%get3A_679, %get3A_680, %get3A_681] {strides = array<i32>} : memref<2x208x128xf32, #tpu.memory_space<vmem>>, vector<16xf32>,
          %mul3A_683 = arith.mulf %get3A_555, %get3A_682 : vector<16xf32>
          %add3A_684 = arith.addf %mul3A_671, %mul3A_683 : vector<16xf32>
          %get3A_685 = arith.constant 0 : i32
          %get3A_686 = arith.index_cast %get3A_685 : i32 to index
          %get3A_687 = arith.index_cast %add3A_665 : i32 to index
          %get3A_688 = arith.constant 48 : index
          %get3A_689 = tpu.vector_load %arg8[%get3A_686, %get3A_687, %get3A_688] {strides = array<i32>} : memref<2x208x128xf32, #tpu.memory_space<vmem>>, vector<16xf32>,
          %mul3A_690 = arith.mulf %get3A_559, %get3A_689 : vector<16xf32>
          %add3A_691 = arith.addf %mul3A_677, %mul3A_690 : vector<16xf32>
          %get3A_692 = arith.constant 0 : i32
          %get3A_693 = arith.index_cast %get3A_692 : i32 to index
          %get3A_694 = arith.index_cast %add3A_665 : i32 to index
          %get3A_695 = arith.constant 64 : index
          %get3A_696 = tpu.vector_load %arg8[%get3A_693, %get3A_694, %get3A_695] {strides = array<i32>} : memref<2x208x128xf32, #tpu.memory_space<vmem>>, vector<16xf32>,
          %mul3A_697 = arith.mulf %get3A_563, %get3A_696 : vector<16xf32>
          %add3A_698 = arith.addf %add3A_684, %mul3A_697 : vector<16xf32>
          %get3A_699 = arith.constant 0 : i32
          %get3A_700 = arith.index_cast %get3A_699 : i32 to index
          %get3A_701 = arith.index_cast %add3A_665 : i32 to index
          %get3A_702 = arith.constant 80 : index
          %get3A_703 = tpu.vector_load %arg8[%get3A_700, %get3A_701, %get3A_702] {strides = array<i32>} : memref<2x208x128xf32, #tpu.memory_space<vmem>>, vector<16xf32>,
          %mul3A_704 = arith.mulf %get3A_567, %get3A_703 : vector<16xf32>
          %add3A_705 = arith.addf %add3A_691, %mul3A_704 : vector<16xf32>
          %get3A_706 = arith.constant 0 : i32
          %get3A_707 = arith.index_cast %get3A_706 : i32 to index
          %get3A_708 = arith.index_cast %add3A_665 : i32 to index
          %get3A_709 = arith.constant 96 : index
          %get3A_710 = tpu.vector_load %arg8[%get3A_707, %get3A_708, %get3A_709] {strides = array<i32>} : memref<2x208x128xf32, #tpu.memory_space<vmem>>, vector<16xf32>,
          %mul3A_711 = arith.mulf %get3A_571, %get3A_710 : vector<16xf32>
          %add3A_712 = arith.addf %add3A_698, %mul3A_711 : vector<16xf32>
          %get3A_713 = arith.constant 0 : i32
          %get3A_714 = arith.index_cast %get3A_713 : i32 to index
          %get3A_715 = arith.index_cast %add3A_665 : i32 to index
          %get3A_716 = arith.constant 112 : index
          %get3A_717 = tpu.vector_load %arg8[%get3A_714, %get3A_715, %get3A_716] {strides = array<i32>} : memref<2x208x128xf32, #tpu.memory_space<vmem>>, vector<16xf32>,
          %mul3A_718 = arith.mulf %get3A_575, %get3A_717 : vector<16xf32>
          %add3A_719 = arith.addf %add3A_705, %mul3A_718 : vector<16xf32>
          %add3A_720 = arith.addf %add3A_712, %add3A_719 : vector<16xf32>
          %pack3A = tpu.pack_subelements %add3A_659, %add3A_720 {pack_format = #tpu.pack_format<interleaved>, positions = array<i32: 0, 1>} : vector<16xf32>, vector<16xf32> -> vector<32xbf16>
          %bitcast3A = vector.bitcast %pack3A : vector<32xbf16> to vector<16xf32>
          %mul3A_721 = arith.constant 16 : i32
          %mul3A_722 = arith.muli %scan3A_598, %mul3A_721 : i32
          %add3A_723 = arith.constant 0 : i32
          %add3A_724 = arith.addi %mul3A_722, %add3A_723 : i32
          %mul3A_725 = arith.constant 8 : i32
          %mul3A_726 = arith.muli %add3A_724, %mul3A_725 : i32
          %swap3A = arith.constant 1 : i32
          %swap3A_727 = arith.index_cast %swap3A : i32 to index
          %swap3A_728 = arith.index_cast %select_n3A_591 : i32 to index
          %swap3A_729 = arith.index_cast %mul3A_726 : i32 to index
          %swap3A_730 = tpu.vector_load %arg9[%swap3A_727, %swap3A_728, %swap3A_729] {strides = array<i32>} : memref<2x8x1664xf32, #tpu.memory_space<vmem>>, vector<16xf32>,
          tpu.vector_store %arg9[%swap3A_727, %swap3A_728, %swap3A_729], %bitcast3A {strides = array<i32>} : memref<2x8x1664xf32, #tpu.memory_space<vmem>>, vector<16xf32>,
          %mul3A_731 = arith.constant 16 : i32
          %mul3A_732 = arith.muli %scan3A_598, %mul3A_731 : i32
          %add3A_733 = arith.constant 2 : i32
          %add3A_734 = arith.addi %mul3A_732, %add3A_733 : i32
          %add3A_735 = arith.constant 0 : i32
          %add3A_736 = arith.addi %add3A_734, %add3A_735 : i32
          %get3A_737 = arith.constant 0 : i32
          %get3A_738 = arith.index_cast %get3A_737 : i32 to index
          %get3A_739 = arith.index_cast %add3A_736 : i32 to index
          %get3A_740 = arith.constant 0 : index
          %get3A_741 = tpu.vector_load %arg8[%get3A_738, %get3A_739, %get3A_740] {strides = array<i32>} : memref<2x208x128xf32, #tpu.memory_space<vmem>>, vector<16xf32>,
          %mul3A_742 = arith.mulf %get3A_547, %get3A_741 : vector<16xf32>
          %get3A_743 = arith.constant 0 : i32
          %get3A_744 = arith.index_cast %get3A_743 : i32 to index
          %get3A_745 = arith.index_cast %add3A_736 : i32 to index
          %get3A_746 = arith.constant 16 : index
          %get3A_747 = tpu.vector_load %arg8[%get3A_744, %get3A_745, %get3A_746] {strides = array<i32>} : memref<2x208x128xf32, #tpu.memory_space<vmem>>, vector<16xf32>,
          %mul3A_748 = arith.mulf %get3A_551, %get3A_747 : vector<16xf32>
          %get3A_749 = arith.constant 0 : i32
          %get3A_750 = arith.index_cast %get3A_749 : i32 to index
          %get3A_751 = arith.index_cast %add3A_736 : i32 to index
          %get3A_752 = arith.constant 32 : index
          %get3A_753 = tpu.vector_load %arg8[%get3A_750, %get3A_751, %get3A_752] {strides = array<i32>} : memref<2x208x128xf32, #tpu.memory_space<vmem>>, vector<16xf32>,
          %mul3A_754 = arith.mulf %get3A_555, %get3A_753 : vector<16xf32>
          %add3A_755 = arith.addf %mul3A_742, %mul3A_754 : vector<16xf32>
          %get3A_756 = arith.constant 0 : i32
          %get3A_757 = arith.index_cast %get3A_756 : i32 to index
          %get3A_758 = arith.index_cast %add3A_736 : i32 to index
          %get3A_759 = arith.constant 48 : index
          %get3A_760 = tpu.vector_load %arg8[%get3A_757, %get3A_758, %get3A_759] {strides = array<i32>} : memref<2x208x128xf32, #tpu.memory_space<vmem>>, vector<16xf32>,
          %mul3A_761 = arith.mulf %get3A_559, %get3A_760 : vector<16xf32>
          %add3A_762 = arith.addf %mul3A_748, %mul3A_761 : vector<16xf32>
          %get3A_763 = arith.constant 0 : i32
          %get3A_764 = arith.index_cast %get3A_763 : i32 to index
          %get3A_765 = arith.index_cast %add3A_736 : i32 to index
          %get3A_766 = arith.constant 64 : index
          %get3A_767 = tpu.vector_load %arg8[%get3A_764, %get3A_765, %get3A_766] {strides = array<i32>} : memref<2x208x128xf32, #tpu.memory_space<vmem>>, vector<16xf32>,
          %mul3A_768 = arith.mulf %get3A_563, %get3A_767 : vector<16xf32>
          %add3A_769 = arith.addf %add3A_755, %mul3A_768 : vector<16xf32>
          %get3A_770 = arith.constant 0 : i32
          %get3A_771 = arith.index_cast %get3A_770 : i32 to index
          %get3A_772 = arith.index_cast %add3A_736 : i32 to index
          %get3A_773 = arith.constant 80 : index
          %get3A_774 = tpu.vector_load %arg8[%get3A_771, %get3A_772, %get3A_773] {strides = array<i32>} : memref<2x208x128xf32, #tpu.memory_space<vmem>>, vector<16xf32>,
          %mul3A_775 = arith.mulf %get3A_567, %get3A_774 : vector<16xf32>
          %add3A_776 = arith.addf %add3A_762, %mul3A_775 : vector<16xf32>
          %get3A_777 = arith.constant 0 : i32
          %get3A_778 = arith.index_cast %get3A_777 : i32 to index
          %get3A_779 = arith.index_cast %add3A_736 : i32 to index
          %get3A_780 = arith.constant 96 : index
          %get3A_781 = tpu.vector_load %arg8[%get3A_778, %get3A_779, %get3A_780] {strides = array<i32>} : memref<2x208x128xf32, #tpu.memory_space<vmem>>, vector<16xf32>,
          %mul3A_782 = arith.mulf %get3A_571, %get3A_781 : vector<16xf32>
          %add3A_783 = arith.addf %add3A_769, %mul3A_782 : vector<16xf32>
          %get3A_784 = arith.constant 0 : i32
          %get3A_785 = arith.index_cast %get3A_784 : i32 to index
          %get3A_786 = arith.index_cast %add3A_736 : i32 to index
          %get3A_787 = arith.constant 112 : index
          %get3A_788 = tpu.vector_load %arg8[%get3A_785, %get3A_786, %get3A_787] {strides = array<i32>} : memref<2x208x128xf32, #tpu.memory_space<vmem>>, vector<16xf32>,
          %mul3A_789 = arith.mulf %get3A_575, %get3A_788 : vector<16xf32>
          %add3A_790 = arith.addf %add3A_776, %mul3A_789 : vector<16xf32>
          %add3A_791 = arith.addf %add3A_783, %add3A_790 : vector<16xf32>
          %mul3A_792 = arith.constant 16 : i32
          %mul3A_793 = arith.muli %scan3A_598, %mul3A_792 : i32
          %add3A_794 = arith.constant 2 : i32
          %add3A_795 = arith.addi %mul3A_793, %add3A_794 : i32
          %add3A_796 = arith.constant 1 : i32
          %add3A_797 = arith.addi %add3A_795, %add3A_796 : i32
          %get3A_798 = arith.constant 0 : i32
          %get3A_799 = arith.index_cast %get3A_798 : i32 to index
          %get3A_800 = arith.index_cast %add3A_797 : i32 to index
          %get3A_801 = arith.constant 0 : index
          %get3A_802 = tpu.vector_load %arg8[%get3A_799, %get3A_800, %get3A_801] {strides = array<i32>} : memref<2x208x128xf32, #tpu.memory_space<vmem>>, vector<16xf32>,
          %mul3A_803 = arith.mulf %get3A_547, %get3A_802 : vector<16xf32>
          %get3A_804 = arith.constant 0 : i32
          %get3A_805 = arith.index_cast %get3A_804 : i32 to index
          %get3A_806 = arith.index_cast %add3A_797 : i32 to index
          %get3A_807 = arith.constant 16 : index
          %get3A_808 = tpu.vector_load %arg8[%get3A_805, %get3A_806, %get3A_807] {strides = array<i32>} : memref<2x208x128xf32, #tpu.memory_space<vmem>>, vector<16xf32>,
          %mul3A_809 = arith.mulf %get3A_551, %get3A_808 : vector<16xf32>
          %get3A_810 = arith.constant 0 : i32
          %get3A_811 = arith.index_cast %get3A_810 : i32 to index
          %get3A_812 = arith.index_cast %add3A_797 : i32 to index
          %get3A_813 = arith.constant 32 : index
          %get3A_814 = tpu.vector_load %arg8[%get3A_811, %get3A_812, %get3A_813] {strides = array<i32>} : memref<2x208x128xf32, #tpu.memory_space<vmem>>, vector<16xf32>,
          %mul3A_815 = arith.mulf %get3A_555, %get3A_814 : vector<16xf32>
          %add3A_816 = arith.addf %mul3A_803, %mul3A_815 : vector<16xf32>
          %get3A_817 = arith.constant 0 : i32
          %get3A_818 = arith.index_cast %get3A_817 : i32 to index
          %get3A_819 = arith.index_cast %add3A_797 : i32 to index
          %get3A_820 = arith.constant 48 : index
          %get3A_821 = tpu.vector_load %arg8[%get3A_818, %get3A_819, %get3A_820] {strides = array<i32>} : memref<2x208x128xf32, #tpu.memory_space<vmem>>, vector<16xf32>,
          %mul3A_822 = arith.mulf %get3A_559, %get3A_821 : vector<16xf32>
          %add3A_823 = arith.addf %mul3A_809, %mul3A_822 : vector<16xf32>
          %get3A_824 = arith.constant 0 : i32
          %get3A_825 = arith.index_cast %get3A_824 : i32 to index
          %get3A_826 = arith.index_cast %add3A_797 : i32 to index
          %get3A_827 = arith.constant 64 : index
          %get3A_828 = tpu.vector_load %arg8[%get3A_825, %get3A_826, %get3A_827] {strides = array<i32>} : memref<2x208x128xf32, #tpu.memory_space<vmem>>, vector<16xf32>,
          %mul3A_829 = arith.mulf %get3A_563, %get3A_828 : vector<16xf32>
          %add3A_830 = arith.addf %add3A_816, %mul3A_829 : vector<16xf32>
          %get3A_831 = arith.constant 0 : i32
          %get3A_832 = arith.index_cast %get3A_831 : i32 to index
          %get3A_833 = arith.index_cast %add3A_797 : i32 to index
          %get3A_834 = arith.constant 80 : index
          %get3A_835 = tpu.vector_load %arg8[%get3A_832, %get3A_833, %get3A_834] {strides = array<i32>} : memref<2x208x128xf32, #tpu.memory_space<vmem>>, vector<16xf32>,
          %mul3A_836 = arith.mulf %get3A_567, %get3A_835 : vector<16xf32>
          %add3A_837 = arith.addf %add3A_823, %mul3A_836 : vector<16xf32>
          %get3A_838 = arith.constant 0 : i32
          %get3A_839 = arith.index_cast %get3A_838 : i32 to index
          %get3A_840 = arith.index_cast %add3A_797 : i32 to index
          %get3A_841 = arith.constant 96 : index
          %get3A_842 = tpu.vector_load %arg8[%get3A_839, %get3A_840, %get3A_841] {strides = array<i32>} : memref<2x208x128xf32, #tpu.memory_space<vmem>>, vector<16xf32>,
          %mul3A_843 = arith.mulf %get3A_571, %get3A_842 : vector<16xf32>
          %add3A_844 = arith.addf %add3A_830, %mul3A_843 : vector<16xf32>
          %get3A_845 = arith.constant 0 : i32
          %get3A_846 = arith.index_cast %get3A_845 : i32 to index
          %get3A_847 = arith.index_cast %add3A_797 : i32 to index
          %get3A_848 = arith.constant 112 : index
          %get3A_849 = tpu.vector_load %arg8[%get3A_846, %get3A_847, %get3A_848] {strides = array<i32>} : memref<2x208x128xf32, #tpu.memory_space<vmem>>, vector<16xf32>,
          %mul3A_850 = arith.mulf %get3A_575, %get3A_849 : vector<16xf32>
          %add3A_851 = arith.addf %add3A_837, %mul3A_850 : vector<16xf32>
          %add3A_852 = arith.addf %add3A_844, %add3A_851 : vector<16xf32>
          %pack3A_853 = tpu.pack_subelements %add3A_791, %add3A_852 {pack_format = #tpu.pack_format<interleaved>, positions = array<i32: 0, 1>} : vector<16xf32>, vector<16xf32> -> vector<32xbf16>
          %bitcast3A_854 = vector.bitcast %pack3A_853 : vector<32xbf16> to vector<16xf32>
          %mul3A_855 = arith.constant 16 : i32
          %mul3A_856 = arith.muli %scan3A_598, %mul3A_855 : i32
          %add3A_857 = arith.constant 2 : i32
          %add3A_858 = arith.addi %mul3A_856, %add3A_857 : i32
          %mul3A_859 = arith.constant 8 : i32
          %mul3A_860 = arith.muli %add3A_858, %mul3A_859 : i32
          %swap3A_861 = arith.constant 1 : i32
          %swap3A_862 = arith.index_cast %swap3A_861 : i32 to index
          %swap3A_863 = arith.index_cast %select_n3A_591 : i32 to index
          %swap3A_864 = arith.index_cast %mul3A_860 : i32 to index
          %swap3A_865 = tpu.vector_load %arg9[%swap3A_862, %swap3A_863, %swap3A_864] {strides = array<i32>} : memref<2x8x1664xf32, #tpu.memory_space<vmem>>, vector<16xf32>,
          tpu.vector_store %arg9[%swap3A_862, %swap3A_863, %swap3A_864], %bitcast3A_854 {strides = array<i32>} : memref<2x8x1664xf32, #tpu.memory_space<vmem>>, vector<16xf32>,
          %mul3A_866 = arith.constant 16 : i32
          %mul3A_867 = arith.muli %scan3A_598, %mul3A_866 : i32
          %add3A_868 = arith.constant 4 : i32
          %add3A_869 = arith.addi %mul3A_867, %add3A_868 : i32
          %add3A_870 = arith.constant 0 : i32
          %add3A_871 = arith.addi %add3A_869, %add3A_870 : i32
          %get3A_872 = arith.constant 0 : i32
          %get3A_873 = arith.index_cast %get3A_872 : i32 to index
          %get3A_874 = arith.index_cast %add3A_871 : i32 to index
          %get3A_875 = arith.constant 0 : index
          %get3A_876 = tpu.vector_load %arg8[%get3A_873, %get3A_874, %get3A_875] {strides = array<i32>} : memref<2x208x128xf32, #tpu.memory_space<vmem>>, vector<16xf32>,
          %mul3A_877 = arith.mulf %get3A_547, %get3A_876 : vector<16xf32>
          %get3A_878 = arith.constant 0 : i32
          %get3A_879 = arith.index_cast %get3A_878 : i32 to index
          %get3A_880 = arith.index_cast %add3A_871 : i32 to index
          %get3A_881 = arith.constant 16 : index
          %get3A_882 = tpu.vector_load %arg8[%get3A_879, %get3A_880, %get3A_881] {strides = array<i32>} : memref<2x208x128xf32, #tpu.memory_space<vmem>>, vector<16xf32>,
          %mul3A_883 = arith.mulf %get3A_551, %get3A_882 : vector<16xf32>
          %get3A_884 = arith.constant 0 : i32
          %get3A_885 = arith.index_cast %get3A_884 : i32 to index
          %get3A_886 = arith.index_cast %add3A_871 : i32 to index
          %get3A_887 = arith.constant 32 : index
          %get3A_888 = tpu.vector_load %arg8[%get3A_885, %get3A_886, %get3A_887] {strides = array<i32>} : memref<2x208x128xf32, #tpu.memory_space<vmem>>, vector<16xf32>,
          %mul3A_889 = arith.mulf %get3A_555, %get3A_888 : vector<16xf32>
          %add3A_890 = arith.addf %mul3A_877, %mul3A_889 : vector<16xf32>
          %get3A_891 = arith.constant 0 : i32
          %get3A_892 = arith.index_cast %get3A_891 : i32 to index
          %get3A_893 = arith.index_cast %add3A_871 : i32 to index
          %get3A_894 = arith.constant 48 : index
          %get3A_895 = tpu.vector_load %arg8[%get3A_892, %get3A_893, %get3A_894] {strides = array<i32>} : memref<2x208x128xf32, #tpu.memory_space<vmem>>, vector<16xf32>,
          %mul3A_896 = arith.mulf %get3A_559, %get3A_895 : vector<16xf32>
          %add3A_897 = arith.addf %mul3A_883, %mul3A_896 : vector<16xf32>
          %get3A_898 = arith.constant 0 : i32
          %get3A_899 = arith.index_cast %get3A_898 : i32 to index
          %get3A_900 = arith.index_cast %add3A_871 : i32 to index
          %get3A_901 = arith.constant 64 : index
          %get3A_902 = tpu.vector_load %arg8[%get3A_899, %get3A_900, %get3A_901] {strides = array<i32>} : memref<2x208x128xf32, #tpu.memory_space<vmem>>, vector<16xf32>,
          %mul3A_903 = arith.mulf %get3A_563, %get3A_902 : vector<16xf32>
          %add3A_904 = arith.addf %add3A_890, %mul3A_903 : vector<16xf32>
          %get3A_905 = arith.constant 0 : i32
          %get3A_906 = arith.index_cast %get3A_905 : i32 to index
          %get3A_907 = arith.index_cast %add3A_871 : i32 to index
          %get3A_908 = arith.constant 80 : index
          %get3A_909 = tpu.vector_load %arg8[%get3A_906, %get3A_907, %get3A_908] {strides = array<i32>} : memref<2x208x128xf32, #tpu.memory_space<vmem>>, vector<16xf32>,
          %mul3A_910 = arith.mulf %get3A_567, %get3A_909 : vector<16xf32>
          %add3A_911 = arith.addf %add3A_897, %mul3A_910 : vector<16xf32>
          %get3A_912 = arith.constant 0 : i32
          %get3A_913 = arith.index_cast %get3A_912 : i32 to index
          %get3A_914 = arith.index_cast %add3A_871 : i32 to index
          %get3A_915 = arith.constant 96 : index
          %get3A_916 = tpu.vector_load %arg8[%get3A_913, %get3A_914, %get3A_915] {strides = array<i32>} : memref<2x208x128xf32, #tpu.memory_space<vmem>>, vector<16xf32>,
          %mul3A_917 = arith.mulf %get3A_571, %get3A_916 : vector<16xf32>
          %add3A_918 = arith.addf %add3A_904, %mul3A_917 : vector<16xf32>
          %get3A_919 = arith.constant 0 : i32
          %get3A_920 = arith.index_cast %get3A_919 : i32 to index
          %get3A_921 = arith.index_cast %add3A_871 : i32 to index
          %get3A_922 = arith.constant 112 : index
          %get3A_923 = tpu.vector_load %arg8[%get3A_920, %get3A_921, %get3A_922] {strides = array<i32>} : memref<2x208x128xf32, #tpu.memory_space<vmem>>, vector<16xf32>,
          %mul3A_924 = arith.mulf %get3A_575, %get3A_923 : vector<16xf32>
          %add3A_925 = arith.addf %add3A_911, %mul3A_924 : vector<16xf32>
          %add3A_926 = arith.addf %add3A_918, %add3A_925 : vector<16xf32>
          %mul3A_927 = arith.constant 16 : i32
          %mul3A_928 = arith.muli %scan3A_598, %mul3A_927 : i32
          %add3A_929 = arith.constant 4 : i32
          %add3A_930 = arith.addi %mul3A_928, %add3A_929 : i32
          %add3A_931 = arith.constant 1 : i32
          %add3A_932 = arith.addi %add3A_930, %add3A_931 : i32
          %get3A_933 = arith.constant 0 : i32
          %get3A_934 = arith.index_cast %get3A_933 : i32 to index
          %get3A_935 = arith.index_cast %add3A_932 : i32 to index
          %get3A_936 = arith.constant 0 : index
          %get3A_937 = tpu.vector_load %arg8[%get3A_934, %get3A_935, %get3A_936] {strides = array<i32>} : memref<2x208x128xf32, #tpu.memory_space<vmem>>, vector<16xf32>,
          %mul3A_938 = arith.mulf %get3A_547, %get3A_937 : vector<16xf32>
          %get3A_939 = arith.constant 0 : i32
          %get3A_940 = arith.index_cast %get3A_939 : i32 to index
          %get3A_941 = arith.index_cast %add3A_932 : i32 to index
          %get3A_942 = arith.constant 16 : index
          %get3A_943 = tpu.vector_load %arg8[%get3A_940, %get3A_941, %get3A_942] {strides = array<i32>} : memref<2x208x128xf32, #tpu.memory_space<vmem>>, vector<16xf32>,
          %mul3A_944 = arith.mulf %get3A_551, %get3A_943 : vector<16xf32>
          %get3A_945 = arith.constant 0 : i32
          %get3A_946 = arith.index_cast %get3A_945 : i32 to index
          %get3A_947 = arith.index_cast %add3A_932 : i32 to index
          %get3A_948 = arith.constant 32 : index
          %get3A_949 = tpu.vector_load %arg8[%get3A_946, %get3A_947, %get3A_948] {strides = array<i32>} : memref<2x208x128xf32, #tpu.memory_space<vmem>>, vector<16xf32>,
          %mul3A_950 = arith.mulf %get3A_555, %get3A_949 : vector<16xf32>
          %add3A_951 = arith.addf %mul3A_938, %mul3A_950 : vector<16xf32>
          %get3A_952 = arith.constant 0 : i32
          %get3A_953 = arith.index_cast %get3A_952 : i32 to index
          %get3A_954 = arith.index_cast %add3A_932 : i32 to index
          %get3A_955 = arith.constant 48 : index
          %get3A_956 = tpu.vector_load %arg8[%get3A_953, %get3A_954, %get3A_955] {strides = array<i32>} : memref<2x208x128xf32, #tpu.memory_space<vmem>>, vector<16xf32>,
          %mul3A_957 = arith.mulf %get3A_559, %get3A_956 : vector<16xf32>
          %add3A_958 = arith.addf %mul3A_944, %mul3A_957 : vector<16xf32>
          %get3A_959 = arith.constant 0 : i32
          %get3A_960 = arith.index_cast %get3A_959 : i32 to index
          %get3A_961 = arith.index_cast %add3A_932 : i32 to index
          %get3A_962 = arith.constant 64 : index
          %get3A_963 = tpu.vector_load %arg8[%get3A_960, %get3A_961, %get3A_962] {strides = array<i32>} : memref<2x208x128xf32, #tpu.memory_space<vmem>>, vector<16xf32>,
          %mul3A_964 = arith.mulf %get3A_563, %get3A_963 : vector<16xf32>
          %add3A_965 = arith.addf %add3A_951, %mul3A_964 : vector<16xf32>
          %get3A_966 = arith.constant 0 : i32
          %get3A_967 = arith.index_cast %get3A_966 : i32 to index
          %get3A_968 = arith.index_cast %add3A_932 : i32 to index
          %get3A_969 = arith.constant 80 : index
          %get3A_970 = tpu.vector_load %arg8[%get3A_967, %get3A_968, %get3A_969] {strides = array<i32>} : memref<2x208x128xf32, #tpu.memory_space<vmem>>, vector<16xf32>,
          %mul3A_971 = arith.mulf %get3A_567, %get3A_970 : vector<16xf32>
          %add3A_972 = arith.addf %add3A_958, %mul3A_971 : vector<16xf32>
          %get3A_973 = arith.constant 0 : i32
          %get3A_974 = arith.index_cast %get3A_973 : i32 to index
          %get3A_975 = arith.index_cast %add3A_932 : i32 to index
          %get3A_976 = arith.constant 96 : index
          %get3A_977 = tpu.vector_load %arg8[%get3A_974, %get3A_975, %get3A_976] {strides = array<i32>} : memref<2x208x128xf32, #tpu.memory_space<vmem>>, vector<16xf32>,
          %mul3A_978 = arith.mulf %get3A_571, %get3A_977 : vector<16xf32>
          %add3A_979 = arith.addf %add3A_965, %mul3A_978 : vector<16xf32>
          %get3A_980 = arith.constant 0 : i32
          %get3A_981 = arith.index_cast %get3A_980 : i32 to index
          %get3A_982 = arith.index_cast %add3A_932 : i32 to index
          %get3A_983 = arith.constant 112 : index
          %get3A_984 = tpu.vector_load %arg8[%get3A_981, %get3A_982, %get3A_983] {strides = array<i32>} : memref<2x208x128xf32, #tpu.memory_space<vmem>>, vector<16xf32>,
          %mul3A_985 = arith.mulf %get3A_575, %get3A_984 : vector<16xf32>
          %add3A_986 = arith.addf %add3A_972, %mul3A_985 : vector<16xf32>
          %add3A_987 = arith.addf %add3A_979, %add3A_986 : vector<16xf32>
          %pack3A_988 = tpu.pack_subelements %add3A_926, %add3A_987 {pack_format = #tpu.pack_format<interleaved>, positions = array<i32: 0, 1>} : vector<16xf32>, vector<16xf32> -> vector<32xbf16>
          %bitcast3A_989 = vector.bitcast %pack3A_988 : vector<32xbf16> to vector<16xf32>
          %mul3A_990 = arith.constant 16 : i32
          %mul3A_991 = arith.muli %scan3A_598, %mul3A_990 : i32
          %add3A_992 = arith.constant 4 : i32
          %add3A_993 = arith.addi %mul3A_991, %add3A_992 : i32
          %mul3A_994 = arith.constant 8 : i32
          %mul3A_995 = arith.muli %add3A_993, %mul3A_994 : i32
          %swap3A_996 = arith.constant 1 : i32
          %swap3A_997 = arith.index_cast %swap3A_996 : i32 to index
          %swap3A_998 = arith.index_cast %select_n3A_591 : i32 to index
          %swap3A_999 = arith.index_cast %mul3A_995 : i32 to index
          %swap3A_1000 = tpu.vector_load %arg9[%swap3A_997, %swap3A_998, %swap3A_999] {strides = array<i32>} : memref<2x8x1664xf32, #tpu.memory_space<vmem>>, vector<16xf32>,
          tpu.vector_store %arg9[%swap3A_997, %swap3A_998, %swap3A_999], %bitcast3A_989 {strides = array<i32>} : memref<2x8x1664xf32, #tpu.memory_space<vmem>>, vector<16xf32>,
          %mul3A_1001 = arith.constant 16 : i32
          %mul3A_1002 = arith.muli %scan3A_598, %mul3A_1001 : i32
          %add3A_1003 = arith.constant 6 : i32
          %add3A_1004 = arith.addi %mul3A_1002, %add3A_1003 : i32
          %add3A_1005 = arith.constant 0 : i32
          %add3A_1006 = arith.addi %add3A_1004, %add3A_1005 : i32
          %get3A_1007 = arith.constant 0 : i32
          %get3A_1008 = arith.index_cast %get3A_1007 : i32 to index
          %get3A_1009 = arith.index_cast %add3A_1006 : i32 to index
          %get3A_1010 = arith.constant 0 : index
          %get3A_1011 = tpu.vector_load %arg8[%get3A_1008, %get3A_1009, %get3A_1010] {strides = array<i32>} : memref<2x208x128xf32, #tpu.memory_space<vmem>>, vector<16xf32>,
          %mul3A_1012 = arith.mulf %get3A_547, %get3A_1011 : vector<16xf32>
          %get3A_1013 = arith.constant 0 : i32
          %get3A_1014 = arith.index_cast %get3A_1013 : i32 to index
          %get3A_1015 = arith.index_cast %add3A_1006 : i32 to index
          %get3A_1016 = arith.constant 16 : index
          %get3A_1017 = tpu.vector_load %arg8[%get3A_1014, %get3A_1015, %get3A_1016] {strides = array<i32>} : memref<2x208x128xf32, #tpu.memory_space<vmem>>, vector<16xf32>,
          %mul3A_1018 = arith.mulf %get3A_551, %get3A_1017 : vector<16xf32>
          %get3A_1019 = arith.constant 0 : i32
          %get3A_1020 = arith.index_cast %get3A_1019 : i32 to index
          %get3A_1021 = arith.index_cast %add3A_1006 : i32 to index
          %get3A_1022 = arith.constant 32 : index
          %get3A_1023 = tpu.vector_load %arg8[%get3A_1020, %get3A_1021, %get3A_1022] {strides = array<i32>} : memref<2x208x128xf32, #tpu.memory_space<vmem>>, vector<16xf32>,
          %mul3A_1024 = arith.mulf %get3A_555, %get3A_1023 : vector<16xf32>
          %add3A_1025 = arith.addf %mul3A_1012, %mul3A_1024 : vector<16xf32>
          %get3A_1026 = arith.constant 0 : i32
          %get3A_1027 = arith.index_cast %get3A_1026 : i32 to index
          %get3A_1028 = arith.index_cast %add3A_1006 : i32 to index
          %get3A_1029 = arith.constant 48 : index
          %get3A_1030 = tpu.vector_load %arg8[%get3A_1027, %get3A_1028, %get3A_1029] {strides = array<i32>} : memref<2x208x128xf32, #tpu.memory_space<vmem>>, vector<16xf32>,
          %mul3A_1031 = arith.mulf %get3A_559, %get3A_1030 : vector<16xf32>
          %add3A_1032 = arith.addf %mul3A_1018, %mul3A_1031 : vector<16xf32>
          %get3A_1033 = arith.constant 0 : i32
          %get3A_1034 = arith.index_cast %get3A_1033 : i32 to index
          %get3A_1035 = arith.index_cast %add3A_1006 : i32 to index
          %get3A_1036 = arith.constant 64 : index
          %get3A_1037 = tpu.vector_load %arg8[%get3A_1034, %get3A_1035, %get3A_1036] {strides = array<i32>} : memref<2x208x128xf32, #tpu.memory_space<vmem>>, vector<16xf32>,
          %mul3A_1038 = arith.mulf %get3A_563, %get3A_1037 : vector<16xf32>
          %add3A_1039 = arith.addf %add3A_1025, %mul3A_1038 : vector<16xf32>
          %get3A_1040 = arith.constant 0 : i32
          %get3A_1041 = arith.index_cast %get3A_1040 : i32 to index
          %get3A_1042 = arith.index_cast %add3A_1006 : i32 to index
          %get3A_1043 = arith.constant 80 : index
          %get3A_1044 = tpu.vector_load %arg8[%get3A_1041, %get3A_1042, %get3A_1043] {strides = array<i32>} : memref<2x208x128xf32, #tpu.memory_space<vmem>>, vector<16xf32>,
          %mul3A_1045 = arith.mulf %get3A_567, %get3A_1044 : vector<16xf32>
          %add3A_1046 = arith.addf %add3A_1032, %mul3A_1045 : vector<16xf32>
          %get3A_1047 = arith.constant 0 : i32
          %get3A_1048 = arith.index_cast %get3A_1047 : i32 to index
          %get3A_1049 = arith.index_cast %add3A_1006 : i32 to index
          %get3A_1050 = arith.constant 96 : index
          %get3A_1051 = tpu.vector_load %arg8[%get3A_1048, %get3A_1049, %get3A_1050] {strides = array<i32>} : memref<2x208x128xf32, #tpu.memory_space<vmem>>, vector<16xf32>,
          %mul3A_1052 = arith.mulf %get3A_571, %get3A_1051 : vector<16xf32>
          %add3A_1053 = arith.addf %add3A_1039, %mul3A_1052 : vector<16xf32>
          %get3A_1054 = arith.constant 0 : i32
          %get3A_1055 = arith.index_cast %get3A_1054 : i32 to index
          %get3A_1056 = arith.index_cast %add3A_1006 : i32 to index
          %get3A_1057 = arith.constant 112 : index
          %get3A_1058 = tpu.vector_load %arg8[%get3A_1055, %get3A_1056, %get3A_1057] {strides = array<i32>} : memref<2x208x128xf32, #tpu.memory_space<vmem>>, vector<16xf32>,
          %mul3A_1059 = arith.mulf %get3A_575, %get3A_1058 : vector<16xf32>
          %add3A_1060 = arith.addf %add3A_1046, %mul3A_1059 : vector<16xf32>
          %add3A_1061 = arith.addf %add3A_1053, %add3A_1060 : vector<16xf32>
          %mul3A_1062 = arith.constant 16 : i32
          %mul3A_1063 = arith.muli %scan3A_598, %mul3A_1062 : i32
          %add3A_1064 = arith.constant 6 : i32
          %add3A_1065 = arith.addi %mul3A_1063, %add3A_1064 : i32
          %add3A_1066 = arith.constant 1 : i32
          %add3A_1067 = arith.addi %add3A_1065, %add3A_1066 : i32
          %get3A_1068 = arith.constant 0 : i32
          %get3A_1069 = arith.index_cast %get3A_1068 : i32 to index
          %get3A_1070 = arith.index_cast %add3A_1067 : i32 to index
          %get3A_1071 = arith.constant 0 : index
          %get3A_1072 = tpu.vector_load %arg8[%get3A_1069, %get3A_1070, %get3A_1071] {strides = array<i32>} : memref<2x208x128xf32, #tpu.memory_space<vmem>>, vector<16xf32>,
          %mul3A_1073 = arith.mulf %get3A_547, %get3A_1072 : vector<16xf32>
          %get3A_1074 = arith.constant 0 : i32
          %get3A_1075 = arith.index_cast %get3A_1074 : i32 to index
          %get3A_1076 = arith.index_cast %add3A_1067 : i32 to index
          %get3A_1077 = arith.constant 16 : index
          %get3A_1078 = tpu.vector_load %arg8[%get3A_1075, %get3A_1076, %get3A_1077] {strides = array<i32>} : memref<2x208x128xf32, #tpu.memory_space<vmem>>, vector<16xf32>,
          %mul3A_1079 = arith.mulf %get3A_551, %get3A_1078 : vector<16xf32>
          %get3A_1080 = arith.constant 0 : i32
          %get3A_1081 = arith.index_cast %get3A_1080 : i32 to index
          %get3A_1082 = arith.index_cast %add3A_1067 : i32 to index
          %get3A_1083 = arith.constant 32 : index
          %get3A_1084 = tpu.vector_load %arg8[%get3A_1081, %get3A_1082, %get3A_1083] {strides = array<i32>} : memref<2x208x128xf32, #tpu.memory_space<vmem>>, vector<16xf32>,
          %mul3A_1085 = arith.mulf %get3A_555, %get3A_1084 : vector<16xf32>
          %add3A_1086 = arith.addf %mul3A_1073, %mul3A_1085 : vector<16xf32>
          %get3A_1087 = arith.constant 0 : i32
          %get3A_1088 = arith.index_cast %get3A_1087 : i32 to index
          %get3A_1089 = arith.index_cast %add3A_1067 : i32 to index
          %get3A_1090 = arith.constant 48 : index
          %get3A_1091 = tpu.vector_load %arg8[%get3A_1088, %get3A_1089, %get3A_1090] {strides = array<i32>} : memref<2x208x128xf32, #tpu.memory_space<vmem>>, vector<16xf32>,
          %mul3A_1092 = arith.mulf %get3A_559, %get3A_1091 : vector<16xf32>
          %add3A_1093 = arith.addf %mul3A_1079, %mul3A_1092 : vector<16xf32>
          %get3A_1094 = arith.constant 0 : i32
          %get3A_1095 = arith.index_cast %get3A_1094 : i32 to index
          %get3A_1096 = arith.index_cast %add3A_1067 : i32 to index
          %get3A_1097 = arith.constant 64 : index
          %get3A_1098 = tpu.vector_load %arg8[%get3A_1095, %get3A_1096, %get3A_1097] {strides = array<i32>} : memref<2x208x128xf32, #tpu.memory_space<vmem>>, vector<16xf32>,
          %mul3A_1099 = arith.mulf %get3A_563, %get3A_1098 : vector<16xf32>
          %add3A_1100 = arith.addf %add3A_1086, %mul3A_1099 : vector<16xf32>
          %get3A_1101 = arith.constant 0 : i32
          %get3A_1102 = arith.index_cast %get3A_1101 : i32 to index
          %get3A_1103 = arith.index_cast %add3A_1067 : i32 to index
          %get3A_1104 = arith.constant 80 : index
          %get3A_1105 = tpu.vector_load %arg8[%get3A_1102, %get3A_1103, %get3A_1104] {strides = array<i32>} : memref<2x208x128xf32, #tpu.memory_space<vmem>>, vector<16xf32>,
          %mul3A_1106 = arith.mulf %get3A_567, %get3A_1105 : vector<16xf32>
          %add3A_1107 = arith.addf %add3A_1093, %mul3A_1106 : vector<16xf32>
          %get3A_1108 = arith.constant 0 : i32
          %get3A_1109 = arith.index_cast %get3A_1108 : i32 to index
          %get3A_1110 = arith.index_cast %add3A_1067 : i32 to index
          %get3A_1111 = arith.constant 96 : index
          %get3A_1112 = tpu.vector_load %arg8[%get3A_1109, %get3A_1110, %get3A_1111] {strides = array<i32>} : memref<2x208x128xf32, #tpu.memory_space<vmem>>, vector<16xf32>,
          %mul3A_1113 = arith.mulf %get3A_571, %get3A_1112 : vector<16xf32>
          %add3A_1114 = arith.addf %add3A_1100, %mul3A_1113 : vector<16xf32>
          %get3A_1115 = arith.constant 0 : i32
          %get3A_1116 = arith.index_cast %get3A_1115 : i32 to index
          %get3A_1117 = arith.index_cast %add3A_1067 : i32 to index
          %get3A_1118 = arith.constant 112 : index
          %get3A_1119 = tpu.vector_load %arg8[%get3A_1116, %get3A_1117, %get3A_1118] {strides = array<i32>} : memref<2x208x128xf32, #tpu.memory_space<vmem>>, vector<16xf32>,
          %mul3A_1120 = arith.mulf %get3A_575, %get3A_1119 : vector<16xf32>
          %add3A_1121 = arith.addf %add3A_1107, %mul3A_1120 : vector<16xf32>
          %add3A_1122 = arith.addf %add3A_1114, %add3A_1121 : vector<16xf32>
          %pack3A_1123 = tpu.pack_subelements %add3A_1061, %add3A_1122 {pack_format = #tpu.pack_format<interleaved>, positions = array<i32: 0, 1>} : vector<16xf32>, vector<16xf32> -> vector<32xbf16>
          %bitcast3A_1124 = vector.bitcast %pack3A_1123 : vector<32xbf16> to vector<16xf32>
          %mul3A_1125 = arith.constant 16 : i32
          %mul3A_1126 = arith.muli %scan3A_598, %mul3A_1125 : i32
          %add3A_1127 = arith.constant 6 : i32
          %add3A_1128 = arith.addi %mul3A_1126, %add3A_1127 : i32
          %mul3A_1129 = arith.constant 8 : i32
          %mul3A_1130 = arith.muli %add3A_1128, %mul3A_1129 : i32
          %swap3A_1131 = arith.constant 1 : i32
          %swap3A_1132 = arith.index_cast %swap3A_1131 : i32 to index
          %swap3A_1133 = arith.index_cast %select_n3A_591 : i32 to index
          %swap3A_1134 = arith.index_cast %mul3A_1130 : i32 to index
          %swap3A_1135 = tpu.vector_load %arg9[%swap3A_1132, %swap3A_1133, %swap3A_1134] {strides = array<i32>} : memref<2x8x1664xf32, #tpu.memory_space<vmem>>, vector<16xf32>,
          tpu.vector_store %arg9[%swap3A_1132, %swap3A_1133, %swap3A_1134], %bitcast3A_1124 {strides = array<i32>} : memref<2x8x1664xf32, #tpu.memory_space<vmem>>, vector<16xf32>,
          %mul3A_1136 = arith.constant 16 : i32
          %mul3A_1137 = arith.muli %scan3A_598, %mul3A_1136 : i32
          %add3A_1138 = arith.constant 8 : i32
          %add3A_1139 = arith.addi %mul3A_1137, %add3A_1138 : i32
          %add3A_1140 = arith.constant 0 : i32
          %add3A_1141 = arith.addi %add3A_1139, %add3A_1140 : i32
          %get3A_1142 = arith.constant 0 : i32
          %get3A_1143 = arith.index_cast %get3A_1142 : i32 to index
          %get3A_1144 = arith.index_cast %add3A_1141 : i32 to index
          %get3A_1145 = arith.constant 0 : index
          %get3A_1146 = tpu.vector_load %arg8[%get3A_1143, %get3A_1144, %get3A_1145] {strides = array<i32>} : memref<2x208x128xf32, #tpu.memory_space<vmem>>, vector<16xf32>,
          %mul3A_1147 = arith.mulf %get3A_547, %get3A_1146 : vector<16xf32>
          %get3A_1148 = arith.constant 0 : i32
          %get3A_1149 = arith.index_cast %get3A_1148 : i32 to index
          %get3A_1150 = arith.index_cast %add3A_1141 : i32 to index
          %get3A_1151 = arith.constant 16 : index
          %get3A_1152 = tpu.vector_load %arg8[%get3A_1149, %get3A_1150, %get3A_1151] {strides = array<i32>} : memref<2x208x128xf32, #tpu.memory_space<vmem>>, vector<16xf32>,
          %mul3A_1153 = arith.mulf %get3A_551, %get3A_1152 : vector<16xf32>
          %get3A_1154 = arith.constant 0 : i32
          %get3A_1155 = arith.index_cast %get3A_1154 : i32 to index
          %get3A_1156 = arith.index_cast %add3A_1141 : i32 to index
          %get3A_1157 = arith.constant 32 : index
          %get3A_1158 = tpu.vector_load %arg8[%get3A_1155, %get3A_1156, %get3A_1157] {strides = array<i32>} : memref<2x208x128xf32, #tpu.memory_space<vmem>>, vector<16xf32>,
          %mul3A_1159 = arith.mulf %get3A_555, %get3A_1158 : vector<16xf32>
          %add3A_1160 = arith.addf %mul3A_1147, %mul3A_1159 : vector<16xf32>
          %get3A_1161 = arith.constant 0 : i32
          %get3A_1162 = arith.index_cast %get3A_1161 : i32 to index
          %get3A_1163 = arith.index_cast %add3A_1141 : i32 to index
          %get3A_1164 = arith.constant 48 : index
          %get3A_1165 = tpu.vector_load %arg8[%get3A_1162, %get3A_1163, %get3A_1164] {strides = array<i32>} : memref<2x208x128xf32, #tpu.memory_space<vmem>>, vector<16xf32>,
          %mul3A_1166 = arith.mulf %get3A_559, %get3A_1165 : vector<16xf32>
          %add3A_1167 = arith.addf %mul3A_1153, %mul3A_1166 : vector<16xf32>
          %get3A_1168 = arith.constant 0 : i32
          %get3A_1169 = arith.index_cast %get3A_1168 : i32 to index
          %get3A_1170 = arith.index_cast %add3A_1141 : i32 to index
          %get3A_1171 = arith.constant 64 : index
          %get3A_1172 = tpu.vector_load %arg8[%get3A_1169, %get3A_1170, %get3A_1171] {strides = array<i32>} : memref<2x208x128xf32, #tpu.memory_space<vmem>>, vector<16xf32>,
          %mul3A_1173 = arith.mulf %get3A_563, %get3A_1172 : vector<16xf32>
          %add3A_1174 = arith.addf %add3A_1160, %mul3A_1173 : vector<16xf32>
          %get3A_1175 = arith.constant 0 : i32
          %get3A_1176 = arith.index_cast %get3A_1175 : i32 to index
          %get3A_1177 = arith.index_cast %add3A_1141 : i32 to index
          %get3A_1178 = arith.constant 80 : index
          %get3A_1179 = tpu.vector_load %arg8[%get3A_1176, %get3A_1177, %get3A_1178] {strides = array<i32>} : memref<2x208x128xf32, #tpu.memory_space<vmem>>, vector<16xf32>,
          %mul3A_1180 = arith.mulf %get3A_567, %get3A_1179 : vector<16xf32>
          %add3A_1181 = arith.addf %add3A_1167, %mul3A_1180 : vector<16xf32>
          %get3A_1182 = arith.constant 0 : i32
          %get3A_1183 = arith.index_cast %get3A_1182 : i32 to index
          %get3A_1184 = arith.index_cast %add3A_1141 : i32 to index
          %get3A_1185 = arith.constant 96 : index
          %get3A_1186 = tpu.vector_load %arg8[%get3A_1183, %get3A_1184, %get3A_1185] {strides = array<i32>} : memref<2x208x128xf32, #tpu.memory_space<vmem>>, vector<16xf32>,
          %mul3A_1187 = arith.mulf %get3A_571, %get3A_1186 : vector<16xf32>
          %add3A_1188 = arith.addf %add3A_1174, %mul3A_1187 : vector<16xf32>
          %get3A_1189 = arith.constant 0 : i32
          %get3A_1190 = arith.index_cast %get3A_1189 : i32 to index
          %get3A_1191 = arith.index_cast %add3A_1141 : i32 to index
          %get3A_1192 = arith.constant 112 : index
          %get3A_1193 = tpu.vector_load %arg8[%get3A_1190, %get3A_1191, %get3A_1192] {strides = array<i32>} : memref<2x208x128xf32, #tpu.memory_space<vmem>>, vector<16xf32>,
          %mul3A_1194 = arith.mulf %get3A_575, %get3A_1193 : vector<16xf32>
          %add3A_1195 = arith.addf %add3A_1181, %mul3A_1194 : vector<16xf32>
          %add3A_1196 = arith.addf %add3A_1188, %add3A_1195 : vector<16xf32>
          %mul3A_1197 = arith.constant 16 : i32
          %mul3A_1198 = arith.muli %scan3A_598, %mul3A_1197 : i32
          %add3A_1199 = arith.constant 8 : i32
          %add3A_1200 = arith.addi %mul3A_1198, %add3A_1199 : i32
          %add3A_1201 = arith.constant 1 : i32
          %add3A_1202 = arith.addi %add3A_1200, %add3A_1201 : i32
          %get3A_1203 = arith.constant 0 : i32
          %get3A_1204 = arith.index_cast %get3A_1203 : i32 to index
          %get3A_1205 = arith.index_cast %add3A_1202 : i32 to index
          %get3A_1206 = arith.constant 0 : index
          %get3A_1207 = tpu.vector_load %arg8[%get3A_1204, %get3A_1205, %get3A_1206] {strides = array<i32>} : memref<2x208x128xf32, #tpu.memory_space<vmem>>, vector<16xf32>,
          %mul3A_1208 = arith.mulf %get3A_547, %get3A_1207 : vector<16xf32>
          %get3A_1209 = arith.constant 0 : i32
          %get3A_1210 = arith.index_cast %get3A_1209 : i32 to index
          %get3A_1211 = arith.index_cast %add3A_1202 : i32 to index
          %get3A_1212 = arith.constant 16 : index
          %get3A_1213 = tpu.vector_load %arg8[%get3A_1210, %get3A_1211, %get3A_1212] {strides = array<i32>} : memref<2x208x128xf32, #tpu.memory_space<vmem>>, vector<16xf32>,
          %mul3A_1214 = arith.mulf %get3A_551, %get3A_1213 : vector<16xf32>
          %get3A_1215 = arith.constant 0 : i32
          %get3A_1216 = arith.index_cast %get3A_1215 : i32 to index
          %get3A_1217 = arith.index_cast %add3A_1202 : i32 to index
          %get3A_1218 = arith.constant 32 : index
          %get3A_1219 = tpu.vector_load %arg8[%get3A_1216, %get3A_1217, %get3A_1218] {strides = array<i32>} : memref<2x208x128xf32, #tpu.memory_space<vmem>>, vector<16xf32>,
          %mul3A_1220 = arith.mulf %get3A_555, %get3A_1219 : vector<16xf32>
          %add3A_1221 = arith.addf %mul3A_1208, %mul3A_1220 : vector<16xf32>
          %get3A_1222 = arith.constant 0 : i32
          %get3A_1223 = arith.index_cast %get3A_1222 : i32 to index
          %get3A_1224 = arith.index_cast %add3A_1202 : i32 to index
          %get3A_1225 = arith.constant 48 : index
          %get3A_1226 = tpu.vector_load %arg8[%get3A_1223, %get3A_1224, %get3A_1225] {strides = array<i32>} : memref<2x208x128xf32, #tpu.memory_space<vmem>>, vector<16xf32>,
          %mul3A_1227 = arith.mulf %get3A_559, %get3A_1226 : vector<16xf32>
          %add3A_1228 = arith.addf %mul3A_1214, %mul3A_1227 : vector<16xf32>
          %get3A_1229 = arith.constant 0 : i32
          %get3A_1230 = arith.index_cast %get3A_1229 : i32 to index
          %get3A_1231 = arith.index_cast %add3A_1202 : i32 to index
          %get3A_1232 = arith.constant 64 : index
          %get3A_1233 = tpu.vector_load %arg8[%get3A_1230, %get3A_1231, %get3A_1232] {strides = array<i32>} : memref<2x208x128xf32, #tpu.memory_space<vmem>>, vector<16xf32>,
          %mul3A_1234 = arith.mulf %get3A_563, %get3A_1233 : vector<16xf32>
          %add3A_1235 = arith.addf %add3A_1221, %mul3A_1234 : vector<16xf32>
          %get3A_1236 = arith.constant 0 : i32
          %get3A_1237 = arith.index_cast %get3A_1236 : i32 to index
          %get3A_1238 = arith.index_cast %add3A_1202 : i32 to index
          %get3A_1239 = arith.constant 80 : index
          %get3A_1240 = tpu.vector_load %arg8[%get3A_1237, %get3A_1238, %get3A_1239] {strides = array<i32>} : memref<2x208x128xf32, #tpu.memory_space<vmem>>, vector<16xf32>,
          %mul3A_1241 = arith.mulf %get3A_567, %get3A_1240 : vector<16xf32>
          %add3A_1242 = arith.addf %add3A_1228, %mul3A_1241 : vector<16xf32>
          %get3A_1243 = arith.constant 0 : i32
          %get3A_1244 = arith.index_cast %get3A_1243 : i32 to index
          %get3A_1245 = arith.index_cast %add3A_1202 : i32 to index
          %get3A_1246 = arith.constant 96 : index
          %get3A_1247 = tpu.vector_load %arg8[%get3A_1244, %get3A_1245, %get3A_1246] {strides = array<i32>} : memref<2x208x128xf32, #tpu.memory_space<vmem>>, vector<16xf32>,
          %mul3A_1248 = arith.mulf %get3A_571, %get3A_1247 : vector<16xf32>
          %add3A_1249 = arith.addf %add3A_1235, %mul3A_1248 : vector<16xf32>
          %get3A_1250 = arith.constant 0 : i32
          %get3A_1251 = arith.index_cast %get3A_1250 : i32 to index
          %get3A_1252 = arith.index_cast %add3A_1202 : i32 to index
          %get3A_1253 = arith.constant 112 : index
          %get3A_1254 = tpu.vector_load %arg8[%get3A_1251, %get3A_1252, %get3A_1253] {strides = array<i32>} : memref<2x208x128xf32, #tpu.memory_space<vmem>>, vector<16xf32>,
          %mul3A_1255 = arith.mulf %get3A_575, %get3A_1254 : vector<16xf32>
          %add3A_1256 = arith.addf %add3A_1242, %mul3A_1255 : vector<16xf32>
          %add3A_1257 = arith.addf %add3A_1249, %add3A_1256 : vector<16xf32>
          %pack3A_1258 = tpu.pack_subelements %add3A_1196, %add3A_1257 {pack_format = #tpu.pack_format<interleaved>, positions = array<i32: 0, 1>} : vector<16xf32>, vector<16xf32> -> vector<32xbf16>
          %bitcast3A_1259 = vector.bitcast %pack3A_1258 : vector<32xbf16> to vector<16xf32>
          %mul3A_1260 = arith.constant 16 : i32
          %mul3A_1261 = arith.muli %scan3A_598, %mul3A_1260 : i32
          %add3A_1262 = arith.constant 8 : i32
          %add3A_1263 = arith.addi %mul3A_1261, %add3A_1262 : i32
          %mul3A_1264 = arith.constant 8 : i32
          %mul3A_1265 = arith.muli %add3A_1263, %mul3A_1264 : i32
          %swap3A_1266 = arith.constant 1 : i32
          %swap3A_1267 = arith.index_cast %swap3A_1266 : i32 to index
          %swap3A_1268 = arith.index_cast %select_n3A_591 : i32 to index
          %swap3A_1269 = arith.index_cast %mul3A_1265 : i32 to index
          %swap3A_1270 = tpu.vector_load %arg9[%swap3A_1267, %swap3A_1268, %swap3A_1269] {strides = array<i32>} : memref<2x8x1664xf32, #tpu.memory_space<vmem>>, vector<16xf32>,
          tpu.vector_store %arg9[%swap3A_1267, %swap3A_1268, %swap3A_1269], %bitcast3A_1259 {strides = array<i32>} : memref<2x8x1664xf32, #tpu.memory_space<vmem>>, vector<16xf32>,
          %mul3A_1271 = arith.constant 16 : i32
          %mul3A_1272 = arith.muli %scan3A_598, %mul3A_1271 : i32
          %add3A_1273 = arith.constant 10 : i32
          %add3A_1274 = arith.addi %mul3A_1272, %add3A_1273 : i32
          %add3A_1275 = arith.constant 0 : i32
          %add3A_1276 = arith.addi %add3A_1274, %add3A_1275 : i32
          %get3A_1277 = arith.constant 0 : i32
          %get3A_1278 = arith.index_cast %get3A_1277 : i32 to index
          %get3A_1279 = arith.index_cast %add3A_1276 : i32 to index
          %get3A_1280 = arith.constant 0 : index
          %get3A_1281 = tpu.vector_load %arg8[%get3A_1278, %get3A_1279, %get3A_1280] {strides = array<i32>} : memref<2x208x128xf32, #tpu.memory_space<vmem>>, vector<16xf32>,
          %mul3A_1282 = arith.mulf %get3A_547, %get3A_1281 : vector<16xf32>
          %get3A_1283 = arith.constant 0 : i32
          %get3A_1284 = arith.index_cast %get3A_1283 : i32 to index
          %get3A_1285 = arith.index_cast %add3A_1276 : i32 to index
          %get3A_1286 = arith.constant 16 : index
          %get3A_1287 = tpu.vector_load %arg8[%get3A_1284, %get3A_1285, %get3A_1286] {strides = array<i32>} : memref<2x208x128xf32, #tpu.memory_space<vmem>>, vector<16xf32>,
          %mul3A_1288 = arith.mulf %get3A_551, %get3A_1287 : vector<16xf32>
          %get3A_1289 = arith.constant 0 : i32
          %get3A_1290 = arith.index_cast %get3A_1289 : i32 to index
          %get3A_1291 = arith.index_cast %add3A_1276 : i32 to index
          %get3A_1292 = arith.constant 32 : index
          %get3A_1293 = tpu.vector_load %arg8[%get3A_1290, %get3A_1291, %get3A_1292] {strides = array<i32>} : memref<2x208x128xf32, #tpu.memory_space<vmem>>, vector<16xf32>,
          %mul3A_1294 = arith.mulf %get3A_555, %get3A_1293 : vector<16xf32>
          %add3A_1295 = arith.addf %mul3A_1282, %mul3A_1294 : vector<16xf32>
          %get3A_1296 = arith.constant 0 : i32
          %get3A_1297 = arith.index_cast %get3A_1296 : i32 to index
          %get3A_1298 = arith.index_cast %add3A_1276 : i32 to index
          %get3A_1299 = arith.constant 48 : index
          %get3A_1300 = tpu.vector_load %arg8[%get3A_1297, %get3A_1298, %get3A_1299] {strides = array<i32>} : memref<2x208x128xf32, #tpu.memory_space<vmem>>, vector<16xf32>,
          %mul3A_1301 = arith.mulf %get3A_559, %get3A_1300 : vector<16xf32>
          %add3A_1302 = arith.addf %mul3A_1288, %mul3A_1301 : vector<16xf32>
          %get3A_1303 = arith.constant 0 : i32
          %get3A_1304 = arith.index_cast %get3A_1303 : i32 to index
          %get3A_1305 = arith.index_cast %add3A_1276 : i32 to index
          %get3A_1306 = arith.constant 64 : index
          %get3A_1307 = tpu.vector_load %arg8[%get3A_1304, %get3A_1305, %get3A_1306] {strides = array<i32>} : memref<2x208x128xf32, #tpu.memory_space<vmem>>, vector<16xf32>,
          %mul3A_1308 = arith.mulf %get3A_563, %get3A_1307 : vector<16xf32>
          %add3A_1309 = arith.addf %add3A_1295, %mul3A_1308 : vector<16xf32>
          %get3A_1310 = arith.constant 0 : i32
          %get3A_1311 = arith.index_cast %get3A_1310 : i32 to index
          %get3A_1312 = arith.index_cast %add3A_1276 : i32 to index
          %get3A_1313 = arith.constant 80 : index
          %get3A_1314 = tpu.vector_load %arg8[%get3A_1311, %get3A_1312, %get3A_1313] {strides = array<i32>} : memref<2x208x128xf32, #tpu.memory_space<vmem>>, vector<16xf32>,
          %mul3A_1315 = arith.mulf %get3A_567, %get3A_1314 : vector<16xf32>
          %add3A_1316 = arith.addf %add3A_1302, %mul3A_1315 : vector<16xf32>
          %get3A_1317 = arith.constant 0 : i32
          %get3A_1318 = arith.index_cast %get3A_1317 : i32 to index
          %get3A_1319 = arith.index_cast %add3A_1276 : i32 to index
          %get3A_1320 = arith.constant 96 : index
          %get3A_1321 = tpu.vector_load %arg8[%get3A_1318, %get3A_1319, %get3A_1320] {strides = array<i32>} : memref<2x208x128xf32, #tpu.memory_space<vmem>>, vector<16xf32>,
          %mul3A_1322 = arith.mulf %get3A_571, %get3A_1321 : vector<16xf32>
          %add3A_1323 = arith.addf %add3A_1309, %mul3A_1322 : vector<16xf32>
          %get3A_1324 = arith.constant 0 : i32
          %get3A_1325 = arith.index_cast %get3A_1324 : i32 to index
          %get3A_1326 = arith.index_cast %add3A_1276 : i32 to index
          %get3A_1327 = arith.constant 112 : index
          %get3A_1328 = tpu.vector_load %arg8[%get3A_1325, %get3A_1326, %get3A_1327] {strides = array<i32>} : memref<2x208x128xf32, #tpu.memory_space<vmem>>, vector<16xf32>,
          %mul3A_1329 = arith.mulf %get3A_575, %get3A_1328 : vector<16xf32>
          %add3A_1330 = arith.addf %add3A_1316, %mul3A_1329 : vector<16xf32>
          %add3A_1331 = arith.addf %add3A_1323, %add3A_1330 : vector<16xf32>
          %mul3A_1332 = arith.constant 16 : i32
          %mul3A_1333 = arith.muli %scan3A_598, %mul3A_1332 : i32
          %add3A_1334 = arith.constant 10 : i32
          %add3A_1335 = arith.addi %mul3A_1333, %add3A_1334 : i32
          %add3A_1336 = arith.constant 1 : i32
          %add3A_1337 = arith.addi %add3A_1335, %add3A_1336 : i32
          %get3A_1338 = arith.constant 0 : i32
          %get3A_1339 = arith.index_cast %get3A_1338 : i32 to index
          %get3A_1340 = arith.index_cast %add3A_1337 : i32 to index
          %get3A_1341 = arith.constant 0 : index
          %get3A_1342 = tpu.vector_load %arg8[%get3A_1339, %get3A_1340, %get3A_1341] {strides = array<i32>} : memref<2x208x128xf32, #tpu.memory_space<vmem>>, vector<16xf32>,
          %mul3A_1343 = arith.mulf %get3A_547, %get3A_1342 : vector<16xf32>
          %get3A_1344 = arith.constant 0 : i32
          %get3A_1345 = arith.index_cast %get3A_1344 : i32 to index
          %get3A_1346 = arith.index_cast %add3A_1337 : i32 to index
          %get3A_1347 = arith.constant 16 : index
          %get3A_1348 = tpu.vector_load %arg8[%get3A_1345, %get3A_1346, %get3A_1347] {strides = array<i32>} : memref<2x208x128xf32, #tpu.memory_space<vmem>>, vector<16xf32>,
          %mul3A_1349 = arith.mulf %get3A_551, %get3A_1348 : vector<16xf32>
          %get3A_1350 = arith.constant 0 : i32
          %get3A_1351 = arith.index_cast %get3A_1350 : i32 to index
          %get3A_1352 = arith.index_cast %add3A_1337 : i32 to index
          %get3A_1353 = arith.constant 32 : index
          %get3A_1354 = tpu.vector_load %arg8[%get3A_1351, %get3A_1352, %get3A_1353] {strides = array<i32>} : memref<2x208x128xf32, #tpu.memory_space<vmem>>, vector<16xf32>,
          %mul3A_1355 = arith.mulf %get3A_555, %get3A_1354 : vector<16xf32>
          %add3A_1356 = arith.addf %mul3A_1343, %mul3A_1355 : vector<16xf32>
          %get3A_1357 = arith.constant 0 : i32
          %get3A_1358 = arith.index_cast %get3A_1357 : i32 to index
          %get3A_1359 = arith.index_cast %add3A_1337 : i32 to index
          %get3A_1360 = arith.constant 48 : index
          %get3A_1361 = tpu.vector_load %arg8[%get3A_1358, %get3A_1359, %get3A_1360] {strides = array<i32>} : memref<2x208x128xf32, #tpu.memory_space<vmem>>, vector<16xf32>,
          %mul3A_1362 = arith.mulf %get3A_559, %get3A_1361 : vector<16xf32>
          %add3A_1363 = arith.addf %mul3A_1349, %mul3A_1362 : vector<16xf32>
          %get3A_1364 = arith.constant 0 : i32
          %get3A_1365 = arith.index_cast %get3A_1364 : i32 to index
          %get3A_1366 = arith.index_cast %add3A_1337 : i32 to index
          %get3A_1367 = arith.constant 64 : index
          %get3A_1368 = tpu.vector_load %arg8[%get3A_1365, %get3A_1366, %get3A_1367] {strides = array<i32>} : memref<2x208x128xf32, #tpu.memory_space<vmem>>, vector<16xf32>,
          %mul3A_1369 = arith.mulf %get3A_563, %get3A_1368 : vector<16xf32>
          %add3A_1370 = arith.addf %add3A_1356, %mul3A_1369 : vector<16xf32>
          %get3A_1371 = arith.constant 0 : i32
          %get3A_1372 = arith.index_cast %get3A_1371 : i32 to index
          %get3A_1373 = arith.index_cast %add3A_1337 : i32 to index
          %get3A_1374 = arith.constant 80 : index
          %get3A_1375 = tpu.vector_load %arg8[%get3A_1372, %get3A_1373, %get3A_1374] {strides = array<i32>} : memref<2x208x128xf32, #tpu.memory_space<vmem>>, vector<16xf32>,
          %mul3A_1376 = arith.mulf %get3A_567, %get3A_1375 : vector<16xf32>
          %add3A_1377 = arith.addf %add3A_1363, %mul3A_1376 : vector<16xf32>
          %get3A_1378 = arith.constant 0 : i32
          %get3A_1379 = arith.index_cast %get3A_1378 : i32 to index
          %get3A_1380 = arith.index_cast %add3A_1337 : i32 to index
          %get3A_1381 = arith.constant 96 : index
          %get3A_1382 = tpu.vector_load %arg8[%get3A_1379, %get3A_1380, %get3A_1381] {strides = array<i32>} : memref<2x208x128xf32, #tpu.memory_space<vmem>>, vector<16xf32>,
          %mul3A_1383 = arith.mulf %get3A_571, %get3A_1382 : vector<16xf32>
          %add3A_1384 = arith.addf %add3A_1370, %mul3A_1383 : vector<16xf32>
          %get3A_1385 = arith.constant 0 : i32
          %get3A_1386 = arith.index_cast %get3A_1385 : i32 to index
          %get3A_1387 = arith.index_cast %add3A_1337 : i32 to index
          %get3A_1388 = arith.constant 112 : index
          %get3A_1389 = tpu.vector_load %arg8[%get3A_1386, %get3A_1387, %get3A_1388] {strides = array<i32>} : memref<2x208x128xf32, #tpu.memory_space<vmem>>, vector<16xf32>,
          %mul3A_1390 = arith.mulf %get3A_575, %get3A_1389 : vector<16xf32>
          %add3A_1391 = arith.addf %add3A_1377, %mul3A_1390 : vector<16xf32>
          %add3A_1392 = arith.addf %add3A_1384, %add3A_1391 : vector<16xf32>
          %pack3A_1393 = tpu.pack_subelements %add3A_1331, %add3A_1392 {pack_format = #tpu.pack_format<interleaved>, positions = array<i32: 0, 1>} : vector<16xf32>, vector<16xf32> -> vector<32xbf16>
          %bitcast3A_1394 = vector.bitcast %pack3A_1393 : vector<32xbf16> to vector<16xf32>
          %mul3A_1395 = arith.constant 16 : i32
          %mul3A_1396 = arith.muli %scan3A_598, %mul3A_1395 : i32
          %add3A_1397 = arith.constant 10 : i32
          %add3A_1398 = arith.addi %mul3A_1396, %add3A_1397 : i32
          %mul3A_1399 = arith.constant 8 : i32
          %mul3A_1400 = arith.muli %add3A_1398, %mul3A_1399 : i32
          %swap3A_1401 = arith.constant 1 : i32
          %swap3A_1402 = arith.index_cast %swap3A_1401 : i32 to index
          %swap3A_1403 = arith.index_cast %select_n3A_591 : i32 to index
          %swap3A_1404 = arith.index_cast %mul3A_1400 : i32 to index
          %swap3A_1405 = tpu.vector_load %arg9[%swap3A_1402, %swap3A_1403, %swap3A_1404] {strides = array<i32>} : memref<2x8x1664xf32, #tpu.memory_space<vmem>>, vector<16xf32>,
          tpu.vector_store %arg9[%swap3A_1402, %swap3A_1403, %swap3A_1404], %bitcast3A_1394 {strides = array<i32>} : memref<2x8x1664xf32, #tpu.memory_space<vmem>>, vector<16xf32>,
          %mul3A_1406 = arith.constant 16 : i32
          %mul3A_1407 = arith.muli %scan3A_598, %mul3A_1406 : i32
          %add3A_1408 = arith.constant 12 : i32
          %add3A_1409 = arith.addi %mul3A_1407, %add3A_1408 : i32
          %add3A_1410 = arith.constant 0 : i32
          %add3A_1411 = arith.addi %add3A_1409, %add3A_1410 : i32
          %get3A_1412 = arith.constant 0 : i32
          %get3A_1413 = arith.index_cast %get3A_1412 : i32 to index
          %get3A_1414 = arith.index_cast %add3A_1411 : i32 to index
          %get3A_1415 = arith.constant 0 : index
          %get3A_1416 = tpu.vector_load %arg8[%get3A_1413, %get3A_1414, %get3A_1415] {strides = array<i32>} : memref<2x208x128xf32, #tpu.memory_space<vmem>>, vector<16xf32>,
          %mul3A_1417 = arith.mulf %get3A_547, %get3A_1416 : vector<16xf32>
          %get3A_1418 = arith.constant 0 : i32
          %get3A_1419 = arith.index_cast %get3A_1418 : i32 to index
          %get3A_1420 = arith.index_cast %add3A_1411 : i32 to index
          %get3A_1421 = arith.constant 16 : index
          %get3A_1422 = tpu.vector_load %arg8[%get3A_1419, %get3A_1420, %get3A_1421] {strides = array<i32>} : memref<2x208x128xf32, #tpu.memory_space<vmem>>, vector<16xf32>,
          %mul3A_1423 = arith.mulf %get3A_551, %get3A_1422 : vector<16xf32>
          %get3A_1424 = arith.constant 0 : i32
          %get3A_1425 = arith.index_cast %get3A_1424 : i32 to index
          %get3A_1426 = arith.index_cast %add3A_1411 : i32 to index
          %get3A_1427 = arith.constant 32 : index
          %get3A_1428 = tpu.vector_load %arg8[%get3A_1425, %get3A_1426, %get3A_1427] {strides = array<i32>} : memref<2x208x128xf32, #tpu.memory_space<vmem>>, vector<16xf32>,
          %mul3A_1429 = arith.mulf %get3A_555, %get3A_1428 : vector<16xf32>
          %add3A_1430 = arith.addf %mul3A_1417, %mul3A_1429 : vector<16xf32>
          %get3A_1431 = arith.constant 0 : i32
          %get3A_1432 = arith.index_cast %get3A_1431 : i32 to index
          %get3A_1433 = arith.index_cast %add3A_1411 : i32 to index
          %get3A_1434 = arith.constant 48 : index
          %get3A_1435 = tpu.vector_load %arg8[%get3A_1432, %get3A_1433, %get3A_1434] {strides = array<i32>} : memref<2x208x128xf32, #tpu.memory_space<vmem>>, vector<16xf32>,
          %mul3A_1436 = arith.mulf %get3A_559, %get3A_1435 : vector<16xf32>
          %add3A_1437 = arith.addf %mul3A_1423, %mul3A_1436 : vector<16xf32>
          %get3A_1438 = arith.constant 0 : i32
          %get3A_1439 = arith.index_cast %get3A_1438 : i32 to index
          %get3A_1440 = arith.index_cast %add3A_1411 : i32 to index
          %get3A_1441 = arith.constant 64 : index
          %get3A_1442 = tpu.vector_load %arg8[%get3A_1439, %get3A_1440, %get3A_1441] {strides = array<i32>} : memref<2x208x128xf32, #tpu.memory_space<vmem>>, vector<16xf32>,
          %mul3A_1443 = arith.mulf %get3A_563, %get3A_1442 : vector<16xf32>
          %add3A_1444 = arith.addf %add3A_1430, %mul3A_1443 : vector<16xf32>
          %get3A_1445 = arith.constant 0 : i32
          %get3A_1446 = arith.index_cast %get3A_1445 : i32 to index
          %get3A_1447 = arith.index_cast %add3A_1411 : i32 to index
          %get3A_1448 = arith.constant 80 : index
          %get3A_1449 = tpu.vector_load %arg8[%get3A_1446, %get3A_1447, %get3A_1448] {strides = array<i32>} : memref<2x208x128xf32, #tpu.memory_space<vmem>>, vector<16xf32>,
          %mul3A_1450 = arith.mulf %get3A_567, %get3A_1449 : vector<16xf32>
          %add3A_1451 = arith.addf %add3A_1437, %mul3A_1450 : vector<16xf32>
          %get3A_1452 = arith.constant 0 : i32
          %get3A_1453 = arith.index_cast %get3A_1452 : i32 to index
          %get3A_1454 = arith.index_cast %add3A_1411 : i32 to index
          %get3A_1455 = arith.constant 96 : index
          %get3A_1456 = tpu.vector_load %arg8[%get3A_1453, %get3A_1454, %get3A_1455] {strides = array<i32>} : memref<2x208x128xf32, #tpu.memory_space<vmem>>, vector<16xf32>,
          %mul3A_1457 = arith.mulf %get3A_571, %get3A_1456 : vector<16xf32>
          %add3A_1458 = arith.addf %add3A_1444, %mul3A_1457 : vector<16xf32>
          %get3A_1459 = arith.constant 0 : i32
          %get3A_1460 = arith.index_cast %get3A_1459 : i32 to index
          %get3A_1461 = arith.index_cast %add3A_1411 : i32 to index
          %get3A_1462 = arith.constant 112 : index
          %get3A_1463 = tpu.vector_load %arg8[%get3A_1460, %get3A_1461, %get3A_1462] {strides = array<i32>} : memref<2x208x128xf32, #tpu.memory_space<vmem>>, vector<16xf32>,
          %mul3A_1464 = arith.mulf %get3A_575, %get3A_1463 : vector<16xf32>
          %add3A_1465 = arith.addf %add3A_1451, %mul3A_1464 : vector<16xf32>
          %add3A_1466 = arith.addf %add3A_1458, %add3A_1465 : vector<16xf32>
          %mul3A_1467 = arith.constant 16 : i32
          %mul3A_1468 = arith.muli %scan3A_598, %mul3A_1467 : i32
          %add3A_1469 = arith.constant 12 : i32
          %add3A_1470 = arith.addi %mul3A_1468, %add3A_1469 : i32
          %add3A_1471 = arith.constant 1 : i32
          %add3A_1472 = arith.addi %add3A_1470, %add3A_1471 : i32
          %get3A_1473 = arith.constant 0 : i32
          %get3A_1474 = arith.index_cast %get3A_1473 : i32 to index
          %get3A_1475 = arith.index_cast %add3A_1472 : i32 to index
          %get3A_1476 = arith.constant 0 : index
          %get3A_1477 = tpu.vector_load %arg8[%get3A_1474, %get3A_1475, %get3A_1476] {strides = array<i32>} : memref<2x208x128xf32, #tpu.memory_space<vmem>>, vector<16xf32>,
          %mul3A_1478 = arith.mulf %get3A_547, %get3A_1477 : vector<16xf32>
          %get3A_1479 = arith.constant 0 : i32
          %get3A_1480 = arith.index_cast %get3A_1479 : i32 to index
          %get3A_1481 = arith.index_cast %add3A_1472 : i32 to index
          %get3A_1482 = arith.constant 16 : index
          %get3A_1483 = tpu.vector_load %arg8[%get3A_1480, %get3A_1481, %get3A_1482] {strides = array<i32>} : memref<2x208x128xf32, #tpu.memory_space<vmem>>, vector<16xf32>,
          %mul3A_1484 = arith.mulf %get3A_551, %get3A_1483 : vector<16xf32>
          %get3A_1485 = arith.constant 0 : i32
          %get3A_1486 = arith.index_cast %get3A_1485 : i32 to index
          %get3A_1487 = arith.index_cast %add3A_1472 : i32 to index
          %get3A_1488 = arith.constant 32 : index
          %get3A_1489 = tpu.vector_load %arg8[%get3A_1486, %get3A_1487, %get3A_1488] {strides = array<i32>} : memref<2x208x128xf32, #tpu.memory_space<vmem>>, vector<16xf32>,
          %mul3A_1490 = arith.mulf %get3A_555, %get3A_1489 : vector<16xf32>
          %add3A_1491 = arith.addf %mul3A_1478, %mul3A_1490 : vector<16xf32>
          %get3A_1492 = arith.constant 0 : i32
          %get3A_1493 = arith.index_cast %get3A_1492 : i32 to index
          %get3A_1494 = arith.index_cast %add3A_1472 : i32 to index
          %get3A_1495 = arith.constant 48 : index
          %get3A_1496 = tpu.vector_load %arg8[%get3A_1493, %get3A_1494, %get3A_1495] {strides = array<i32>} : memref<2x208x128xf32, #tpu.memory_space<vmem>>, vector<16xf32>,
          %mul3A_1497 = arith.mulf %get3A_559, %get3A_1496 : vector<16xf32>
          %add3A_1498 = arith.addf %mul3A_1484, %mul3A_1497 : vector<16xf32>
          %get3A_1499 = arith.constant 0 : i32
          %get3A_1500 = arith.index_cast %get3A_1499 : i32 to index
          %get3A_1501 = arith.index_cast %add3A_1472 : i32 to index
          %get3A_1502 = arith.constant 64 : index
          %get3A_1503 = tpu.vector_load %arg8[%get3A_1500, %get3A_1501, %get3A_1502] {strides = array<i32>} : memref<2x208x128xf32, #tpu.memory_space<vmem>>, vector<16xf32>,
          %mul3A_1504 = arith.mulf %get3A_563, %get3A_1503 : vector<16xf32>
          %add3A_1505 = arith.addf %add3A_1491, %mul3A_1504 : vector<16xf32>
          %get3A_1506 = arith.constant 0 : i32
          %get3A_1507 = arith.index_cast %get3A_1506 : i32 to index
          %get3A_1508 = arith.index_cast %add3A_1472 : i32 to index
          %get3A_1509 = arith.constant 80 : index
          %get3A_1510 = tpu.vector_load %arg8[%get3A_1507, %get3A_1508, %get3A_1509] {strides = array<i32>} : memref<2x208x128xf32, #tpu.memory_space<vmem>>, vector<16xf32>,
          %mul3A_1511 = arith.mulf %get3A_567, %get3A_1510 : vector<16xf32>
          %add3A_1512 = arith.addf %add3A_1498, %mul3A_1511 : vector<16xf32>
          %get3A_1513 = arith.constant 0 : i32
          %get3A_1514 = arith.index_cast %get3A_1513 : i32 to index
          %get3A_1515 = arith.index_cast %add3A_1472 : i32 to index
          %get3A_1516 = arith.constant 96 : index
          %get3A_1517 = tpu.vector_load %arg8[%get3A_1514, %get3A_1515, %get3A_1516] {strides = array<i32>} : memref<2x208x128xf32, #tpu.memory_space<vmem>>, vector<16xf32>,
          %mul3A_1518 = arith.mulf %get3A_571, %get3A_1517 : vector<16xf32>
          %add3A_1519 = arith.addf %add3A_1505, %mul3A_1518 : vector<16xf32>
          %get3A_1520 = arith.constant 0 : i32
          %get3A_1521 = arith.index_cast %get3A_1520 : i32 to index
          %get3A_1522 = arith.index_cast %add3A_1472 : i32 to index
          %get3A_1523 = arith.constant 112 : index
          %get3A_1524 = tpu.vector_load %arg8[%get3A_1521, %get3A_1522, %get3A_1523] {strides = array<i32>} : memref<2x208x128xf32, #tpu.memory_space<vmem>>, vector<16xf32>,
          %mul3A_1525 = arith.mulf %get3A_575, %get3A_1524 : vector<16xf32>
          %add3A_1526 = arith.addf %add3A_1512, %mul3A_1525 : vector<16xf32>
          %add3A_1527 = arith.addf %add3A_1519, %add3A_1526 : vector<16xf32>
          %pack3A_1528 = tpu.pack_subelements %add3A_1466, %add3A_1527 {pack_format = #tpu.pack_format<interleaved>, positions = array<i32: 0, 1>} : vector<16xf32>, vector<16xf32> -> vector<32xbf16>
          %bitcast3A_1529 = vector.bitcast %pack3A_1528 : vector<32xbf16> to vector<16xf32>
          %mul3A_1530 = arith.constant 16 : i32
          %mul3A_1531 = arith.muli %scan3A_598, %mul3A_1530 : i32
          %add3A_1532 = arith.constant 12 : i32
          %add3A_1533 = arith.addi %mul3A_1531, %add3A_1532 : i32
          %mul3A_1534 = arith.constant 8 : i32
          %mul3A_1535 = arith.muli %add3A_1533, %mul3A_1534 : i32
          %swap3A_1536 = arith.constant 1 : i32
          %swap3A_1537 = arith.index_cast %swap3A_1536 : i32 to index
          %swap3A_1538 = arith.index_cast %select_n3A_591 : i32 to index
          %swap3A_1539 = arith.index_cast %mul3A_1535 : i32 to index
          %swap3A_1540 = tpu.vector_load %arg9[%swap3A_1537, %swap3A_1538, %swap3A_1539] {strides = array<i32>} : memref<2x8x1664xf32, #tpu.memory_space<vmem>>, vector<16xf32>,
          tpu.vector_store %arg9[%swap3A_1537, %swap3A_1538, %swap3A_1539], %bitcast3A_1529 {strides = array<i32>} : memref<2x8x1664xf32, #tpu.memory_space<vmem>>, vector<16xf32>,
          %mul3A_1541 = arith.constant 16 : i32
          %mul3A_1542 = arith.muli %scan3A_598, %mul3A_1541 : i32
          %add3A_1543 = arith.constant 14 : i32
          %add3A_1544 = arith.addi %mul3A_1542, %add3A_1543 : i32
          %add3A_1545 = arith.constant 0 : i32
          %add3A_1546 = arith.addi %add3A_1544, %add3A_1545 : i32
          %get3A_1547 = arith.constant 0 : i32
          %get3A_1548 = arith.index_cast %get3A_1547 : i32 to index
          %get3A_1549 = arith.index_cast %add3A_1546 : i32 to index
          %get3A_1550 = arith.constant 0 : index
          %get3A_1551 = tpu.vector_load %arg8[%get3A_1548, %get3A_1549, %get3A_1550] {strides = array<i32>} : memref<2x208x128xf32, #tpu.memory_space<vmem>>, vector<16xf32>,
          %mul3A_1552 = arith.mulf %get3A_547, %get3A_1551 : vector<16xf32>
          %get3A_1553 = arith.constant 0 : i32
          %get3A_1554 = arith.index_cast %get3A_1553 : i32 to index
          %get3A_1555 = arith.index_cast %add3A_1546 : i32 to index
          %get3A_1556 = arith.constant 16 : index
          %get3A_1557 = tpu.vector_load %arg8[%get3A_1554, %get3A_1555, %get3A_1556] {strides = array<i32>} : memref<2x208x128xf32, #tpu.memory_space<vmem>>, vector<16xf32>,
          %mul3A_1558 = arith.mulf %get3A_551, %get3A_1557 : vector<16xf32>
          %get3A_1559 = arith.constant 0 : i32
          %get3A_1560 = arith.index_cast %get3A_1559 : i32 to index
          %get3A_1561 = arith.index_cast %add3A_1546 : i32 to index
          %get3A_1562 = arith.constant 32 : index
          %get3A_1563 = tpu.vector_load %arg8[%get3A_1560, %get3A_1561, %get3A_1562] {strides = array<i32>} : memref<2x208x128xf32, #tpu.memory_space<vmem>>, vector<16xf32>,
          %mul3A_1564 = arith.mulf %get3A_555, %get3A_1563 : vector<16xf32>
          %add3A_1565 = arith.addf %mul3A_1552, %mul3A_1564 : vector<16xf32>
          %get3A_1566 = arith.constant 0 : i32
          %get3A_1567 = arith.index_cast %get3A_1566 : i32 to index
          %get3A_1568 = arith.index_cast %add3A_1546 : i32 to index
          %get3A_1569 = arith.constant 48 : index
          %get3A_1570 = tpu.vector_load %arg8[%get3A_1567, %get3A_1568, %get3A_1569] {strides = array<i32>} : memref<2x208x128xf32, #tpu.memory_space<vmem>>, vector<16xf32>,
          %mul3A_1571 = arith.mulf %get3A_559, %get3A_1570 : vector<16xf32>
          %add3A_1572 = arith.addf %mul3A_1558, %mul3A_1571 : vector<16xf32>
          %get3A_1573 = arith.constant 0 : i32
          %get3A_1574 = arith.index_cast %get3A_1573 : i32 to index
          %get3A_1575 = arith.index_cast %add3A_1546 : i32 to index
          %get3A_1576 = arith.constant 64 : index
          %get3A_1577 = tpu.vector_load %arg8[%get3A_1574, %get3A_1575, %get3A_1576] {strides = array<i32>} : memref<2x208x128xf32, #tpu.memory_space<vmem>>, vector<16xf32>,
          %mul3A_1578 = arith.mulf %get3A_563, %get3A_1577 : vector<16xf32>
          %add3A_1579 = arith.addf %add3A_1565, %mul3A_1578 : vector<16xf32>
          %get3A_1580 = arith.constant 0 : i32
          %get3A_1581 = arith.index_cast %get3A_1580 : i32 to index
          %get3A_1582 = arith.index_cast %add3A_1546 : i32 to index
          %get3A_1583 = arith.constant 80 : index
          %get3A_1584 = tpu.vector_load %arg8[%get3A_1581, %get3A_1582, %get3A_1583] {strides = array<i32>} : memref<2x208x128xf32, #tpu.memory_space<vmem>>, vector<16xf32>,
          %mul3A_1585 = arith.mulf %get3A_567, %get3A_1584 : vector<16xf32>
          %add3A_1586 = arith.addf %add3A_1572, %mul3A_1585 : vector<16xf32>
          %get3A_1587 = arith.constant 0 : i32
          %get3A_1588 = arith.index_cast %get3A_1587 : i32 to index
          %get3A_1589 = arith.index_cast %add3A_1546 : i32 to index
          %get3A_1590 = arith.constant 96 : index
          %get3A_1591 = tpu.vector_load %arg8[%get3A_1588, %get3A_1589, %get3A_1590] {strides = array<i32>} : memref<2x208x128xf32, #tpu.memory_space<vmem>>, vector<16xf32>,
          %mul3A_1592 = arith.mulf %get3A_571, %get3A_1591 : vector<16xf32>
          %add3A_1593 = arith.addf %add3A_1579, %mul3A_1592 : vector<16xf32>
          %get3A_1594 = arith.constant 0 : i32
          %get3A_1595 = arith.index_cast %get3A_1594 : i32 to index
          %get3A_1596 = arith.index_cast %add3A_1546 : i32 to index
          %get3A_1597 = arith.constant 112 : index
          %get3A_1598 = tpu.vector_load %arg8[%get3A_1595, %get3A_1596, %get3A_1597] {strides = array<i32>} : memref<2x208x128xf32, #tpu.memory_space<vmem>>, vector<16xf32>,
          %mul3A_1599 = arith.mulf %get3A_575, %get3A_1598 : vector<16xf32>
          %add3A_1600 = arith.addf %add3A_1586, %mul3A_1599 : vector<16xf32>
          %add3A_1601 = arith.addf %add3A_1593, %add3A_1600 : vector<16xf32>
          %mul3A_1602 = arith.constant 16 : i32
          %mul3A_1603 = arith.muli %scan3A_598, %mul3A_1602 : i32
          %add3A_1604 = arith.constant 14 : i32
          %add3A_1605 = arith.addi %mul3A_1603, %add3A_1604 : i32
          %add3A_1606 = arith.constant 1 : i32
          %add3A_1607 = arith.addi %add3A_1605, %add3A_1606 : i32
          %get3A_1608 = arith.constant 0 : i32
          %get3A_1609 = arith.index_cast %get3A_1608 : i32 to index
          %get3A_1610 = arith.index_cast %add3A_1607 : i32 to index
          %get3A_1611 = arith.constant 0 : index
          %get3A_1612 = tpu.vector_load %arg8[%get3A_1609, %get3A_1610, %get3A_1611] {strides = array<i32>} : memref<2x208x128xf32, #tpu.memory_space<vmem>>, vector<16xf32>,
          %mul3A_1613 = arith.mulf %get3A_547, %get3A_1612 : vector<16xf32>
          %get3A_1614 = arith.constant 0 : i32
          %get3A_1615 = arith.index_cast %get3A_1614 : i32 to index
          %get3A_1616 = arith.index_cast %add3A_1607 : i32 to index
          %get3A_1617 = arith.constant 16 : index
          %get3A_1618 = tpu.vector_load %arg8[%get3A_1615, %get3A_1616, %get3A_1617] {strides = array<i32>} : memref<2x208x128xf32, #tpu.memory_space<vmem>>, vector<16xf32>,
          %mul3A_1619 = arith.mulf %get3A_551, %get3A_1618 : vector<16xf32>
          %get3A_1620 = arith.constant 0 : i32
          %get3A_1621 = arith.index_cast %get3A_1620 : i32 to index
          %get3A_1622 = arith.index_cast %add3A_1607 : i32 to index
          %get3A_1623 = arith.constant 32 : index
          %get3A_1624 = tpu.vector_load %arg8[%get3A_1621, %get3A_1622, %get3A_1623] {strides = array<i32>} : memref<2x208x128xf32, #tpu.memory_space<vmem>>, vector<16xf32>,
          %mul3A_1625 = arith.mulf %get3A_555, %get3A_1624 : vector<16xf32>
          %add3A_1626 = arith.addf %mul3A_1613, %mul3A_1625 : vector<16xf32>
          %get3A_1627 = arith.constant 0 : i32
          %get3A_1628 = arith.index_cast %get3A_1627 : i32 to index
          %get3A_1629 = arith.index_cast %add3A_1607 : i32 to index
          %get3A_1630 = arith.constant 48 : index
          %get3A_1631 = tpu.vector_load %arg8[%get3A_1628, %get3A_1629, %get3A_1630] {strides = array<i32>} : memref<2x208x128xf32, #tpu.memory_space<vmem>>, vector<16xf32>,
          %mul3A_1632 = arith.mulf %get3A_559, %get3A_1631 : vector<16xf32>
          %add3A_1633 = arith.addf %mul3A_1619, %mul3A_1632 : vector<16xf32>
          %get3A_1634 = arith.constant 0 : i32
          %get3A_1635 = arith.index_cast %get3A_1634 : i32 to index
          %get3A_1636 = arith.index_cast %add3A_1607 : i32 to index
          %get3A_1637 = arith.constant 64 : index
          %get3A_1638 = tpu.vector_load %arg8[%get3A_1635, %get3A_1636, %get3A_1637] {strides = array<i32>} : memref<2x208x128xf32, #tpu.memory_space<vmem>>, vector<16xf32>,
          %mul3A_1639 = arith.mulf %get3A_563, %get3A_1638 : vector<16xf32>
          %add3A_1640 = arith.addf %add3A_1626, %mul3A_1639 : vector<16xf32>
          %get3A_1641 = arith.constant 0 : i32
          %get3A_1642 = arith.index_cast %get3A_1641 : i32 to index
          %get3A_1643 = arith.index_cast %add3A_1607 : i32 to index
          %get3A_1644 = arith.constant 80 : index
          %get3A_1645 = tpu.vector_load %arg8[%get3A_1642, %get3A_1643, %get3A_1644] {strides = array<i32>} : memref<2x208x128xf32, #tpu.memory_space<vmem>>, vector<16xf32>,
          %mul3A_1646 = arith.mulf %get3A_567, %get3A_1645 : vector<16xf32>
          %add3A_1647 = arith.addf %add3A_1633, %mul3A_1646 : vector<16xf32>
          %get3A_1648 = arith.constant 0 : i32
          %get3A_1649 = arith.index_cast %get3A_1648 : i32 to index
          %get3A_1650 = arith.index_cast %add3A_1607 : i32 to index
          %get3A_1651 = arith.constant 96 : index
          %get3A_1652 = tpu.vector_load %arg8[%get3A_1649, %get3A_1650, %get3A_1651] {strides = array<i32>} : memref<2x208x128xf32, #tpu.memory_space<vmem>>, vector<16xf32>,
          %mul3A_1653 = arith.mulf %get3A_571, %get3A_1652 : vector<16xf32>
          %add3A_1654 = arith.addf %add3A_1640, %mul3A_1653 : vector<16xf32>
          %get3A_1655 = arith.constant 0 : i32
          %get3A_1656 = arith.index_cast %get3A_1655 : i32 to index
          %get3A_1657 = arith.index_cast %add3A_1607 : i32 to index
          %get3A_1658 = arith.constant 112 : index
          %get3A_1659 = tpu.vector_load %arg8[%get3A_1656, %get3A_1657, %get3A_1658] {strides = array<i32>} : memref<2x208x128xf32, #tpu.memory_space<vmem>>, vector<16xf32>,
          %mul3A_1660 = arith.mulf %get3A_575, %get3A_1659 : vector<16xf32>
          %add3A_1661 = arith.addf %add3A_1647, %mul3A_1660 : vector<16xf32>
          %add3A_1662 = arith.addf %add3A_1654, %add3A_1661 : vector<16xf32>
          %pack3A_1663 = tpu.pack_subelements %add3A_1601, %add3A_1662 {pack_format = #tpu.pack_format<interleaved>, positions = array<i32: 0, 1>} : vector<16xf32>, vector<16xf32> -> vector<32xbf16>
          %bitcast3A_1664 = vector.bitcast %pack3A_1663 : vector<32xbf16> to vector<16xf32>
          %mul3A_1665 = arith.constant 16 : i32
          %mul3A_1666 = arith.muli %scan3A_598, %mul3A_1665 : i32
          %add3A_1667 = arith.constant 14 : i32
          %add3A_1668 = arith.addi %mul3A_1666, %add3A_1667 : i32
          %mul3A_1669 = arith.constant 8 : i32
          %mul3A_1670 = arith.muli %add3A_1668, %mul3A_1669 : i32
          %swap3A_1671 = arith.constant 1 : i32
          %swap3A_1672 = arith.index_cast %swap3A_1671 : i32 to index
          %swap3A_1673 = arith.index_cast %select_n3A_591 : i32 to index
          %swap3A_1674 = arith.index_cast %mul3A_1670 : i32 to index
          %swap3A_1675 = tpu.vector_load %arg9[%swap3A_1672, %swap3A_1673, %swap3A_1674] {strides = array<i32>} : memref<2x8x1664xf32, #tpu.memory_space<vmem>>, vector<16xf32>,
          tpu.vector_store %arg9[%swap3A_1672, %swap3A_1673, %swap3A_1674], %bitcast3A_1664 {strides = array<i32>} : memref<2x8x1664xf32, #tpu.memory_space<vmem>>, vector<16xf32>,
        }
        %scan3A_597 = arith.constant 13 : i32
      } else {
      }
      %jit3A_324 = arith.constant 8 : i32
      %eq3A_325 = arith.constant 0 : i32
      %eq3A_326 = arith.cmpi eq, %jit3A_324, %eq3A_325 : i32
      %jit3A_327 = arith.constant 1 : i32
      %select_n3A_328 = arith.select %eq3A_326, %jit3A_327, %jit3A_324 : i32
      %rem3A_329 = arith.remsi %add3A_176, %select_n3A_328 : i32
      %ne3A_330 = arith.constant 0 : i32
      %ne3A_331 = arith.cmpi ne, %rem3A_329, %ne3A_330 : i32
      %lt3A_332 = arith.constant 0 : i32
      %lt3A_333 = arith.cmpi slt, %rem3A_329, %lt3A_332 : i32
      %lt3A_334 = arith.constant 0 : i32
      %lt3A_335 = arith.cmpi slt, %select_n3A_328, %lt3A_334 : i32
      %ne3A_336 = arith.xori %lt3A_333, %lt3A_335 : i1
      %and3A_337 = arith.andi %ne3A_336, %ne3A_331 : i1
      %add3A_338 = arith.addi %rem3A_329, %select_n3A_328 : i32
      %select_n3A_339 = arith.select %and3A_337, %add3A_338, %rem3A_329 : i32
      %eq3A_340 = arith.constant 7 : i32
      %eq3A_341 = arith.cmpi eq, %select_n3A_339, %eq3A_340 : i32
      %eq3A_342 = arith.constant 1 : i32
      %eq3A_343 = arith.cmpi eq, %select_n3A_236, %eq3A_342 : i32
      %and3A_344 = arith.andi %eq3A_341, %eq3A_343 : i1
      %convert_element_type3A_345 = arith.extui %and3A_344 : i1 to i32
      %cond3A_346 = arith.constant 0 : i32
      %cond3A_347 = arith.cmpi ne, %convert_element_type3A_345, %cond3A_346 : i32
      scf.if %cond3A_347 {
        %add3A_545 = arith.addi %mul3A_2, %add3A_176 : i32
        %sub3A_546 = arith.constant 7 : i32
        %sub3A_547 = arith.subi %add3A_545, %sub3A_546 : i32
        %multiple_of3A_548 = tpu.assume_multiple %sub3A_547, 8 : i32
        %dma_start3A_549 = arith.constant 1 : i32
        %dma_start3A_550 = arith.constant 0 : i32
        %dma_start3A_551 = arith.constant 0 : i32
        %dma_start3A_552 = tpu.memref_slice %arg9[%dma_start3A_549, %dma_start3A_550, %dma_start3A_551] : memref<2x8x1664xf32, #tpu.memory_space<vmem>> -> memref<1x8x1664xf32, #tpu.memory_space<vmem>>
        %dma_start3A_553 = tpu.memref_squeeze %dma_start3A_552 : memref<1x8x1664xf32, #tpu.memory_space<vmem>> -> memref<8x1664xf32, #tpu.memory_space<vmem>>
        %dma_start3A_554 = arith.constant 0 : i32
        %dma_start3A_555 = tpu.memref_slice %arg5[%multiple_of3A_548, %dma_start3A_554] : memref<4096x1664xf32, #tpu.memory_space<hbm>> -> memref<8x1664xf32, #tpu.memory_space<hbm>>
        %dma_start3A_556 = arith.constant 0 : i32
        %dma_start3A_557 = tpu.memref_slice %arg5[%multiple_of3A_548, %dma_start3A_556] : memref<4096x1664xf32, #tpu.memory_space<hbm>> -> memref<8x1664xf32, #tpu.memory_space<hbm>>
        %dma_start3A_558 = arith.constant 0 : i32
        %dma_start3A_559 = arith.constant 0 : i32
        %dma_start3A_560 = tpu.memref_slice %arg9[%dma_start3A_549, %dma_start3A_558, %dma_start3A_559] : memref<2x8x1664xf32, #tpu.memory_space<vmem>> -> memref<1x8x1664xf32, #tpu.memory_space<vmem>>
        %dma_start3A_561 = tpu.memref_squeeze %dma_start3A_560 : memref<1x8x1664xf32, #tpu.memory_space<vmem>> -> memref<8x1664xf32, #tpu.memory_space<vmem>>
        tpu.enqueue_dma source(%dma_start3A_561 : memref<8x1664xf32, #tpu.memory_space<vmem>>) target(%dma_start3A_557 : memref<8x1664xf32, #tpu.memory_space<hbm>>) target_semaphore(%arg13 : memref<!tpu.dma_semaphore, #tpu.memory_space<semaphore_mem>>)
      } else {
      }
      %lt3A_348 = arith.constant 126 : i32
      %lt3A_349 = arith.cmpi slt, %add3A_176, %lt3A_348 : i32
      %convert_element_type3A_350 = arith.extui %lt3A_349 : i1 to i32
      %cond3A_351 = arith.constant 0 : i32
      %cond3A_352 = arith.cmpi ne, %convert_element_type3A_350, %cond3A_351 : i32
      scf.if %cond3A_352 {
        %add3A_545 = arith.constant 2 : i32
        %add3A_546 = arith.addi %add3A_176, %add3A_545 : i32
        %add3A_547 = arith.addi %mul3A_2, %add3A_546 : i32
        %dma_start3A_548 = arith.constant 0 : i32
        %dma_start3A_549 = arith.constant 0 : i32
        %dma_start3A_550 = arith.constant 0 : i32
        %dma_start3A_551 = tpu.memref_slice %arg7[%dma_start3A_548, %dma_start3A_549, %dma_start3A_550] : memref<2x2x104xi32, #tpu.memory_space<vmem>> -> memref<1x2x104xi32, #tpu.memory_space<vmem>>
        %dma_start3A_552 = tpu.memref_squeeze %dma_start3A_551 : memref<1x2x104xi32, #tpu.memory_space<vmem>> -> memref<2x104xi32, #tpu.memory_space<vmem>>
        %dma_start3A_553 = arith.constant 0 : i32
        %dma_start3A_554 = arith.constant 0 : i32
        %dma_start3A_555 = tpu.memref_slice %arg4[%add3A_547, %dma_start3A_553, %dma_start3A_554] : memref<4096x2x104xi32, #tpu.memory_space<hbm>> -> memref<1x2x104xi32, #tpu.memory_space<hbm>>
        %dma_start3A_556 = tpu.memref_squeeze %dma_start3A_555 : memref<1x2x104xi32, #tpu.memory_space<hbm>> -> memref<2x104xi32, #tpu.memory_space<hbm>>
        %dma_start3A_557 = arith.constant 0 : i32
        %dma_start3A_558 = arith.constant 0 : i32
        %dma_start3A_559 = tpu.memref_slice %arg7[%dma_start3A_548, %dma_start3A_557, %dma_start3A_558] : memref<2x2x104xi32, #tpu.memory_space<vmem>> -> memref<1x2x104xi32, #tpu.memory_space<vmem>>
        %dma_start3A_560 = tpu.memref_squeeze %dma_start3A_559 : memref<1x2x104xi32, #tpu.memory_space<vmem>> -> memref<2x104xi32, #tpu.memory_space<vmem>>
        %dma_start3A_561 = arith.constant 0 : i32
        %dma_start3A_562 = arith.constant 0 : i32
        %dma_start3A_563 = tpu.memref_slice %arg4[%add3A_547, %dma_start3A_561, %dma_start3A_562] : memref<4096x2x104xi32, #tpu.memory_space<hbm>> -> memref<1x2x104xi32, #tpu.memory_space<hbm>>
        %dma_start3A_564 = tpu.memref_squeeze %dma_start3A_563 : memref<1x2x104xi32, #tpu.memory_space<hbm>> -> memref<2x104xi32, #tpu.memory_space<hbm>>
        tpu.enqueue_dma source(%dma_start3A_564 : memref<2x104xi32, #tpu.memory_space<hbm>>) target(%dma_start3A_560 : memref<2x104xi32, #tpu.memory_space<vmem>>) target_semaphore(%arg14 : memref<!tpu.dma_semaphore, #tpu.memory_space<semaphore_mem>>)
        %add3A_565 = arith.addi %mul3A_2, %add3A_546 : i32
        %dma_start3A_566 = arith.constant 0 : i32
        %dma_start3A_567 = arith.constant 0 : i32
        %dma_start3A_568 = tpu.memref_slice %arg6[%dma_start3A_566, %dma_start3A_567] : memref<2x128xf32, #tpu.memory_space<vmem>> -> memref<1x128xf32, #tpu.memory_space<vmem>>
        %dma_start3A_569 = tpu.memref_squeeze %dma_start3A_568 : memref<1x128xf32, #tpu.memory_space<vmem>> -> memref<128xf32, #tpu.memory_space<vmem>>
        %dma_start3A_570 = arith.constant 0 : i32
        %dma_start3A_571 = tpu.memref_slice %arg3[%add3A_565, %dma_start3A_570] : memref<4096x128xf32, #tpu.memory_space<hbm>> -> memref<1x128xf32, #tpu.memory_space<hbm>>
        %dma_start3A_572 = tpu.memref_squeeze %dma_start3A_571 : memref<1x128xf32, #tpu.memory_space<hbm>> -> memref<128xf32, #tpu.memory_space<hbm>>
        %dma_start3A_573 = arith.constant 0 : i32
        %dma_start3A_574 = tpu.memref_slice %arg6[%dma_start3A_566, %dma_start3A_573] : memref<2x128xf32, #tpu.memory_space<vmem>> -> memref<1x128xf32, #tpu.memory_space<vmem>>
        %dma_start3A_575 = tpu.memref_squeeze %dma_start3A_574 : memref<1x128xf32, #tpu.memory_space<vmem>> -> memref<128xf32, #tpu.memory_space<vmem>>
        %dma_start3A_576 = arith.constant 0 : i32
        %dma_start3A_577 = tpu.memref_slice %arg3[%add3A_565, %dma_start3A_576] : memref<4096x128xf32, #tpu.memory_space<hbm>> -> memref<1x128xf32, #tpu.memory_space<hbm>>
        %dma_start3A_578 = tpu.memref_squeeze %dma_start3A_577 : memref<1x128xf32, #tpu.memory_space<hbm>> -> memref<128xf32, #tpu.memory_space<hbm>>
        tpu.enqueue_dma source(%dma_start3A_578 : memref<128xf32, #tpu.memory_space<hbm>>) target(%dma_start3A_575 : memref<128xf32, #tpu.memory_space<vmem>>) target_semaphore(%arg14 : memref<!tpu.dma_semaphore, #tpu.memory_space<semaphore_mem>>)
      } else {
      }
      %mul3A_353 = arith.constant 2 : i32
      %mul3A_354 = arith.muli %mul3A_353, %scan3A_172 : i32
      %add3A_355 = arith.constant 1 : i32
      %add3A_356 = arith.addi %mul3A_354, %add3A_355 : i32
      %dma_wait3A_357 = arith.constant 1 : i32
      %dma_wait3A_358 = arith.constant 0 : i32
      %dma_wait3A_359 = arith.constant 1 : i32
      %dma_wait3A_360 = arith.constant 0 : i32
      %dma_wait3A_361 = arith.constant 0 : i32
      %dma_wait3A_362 = tpu.memref_slice %arg8[%dma_wait3A_359, %dma_wait3A_360, %dma_wait3A_361] : memref<2x208x128xf32, #tpu.memory_space<vmem>> -> memref<1x104x128xf32, #tpu.memory_space<vmem>>
      %dma_wait3A_363 = tpu.memref_squeeze %dma_wait3A_362 : memref<1x104x128xf32, #tpu.memory_space<vmem>> -> memref<104x128xf32, #tpu.memory_space<vmem>>
      %dma_wait3A_364 = arith.constant 0 : i32
      %dma_wait3A_365 = tpu.memref_slice %arg7[%dma_wait3A_357, %dma_wait3A_358, %dma_wait3A_364] : memref<2x2x104xi32, #tpu.memory_space<vmem>> -> memref<1x1x104xi32, #tpu.memory_space<vmem>>
      %dma_wait3A_366 = tpu.memref_squeeze %dma_wait3A_365 : memref<1x1x104xi32, #tpu.memory_space<vmem>> -> memref<104xi32, #tpu.memory_space<vmem>>
      %dma_wait3A_367 = arith.constant 0 : i32
      %dma_wait3A_368 = arith.constant 0 : i32
      %dma_wait3A_369 = tpu.memref_slice %arg2[%dma_wait3A_367, %dma_wait3A_368] : memref<100000x128xf32, #tpu.memory_space<hbm>> -> memref<100000x128xf32, #tpu.memory_space<hbm>>
      tpu.wait_indirect_dma semaphore(%arg11 : memref<!tpu.dma_semaphore, #tpu.memory_space<semaphore_mem>>) src(%dma_wait3A_369 : memref<100000x128xf32, #tpu.memory_space<hbm>>) dst(%dma_wait3A_363 : memref<104x128xf32, #tpu.memory_space<vmem>>)
      %dma_wait3A_370 = arith.constant 1 : i32
      %dma_wait3A_371 = arith.constant 1 : i32
      %dma_wait3A_372 = arith.constant 1 : i32
      %dma_wait3A_373 = arith.constant 104 : i32
      %dma_wait3A_374 = arith.constant 0 : i32
      %dma_wait3A_375 = tpu.memref_slice %arg8[%dma_wait3A_372, %dma_wait3A_373, %dma_wait3A_374] : memref<2x208x128xf32, #tpu.memory_space<vmem>> -> memref<1x104x128xf32, #tpu.memory_space<vmem>>
      %dma_wait3A_376 = tpu.memref_squeeze %dma_wait3A_375 : memref<1x104x128xf32, #tpu.memory_space<vmem>> -> memref<104x128xf32, #tpu.memory_space<vmem>>
      %dma_wait3A_377 = arith.constant 0 : i32
      %dma_wait3A_378 = tpu.memref_slice %arg7[%dma_wait3A_370, %dma_wait3A_371, %dma_wait3A_377] : memref<2x2x104xi32, #tpu.memory_space<vmem>> -> memref<1x1x104xi32, #tpu.memory_space<vmem>>
      %dma_wait3A_379 = tpu.memref_squeeze %dma_wait3A_378 : memref<1x1x104xi32, #tpu.memory_space<vmem>> -> memref<104xi32, #tpu.memory_space<vmem>>
      %dma_wait3A_380 = arith.constant 0 : i32
      %dma_wait3A_381 = arith.constant 0 : i32
      %dma_wait3A_382 = tpu.memref_slice %arg2[%dma_wait3A_380, %dma_wait3A_381] : memref<100000x128xf32, #tpu.memory_space<hbm>> -> memref<100000x128xf32, #tpu.memory_space<hbm>>
      tpu.wait_indirect_dma semaphore(%arg11 : memref<!tpu.dma_semaphore, #tpu.memory_space<semaphore_mem>>) src(%dma_wait3A_382 : memref<100000x128xf32, #tpu.memory_space<hbm>>) dst(%dma_wait3A_376 : memref<104x128xf32, #tpu.memory_space<vmem>>)
      %lt3A_383 = arith.constant 127 : i32
      %lt3A_384 = arith.cmpi slt, %add3A_356, %lt3A_383 : i32
      %convert_element_type3A_385 = arith.extui %lt3A_384 : i1 to i32
      %cond3A_386 = arith.constant 0 : i32
      %cond3A_387 = arith.cmpi ne, %convert_element_type3A_385, %cond3A_386 : i32
      scf.if %cond3A_387 {
        %add3A_545 = arith.constant 1 : i32
        %add3A_546 = arith.addi %add3A_356, %add3A_545 : i32
        %add3A_547 = arith.addi %mul3A_2, %add3A_546 : i32
        %dma_wait3A_548 = arith.constant 0 : i32
        %dma_wait3A_549 = arith.constant 0 : i32
        %dma_wait3A_550 = arith.constant 0 : i32
        %dma_wait3A_551 = tpu.memref_slice %arg7[%dma_wait3A_548, %dma_wait3A_549, %dma_wait3A_550] : memref<2x2x104xi32, #tpu.memory_space<vmem>> -> memref<1x2x104xi32, #tpu.memory_space<vmem>>
        %dma_wait3A_552 = tpu.memref_squeeze %dma_wait3A_551 : memref<1x2x104xi32, #tpu.memory_space<vmem>> -> memref<2x104xi32, #tpu.memory_space<vmem>>
        %dma_wait3A_553 = arith.constant 0 : i32
        %dma_wait3A_554 = arith.constant 0 : i32
        %dma_wait3A_555 = tpu.memref_slice %arg4[%add3A_547, %dma_wait3A_553, %dma_wait3A_554] : memref<4096x2x104xi32, #tpu.memory_space<hbm>> -> memref<1x2x104xi32, #tpu.memory_space<hbm>>
        %dma_wait3A_556 = tpu.memref_squeeze %dma_wait3A_555 : memref<1x2x104xi32, #tpu.memory_space<hbm>> -> memref<2x104xi32, #tpu.memory_space<hbm>>
        %dma_wait3A_557 = arith.constant 0 : i32
        %dma_wait3A_558 = arith.constant 0 : i32
        %dma_wait3A_559 = tpu.memref_slice %arg7[%dma_wait3A_548, %dma_wait3A_557, %dma_wait3A_558] : memref<2x2x104xi32, #tpu.memory_space<vmem>> -> memref<1x2x104xi32, #tpu.memory_space<vmem>>
        %dma_wait3A_560 = tpu.memref_squeeze %dma_wait3A_559 : memref<1x2x104xi32, #tpu.memory_space<vmem>> -> memref<2x104xi32, #tpu.memory_space<vmem>>
        %dma_wait3A_561 = arith.constant 0 : i32
        %dma_wait3A_562 = arith.constant 0 : i32
        %dma_wait3A_563 = tpu.memref_slice %arg4[%add3A_547, %dma_wait3A_561, %dma_wait3A_562] : memref<4096x2x104xi32, #tpu.memory_space<hbm>> -> memref<1x2x104xi32, #tpu.memory_space<hbm>>
        %dma_wait3A_564 = tpu.memref_squeeze %dma_wait3A_563 : memref<1x2x104xi32, #tpu.memory_space<hbm>> -> memref<2x104xi32, #tpu.memory_space<hbm>>
        tpu.wait_dma2 semaphore(%arg14 : memref<!tpu.dma_semaphore, #tpu.memory_space<semaphore_mem>>) src(%dma_wait3A_564 : memref<2x104xi32, #tpu.memory_space<hbm>>) dst(%dma_wait3A_560 : memref<2x104xi32, #tpu.memory_space<vmem>>)
        %add3A_565 = arith.addi %mul3A_2, %add3A_546 : i32
        %dma_wait3A_566 = arith.constant 0 : i32
        %dma_wait3A_567 = arith.constant 0 : i32
        %dma_wait3A_568 = tpu.memref_slice %arg6[%dma_wait3A_566, %dma_wait3A_567] : memref<2x128xf32, #tpu.memory_space<vmem>> -> memref<1x128xf32, #tpu.memory_space<vmem>>
        %dma_wait3A_569 = tpu.memref_squeeze %dma_wait3A_568 : memref<1x128xf32, #tpu.memory_space<vmem>> -> memref<128xf32, #tpu.memory_space<vmem>>
        %dma_wait3A_570 = arith.constant 0 : i32
        %dma_wait3A_571 = tpu.memref_slice %arg3[%add3A_565, %dma_wait3A_570] : memref<4096x128xf32, #tpu.memory_space<hbm>> -> memref<1x128xf32, #tpu.memory_space<hbm>>
        %dma_wait3A_572 = tpu.memref_squeeze %dma_wait3A_571 : memref<1x128xf32, #tpu.memory_space<hbm>> -> memref<128xf32, #tpu.memory_space<hbm>>
        %dma_wait3A_573 = arith.constant 0 : i32
        %dma_wait3A_574 = tpu.memref_slice %arg6[%dma_wait3A_566, %dma_wait3A_573] : memref<2x128xf32, #tpu.memory_space<vmem>> -> memref<1x128xf32, #tpu.memory_space<vmem>>
        %dma_wait3A_575 = tpu.memref_squeeze %dma_wait3A_574 : memref<1x128xf32, #tpu.memory_space<vmem>> -> memref<128xf32, #tpu.memory_space<vmem>>
        %dma_wait3A_576 = arith.constant 0 : i32
        %dma_wait3A_577 = tpu.memref_slice %arg3[%add3A_565, %dma_wait3A_576] : memref<4096x128xf32, #tpu.memory_space<hbm>> -> memref<1x128xf32, #tpu.memory_space<hbm>>
        %dma_wait3A_578 = tpu.memref_squeeze %dma_wait3A_577 : memref<1x128xf32, #tpu.memory_space<hbm>> -> memref<128xf32, #tpu.memory_space<hbm>>
        tpu.wait_dma2 semaphore(%arg14 : memref<!tpu.dma_semaphore, #tpu.memory_space<semaphore_mem>>) src(%dma_wait3A_578 : memref<128xf32, #tpu.memory_space<hbm>>) dst(%dma_wait3A_575 : memref<128xf32, #tpu.memory_space<vmem>>)
        %dma_start3A_579 = arith.constant 0 : i32
        %dma_start3A_580 = arith.constant 0 : i32
        %dma_start3A_581 = arith.constant 0 : i32
        %dma_start3A_582 = arith.constant 0 : i32
        %dma_start3A_583 = arith.constant 0 : i32
        %dma_start3A_584 = tpu.memref_slice %arg8[%dma_start3A_581, %dma_start3A_582, %dma_start3A_583] : memref<2x208x128xf32, #tpu.memory_space<vmem>> -> memref<1x104x128xf32, #tpu.memory_space<vmem>>
        %dma_start3A_585 = tpu.memref_squeeze %dma_start3A_584 : memref<1x104x128xf32, #tpu.memory_space<vmem>> -> memref<104x128xf32, #tpu.memory_space<vmem>>
        %dma_start3A_586 = arith.constant 0 : i32
        %dma_start3A_587 = tpu.memref_slice %arg7[%dma_start3A_579, %dma_start3A_580, %dma_start3A_586] : memref<2x2x104xi32, #tpu.memory_space<vmem>> -> memref<1x1x104xi32, #tpu.memory_space<vmem>>
        %dma_start3A_588 = tpu.memref_squeeze %dma_start3A_587 : memref<1x1x104xi32, #tpu.memory_space<vmem>> -> memref<104xi32, #tpu.memory_space<vmem>>
        %dma_start3A_589 = arith.constant 0 : i32
        %dma_start3A_590 = arith.constant 0 : i32
        %dma_start3A_591 = tpu.memref_slice %arg2[%dma_start3A_589, %dma_start3A_590] : memref<100000x128xf32, #tpu.memory_space<hbm>> -> memref<100000x128xf32, #tpu.memory_space<hbm>>
        tpu.enqueue_indirect_dma source(%dma_start3A_591 : memref<100000x128xf32, #tpu.memory_space<hbm>>) target(%dma_start3A_585 : memref<104x128xf32, #tpu.memory_space<vmem>>) offsets(%dma_start3A_588 : memref<104xi32, #tpu.memory_space<vmem>>) semaphore(%arg10 : memref<!tpu.dma_semaphore, #tpu.memory_space<semaphore_mem>>)
        %dma_start3A_592 = arith.constant 0 : i32
        %dma_start3A_593 = arith.constant 1 : i32
        %dma_start3A_594 = arith.constant 0 : i32
        %dma_start3A_595 = arith.constant 104 : i32
        %dma_start3A_596 = arith.constant 0 : i32
        %dma_start3A_597 = tpu.memref_slice %arg8[%dma_start3A_594, %dma_start3A_595, %dma_start3A_596] : memref<2x208x128xf32, #tpu.memory_space<vmem>> -> memref<1x104x128xf32, #tpu.memory_space<vmem>>
        %dma_start3A_598 = tpu.memref_squeeze %dma_start3A_597 : memref<1x104x128xf32, #tpu.memory_space<vmem>> -> memref<104x128xf32, #tpu.memory_space<vmem>>
        %dma_start3A_599 = arith.constant 0 : i32
        %dma_start3A_600 = tpu.memref_slice %arg7[%dma_start3A_592, %dma_start3A_593, %dma_start3A_599] : memref<2x2x104xi32, #tpu.memory_space<vmem>> -> memref<1x1x104xi32, #tpu.memory_space<vmem>>
        %dma_start3A_601 = tpu.memref_squeeze %dma_start3A_600 : memref<1x1x104xi32, #tpu.memory_space<vmem>> -> memref<104xi32, #tpu.memory_space<vmem>>
        %dma_start3A_602 = arith.constant 0 : i32
        %dma_start3A_603 = arith.constant 0 : i32
        %dma_start3A_604 = tpu.memref_slice %arg2[%dma_start3A_602, %dma_start3A_603] : memref<100000x128xf32, #tpu.memory_space<hbm>> -> memref<100000x128xf32, #tpu.memory_space<hbm>>
        tpu.enqueue_indirect_dma source(%dma_start3A_604 : memref<100000x128xf32, #tpu.memory_space<hbm>>) target(%dma_start3A_598 : memref<104x128xf32, #tpu.memory_space<vmem>>) offsets(%dma_start3A_601 : memref<104xi32, #tpu.memory_space<vmem>>) semaphore(%arg10 : memref<!tpu.dma_semaphore, #tpu.memory_space<semaphore_mem>>)
      } else {
      }
      %jit3A_388 = arith.constant 8 : i32
      %div3A_389 = arith.divsi %add3A_356, %jit3A_388 : i32
      %sign3A_390 = arith.constant 0 : i32
      %sign3A_391 = arith.cmpi sgt, %add3A_356, %sign3A_390 : i32
      %sign3A_392 = arith.extui %sign3A_391 : i1 to i32
      %sign3A_393 = arith.constant 0 : i32
      %sign3A_394 = arith.cmpi slt, %add3A_356, %sign3A_393 : i32
      %sign3A_395 = arith.extui %sign3A_394 : i1 to i32
      %sign3A_396 = arith.subi %sign3A_392, %sign3A_395 : i32
      %sign3A_397 = arith.constant 0 : i32
      %sign3A_398 = arith.cmpi sgt, %jit3A_388, %sign3A_397 : i32
      %sign3A_399 = arith.extui %sign3A_398 : i1 to i32
      %sign3A_400 = arith.constant 0 : i32
      %sign3A_401 = arith.cmpi slt, %jit3A_388, %sign3A_400 : i32
      %sign3A_402 = arith.extui %sign3A_401 : i1 to i32
      %sign3A_403 = arith.subi %sign3A_399, %sign3A_402 : i32
      %ne3A_404 = arith.cmpi ne, %sign3A_396, %sign3A_403 : i32
      %rem3A_405 = arith.remsi %add3A_356, %jit3A_388 : i32
      %ne3A_406 = arith.constant 0 : i32
      %ne3A_407 = arith.cmpi ne, %rem3A_405, %ne3A_406 : i32
      %and3A_408 = arith.andi %ne3A_404, %ne3A_407 : i1
      %sub3A_409 = arith.constant 1 : i32
      %sub3A_410 = arith.subi %div3A_389, %sub3A_409 : i32
      %select_n3A_411 = arith.select %and3A_408, %sub3A_410, %div3A_389 : i32
      %jit3A_412 = arith.constant 2 : i32
      %eq3A_413 = arith.constant 0 : i32
      %eq3A_414 = arith.cmpi eq, %jit3A_412, %eq3A_413 : i32
      %jit3A_415 = arith.constant 1 : i32
      %select_n3A_416 = arith.select %eq3A_414, %jit3A_415, %jit3A_412 : i32
      %rem3A_417 = arith.remsi %select_n3A_411, %select_n3A_416 : i32
      %ne3A_418 = arith.constant 0 : i32
      %ne3A_419 = arith.cmpi ne, %rem3A_417, %ne3A_418 : i32
      %lt3A_420 = arith.constant 0 : i32
      %lt3A_421 = arith.cmpi slt, %rem3A_417, %lt3A_420 : i32
      %lt3A_422 = arith.constant 0 : i32
      %lt3A_423 = arith.cmpi slt, %select_n3A_416, %lt3A_422 : i32
      %ne3A_424 = arith.xori %lt3A_421, %lt3A_423 : i1
      %and3A_425 = arith.andi %ne3A_424, %ne3A_419 : i1
      %add3A_426 = arith.addi %rem3A_417, %select_n3A_416 : i32
      %select_n3A_427 = arith.select %and3A_425, %add3A_426, %rem3A_417 : i32
      %jit3A_428 = arith.constant 8 : i32
      %eq3A_429 = arith.constant 0 : i32
      %eq3A_430 = arith.cmpi eq, %jit3A_428, %eq3A_429 : i32
      %jit3A_431 = arith.constant 1 : i32
      %select_n3A_432 = arith.select %eq3A_430, %jit3A_431, %jit3A_428 : i32
      %rem3A_433 = arith.remsi %add3A_356, %select_n3A_432 : i32
      %ne3A_434 = arith.constant 0 : i32
      %ne3A_435 = arith.cmpi ne, %rem3A_433, %ne3A_434 : i32
      %lt3A_436 = arith.constant 0 : i32
      %lt3A_437 = arith.cmpi slt, %rem3A_433, %lt3A_436 : i32
      %lt3A_438 = arith.constant 0 : i32
      %lt3A_439 = arith.cmpi slt, %select_n3A_432, %lt3A_438 : i32
      %ne3A_440 = arith.xori %lt3A_437, %lt3A_439 : i1
      %and3A_441 = arith.andi %ne3A_440, %ne3A_435 : i1
      %add3A_442 = arith.addi %rem3A_433, %select_n3A_432 : i32
      %select_n3A_443 = arith.select %and3A_441, %add3A_442, %rem3A_433 : i32
      %eq3A_444 = arith.constant 0 : i32
      %eq3A_445 = arith.cmpi eq, %select_n3A_443, %eq3A_444 : i32
      %ge3A_446 = arith.constant 16 : i32
      %ge3A_447 = arith.cmpi sge, %add3A_356, %ge3A_446 : i32
      %and3A_448 = arith.andi %eq3A_445, %ge3A_447 : i1
      %eq3A_449 = arith.constant 0 : i32
      %eq3A_450 = arith.cmpi eq, %select_n3A_427, %eq3A_449 : i32
      %and3A_451 = arith.andi %and3A_448, %eq3A_450 : i1
      %convert_element_type3A_452 = arith.extui %and3A_451 : i1 to i32
      %cond3A_453 = arith.constant 0 : i32
      %cond3A_454 = arith.cmpi ne, %convert_element_type3A_452, %cond3A_453 : i32
      scf.if %cond3A_454 {
        %add3A_545 = arith.addi %mul3A_2, %add3A_356 : i32
        %sub3A_546 = arith.constant 16 : i32
        %sub3A_547 = arith.subi %add3A_545, %sub3A_546 : i32
        %multiple_of3A_548 = tpu.assume_multiple %sub3A_547, 8 : i32
        %dma_wait3A_549 = arith.constant 0 : i32
        %dma_wait3A_550 = arith.constant 0 : i32
        %dma_wait3A_551 = arith.constant 0 : i32
        %dma_wait3A_552 = tpu.memref_slice %arg9[%dma_wait3A_549, %dma_wait3A_550, %dma_wait3A_551] : memref<2x8x1664xf32, #tpu.memory_space<vmem>> -> memref<1x8x1664xf32, #tpu.memory_space<vmem>>
        %dma_wait3A_553 = tpu.memref_squeeze %dma_wait3A_552 : memref<1x8x1664xf32, #tpu.memory_space<vmem>> -> memref<8x1664xf32, #tpu.memory_space<vmem>>
        %dma_wait3A_554 = arith.constant 0 : i32
        %dma_wait3A_555 = tpu.memref_slice %arg5[%multiple_of3A_548, %dma_wait3A_554] : memref<4096x1664xf32, #tpu.memory_space<hbm>> -> memref<8x1664xf32, #tpu.memory_space<hbm>>
        %dma_wait3A_556 = arith.constant 0 : i32
        %dma_wait3A_557 = tpu.memref_slice %arg5[%multiple_of3A_548, %dma_wait3A_556] : memref<4096x1664xf32, #tpu.memory_space<hbm>> -> memref<8x1664xf32, #tpu.memory_space<hbm>>
        %dma_wait3A_558 = arith.constant 0 : i32
        %dma_wait3A_559 = arith.constant 0 : i32
        %dma_wait3A_560 = tpu.memref_slice %arg9[%dma_wait3A_549, %dma_wait3A_558, %dma_wait3A_559] : memref<2x8x1664xf32, #tpu.memory_space<vmem>> -> memref<1x8x1664xf32, #tpu.memory_space<vmem>>
        %dma_wait3A_561 = tpu.memref_squeeze %dma_wait3A_560 : memref<1x8x1664xf32, #tpu.memory_space<vmem>> -> memref<8x1664xf32, #tpu.memory_space<vmem>>
        tpu.wait_dma2 semaphore(%arg12 : memref<!tpu.dma_semaphore, #tpu.memory_space<semaphore_mem>>) src(%dma_wait3A_561 : memref<8x1664xf32, #tpu.memory_space<vmem>>) dst(%dma_wait3A_557 : memref<8x1664xf32, #tpu.memory_space<hbm>>)
      } else {
      }
      %eq3A_455 = arith.constant 0 : i32
      %eq3A_456 = arith.cmpi eq, %select_n3A_427, %eq3A_455 : i32
      %convert_element_type3A_457 = arith.extui %eq3A_456 : i1 to i32
      %cond3A_458 = arith.constant 0 : i32
      %cond3A_459 = arith.cmpi ne, %convert_element_type3A_457, %cond3A_458 : i32
      scf.if %cond3A_459 {
        %get3A = arith.constant 1 : i32
        %get3A_545 = arith.index_cast %get3A : i32 to index
        %get3A_546 = arith.constant 0 : index
        %get3A_547 = tpu.vector_load %arg6[%get3A_545, %get3A_546] {strides = array<i32>} : memref<2x128xf32, #tpu.memory_space<vmem>>, vector<16xf32>,
        %get3A_548 = arith.constant 1 : i32
        %get3A_549 = arith.index_cast %get3A_548 : i32 to index
        %get3A_550 = arith.constant 16 : index
        %get3A_551 = tpu.vector_load %arg6[%get3A_549, %get3A_550] {strides = array<i32>} : memref<2x128xf32, #tpu.memory_space<vmem>>, vector<16xf32>,
        %get3A_552 = arith.constant 1 : i32
        %get3A_553 = arith.index_cast %get3A_552 : i32 to index
        %get3A_554 = arith.constant 32 : index
        %get3A_555 = tpu.vector_load %arg6[%get3A_553, %get3A_554] {strides = array<i32>} : memref<2x128xf32, #tpu.memory_space<vmem>>, vector<16xf32>,
        %get3A_556 = arith.constant 1 : i32
        %get3A_557 = arith.index_cast %get3A_556 : i32 to index
        %get3A_558 = arith.constant 48 : index
        %get3A_559 = tpu.vector_load %arg6[%get3A_557, %get3A_558] {strides = array<i32>} : memref<2x128xf32, #tpu.memory_space<vmem>>, vector<16xf32>,
        %get3A_560 = arith.constant 1 : i32
        %get3A_561 = arith.index_cast %get3A_560 : i32 to index
        %get3A_562 = arith.constant 64 : index
        %get3A_563 = tpu.vector_load %arg6[%get3A_561, %get3A_562] {strides = array<i32>} : memref<2x128xf32, #tpu.memory_space<vmem>>, vector<16xf32>,
        %get3A_564 = arith.constant 1 : i32
        %get3A_565 = arith.index_cast %get3A_564 : i32 to index
        %get3A_566 = arith.constant 80 : index
        %get3A_567 = tpu.vector_load %arg6[%get3A_565, %get3A_566] {strides = array<i32>} : memref<2x128xf32, #tpu.memory_space<vmem>>, vector<16xf32>,
        %get3A_568 = arith.constant 1 : i32
        %get3A_569 = arith.index_cast %get3A_568 : i32 to index
        %get3A_570 = arith.constant 96 : index
        %get3A_571 = tpu.vector_load %arg6[%get3A_569, %get3A_570] {strides = array<i32>} : memref<2x128xf32, #tpu.memory_space<vmem>>, vector<16xf32>,
        %get3A_572 = arith.constant 1 : i32
        %get3A_573 = arith.index_cast %get3A_572 : i32 to index
        %get3A_574 = arith.constant 112 : index
        %get3A_575 = tpu.vector_load %arg6[%get3A_573, %get3A_574] {strides = array<i32>} : memref<2x128xf32, #tpu.memory_space<vmem>>, vector<16xf32>,
        %jit3A_576 = arith.constant 8 : i32
        %eq3A_577 = arith.constant 0 : i32
        %eq3A_578 = arith.cmpi eq, %jit3A_576, %eq3A_577 : i32
        %jit3A_579 = arith.constant 1 : i32
        %select_n3A_580 = arith.select %eq3A_578, %jit3A_579, %jit3A_576 : i32
        %rem3A_581 = arith.remsi %add3A_356, %select_n3A_580 : i32
        %ne3A_582 = arith.constant 0 : i32
        %ne3A_583 = arith.cmpi ne, %rem3A_581, %ne3A_582 : i32
        %lt3A_584 = arith.constant 0 : i32
        %lt3A_585 = arith.cmpi slt, %rem3A_581, %lt3A_584 : i32
        %lt3A_586 = arith.constant 0 : i32
        %lt3A_587 = arith.cmpi slt, %select_n3A_580, %lt3A_586 : i32
        %ne3A_588 = arith.xori %lt3A_585, %lt3A_587 : i1
        %and3A_589 = arith.andi %ne3A_588, %ne3A_583 : i1
        %add3A_590 = arith.addi %rem3A_581, %select_n3A_580 : i32
        %select_n3A_591 = arith.select %and3A_589, %add3A_590, %rem3A_581 : i32
        %scan3A_592 = arith.constant 0 : i32
        %scan3A_593 = arith.constant 0 : i32
        %scan3A_594 = arith.constant 13 : i32
        %scan3A_595 = arith.addi %scan3A_593, %scan3A_594 : i32
        %scan3A_596 = arith.constant 1 : i32
        scf.for %scan3A_598 = %scan3A_593 to %scan3A_595 step %scan3A_596  : i32 {
          %mul3A_599 = arith.constant 16 : i32
          %mul3A_600 = arith.muli %scan3A_598, %mul3A_599 : i32
          %add3A_601 = arith.constant 0 : i32
          %add3A_602 = arith.addi %mul3A_600, %add3A_601 : i32
          %add3A_603 = arith.constant 0 : i32
          %add3A_604 = arith.addi %add3A_602, %add3A_603 : i32
          %get3A_605 = arith.constant 1 : i32
          %get3A_606 = arith.index_cast %get3A_605 : i32 to index
          %get3A_607 = arith.index_cast %add3A_604 : i32 to index
          %get3A_608 = arith.constant 0 : index
          %get3A_609 = tpu.vector_load %arg8[%get3A_606, %get3A_607, %get3A_608] {strides = array<i32>} : memref<2x208x128xf32, #tpu.memory_space<vmem>>, vector<16xf32>,
          %mul3A_610 = arith.mulf %get3A_547, %get3A_609 : vector<16xf32>
          %get3A_611 = arith.constant 1 : i32
          %get3A_612 = arith.index_cast %get3A_611 : i32 to index
          %get3A_613 = arith.index_cast %add3A_604 : i32 to index
          %get3A_614 = arith.constant 16 : index
          %get3A_615 = tpu.vector_load %arg8[%get3A_612, %get3A_613, %get3A_614] {strides = array<i32>} : memref<2x208x128xf32, #tpu.memory_space<vmem>>, vector<16xf32>,
          %mul3A_616 = arith.mulf %get3A_551, %get3A_615 : vector<16xf32>
          %get3A_617 = arith.constant 1 : i32
          %get3A_618 = arith.index_cast %get3A_617 : i32 to index
          %get3A_619 = arith.index_cast %add3A_604 : i32 to index
          %get3A_620 = arith.constant 32 : index
          %get3A_621 = tpu.vector_load %arg8[%get3A_618, %get3A_619, %get3A_620] {strides = array<i32>} : memref<2x208x128xf32, #tpu.memory_space<vmem>>, vector<16xf32>,
          %mul3A_622 = arith.mulf %get3A_555, %get3A_621 : vector<16xf32>
          %add3A_623 = arith.addf %mul3A_610, %mul3A_622 : vector<16xf32>
          %get3A_624 = arith.constant 1 : i32
          %get3A_625 = arith.index_cast %get3A_624 : i32 to index
          %get3A_626 = arith.index_cast %add3A_604 : i32 to index
          %get3A_627 = arith.constant 48 : index
          %get3A_628 = tpu.vector_load %arg8[%get3A_625, %get3A_626, %get3A_627] {strides = array<i32>} : memref<2x208x128xf32, #tpu.memory_space<vmem>>, vector<16xf32>,
          %mul3A_629 = arith.mulf %get3A_559, %get3A_628 : vector<16xf32>
          %add3A_630 = arith.addf %mul3A_616, %mul3A_629 : vector<16xf32>
          %get3A_631 = arith.constant 1 : i32
          %get3A_632 = arith.index_cast %get3A_631 : i32 to index
          %get3A_633 = arith.index_cast %add3A_604 : i32 to index
          %get3A_634 = arith.constant 64 : index
          %get3A_635 = tpu.vector_load %arg8[%get3A_632, %get3A_633, %get3A_634] {strides = array<i32>} : memref<2x208x128xf32, #tpu.memory_space<vmem>>, vector<16xf32>,
          %mul3A_636 = arith.mulf %get3A_563, %get3A_635 : vector<16xf32>
          %add3A_637 = arith.addf %add3A_623, %mul3A_636 : vector<16xf32>
          %get3A_638 = arith.constant 1 : i32
          %get3A_639 = arith.index_cast %get3A_638 : i32 to index
          %get3A_640 = arith.index_cast %add3A_604 : i32 to index
          %get3A_641 = arith.constant 80 : index
          %get3A_642 = tpu.vector_load %arg8[%get3A_639, %get3A_640, %get3A_641] {strides = array<i32>} : memref<2x208x128xf32, #tpu.memory_space<vmem>>, vector<16xf32>,
          %mul3A_643 = arith.mulf %get3A_567, %get3A_642 : vector<16xf32>
          %add3A_644 = arith.addf %add3A_630, %mul3A_643 : vector<16xf32>
          %get3A_645 = arith.constant 1 : i32
          %get3A_646 = arith.index_cast %get3A_645 : i32 to index
          %get3A_647 = arith.index_cast %add3A_604 : i32 to index
          %get3A_648 = arith.constant 96 : index
          %get3A_649 = tpu.vector_load %arg8[%get3A_646, %get3A_647, %get3A_648] {strides = array<i32>} : memref<2x208x128xf32, #tpu.memory_space<vmem>>, vector<16xf32>,
          %mul3A_650 = arith.mulf %get3A_571, %get3A_649 : vector<16xf32>
          %add3A_651 = arith.addf %add3A_637, %mul3A_650 : vector<16xf32>
          %get3A_652 = arith.constant 1 : i32
          %get3A_653 = arith.index_cast %get3A_652 : i32 to index
          %get3A_654 = arith.index_cast %add3A_604 : i32 to index
          %get3A_655 = arith.constant 112 : index
          %get3A_656 = tpu.vector_load %arg8[%get3A_653, %get3A_654, %get3A_655] {strides = array<i32>} : memref<2x208x128xf32, #tpu.memory_space<vmem>>, vector<16xf32>,
          %mul3A_657 = arith.mulf %get3A_575, %get3A_656 : vector<16xf32>
          %add3A_658 = arith.addf %add3A_644, %mul3A_657 : vector<16xf32>
          %add3A_659 = arith.addf %add3A_651, %add3A_658 : vector<16xf32>
          %mul3A_660 = arith.constant 16 : i32
          %mul3A_661 = arith.muli %scan3A_598, %mul3A_660 : i32
          %add3A_662 = arith.constant 0 : i32
          %add3A_663 = arith.addi %mul3A_661, %add3A_662 : i32
          %add3A_664 = arith.constant 1 : i32
          %add3A_665 = arith.addi %add3A_663, %add3A_664 : i32
          %get3A_666 = arith.constant 1 : i32
          %get3A_667 = arith.index_cast %get3A_666 : i32 to index
          %get3A_668 = arith.index_cast %add3A_665 : i32 to index
          %get3A_669 = arith.constant 0 : index
          %get3A_670 = tpu.vector_load %arg8[%get3A_667, %get3A_668, %get3A_669] {strides = array<i32>} : memref<2x208x128xf32, #tpu.memory_space<vmem>>, vector<16xf32>,
          %mul3A_671 = arith.mulf %get3A_547, %get3A_670 : vector<16xf32>
          %get3A_672 = arith.constant 1 : i32
          %get3A_673 = arith.index_cast %get3A_672 : i32 to index
          %get3A_674 = arith.index_cast %add3A_665 : i32 to index
          %get3A_675 = arith.constant 16 : index
          %get3A_676 = tpu.vector_load %arg8[%get3A_673, %get3A_674, %get3A_675] {strides = array<i32>} : memref<2x208x128xf32, #tpu.memory_space<vmem>>, vector<16xf32>,
          %mul3A_677 = arith.mulf %get3A_551, %get3A_676 : vector<16xf32>
          %get3A_678 = arith.constant 1 : i32
          %get3A_679 = arith.index_cast %get3A_678 : i32 to index
          %get3A_680 = arith.index_cast %add3A_665 : i32 to index
          %get3A_681 = arith.constant 32 : index
          %get3A_682 = tpu.vector_load %arg8[%get3A_679, %get3A_680, %get3A_681] {strides = array<i32>} : memref<2x208x128xf32, #tpu.memory_space<vmem>>, vector<16xf32>,
          %mul3A_683 = arith.mulf %get3A_555, %get3A_682 : vector<16xf32>
          %add3A_684 = arith.addf %mul3A_671, %mul3A_683 : vector<16xf32>
          %get3A_685 = arith.constant 1 : i32
          %get3A_686 = arith.index_cast %get3A_685 : i32 to index
          %get3A_687 = arith.index_cast %add3A_665 : i32 to index
          %get3A_688 = arith.constant 48 : index
          %get3A_689 = tpu.vector_load %arg8[%get3A_686, %get3A_687, %get3A_688] {strides = array<i32>} : memref<2x208x128xf32, #tpu.memory_space<vmem>>, vector<16xf32>,
          %mul3A_690 = arith.mulf %get3A_559, %get3A_689 : vector<16xf32>
          %add3A_691 = arith.addf %mul3A_677, %mul3A_690 : vector<16xf32>
          %get3A_692 = arith.constant 1 : i32
          %get3A_693 = arith.index_cast %get3A_692 : i32 to index
          %get3A_694 = arith.index_cast %add3A_665 : i32 to index
          %get3A_695 = arith.constant 64 : index
          %get3A_696 = tpu.vector_load %arg8[%get3A_693, %get3A_694, %get3A_695] {strides = array<i32>} : memref<2x208x128xf32, #tpu.memory_space<vmem>>, vector<16xf32>,
          %mul3A_697 = arith.mulf %get3A_563, %get3A_696 : vector<16xf32>
          %add3A_698 = arith.addf %add3A_684, %mul3A_697 : vector<16xf32>
          %get3A_699 = arith.constant 1 : i32
          %get3A_700 = arith.index_cast %get3A_699 : i32 to index
          %get3A_701 = arith.index_cast %add3A_665 : i32 to index
          %get3A_702 = arith.constant 80 : index
          %get3A_703 = tpu.vector_load %arg8[%get3A_700, %get3A_701, %get3A_702] {strides = array<i32>} : memref<2x208x128xf32, #tpu.memory_space<vmem>>, vector<16xf32>,
          %mul3A_704 = arith.mulf %get3A_567, %get3A_703 : vector<16xf32>
          %add3A_705 = arith.addf %add3A_691, %mul3A_704 : vector<16xf32>
          %get3A_706 = arith.constant 1 : i32
          %get3A_707 = arith.index_cast %get3A_706 : i32 to index
          %get3A_708 = arith.index_cast %add3A_665 : i32 to index
          %get3A_709 = arith.constant 96 : index
          %get3A_710 = tpu.vector_load %arg8[%get3A_707, %get3A_708, %get3A_709] {strides = array<i32>} : memref<2x208x128xf32, #tpu.memory_space<vmem>>, vector<16xf32>,
          %mul3A_711 = arith.mulf %get3A_571, %get3A_710 : vector<16xf32>
          %add3A_712 = arith.addf %add3A_698, %mul3A_711 : vector<16xf32>
          %get3A_713 = arith.constant 1 : i32
          %get3A_714 = arith.index_cast %get3A_713 : i32 to index
          %get3A_715 = arith.index_cast %add3A_665 : i32 to index
          %get3A_716 = arith.constant 112 : index
          %get3A_717 = tpu.vector_load %arg8[%get3A_714, %get3A_715, %get3A_716] {strides = array<i32>} : memref<2x208x128xf32, #tpu.memory_space<vmem>>, vector<16xf32>,
          %mul3A_718 = arith.mulf %get3A_575, %get3A_717 : vector<16xf32>
          %add3A_719 = arith.addf %add3A_705, %mul3A_718 : vector<16xf32>
          %add3A_720 = arith.addf %add3A_712, %add3A_719 : vector<16xf32>
          %pack3A = tpu.pack_subelements %add3A_659, %add3A_720 {pack_format = #tpu.pack_format<interleaved>, positions = array<i32: 0, 1>} : vector<16xf32>, vector<16xf32> -> vector<32xbf16>
          %bitcast3A = vector.bitcast %pack3A : vector<32xbf16> to vector<16xf32>
          %mul3A_721 = arith.constant 16 : i32
          %mul3A_722 = arith.muli %scan3A_598, %mul3A_721 : i32
          %add3A_723 = arith.constant 0 : i32
          %add3A_724 = arith.addi %mul3A_722, %add3A_723 : i32
          %mul3A_725 = arith.constant 8 : i32
          %mul3A_726 = arith.muli %add3A_724, %mul3A_725 : i32
          %swap3A = arith.constant 0 : i32
          %swap3A_727 = arith.index_cast %swap3A : i32 to index
          %swap3A_728 = arith.index_cast %select_n3A_591 : i32 to index
          %swap3A_729 = arith.index_cast %mul3A_726 : i32 to index
          %swap3A_730 = tpu.vector_load %arg9[%swap3A_727, %swap3A_728, %swap3A_729] {strides = array<i32>} : memref<2x8x1664xf32, #tpu.memory_space<vmem>>, vector<16xf32>,
          tpu.vector_store %arg9[%swap3A_727, %swap3A_728, %swap3A_729], %bitcast3A {strides = array<i32>} : memref<2x8x1664xf32, #tpu.memory_space<vmem>>, vector<16xf32>,
          %mul3A_731 = arith.constant 16 : i32
          %mul3A_732 = arith.muli %scan3A_598, %mul3A_731 : i32
          %add3A_733 = arith.constant 2 : i32
          %add3A_734 = arith.addi %mul3A_732, %add3A_733 : i32
          %add3A_735 = arith.constant 0 : i32
          %add3A_736 = arith.addi %add3A_734, %add3A_735 : i32
          %get3A_737 = arith.constant 1 : i32
          %get3A_738 = arith.index_cast %get3A_737 : i32 to index
          %get3A_739 = arith.index_cast %add3A_736 : i32 to index
          %get3A_740 = arith.constant 0 : index
          %get3A_741 = tpu.vector_load %arg8[%get3A_738, %get3A_739, %get3A_740] {strides = array<i32>} : memref<2x208x128xf32, #tpu.memory_space<vmem>>, vector<16xf32>,
          %mul3A_742 = arith.mulf %get3A_547, %get3A_741 : vector<16xf32>
          %get3A_743 = arith.constant 1 : i32
          %get3A_744 = arith.index_cast %get3A_743 : i32 to index
          %get3A_745 = arith.index_cast %add3A_736 : i32 to index
          %get3A_746 = arith.constant 16 : index
          %get3A_747 = tpu.vector_load %arg8[%get3A_744, %get3A_745, %get3A_746] {strides = array<i32>} : memref<2x208x128xf32, #tpu.memory_space<vmem>>, vector<16xf32>,
          %mul3A_748 = arith.mulf %get3A_551, %get3A_747 : vector<16xf32>
          %get3A_749 = arith.constant 1 : i32
          %get3A_750 = arith.index_cast %get3A_749 : i32 to index
          %get3A_751 = arith.index_cast %add3A_736 : i32 to index
          %get3A_752 = arith.constant 32 : index
          %get3A_753 = tpu.vector_load %arg8[%get3A_750, %get3A_751, %get3A_752] {strides = array<i32>} : memref<2x208x128xf32, #tpu.memory_space<vmem>>, vector<16xf32>,
          %mul3A_754 = arith.mulf %get3A_555, %get3A_753 : vector<16xf32>
          %add3A_755 = arith.addf %mul3A_742, %mul3A_754 : vector<16xf32>
          %get3A_756 = arith.constant 1 : i32
          %get3A_757 = arith.index_cast %get3A_756 : i32 to index
          %get3A_758 = arith.index_cast %add3A_736 : i32 to index
          %get3A_759 = arith.constant 48 : index
          %get3A_760 = tpu.vector_load %arg8[%get3A_757, %get3A_758, %get3A_759] {strides = array<i32>} : memref<2x208x128xf32, #tpu.memory_space<vmem>>, vector<16xf32>,
          %mul3A_761 = arith.mulf %get3A_559, %get3A_760 : vector<16xf32>
          %add3A_762 = arith.addf %mul3A_748, %mul3A_761 : vector<16xf32>
          %get3A_763 = arith.constant 1 : i32
          %get3A_764 = arith.index_cast %get3A_763 : i32 to index
          %get3A_765 = arith.index_cast %add3A_736 : i32 to index
          %get3A_766 = arith.constant 64 : index
          %get3A_767 = tpu.vector_load %arg8[%get3A_764, %get3A_765, %get3A_766] {strides = array<i32>} : memref<2x208x128xf32, #tpu.memory_space<vmem>>, vector<16xf32>,
          %mul3A_768 = arith.mulf %get3A_563, %get3A_767 : vector<16xf32>
          %add3A_769 = arith.addf %add3A_755, %mul3A_768 : vector<16xf32>
          %get3A_770 = arith.constant 1 : i32
          %get3A_771 = arith.index_cast %get3A_770 : i32 to index
          %get3A_772 = arith.index_cast %add3A_736 : i32 to index
          %get3A_773 = arith.constant 80 : index
          %get3A_774 = tpu.vector_load %arg8[%get3A_771, %get3A_772, %get3A_773] {strides = array<i32>} : memref<2x208x128xf32, #tpu.memory_space<vmem>>, vector<16xf32>,
          %mul3A_775 = arith.mulf %get3A_567, %get3A_774 : vector<16xf32>
          %add3A_776 = arith.addf %add3A_762, %mul3A_775 : vector<16xf32>
          %get3A_777 = arith.constant 1 : i32
          %get3A_778 = arith.index_cast %get3A_777 : i32 to index
          %get3A_779 = arith.index_cast %add3A_736 : i32 to index
          %get3A_780 = arith.constant 96 : index
          %get3A_781 = tpu.vector_load %arg8[%get3A_778, %get3A_779, %get3A_780] {strides = array<i32>} : memref<2x208x128xf32, #tpu.memory_space<vmem>>, vector<16xf32>,
          %mul3A_782 = arith.mulf %get3A_571, %get3A_781 : vector<16xf32>
          %add3A_783 = arith.addf %add3A_769, %mul3A_782 : vector<16xf32>
          %get3A_784 = arith.constant 1 : i32
          %get3A_785 = arith.index_cast %get3A_784 : i32 to index
          %get3A_786 = arith.index_cast %add3A_736 : i32 to index
          %get3A_787 = arith.constant 112 : index
          %get3A_788 = tpu.vector_load %arg8[%get3A_785, %get3A_786, %get3A_787] {strides = array<i32>} : memref<2x208x128xf32, #tpu.memory_space<vmem>>, vector<16xf32>,
          %mul3A_789 = arith.mulf %get3A_575, %get3A_788 : vector<16xf32>
          %add3A_790 = arith.addf %add3A_776, %mul3A_789 : vector<16xf32>
          %add3A_791 = arith.addf %add3A_783, %add3A_790 : vector<16xf32>
          %mul3A_792 = arith.constant 16 : i32
          %mul3A_793 = arith.muli %scan3A_598, %mul3A_792 : i32
          %add3A_794 = arith.constant 2 : i32
          %add3A_795 = arith.addi %mul3A_793, %add3A_794 : i32
          %add3A_796 = arith.constant 1 : i32
          %add3A_797 = arith.addi %add3A_795, %add3A_796 : i32
          %get3A_798 = arith.constant 1 : i32
          %get3A_799 = arith.index_cast %get3A_798 : i32 to index
          %get3A_800 = arith.index_cast %add3A_797 : i32 to index
          %get3A_801 = arith.constant 0 : index
          %get3A_802 = tpu.vector_load %arg8[%get3A_799, %get3A_800, %get3A_801] {strides = array<i32>} : memref<2x208x128xf32, #tpu.memory_space<vmem>>, vector<16xf32>,
          %mul3A_803 = arith.mulf %get3A_547, %get3A_802 : vector<16xf32>
          %get3A_804 = arith.constant 1 : i32
          %get3A_805 = arith.index_cast %get3A_804 : i32 to index
          %get3A_806 = arith.index_cast %add3A_797 : i32 to index
          %get3A_807 = arith.constant 16 : index
          %get3A_808 = tpu.vector_load %arg8[%get3A_805, %get3A_806, %get3A_807] {strides = array<i32>} : memref<2x208x128xf32, #tpu.memory_space<vmem>>, vector<16xf32>,
          %mul3A_809 = arith.mulf %get3A_551, %get3A_808 : vector<16xf32>
          %get3A_810 = arith.constant 1 : i32
          %get3A_811 = arith.index_cast %get3A_810 : i32 to index
          %get3A_812 = arith.index_cast %add3A_797 : i32 to index
          %get3A_813 = arith.constant 32 : index
          %get3A_814 = tpu.vector_load %arg8[%get3A_811, %get3A_812, %get3A_813] {strides = array<i32>} : memref<2x208x128xf32, #tpu.memory_space<vmem>>, vector<16xf32>,
          %mul3A_815 = arith.mulf %get3A_555, %get3A_814 : vector<16xf32>
          %add3A_816 = arith.addf %mul3A_803, %mul3A_815 : vector<16xf32>
          %get3A_817 = arith.constant 1 : i32
          %get3A_818 = arith.index_cast %get3A_817 : i32 to index
          %get3A_819 = arith.index_cast %add3A_797 : i32 to index
          %get3A_820 = arith.constant 48 : index
          %get3A_821 = tpu.vector_load %arg8[%get3A_818, %get3A_819, %get3A_820] {strides = array<i32>} : memref<2x208x128xf32, #tpu.memory_space<vmem>>, vector<16xf32>,
          %mul3A_822 = arith.mulf %get3A_559, %get3A_821 : vector<16xf32>
          %add3A_823 = arith.addf %mul3A_809, %mul3A_822 : vector<16xf32>
          %get3A_824 = arith.constant 1 : i32
          %get3A_825 = arith.index_cast %get3A_824 : i32 to index
          %get3A_826 = arith.index_cast %add3A_797 : i32 to index
          %get3A_827 = arith.constant 64 : index
          %get3A_828 = tpu.vector_load %arg8[%get3A_825, %get3A_826, %get3A_827] {strides = array<i32>} : memref<2x208x128xf32, #tpu.memory_space<vmem>>, vector<16xf32>,
          %mul3A_829 = arith.mulf %get3A_563, %get3A_828 : vector<16xf32>
          %add3A_830 = arith.addf %add3A_816, %mul3A_829 : vector<16xf32>
          %get3A_831 = arith.constant 1 : i32
          %get3A_832 = arith.index_cast %get3A_831 : i32 to index
          %get3A_833 = arith.index_cast %add3A_797 : i32 to index
          %get3A_834 = arith.constant 80 : index
          %get3A_835 = tpu.vector_load %arg8[%get3A_832, %get3A_833, %get3A_834] {strides = array<i32>} : memref<2x208x128xf32, #tpu.memory_space<vmem>>, vector<16xf32>,
          %mul3A_836 = arith.mulf %get3A_567, %get3A_835 : vector<16xf32>
          %add3A_837 = arith.addf %add3A_823, %mul3A_836 : vector<16xf32>
          %get3A_838 = arith.constant 1 : i32
          %get3A_839 = arith.index_cast %get3A_838 : i32 to index
          %get3A_840 = arith.index_cast %add3A_797 : i32 to index
          %get3A_841 = arith.constant 96 : index
          %get3A_842 = tpu.vector_load %arg8[%get3A_839, %get3A_840, %get3A_841] {strides = array<i32>} : memref<2x208x128xf32, #tpu.memory_space<vmem>>, vector<16xf32>,
          %mul3A_843 = arith.mulf %get3A_571, %get3A_842 : vector<16xf32>
          %add3A_844 = arith.addf %add3A_830, %mul3A_843 : vector<16xf32>
          %get3A_845 = arith.constant 1 : i32
          %get3A_846 = arith.index_cast %get3A_845 : i32 to index
          %get3A_847 = arith.index_cast %add3A_797 : i32 to index
          %get3A_848 = arith.constant 112 : index
          %get3A_849 = tpu.vector_load %arg8[%get3A_846, %get3A_847, %get3A_848] {strides = array<i32>} : memref<2x208x128xf32, #tpu.memory_space<vmem>>, vector<16xf32>,
          %mul3A_850 = arith.mulf %get3A_575, %get3A_849 : vector<16xf32>
          %add3A_851 = arith.addf %add3A_837, %mul3A_850 : vector<16xf32>
          %add3A_852 = arith.addf %add3A_844, %add3A_851 : vector<16xf32>
          %pack3A_853 = tpu.pack_subelements %add3A_791, %add3A_852 {pack_format = #tpu.pack_format<interleaved>, positions = array<i32: 0, 1>} : vector<16xf32>, vector<16xf32> -> vector<32xbf16>
          %bitcast3A_854 = vector.bitcast %pack3A_853 : vector<32xbf16> to vector<16xf32>
          %mul3A_855 = arith.constant 16 : i32
          %mul3A_856 = arith.muli %scan3A_598, %mul3A_855 : i32
          %add3A_857 = arith.constant 2 : i32
          %add3A_858 = arith.addi %mul3A_856, %add3A_857 : i32
          %mul3A_859 = arith.constant 8 : i32
          %mul3A_860 = arith.muli %add3A_858, %mul3A_859 : i32
          %swap3A_861 = arith.constant 0 : i32
          %swap3A_862 = arith.index_cast %swap3A_861 : i32 to index
          %swap3A_863 = arith.index_cast %select_n3A_591 : i32 to index
          %swap3A_864 = arith.index_cast %mul3A_860 : i32 to index
          %swap3A_865 = tpu.vector_load %arg9[%swap3A_862, %swap3A_863, %swap3A_864] {strides = array<i32>} : memref<2x8x1664xf32, #tpu.memory_space<vmem>>, vector<16xf32>,
          tpu.vector_store %arg9[%swap3A_862, %swap3A_863, %swap3A_864], %bitcast3A_854 {strides = array<i32>} : memref<2x8x1664xf32, #tpu.memory_space<vmem>>, vector<16xf32>,
          %mul3A_866 = arith.constant 16 : i32
          %mul3A_867 = arith.muli %scan3A_598, %mul3A_866 : i32
          %add3A_868 = arith.constant 4 : i32
          %add3A_869 = arith.addi %mul3A_867, %add3A_868 : i32
          %add3A_870 = arith.constant 0 : i32
          %add3A_871 = arith.addi %add3A_869, %add3A_870 : i32
          %get3A_872 = arith.constant 1 : i32
          %get3A_873 = arith.index_cast %get3A_872 : i32 to index
          %get3A_874 = arith.index_cast %add3A_871 : i32 to index
          %get3A_875 = arith.constant 0 : index
          %get3A_876 = tpu.vector_load %arg8[%get3A_873, %get3A_874, %get3A_875] {strides = array<i32>} : memref<2x208x128xf32, #tpu.memory_space<vmem>>, vector<16xf32>,
          %mul3A_877 = arith.mulf %get3A_547, %get3A_876 : vector<16xf32>
          %get3A_878 = arith.constant 1 : i32
          %get3A_879 = arith.index_cast %get3A_878 : i32 to index
          %get3A_880 = arith.index_cast %add3A_871 : i32 to index
          %get3A_881 = arith.constant 16 : index
          %get3A_882 = tpu.vector_load %arg8[%get3A_879, %get3A_880, %get3A_881] {strides = array<i32>} : memref<2x208x128xf32, #tpu.memory_space<vmem>>, vector<16xf32>,
          %mul3A_883 = arith.mulf %get3A_551, %get3A_882 : vector<16xf32>
          %get3A_884 = arith.constant 1 : i32
          %get3A_885 = arith.index_cast %get3A_884 : i32 to index
          %get3A_886 = arith.index_cast %add3A_871 : i32 to index
          %get3A_887 = arith.constant 32 : index
          %get3A_888 = tpu.vector_load %arg8[%get3A_885, %get3A_886, %get3A_887] {strides = array<i32>} : memref<2x208x128xf32, #tpu.memory_space<vmem>>, vector<16xf32>,
          %mul3A_889 = arith.mulf %get3A_555, %get3A_888 : vector<16xf32>
          %add3A_890 = arith.addf %mul3A_877, %mul3A_889 : vector<16xf32>
          %get3A_891 = arith.constant 1 : i32
          %get3A_892 = arith.index_cast %get3A_891 : i32 to index
          %get3A_893 = arith.index_cast %add3A_871 : i32 to index
          %get3A_894 = arith.constant 48 : index
          %get3A_895 = tpu.vector_load %arg8[%get3A_892, %get3A_893, %get3A_894] {strides = array<i32>} : memref<2x208x128xf32, #tpu.memory_space<vmem>>, vector<16xf32>,
          %mul3A_896 = arith.mulf %get3A_559, %get3A_895 : vector<16xf32>
          %add3A_897 = arith.addf %mul3A_883, %mul3A_896 : vector<16xf32>
          %get3A_898 = arith.constant 1 : i32
          %get3A_899 = arith.index_cast %get3A_898 : i32 to index
          %get3A_900 = arith.index_cast %add3A_871 : i32 to index
          %get3A_901 = arith.constant 64 : index
          %get3A_902 = tpu.vector_load %arg8[%get3A_899, %get3A_900, %get3A_901] {strides = array<i32>} : memref<2x208x128xf32, #tpu.memory_space<vmem>>, vector<16xf32>,
          %mul3A_903 = arith.mulf %get3A_563, %get3A_902 : vector<16xf32>
          %add3A_904 = arith.addf %add3A_890, %mul3A_903 : vector<16xf32>
          %get3A_905 = arith.constant 1 : i32
          %get3A_906 = arith.index_cast %get3A_905 : i32 to index
          %get3A_907 = arith.index_cast %add3A_871 : i32 to index
          %get3A_908 = arith.constant 80 : index
          %get3A_909 = tpu.vector_load %arg8[%get3A_906, %get3A_907, %get3A_908] {strides = array<i32>} : memref<2x208x128xf32, #tpu.memory_space<vmem>>, vector<16xf32>,
          %mul3A_910 = arith.mulf %get3A_567, %get3A_909 : vector<16xf32>
          %add3A_911 = arith.addf %add3A_897, %mul3A_910 : vector<16xf32>
          %get3A_912 = arith.constant 1 : i32
          %get3A_913 = arith.index_cast %get3A_912 : i32 to index
          %get3A_914 = arith.index_cast %add3A_871 : i32 to index
          %get3A_915 = arith.constant 96 : index
          %get3A_916 = tpu.vector_load %arg8[%get3A_913, %get3A_914, %get3A_915] {strides = array<i32>} : memref<2x208x128xf32, #tpu.memory_space<vmem>>, vector<16xf32>,
          %mul3A_917 = arith.mulf %get3A_571, %get3A_916 : vector<16xf32>
          %add3A_918 = arith.addf %add3A_904, %mul3A_917 : vector<16xf32>
          %get3A_919 = arith.constant 1 : i32
          %get3A_920 = arith.index_cast %get3A_919 : i32 to index
          %get3A_921 = arith.index_cast %add3A_871 : i32 to index
          %get3A_922 = arith.constant 112 : index
          %get3A_923 = tpu.vector_load %arg8[%get3A_920, %get3A_921, %get3A_922] {strides = array<i32>} : memref<2x208x128xf32, #tpu.memory_space<vmem>>, vector<16xf32>,
          %mul3A_924 = arith.mulf %get3A_575, %get3A_923 : vector<16xf32>
          %add3A_925 = arith.addf %add3A_911, %mul3A_924 : vector<16xf32>
          %add3A_926 = arith.addf %add3A_918, %add3A_925 : vector<16xf32>
          %mul3A_927 = arith.constant 16 : i32
          %mul3A_928 = arith.muli %scan3A_598, %mul3A_927 : i32
          %add3A_929 = arith.constant 4 : i32
          %add3A_930 = arith.addi %mul3A_928, %add3A_929 : i32
          %add3A_931 = arith.constant 1 : i32
          %add3A_932 = arith.addi %add3A_930, %add3A_931 : i32
          %get3A_933 = arith.constant 1 : i32
          %get3A_934 = arith.index_cast %get3A_933 : i32 to index
          %get3A_935 = arith.index_cast %add3A_932 : i32 to index
          %get3A_936 = arith.constant 0 : index
          %get3A_937 = tpu.vector_load %arg8[%get3A_934, %get3A_935, %get3A_936] {strides = array<i32>} : memref<2x208x128xf32, #tpu.memory_space<vmem>>, vector<16xf32>,
          %mul3A_938 = arith.mulf %get3A_547, %get3A_937 : vector<16xf32>
          %get3A_939 = arith.constant 1 : i32
          %get3A_940 = arith.index_cast %get3A_939 : i32 to index
          %get3A_941 = arith.index_cast %add3A_932 : i32 to index
          %get3A_942 = arith.constant 16 : index
          %get3A_943 = tpu.vector_load %arg8[%get3A_940, %get3A_941, %get3A_942] {strides = array<i32>} : memref<2x208x128xf32, #tpu.memory_space<vmem>>, vector<16xf32>,
          %mul3A_944 = arith.mulf %get3A_551, %get3A_943 : vector<16xf32>
          %get3A_945 = arith.constant 1 : i32
          %get3A_946 = arith.index_cast %get3A_945 : i32 to index
          %get3A_947 = arith.index_cast %add3A_932 : i32 to index
          %get3A_948 = arith.constant 32 : index
          %get3A_949 = tpu.vector_load %arg8[%get3A_946, %get3A_947, %get3A_948] {strides = array<i32>} : memref<2x208x128xf32, #tpu.memory_space<vmem>>, vector<16xf32>,
          %mul3A_950 = arith.mulf %get3A_555, %get3A_949 : vector<16xf32>
          %add3A_951 = arith.addf %mul3A_938, %mul3A_950 : vector<16xf32>
          %get3A_952 = arith.constant 1 : i32
          %get3A_953 = arith.index_cast %get3A_952 : i32 to index
          %get3A_954 = arith.index_cast %add3A_932 : i32 to index
          %get3A_955 = arith.constant 48 : index
          %get3A_956 = tpu.vector_load %arg8[%get3A_953, %get3A_954, %get3A_955] {strides = array<i32>} : memref<2x208x128xf32, #tpu.memory_space<vmem>>, vector<16xf32>,
          %mul3A_957 = arith.mulf %get3A_559, %get3A_956 : vector<16xf32>
          %add3A_958 = arith.addf %mul3A_944, %mul3A_957 : vector<16xf32>
          %get3A_959 = arith.constant 1 : i32
          %get3A_960 = arith.index_cast %get3A_959 : i32 to index
          %get3A_961 = arith.index_cast %add3A_932 : i32 to index
          %get3A_962 = arith.constant 64 : index
          %get3A_963 = tpu.vector_load %arg8[%get3A_960, %get3A_961, %get3A_962] {strides = array<i32>} : memref<2x208x128xf32, #tpu.memory_space<vmem>>, vector<16xf32>,
          %mul3A_964 = arith.mulf %get3A_563, %get3A_963 : vector<16xf32>
          %add3A_965 = arith.addf %add3A_951, %mul3A_964 : vector<16xf32>
          %get3A_966 = arith.constant 1 : i32
          %get3A_967 = arith.index_cast %get3A_966 : i32 to index
          %get3A_968 = arith.index_cast %add3A_932 : i32 to index
          %get3A_969 = arith.constant 80 : index
          %get3A_970 = tpu.vector_load %arg8[%get3A_967, %get3A_968, %get3A_969] {strides = array<i32>} : memref<2x208x128xf32, #tpu.memory_space<vmem>>, vector<16xf32>,
          %mul3A_971 = arith.mulf %get3A_567, %get3A_970 : vector<16xf32>
          %add3A_972 = arith.addf %add3A_958, %mul3A_971 : vector<16xf32>
          %get3A_973 = arith.constant 1 : i32
          %get3A_974 = arith.index_cast %get3A_973 : i32 to index
          %get3A_975 = arith.index_cast %add3A_932 : i32 to index
          %get3A_976 = arith.constant 96 : index
          %get3A_977 = tpu.vector_load %arg8[%get3A_974, %get3A_975, %get3A_976] {strides = array<i32>} : memref<2x208x128xf32, #tpu.memory_space<vmem>>, vector<16xf32>,
          %mul3A_978 = arith.mulf %get3A_571, %get3A_977 : vector<16xf32>
          %add3A_979 = arith.addf %add3A_965, %mul3A_978 : vector<16xf32>
          %get3A_980 = arith.constant 1 : i32
          %get3A_981 = arith.index_cast %get3A_980 : i32 to index
          %get3A_982 = arith.index_cast %add3A_932 : i32 to index
          %get3A_983 = arith.constant 112 : index
          %get3A_984 = tpu.vector_load %arg8[%get3A_981, %get3A_982, %get3A_983] {strides = array<i32>} : memref<2x208x128xf32, #tpu.memory_space<vmem>>, vector<16xf32>,
          %mul3A_985 = arith.mulf %get3A_575, %get3A_984 : vector<16xf32>
          %add3A_986 = arith.addf %add3A_972, %mul3A_985 : vector<16xf32>
          %add3A_987 = arith.addf %add3A_979, %add3A_986 : vector<16xf32>
          %pack3A_988 = tpu.pack_subelements %add3A_926, %add3A_987 {pack_format = #tpu.pack_format<interleaved>, positions = array<i32: 0, 1>} : vector<16xf32>, vector<16xf32> -> vector<32xbf16>
          %bitcast3A_989 = vector.bitcast %pack3A_988 : vector<32xbf16> to vector<16xf32>
          %mul3A_990 = arith.constant 16 : i32
          %mul3A_991 = arith.muli %scan3A_598, %mul3A_990 : i32
          %add3A_992 = arith.constant 4 : i32
          %add3A_993 = arith.addi %mul3A_991, %add3A_992 : i32
          %mul3A_994 = arith.constant 8 : i32
          %mul3A_995 = arith.muli %add3A_993, %mul3A_994 : i32
          %swap3A_996 = arith.constant 0 : i32
          %swap3A_997 = arith.index_cast %swap3A_996 : i32 to index
          %swap3A_998 = arith.index_cast %select_n3A_591 : i32 to index
          %swap3A_999 = arith.index_cast %mul3A_995 : i32 to index
          %swap3A_1000 = tpu.vector_load %arg9[%swap3A_997, %swap3A_998, %swap3A_999] {strides = array<i32>} : memref<2x8x1664xf32, #tpu.memory_space<vmem>>, vector<16xf32>,
          tpu.vector_store %arg9[%swap3A_997, %swap3A_998, %swap3A_999], %bitcast3A_989 {strides = array<i32>} : memref<2x8x1664xf32, #tpu.memory_space<vmem>>, vector<16xf32>,
          %mul3A_1001 = arith.constant 16 : i32
          %mul3A_1002 = arith.muli %scan3A_598, %mul3A_1001 : i32
          %add3A_1003 = arith.constant 6 : i32
          %add3A_1004 = arith.addi %mul3A_1002, %add3A_1003 : i32
          %add3A_1005 = arith.constant 0 : i32
          %add3A_1006 = arith.addi %add3A_1004, %add3A_1005 : i32
          %get3A_1007 = arith.constant 1 : i32
          %get3A_1008 = arith.index_cast %get3A_1007 : i32 to index
          %get3A_1009 = arith.index_cast %add3A_1006 : i32 to index
          %get3A_1010 = arith.constant 0 : index
          %get3A_1011 = tpu.vector_load %arg8[%get3A_1008, %get3A_1009, %get3A_1010] {strides = array<i32>} : memref<2x208x128xf32, #tpu.memory_space<vmem>>, vector<16xf32>,
          %mul3A_1012 = arith.mulf %get3A_547, %get3A_1011 : vector<16xf32>
          %get3A_1013 = arith.constant 1 : i32
          %get3A_1014 = arith.index_cast %get3A_1013 : i32 to index
          %get3A_1015 = arith.index_cast %add3A_1006 : i32 to index
          %get3A_1016 = arith.constant 16 : index
          %get3A_1017 = tpu.vector_load %arg8[%get3A_1014, %get3A_1015, %get3A_1016] {strides = array<i32>} : memref<2x208x128xf32, #tpu.memory_space<vmem>>, vector<16xf32>,
          %mul3A_1018 = arith.mulf %get3A_551, %get3A_1017 : vector<16xf32>
          %get3A_1019 = arith.constant 1 : i32
          %get3A_1020 = arith.index_cast %get3A_1019 : i32 to index
          %get3A_1021 = arith.index_cast %add3A_1006 : i32 to index
          %get3A_1022 = arith.constant 32 : index
          %get3A_1023 = tpu.vector_load %arg8[%get3A_1020, %get3A_1021, %get3A_1022] {strides = array<i32>} : memref<2x208x128xf32, #tpu.memory_space<vmem>>, vector<16xf32>,
          %mul3A_1024 = arith.mulf %get3A_555, %get3A_1023 : vector<16xf32>
          %add3A_1025 = arith.addf %mul3A_1012, %mul3A_1024 : vector<16xf32>
          %get3A_1026 = arith.constant 1 : i32
          %get3A_1027 = arith.index_cast %get3A_1026 : i32 to index
          %get3A_1028 = arith.index_cast %add3A_1006 : i32 to index
          %get3A_1029 = arith.constant 48 : index
          %get3A_1030 = tpu.vector_load %arg8[%get3A_1027, %get3A_1028, %get3A_1029] {strides = array<i32>} : memref<2x208x128xf32, #tpu.memory_space<vmem>>, vector<16xf32>,
          %mul3A_1031 = arith.mulf %get3A_559, %get3A_1030 : vector<16xf32>
          %add3A_1032 = arith.addf %mul3A_1018, %mul3A_1031 : vector<16xf32>
          %get3A_1033 = arith.constant 1 : i32
          %get3A_1034 = arith.index_cast %get3A_1033 : i32 to index
          %get3A_1035 = arith.index_cast %add3A_1006 : i32 to index
          %get3A_1036 = arith.constant 64 : index
          %get3A_1037 = tpu.vector_load %arg8[%get3A_1034, %get3A_1035, %get3A_1036] {strides = array<i32>} : memref<2x208x128xf32, #tpu.memory_space<vmem>>, vector<16xf32>,
          %mul3A_1038 = arith.mulf %get3A_563, %get3A_1037 : vector<16xf32>
          %add3A_1039 = arith.addf %add3A_1025, %mul3A_1038 : vector<16xf32>
          %get3A_1040 = arith.constant 1 : i32
          %get3A_1041 = arith.index_cast %get3A_1040 : i32 to index
          %get3A_1042 = arith.index_cast %add3A_1006 : i32 to index
          %get3A_1043 = arith.constant 80 : index
          %get3A_1044 = tpu.vector_load %arg8[%get3A_1041, %get3A_1042, %get3A_1043] {strides = array<i32>} : memref<2x208x128xf32, #tpu.memory_space<vmem>>, vector<16xf32>,
          %mul3A_1045 = arith.mulf %get3A_567, %get3A_1044 : vector<16xf32>
          %add3A_1046 = arith.addf %add3A_1032, %mul3A_1045 : vector<16xf32>
          %get3A_1047 = arith.constant 1 : i32
          %get3A_1048 = arith.index_cast %get3A_1047 : i32 to index
          %get3A_1049 = arith.index_cast %add3A_1006 : i32 to index
          %get3A_1050 = arith.constant 96 : index
          %get3A_1051 = tpu.vector_load %arg8[%get3A_1048, %get3A_1049, %get3A_1050] {strides = array<i32>} : memref<2x208x128xf32, #tpu.memory_space<vmem>>, vector<16xf32>,
          %mul3A_1052 = arith.mulf %get3A_571, %get3A_1051 : vector<16xf32>
          %add3A_1053 = arith.addf %add3A_1039, %mul3A_1052 : vector<16xf32>
          %get3A_1054 = arith.constant 1 : i32
          %get3A_1055 = arith.index_cast %get3A_1054 : i32 to index
          %get3A_1056 = arith.index_cast %add3A_1006 : i32 to index
          %get3A_1057 = arith.constant 112 : index
          %get3A_1058 = tpu.vector_load %arg8[%get3A_1055, %get3A_1056, %get3A_1057] {strides = array<i32>} : memref<2x208x128xf32, #tpu.memory_space<vmem>>, vector<16xf32>,
          %mul3A_1059 = arith.mulf %get3A_575, %get3A_1058 : vector<16xf32>
          %add3A_1060 = arith.addf %add3A_1046, %mul3A_1059 : vector<16xf32>
          %add3A_1061 = arith.addf %add3A_1053, %add3A_1060 : vector<16xf32>
          %mul3A_1062 = arith.constant 16 : i32
          %mul3A_1063 = arith.muli %scan3A_598, %mul3A_1062 : i32
          %add3A_1064 = arith.constant 6 : i32
          %add3A_1065 = arith.addi %mul3A_1063, %add3A_1064 : i32
          %add3A_1066 = arith.constant 1 : i32
          %add3A_1067 = arith.addi %add3A_1065, %add3A_1066 : i32
          %get3A_1068 = arith.constant 1 : i32
          %get3A_1069 = arith.index_cast %get3A_1068 : i32 to index
          %get3A_1070 = arith.index_cast %add3A_1067 : i32 to index
          %get3A_1071 = arith.constant 0 : index
          %get3A_1072 = tpu.vector_load %arg8[%get3A_1069, %get3A_1070, %get3A_1071] {strides = array<i32>} : memref<2x208x128xf32, #tpu.memory_space<vmem>>, vector<16xf32>,
          %mul3A_1073 = arith.mulf %get3A_547, %get3A_1072 : vector<16xf32>
          %get3A_1074 = arith.constant 1 : i32
          %get3A_1075 = arith.index_cast %get3A_1074 : i32 to index
          %get3A_1076 = arith.index_cast %add3A_1067 : i32 to index
          %get3A_1077 = arith.constant 16 : index
          %get3A_1078 = tpu.vector_load %arg8[%get3A_1075, %get3A_1076, %get3A_1077] {strides = array<i32>} : memref<2x208x128xf32, #tpu.memory_space<vmem>>, vector<16xf32>,
          %mul3A_1079 = arith.mulf %get3A_551, %get3A_1078 : vector<16xf32>
          %get3A_1080 = arith.constant 1 : i32
          %get3A_1081 = arith.index_cast %get3A_1080 : i32 to index
          %get3A_1082 = arith.index_cast %add3A_1067 : i32 to index
          %get3A_1083 = arith.constant 32 : index
          %get3A_1084 = tpu.vector_load %arg8[%get3A_1081, %get3A_1082, %get3A_1083] {strides = array<i32>} : memref<2x208x128xf32, #tpu.memory_space<vmem>>, vector<16xf32>,
          %mul3A_1085 = arith.mulf %get3A_555, %get3A_1084 : vector<16xf32>
          %add3A_1086 = arith.addf %mul3A_1073, %mul3A_1085 : vector<16xf32>
          %get3A_1087 = arith.constant 1 : i32
          %get3A_1088 = arith.index_cast %get3A_1087 : i32 to index
          %get3A_1089 = arith.index_cast %add3A_1067 : i32 to index
          %get3A_1090 = arith.constant 48 : index
          %get3A_1091 = tpu.vector_load %arg8[%get3A_1088, %get3A_1089, %get3A_1090] {strides = array<i32>} : memref<2x208x128xf32, #tpu.memory_space<vmem>>, vector<16xf32>,
          %mul3A_1092 = arith.mulf %get3A_559, %get3A_1091 : vector<16xf32>
          %add3A_1093 = arith.addf %mul3A_1079, %mul3A_1092 : vector<16xf32>
          %get3A_1094 = arith.constant 1 : i32
          %get3A_1095 = arith.index_cast %get3A_1094 : i32 to index
          %get3A_1096 = arith.index_cast %add3A_1067 : i32 to index
          %get3A_1097 = arith.constant 64 : index
          %get3A_1098 = tpu.vector_load %arg8[%get3A_1095, %get3A_1096, %get3A_1097] {strides = array<i32>} : memref<2x208x128xf32, #tpu.memory_space<vmem>>, vector<16xf32>,
          %mul3A_1099 = arith.mulf %get3A_563, %get3A_1098 : vector<16xf32>
          %add3A_1100 = arith.addf %add3A_1086, %mul3A_1099 : vector<16xf32>
          %get3A_1101 = arith.constant 1 : i32
          %get3A_1102 = arith.index_cast %get3A_1101 : i32 to index
          %get3A_1103 = arith.index_cast %add3A_1067 : i32 to index
          %get3A_1104 = arith.constant 80 : index
          %get3A_1105 = tpu.vector_load %arg8[%get3A_1102, %get3A_1103, %get3A_1104] {strides = array<i32>} : memref<2x208x128xf32, #tpu.memory_space<vmem>>, vector<16xf32>,
          %mul3A_1106 = arith.mulf %get3A_567, %get3A_1105 : vector<16xf32>
          %add3A_1107 = arith.addf %add3A_1093, %mul3A_1106 : vector<16xf32>
          %get3A_1108 = arith.constant 1 : i32
          %get3A_1109 = arith.index_cast %get3A_1108 : i32 to index
          %get3A_1110 = arith.index_cast %add3A_1067 : i32 to index
          %get3A_1111 = arith.constant 96 : index
          %get3A_1112 = tpu.vector_load %arg8[%get3A_1109, %get3A_1110, %get3A_1111] {strides = array<i32>} : memref<2x208x128xf32, #tpu.memory_space<vmem>>, vector<16xf32>,
          %mul3A_1113 = arith.mulf %get3A_571, %get3A_1112 : vector<16xf32>
          %add3A_1114 = arith.addf %add3A_1100, %mul3A_1113 : vector<16xf32>
          %get3A_1115 = arith.constant 1 : i32
          %get3A_1116 = arith.index_cast %get3A_1115 : i32 to index
          %get3A_1117 = arith.index_cast %add3A_1067 : i32 to index
          %get3A_1118 = arith.constant 112 : index
          %get3A_1119 = tpu.vector_load %arg8[%get3A_1116, %get3A_1117, %get3A_1118] {strides = array<i32>} : memref<2x208x128xf32, #tpu.memory_space<vmem>>, vector<16xf32>,
          %mul3A_1120 = arith.mulf %get3A_575, %get3A_1119 : vector<16xf32>
          %add3A_1121 = arith.addf %add3A_1107, %mul3A_1120 : vector<16xf32>
          %add3A_1122 = arith.addf %add3A_1114, %add3A_1121 : vector<16xf32>
          %pack3A_1123 = tpu.pack_subelements %add3A_1061, %add3A_1122 {pack_format = #tpu.pack_format<interleaved>, positions = array<i32: 0, 1>} : vector<16xf32>, vector<16xf32> -> vector<32xbf16>
          %bitcast3A_1124 = vector.bitcast %pack3A_1123 : vector<32xbf16> to vector<16xf32>
          %mul3A_1125 = arith.constant 16 : i32
          %mul3A_1126 = arith.muli %scan3A_598, %mul3A_1125 : i32
          %add3A_1127 = arith.constant 6 : i32
          %add3A_1128 = arith.addi %mul3A_1126, %add3A_1127 : i32
          %mul3A_1129 = arith.constant 8 : i32
          %mul3A_1130 = arith.muli %add3A_1128, %mul3A_1129 : i32
          %swap3A_1131 = arith.constant 0 : i32
          %swap3A_1132 = arith.index_cast %swap3A_1131 : i32 to index
          %swap3A_1133 = arith.index_cast %select_n3A_591 : i32 to index
          %swap3A_1134 = arith.index_cast %mul3A_1130 : i32 to index
          %swap3A_1135 = tpu.vector_load %arg9[%swap3A_1132, %swap3A_1133, %swap3A_1134] {strides = array<i32>} : memref<2x8x1664xf32, #tpu.memory_space<vmem>>, vector<16xf32>,
          tpu.vector_store %arg9[%swap3A_1132, %swap3A_1133, %swap3A_1134], %bitcast3A_1124 {strides = array<i32>} : memref<2x8x1664xf32, #tpu.memory_space<vmem>>, vector<16xf32>,
          %mul3A_1136 = arith.constant 16 : i32
          %mul3A_1137 = arith.muli %scan3A_598, %mul3A_1136 : i32
          %add3A_1138 = arith.constant 8 : i32
          %add3A_1139 = arith.addi %mul3A_1137, %add3A_1138 : i32
          %add3A_1140 = arith.constant 0 : i32
          %add3A_1141 = arith.addi %add3A_1139, %add3A_1140 : i32
          %get3A_1142 = arith.constant 1 : i32
          %get3A_1143 = arith.index_cast %get3A_1142 : i32 to index
          %get3A_1144 = arith.index_cast %add3A_1141 : i32 to index
          %get3A_1145 = arith.constant 0 : index
          %get3A_1146 = tpu.vector_load %arg8[%get3A_1143, %get3A_1144, %get3A_1145] {strides = array<i32>} : memref<2x208x128xf32, #tpu.memory_space<vmem>>, vector<16xf32>,
          %mul3A_1147 = arith.mulf %get3A_547, %get3A_1146 : vector<16xf32>
          %get3A_1148 = arith.constant 1 : i32
          %get3A_1149 = arith.index_cast %get3A_1148 : i32 to index
          %get3A_1150 = arith.index_cast %add3A_1141 : i32 to index
          %get3A_1151 = arith.constant 16 : index
          %get3A_1152 = tpu.vector_load %arg8[%get3A_1149, %get3A_1150, %get3A_1151] {strides = array<i32>} : memref<2x208x128xf32, #tpu.memory_space<vmem>>, vector<16xf32>,
          %mul3A_1153 = arith.mulf %get3A_551, %get3A_1152 : vector<16xf32>
          %get3A_1154 = arith.constant 1 : i32
          %get3A_1155 = arith.index_cast %get3A_1154 : i32 to index
          %get3A_1156 = arith.index_cast %add3A_1141 : i32 to index
          %get3A_1157 = arith.constant 32 : index
          %get3A_1158 = tpu.vector_load %arg8[%get3A_1155, %get3A_1156, %get3A_1157] {strides = array<i32>} : memref<2x208x128xf32, #tpu.memory_space<vmem>>, vector<16xf32>,
          %mul3A_1159 = arith.mulf %get3A_555, %get3A_1158 : vector<16xf32>
          %add3A_1160 = arith.addf %mul3A_1147, %mul3A_1159 : vector<16xf32>
          %get3A_1161 = arith.constant 1 : i32
          %get3A_1162 = arith.index_cast %get3A_1161 : i32 to index
          %get3A_1163 = arith.index_cast %add3A_1141 : i32 to index
          %get3A_1164 = arith.constant 48 : index
          %get3A_1165 = tpu.vector_load %arg8[%get3A_1162, %get3A_1163, %get3A_1164] {strides = array<i32>} : memref<2x208x128xf32, #tpu.memory_space<vmem>>, vector<16xf32>,
          %mul3A_1166 = arith.mulf %get3A_559, %get3A_1165 : vector<16xf32>
          %add3A_1167 = arith.addf %mul3A_1153, %mul3A_1166 : vector<16xf32>
          %get3A_1168 = arith.constant 1 : i32
          %get3A_1169 = arith.index_cast %get3A_1168 : i32 to index
          %get3A_1170 = arith.index_cast %add3A_1141 : i32 to index
          %get3A_1171 = arith.constant 64 : index
          %get3A_1172 = tpu.vector_load %arg8[%get3A_1169, %get3A_1170, %get3A_1171] {strides = array<i32>} : memref<2x208x128xf32, #tpu.memory_space<vmem>>, vector<16xf32>,
          %mul3A_1173 = arith.mulf %get3A_563, %get3A_1172 : vector<16xf32>
          %add3A_1174 = arith.addf %add3A_1160, %mul3A_1173 : vector<16xf32>
          %get3A_1175 = arith.constant 1 : i32
          %get3A_1176 = arith.index_cast %get3A_1175 : i32 to index
          %get3A_1177 = arith.index_cast %add3A_1141 : i32 to index
          %get3A_1178 = arith.constant 80 : index
          %get3A_1179 = tpu.vector_load %arg8[%get3A_1176, %get3A_1177, %get3A_1178] {strides = array<i32>} : memref<2x208x128xf32, #tpu.memory_space<vmem>>, vector<16xf32>,
          %mul3A_1180 = arith.mulf %get3A_567, %get3A_1179 : vector<16xf32>
          %add3A_1181 = arith.addf %add3A_1167, %mul3A_1180 : vector<16xf32>
          %get3A_1182 = arith.constant 1 : i32
          %get3A_1183 = arith.index_cast %get3A_1182 : i32 to index
          %get3A_1184 = arith.index_cast %add3A_1141 : i32 to index
          %get3A_1185 = arith.constant 96 : index
          %get3A_1186 = tpu.vector_load %arg8[%get3A_1183, %get3A_1184, %get3A_1185] {strides = array<i32>} : memref<2x208x128xf32, #tpu.memory_space<vmem>>, vector<16xf32>,
          %mul3A_1187 = arith.mulf %get3A_571, %get3A_1186 : vector<16xf32>
          %add3A_1188 = arith.addf %add3A_1174, %mul3A_1187 : vector<16xf32>
          %get3A_1189 = arith.constant 1 : i32
          %get3A_1190 = arith.index_cast %get3A_1189 : i32 to index
          %get3A_1191 = arith.index_cast %add3A_1141 : i32 to index
          %get3A_1192 = arith.constant 112 : index
          %get3A_1193 = tpu.vector_load %arg8[%get3A_1190, %get3A_1191, %get3A_1192] {strides = array<i32>} : memref<2x208x128xf32, #tpu.memory_space<vmem>>, vector<16xf32>,
          %mul3A_1194 = arith.mulf %get3A_575, %get3A_1193 : vector<16xf32>
          %add3A_1195 = arith.addf %add3A_1181, %mul3A_1194 : vector<16xf32>
          %add3A_1196 = arith.addf %add3A_1188, %add3A_1195 : vector<16xf32>
          %mul3A_1197 = arith.constant 16 : i32
          %mul3A_1198 = arith.muli %scan3A_598, %mul3A_1197 : i32
          %add3A_1199 = arith.constant 8 : i32
          %add3A_1200 = arith.addi %mul3A_1198, %add3A_1199 : i32
          %add3A_1201 = arith.constant 1 : i32
          %add3A_1202 = arith.addi %add3A_1200, %add3A_1201 : i32
          %get3A_1203 = arith.constant 1 : i32
          %get3A_1204 = arith.index_cast %get3A_1203 : i32 to index
          %get3A_1205 = arith.index_cast %add3A_1202 : i32 to index
          %get3A_1206 = arith.constant 0 : index
          %get3A_1207 = tpu.vector_load %arg8[%get3A_1204, %get3A_1205, %get3A_1206] {strides = array<i32>} : memref<2x208x128xf32, #tpu.memory_space<vmem>>, vector<16xf32>,
          %mul3A_1208 = arith.mulf %get3A_547, %get3A_1207 : vector<16xf32>
          %get3A_1209 = arith.constant 1 : i32
          %get3A_1210 = arith.index_cast %get3A_1209 : i32 to index
          %get3A_1211 = arith.index_cast %add3A_1202 : i32 to index
          %get3A_1212 = arith.constant 16 : index
          %get3A_1213 = tpu.vector_load %arg8[%get3A_1210, %get3A_1211, %get3A_1212] {strides = array<i32>} : memref<2x208x128xf32, #tpu.memory_space<vmem>>, vector<16xf32>,
          %mul3A_1214 = arith.mulf %get3A_551, %get3A_1213 : vector<16xf32>
          %get3A_1215 = arith.constant 1 : i32
          %get3A_1216 = arith.index_cast %get3A_1215 : i32 to index
          %get3A_1217 = arith.index_cast %add3A_1202 : i32 to index
          %get3A_1218 = arith.constant 32 : index
          %get3A_1219 = tpu.vector_load %arg8[%get3A_1216, %get3A_1217, %get3A_1218] {strides = array<i32>} : memref<2x208x128xf32, #tpu.memory_space<vmem>>, vector<16xf32>,
          %mul3A_1220 = arith.mulf %get3A_555, %get3A_1219 : vector<16xf32>
          %add3A_1221 = arith.addf %mul3A_1208, %mul3A_1220 : vector<16xf32>
          %get3A_1222 = arith.constant 1 : i32
          %get3A_1223 = arith.index_cast %get3A_1222 : i32 to index
          %get3A_1224 = arith.index_cast %add3A_1202 : i32 to index
          %get3A_1225 = arith.constant 48 : index
          %get3A_1226 = tpu.vector_load %arg8[%get3A_1223, %get3A_1224, %get3A_1225] {strides = array<i32>} : memref<2x208x128xf32, #tpu.memory_space<vmem>>, vector<16xf32>,
          %mul3A_1227 = arith.mulf %get3A_559, %get3A_1226 : vector<16xf32>
          %add3A_1228 = arith.addf %mul3A_1214, %mul3A_1227 : vector<16xf32>
          %get3A_1229 = arith.constant 1 : i32
          %get3A_1230 = arith.index_cast %get3A_1229 : i32 to index
          %get3A_1231 = arith.index_cast %add3A_1202 : i32 to index
          %get3A_1232 = arith.constant 64 : index
          %get3A_1233 = tpu.vector_load %arg8[%get3A_1230, %get3A_1231, %get3A_1232] {strides = array<i32>} : memref<2x208x128xf32, #tpu.memory_space<vmem>>, vector<16xf32>,
          %mul3A_1234 = arith.mulf %get3A_563, %get3A_1233 : vector<16xf32>
          %add3A_1235 = arith.addf %add3A_1221, %mul3A_1234 : vector<16xf32>
          %get3A_1236 = arith.constant 1 : i32
          %get3A_1237 = arith.index_cast %get3A_1236 : i32 to index
          %get3A_1238 = arith.index_cast %add3A_1202 : i32 to index
          %get3A_1239 = arith.constant 80 : index
          %get3A_1240 = tpu.vector_load %arg8[%get3A_1237, %get3A_1238, %get3A_1239] {strides = array<i32>} : memref<2x208x128xf32, #tpu.memory_space<vmem>>, vector<16xf32>,
          %mul3A_1241 = arith.mulf %get3A_567, %get3A_1240 : vector<16xf32>
          %add3A_1242 = arith.addf %add3A_1228, %mul3A_1241 : vector<16xf32>
          %get3A_1243 = arith.constant 1 : i32
          %get3A_1244 = arith.index_cast %get3A_1243 : i32 to index
          %get3A_1245 = arith.index_cast %add3A_1202 : i32 to index
          %get3A_1246 = arith.constant 96 : index
          %get3A_1247 = tpu.vector_load %arg8[%get3A_1244, %get3A_1245, %get3A_1246] {strides = array<i32>} : memref<2x208x128xf32, #tpu.memory_space<vmem>>, vector<16xf32>,
          %mul3A_1248 = arith.mulf %get3A_571, %get3A_1247 : vector<16xf32>
          %add3A_1249 = arith.addf %add3A_1235, %mul3A_1248 : vector<16xf32>
          %get3A_1250 = arith.constant 1 : i32
          %get3A_1251 = arith.index_cast %get3A_1250 : i32 to index
          %get3A_1252 = arith.index_cast %add3A_1202 : i32 to index
          %get3A_1253 = arith.constant 112 : index
          %get3A_1254 = tpu.vector_load %arg8[%get3A_1251, %get3A_1252, %get3A_1253] {strides = array<i32>} : memref<2x208x128xf32, #tpu.memory_space<vmem>>, vector<16xf32>,
          %mul3A_1255 = arith.mulf %get3A_575, %get3A_1254 : vector<16xf32>
          %add3A_1256 = arith.addf %add3A_1242, %mul3A_1255 : vector<16xf32>
          %add3A_1257 = arith.addf %add3A_1249, %add3A_1256 : vector<16xf32>
          %pack3A_1258 = tpu.pack_subelements %add3A_1196, %add3A_1257 {pack_format = #tpu.pack_format<interleaved>, positions = array<i32: 0, 1>} : vector<16xf32>, vector<16xf32> -> vector<32xbf16>
          %bitcast3A_1259 = vector.bitcast %pack3A_1258 : vector<32xbf16> to vector<16xf32>
          %mul3A_1260 = arith.constant 16 : i32
          %mul3A_1261 = arith.muli %scan3A_598, %mul3A_1260 : i32
          %add3A_1262 = arith.constant 8 : i32
          %add3A_1263 = arith.addi %mul3A_1261, %add3A_1262 : i32
          %mul3A_1264 = arith.constant 8 : i32
          %mul3A_1265 = arith.muli %add3A_1263, %mul3A_1264 : i32
          %swap3A_1266 = arith.constant 0 : i32
          %swap3A_1267 = arith.index_cast %swap3A_1266 : i32 to index
          %swap3A_1268 = arith.index_cast %select_n3A_591 : i32 to index
          %swap3A_1269 = arith.index_cast %mul3A_1265 : i32 to index
          %swap3A_1270 = tpu.vector_load %arg9[%swap3A_1267, %swap3A_1268, %swap3A_1269] {strides = array<i32>} : memref<2x8x1664xf32, #tpu.memory_space<vmem>>, vector<16xf32>,
          tpu.vector_store %arg9[%swap3A_1267, %swap3A_1268, %swap3A_1269], %bitcast3A_1259 {strides = array<i32>} : memref<2x8x1664xf32, #tpu.memory_space<vmem>>, vector<16xf32>,
          %mul3A_1271 = arith.constant 16 : i32
          %mul3A_1272 = arith.muli %scan3A_598, %mul3A_1271 : i32
          %add3A_1273 = arith.constant 10 : i32
          %add3A_1274 = arith.addi %mul3A_1272, %add3A_1273 : i32
          %add3A_1275 = arith.constant 0 : i32
          %add3A_1276 = arith.addi %add3A_1274, %add3A_1275 : i32
          %get3A_1277 = arith.constant 1 : i32
          %get3A_1278 = arith.index_cast %get3A_1277 : i32 to index
          %get3A_1279 = arith.index_cast %add3A_1276 : i32 to index
          %get3A_1280 = arith.constant 0 : index
          %get3A_1281 = tpu.vector_load %arg8[%get3A_1278, %get3A_1279, %get3A_1280] {strides = array<i32>} : memref<2x208x128xf32, #tpu.memory_space<vmem>>, vector<16xf32>,
          %mul3A_1282 = arith.mulf %get3A_547, %get3A_1281 : vector<16xf32>
          %get3A_1283 = arith.constant 1 : i32
          %get3A_1284 = arith.index_cast %get3A_1283 : i32 to index
          %get3A_1285 = arith.index_cast %add3A_1276 : i32 to index
          %get3A_1286 = arith.constant 16 : index
          %get3A_1287 = tpu.vector_load %arg8[%get3A_1284, %get3A_1285, %get3A_1286] {strides = array<i32>} : memref<2x208x128xf32, #tpu.memory_space<vmem>>, vector<16xf32>,
          %mul3A_1288 = arith.mulf %get3A_551, %get3A_1287 : vector<16xf32>
          %get3A_1289 = arith.constant 1 : i32
          %get3A_1290 = arith.index_cast %get3A_1289 : i32 to index
          %get3A_1291 = arith.index_cast %add3A_1276 : i32 to index
          %get3A_1292 = arith.constant 32 : index
          %get3A_1293 = tpu.vector_load %arg8[%get3A_1290, %get3A_1291, %get3A_1292] {strides = array<i32>} : memref<2x208x128xf32, #tpu.memory_space<vmem>>, vector<16xf32>,
          %mul3A_1294 = arith.mulf %get3A_555, %get3A_1293 : vector<16xf32>
          %add3A_1295 = arith.addf %mul3A_1282, %mul3A_1294 : vector<16xf32>
          %get3A_1296 = arith.constant 1 : i32
          %get3A_1297 = arith.index_cast %get3A_1296 : i32 to index
          %get3A_1298 = arith.index_cast %add3A_1276 : i32 to index
          %get3A_1299 = arith.constant 48 : index
          %get3A_1300 = tpu.vector_load %arg8[%get3A_1297, %get3A_1298, %get3A_1299] {strides = array<i32>} : memref<2x208x128xf32, #tpu.memory_space<vmem>>, vector<16xf32>,
          %mul3A_1301 = arith.mulf %get3A_559, %get3A_1300 : vector<16xf32>
          %add3A_1302 = arith.addf %mul3A_1288, %mul3A_1301 : vector<16xf32>
          %get3A_1303 = arith.constant 1 : i32
          %get3A_1304 = arith.index_cast %get3A_1303 : i32 to index
          %get3A_1305 = arith.index_cast %add3A_1276 : i32 to index
          %get3A_1306 = arith.constant 64 : index
          %get3A_1307 = tpu.vector_load %arg8[%get3A_1304, %get3A_1305, %get3A_1306] {strides = array<i32>} : memref<2x208x128xf32, #tpu.memory_space<vmem>>, vector<16xf32>,
          %mul3A_1308 = arith.mulf %get3A_563, %get3A_1307 : vector<16xf32>
          %add3A_1309 = arith.addf %add3A_1295, %mul3A_1308 : vector<16xf32>
          %get3A_1310 = arith.constant 1 : i32
          %get3A_1311 = arith.index_cast %get3A_1310 : i32 to index
          %get3A_1312 = arith.index_cast %add3A_1276 : i32 to index
          %get3A_1313 = arith.constant 80 : index
          %get3A_1314 = tpu.vector_load %arg8[%get3A_1311, %get3A_1312, %get3A_1313] {strides = array<i32>} : memref<2x208x128xf32, #tpu.memory_space<vmem>>, vector<16xf32>,
          %mul3A_1315 = arith.mulf %get3A_567, %get3A_1314 : vector<16xf32>
          %add3A_1316 = arith.addf %add3A_1302, %mul3A_1315 : vector<16xf32>
          %get3A_1317 = arith.constant 1 : i32
          %get3A_1318 = arith.index_cast %get3A_1317 : i32 to index
          %get3A_1319 = arith.index_cast %add3A_1276 : i32 to index
          %get3A_1320 = arith.constant 96 : index
          %get3A_1321 = tpu.vector_load %arg8[%get3A_1318, %get3A_1319, %get3A_1320] {strides = array<i32>} : memref<2x208x128xf32, #tpu.memory_space<vmem>>, vector<16xf32>,
          %mul3A_1322 = arith.mulf %get3A_571, %get3A_1321 : vector<16xf32>
          %add3A_1323 = arith.addf %add3A_1309, %mul3A_1322 : vector<16xf32>
          %get3A_1324 = arith.constant 1 : i32
          %get3A_1325 = arith.index_cast %get3A_1324 : i32 to index
          %get3A_1326 = arith.index_cast %add3A_1276 : i32 to index
          %get3A_1327 = arith.constant 112 : index
          %get3A_1328 = tpu.vector_load %arg8[%get3A_1325, %get3A_1326, %get3A_1327] {strides = array<i32>} : memref<2x208x128xf32, #tpu.memory_space<vmem>>, vector<16xf32>,
          %mul3A_1329 = arith.mulf %get3A_575, %get3A_1328 : vector<16xf32>
          %add3A_1330 = arith.addf %add3A_1316, %mul3A_1329 : vector<16xf32>
          %add3A_1331 = arith.addf %add3A_1323, %add3A_1330 : vector<16xf32>
          %mul3A_1332 = arith.constant 16 : i32
          %mul3A_1333 = arith.muli %scan3A_598, %mul3A_1332 : i32
          %add3A_1334 = arith.constant 10 : i32
          %add3A_1335 = arith.addi %mul3A_1333, %add3A_1334 : i32
          %add3A_1336 = arith.constant 1 : i32
          %add3A_1337 = arith.addi %add3A_1335, %add3A_1336 : i32
          %get3A_1338 = arith.constant 1 : i32
          %get3A_1339 = arith.index_cast %get3A_1338 : i32 to index
          %get3A_1340 = arith.index_cast %add3A_1337 : i32 to index
          %get3A_1341 = arith.constant 0 : index
          %get3A_1342 = tpu.vector_load %arg8[%get3A_1339, %get3A_1340, %get3A_1341] {strides = array<i32>} : memref<2x208x128xf32, #tpu.memory_space<vmem>>, vector<16xf32>,
          %mul3A_1343 = arith.mulf %get3A_547, %get3A_1342 : vector<16xf32>
          %get3A_1344 = arith.constant 1 : i32
          %get3A_1345 = arith.index_cast %get3A_1344 : i32 to index
          %get3A_1346 = arith.index_cast %add3A_1337 : i32 to index
          %get3A_1347 = arith.constant 16 : index
          %get3A_1348 = tpu.vector_load %arg8[%get3A_1345, %get3A_1346, %get3A_1347] {strides = array<i32>} : memref<2x208x128xf32, #tpu.memory_space<vmem>>, vector<16xf32>,
          %mul3A_1349 = arith.mulf %get3A_551, %get3A_1348 : vector<16xf32>
          %get3A_1350 = arith.constant 1 : i32
          %get3A_1351 = arith.index_cast %get3A_1350 : i32 to index
          %get3A_1352 = arith.index_cast %add3A_1337 : i32 to index
          %get3A_1353 = arith.constant 32 : index
          %get3A_1354 = tpu.vector_load %arg8[%get3A_1351, %get3A_1352, %get3A_1353] {strides = array<i32>} : memref<2x208x128xf32, #tpu.memory_space<vmem>>, vector<16xf32>,
          %mul3A_1355 = arith.mulf %get3A_555, %get3A_1354 : vector<16xf32>
          %add3A_1356 = arith.addf %mul3A_1343, %mul3A_1355 : vector<16xf32>
          %get3A_1357 = arith.constant 1 : i32
          %get3A_1358 = arith.index_cast %get3A_1357 : i32 to index
          %get3A_1359 = arith.index_cast %add3A_1337 : i32 to index
          %get3A_1360 = arith.constant 48 : index
          %get3A_1361 = tpu.vector_load %arg8[%get3A_1358, %get3A_1359, %get3A_1360] {strides = array<i32>} : memref<2x208x128xf32, #tpu.memory_space<vmem>>, vector<16xf32>,
          %mul3A_1362 = arith.mulf %get3A_559, %get3A_1361 : vector<16xf32>
          %add3A_1363 = arith.addf %mul3A_1349, %mul3A_1362 : vector<16xf32>
          %get3A_1364 = arith.constant 1 : i32
          %get3A_1365 = arith.index_cast %get3A_1364 : i32 to index
          %get3A_1366 = arith.index_cast %add3A_1337 : i32 to index
          %get3A_1367 = arith.constant 64 : index
          %get3A_1368 = tpu.vector_load %arg8[%get3A_1365, %get3A_1366, %get3A_1367] {strides = array<i32>} : memref<2x208x128xf32, #tpu.memory_space<vmem>>, vector<16xf32>,
          %mul3A_1369 = arith.mulf %get3A_563, %get3A_1368 : vector<16xf32>
          %add3A_1370 = arith.addf %add3A_1356, %mul3A_1369 : vector<16xf32>
          %get3A_1371 = arith.constant 1 : i32
          %get3A_1372 = arith.index_cast %get3A_1371 : i32 to index
          %get3A_1373 = arith.index_cast %add3A_1337 : i32 to index
          %get3A_1374 = arith.constant 80 : index
          %get3A_1375 = tpu.vector_load %arg8[%get3A_1372, %get3A_1373, %get3A_1374] {strides = array<i32>} : memref<2x208x128xf32, #tpu.memory_space<vmem>>, vector<16xf32>,
          %mul3A_1376 = arith.mulf %get3A_567, %get3A_1375 : vector<16xf32>
          %add3A_1377 = arith.addf %add3A_1363, %mul3A_1376 : vector<16xf32>
          %get3A_1378 = arith.constant 1 : i32
          %get3A_1379 = arith.index_cast %get3A_1378 : i32 to index
          %get3A_1380 = arith.index_cast %add3A_1337 : i32 to index
          %get3A_1381 = arith.constant 96 : index
          %get3A_1382 = tpu.vector_load %arg8[%get3A_1379, %get3A_1380, %get3A_1381] {strides = array<i32>} : memref<2x208x128xf32, #tpu.memory_space<vmem>>, vector<16xf32>,
          %mul3A_1383 = arith.mulf %get3A_571, %get3A_1382 : vector<16xf32>
          %add3A_1384 = arith.addf %add3A_1370, %mul3A_1383 : vector<16xf32>
          %get3A_1385 = arith.constant 1 : i32
          %get3A_1386 = arith.index_cast %get3A_1385 : i32 to index
          %get3A_1387 = arith.index_cast %add3A_1337 : i32 to index
          %get3A_1388 = arith.constant 112 : index
          %get3A_1389 = tpu.vector_load %arg8[%get3A_1386, %get3A_1387, %get3A_1388] {strides = array<i32>} : memref<2x208x128xf32, #tpu.memory_space<vmem>>, vector<16xf32>,
          %mul3A_1390 = arith.mulf %get3A_575, %get3A_1389 : vector<16xf32>
          %add3A_1391 = arith.addf %add3A_1377, %mul3A_1390 : vector<16xf32>
          %add3A_1392 = arith.addf %add3A_1384, %add3A_1391 : vector<16xf32>
          %pack3A_1393 = tpu.pack_subelements %add3A_1331, %add3A_1392 {pack_format = #tpu.pack_format<interleaved>, positions = array<i32: 0, 1>} : vector<16xf32>, vector<16xf32> -> vector<32xbf16>
          %bitcast3A_1394 = vector.bitcast %pack3A_1393 : vector<32xbf16> to vector<16xf32>
          %mul3A_1395 = arith.constant 16 : i32
          %mul3A_1396 = arith.muli %scan3A_598, %mul3A_1395 : i32
          %add3A_1397 = arith.constant 10 : i32
          %add3A_1398 = arith.addi %mul3A_1396, %add3A_1397 : i32
          %mul3A_1399 = arith.constant 8 : i32
          %mul3A_1400 = arith.muli %add3A_1398, %mul3A_1399 : i32
          %swap3A_1401 = arith.constant 0 : i32
          %swap3A_1402 = arith.index_cast %swap3A_1401 : i32 to index
          %swap3A_1403 = arith.index_cast %select_n3A_591 : i32 to index
          %swap3A_1404 = arith.index_cast %mul3A_1400 : i32 to index
          %swap3A_1405 = tpu.vector_load %arg9[%swap3A_1402, %swap3A_1403, %swap3A_1404] {strides = array<i32>} : memref<2x8x1664xf32, #tpu.memory_space<vmem>>, vector<16xf32>,
          tpu.vector_store %arg9[%swap3A_1402, %swap3A_1403, %swap3A_1404], %bitcast3A_1394 {strides = array<i32>} : memref<2x8x1664xf32, #tpu.memory_space<vmem>>, vector<16xf32>,
          %mul3A_1406 = arith.constant 16 : i32
          %mul3A_1407 = arith.muli %scan3A_598, %mul3A_1406 : i32
          %add3A_1408 = arith.constant 12 : i32
          %add3A_1409 = arith.addi %mul3A_1407, %add3A_1408 : i32
          %add3A_1410 = arith.constant 0 : i32
          %add3A_1411 = arith.addi %add3A_1409, %add3A_1410 : i32
          %get3A_1412 = arith.constant 1 : i32
          %get3A_1413 = arith.index_cast %get3A_1412 : i32 to index
          %get3A_1414 = arith.index_cast %add3A_1411 : i32 to index
          %get3A_1415 = arith.constant 0 : index
          %get3A_1416 = tpu.vector_load %arg8[%get3A_1413, %get3A_1414, %get3A_1415] {strides = array<i32>} : memref<2x208x128xf32, #tpu.memory_space<vmem>>, vector<16xf32>,
          %mul3A_1417 = arith.mulf %get3A_547, %get3A_1416 : vector<16xf32>
          %get3A_1418 = arith.constant 1 : i32
          %get3A_1419 = arith.index_cast %get3A_1418 : i32 to index
          %get3A_1420 = arith.index_cast %add3A_1411 : i32 to index
          %get3A_1421 = arith.constant 16 : index
          %get3A_1422 = tpu.vector_load %arg8[%get3A_1419, %get3A_1420, %get3A_1421] {strides = array<i32>} : memref<2x208x128xf32, #tpu.memory_space<vmem>>, vector<16xf32>,
          %mul3A_1423 = arith.mulf %get3A_551, %get3A_1422 : vector<16xf32>
          %get3A_1424 = arith.constant 1 : i32
          %get3A_1425 = arith.index_cast %get3A_1424 : i32 to index
          %get3A_1426 = arith.index_cast %add3A_1411 : i32 to index
          %get3A_1427 = arith.constant 32 : index
          %get3A_1428 = tpu.vector_load %arg8[%get3A_1425, %get3A_1426, %get3A_1427] {strides = array<i32>} : memref<2x208x128xf32, #tpu.memory_space<vmem>>, vector<16xf32>,
          %mul3A_1429 = arith.mulf %get3A_555, %get3A_1428 : vector<16xf32>
          %add3A_1430 = arith.addf %mul3A_1417, %mul3A_1429 : vector<16xf32>
          %get3A_1431 = arith.constant 1 : i32
          %get3A_1432 = arith.index_cast %get3A_1431 : i32 to index
          %get3A_1433 = arith.index_cast %add3A_1411 : i32 to index
          %get3A_1434 = arith.constant 48 : index
          %get3A_1435 = tpu.vector_load %arg8[%get3A_1432, %get3A_1433, %get3A_1434] {strides = array<i32>} : memref<2x208x128xf32, #tpu.memory_space<vmem>>, vector<16xf32>,
          %mul3A_1436 = arith.mulf %get3A_559, %get3A_1435 : vector<16xf32>
          %add3A_1437 = arith.addf %mul3A_1423, %mul3A_1436 : vector<16xf32>
          %get3A_1438 = arith.constant 1 : i32
          %get3A_1439 = arith.index_cast %get3A_1438 : i32 to index
          %get3A_1440 = arith.index_cast %add3A_1411 : i32 to index
          %get3A_1441 = arith.constant 64 : index
          %get3A_1442 = tpu.vector_load %arg8[%get3A_1439, %get3A_1440, %get3A_1441] {strides = array<i32>} : memref<2x208x128xf32, #tpu.memory_space<vmem>>, vector<16xf32>,
          %mul3A_1443 = arith.mulf %get3A_563, %get3A_1442 : vector<16xf32>
          %add3A_1444 = arith.addf %add3A_1430, %mul3A_1443 : vector<16xf32>
          %get3A_1445 = arith.constant 1 : i32
          %get3A_1446 = arith.index_cast %get3A_1445 : i32 to index
          %get3A_1447 = arith.index_cast %add3A_1411 : i32 to index
          %get3A_1448 = arith.constant 80 : index
          %get3A_1449 = tpu.vector_load %arg8[%get3A_1446, %get3A_1447, %get3A_1448] {strides = array<i32>} : memref<2x208x128xf32, #tpu.memory_space<vmem>>, vector<16xf32>,
          %mul3A_1450 = arith.mulf %get3A_567, %get3A_1449 : vector<16xf32>
          %add3A_1451 = arith.addf %add3A_1437, %mul3A_1450 : vector<16xf32>
          %get3A_1452 = arith.constant 1 : i32
          %get3A_1453 = arith.index_cast %get3A_1452 : i32 to index
          %get3A_1454 = arith.index_cast %add3A_1411 : i32 to index
          %get3A_1455 = arith.constant 96 : index
          %get3A_1456 = tpu.vector_load %arg8[%get3A_1453, %get3A_1454, %get3A_1455] {strides = array<i32>} : memref<2x208x128xf32, #tpu.memory_space<vmem>>, vector<16xf32>,
          %mul3A_1457 = arith.mulf %get3A_571, %get3A_1456 : vector<16xf32>
          %add3A_1458 = arith.addf %add3A_1444, %mul3A_1457 : vector<16xf32>
          %get3A_1459 = arith.constant 1 : i32
          %get3A_1460 = arith.index_cast %get3A_1459 : i32 to index
          %get3A_1461 = arith.index_cast %add3A_1411 : i32 to index
          %get3A_1462 = arith.constant 112 : index
          %get3A_1463 = tpu.vector_load %arg8[%get3A_1460, %get3A_1461, %get3A_1462] {strides = array<i32>} : memref<2x208x128xf32, #tpu.memory_space<vmem>>, vector<16xf32>,
          %mul3A_1464 = arith.mulf %get3A_575, %get3A_1463 : vector<16xf32>
          %add3A_1465 = arith.addf %add3A_1451, %mul3A_1464 : vector<16xf32>
          %add3A_1466 = arith.addf %add3A_1458, %add3A_1465 : vector<16xf32>
          %mul3A_1467 = arith.constant 16 : i32
          %mul3A_1468 = arith.muli %scan3A_598, %mul3A_1467 : i32
          %add3A_1469 = arith.constant 12 : i32
          %add3A_1470 = arith.addi %mul3A_1468, %add3A_1469 : i32
          %add3A_1471 = arith.constant 1 : i32
          %add3A_1472 = arith.addi %add3A_1470, %add3A_1471 : i32
          %get3A_1473 = arith.constant 1 : i32
          %get3A_1474 = arith.index_cast %get3A_1473 : i32 to index
          %get3A_1475 = arith.index_cast %add3A_1472 : i32 to index
          %get3A_1476 = arith.constant 0 : index
          %get3A_1477 = tpu.vector_load %arg8[%get3A_1474, %get3A_1475, %get3A_1476] {strides = array<i32>} : memref<2x208x128xf32, #tpu.memory_space<vmem>>, vector<16xf32>,
          %mul3A_1478 = arith.mulf %get3A_547, %get3A_1477 : vector<16xf32>
          %get3A_1479 = arith.constant 1 : i32
          %get3A_1480 = arith.index_cast %get3A_1479 : i32 to index
          %get3A_1481 = arith.index_cast %add3A_1472 : i32 to index
          %get3A_1482 = arith.constant 16 : index
          %get3A_1483 = tpu.vector_load %arg8[%get3A_1480, %get3A_1481, %get3A_1482] {strides = array<i32>} : memref<2x208x128xf32, #tpu.memory_space<vmem>>, vector<16xf32>,
          %mul3A_1484 = arith.mulf %get3A_551, %get3A_1483 : vector<16xf32>
          %get3A_1485 = arith.constant 1 : i32
          %get3A_1486 = arith.index_cast %get3A_1485 : i32 to index
          %get3A_1487 = arith.index_cast %add3A_1472 : i32 to index
          %get3A_1488 = arith.constant 32 : index
          %get3A_1489 = tpu.vector_load %arg8[%get3A_1486, %get3A_1487, %get3A_1488] {strides = array<i32>} : memref<2x208x128xf32, #tpu.memory_space<vmem>>, vector<16xf32>,
          %mul3A_1490 = arith.mulf %get3A_555, %get3A_1489 : vector<16xf32>
          %add3A_1491 = arith.addf %mul3A_1478, %mul3A_1490 : vector<16xf32>
          %get3A_1492 = arith.constant 1 : i32
          %get3A_1493 = arith.index_cast %get3A_1492 : i32 to index
          %get3A_1494 = arith.index_cast %add3A_1472 : i32 to index
          %get3A_1495 = arith.constant 48 : index
          %get3A_1496 = tpu.vector_load %arg8[%get3A_1493, %get3A_1494, %get3A_1495] {strides = array<i32>} : memref<2x208x128xf32, #tpu.memory_space<vmem>>, vector<16xf32>,
          %mul3A_1497 = arith.mulf %get3A_559, %get3A_1496 : vector<16xf32>
          %add3A_1498 = arith.addf %mul3A_1484, %mul3A_1497 : vector<16xf32>
          %get3A_1499 = arith.constant 1 : i32
          %get3A_1500 = arith.index_cast %get3A_1499 : i32 to index
          %get3A_1501 = arith.index_cast %add3A_1472 : i32 to index
          %get3A_1502 = arith.constant 64 : index
          %get3A_1503 = tpu.vector_load %arg8[%get3A_1500, %get3A_1501, %get3A_1502] {strides = array<i32>} : memref<2x208x128xf32, #tpu.memory_space<vmem>>, vector<16xf32>,
          %mul3A_1504 = arith.mulf %get3A_563, %get3A_1503 : vector<16xf32>
          %add3A_1505 = arith.addf %add3A_1491, %mul3A_1504 : vector<16xf32>
          %get3A_1506 = arith.constant 1 : i32
          %get3A_1507 = arith.index_cast %get3A_1506 : i32 to index
          %get3A_1508 = arith.index_cast %add3A_1472 : i32 to index
          %get3A_1509 = arith.constant 80 : index
          %get3A_1510 = tpu.vector_load %arg8[%get3A_1507, %get3A_1508, %get3A_1509] {strides = array<i32>} : memref<2x208x128xf32, #tpu.memory_space<vmem>>, vector<16xf32>,
          %mul3A_1511 = arith.mulf %get3A_567, %get3A_1510 : vector<16xf32>
          %add3A_1512 = arith.addf %add3A_1498, %mul3A_1511 : vector<16xf32>
          %get3A_1513 = arith.constant 1 : i32
          %get3A_1514 = arith.index_cast %get3A_1513 : i32 to index
          %get3A_1515 = arith.index_cast %add3A_1472 : i32 to index
          %get3A_1516 = arith.constant 96 : index
          %get3A_1517 = tpu.vector_load %arg8[%get3A_1514, %get3A_1515, %get3A_1516] {strides = array<i32>} : memref<2x208x128xf32, #tpu.memory_space<vmem>>, vector<16xf32>,
          %mul3A_1518 = arith.mulf %get3A_571, %get3A_1517 : vector<16xf32>
          %add3A_1519 = arith.addf %add3A_1505, %mul3A_1518 : vector<16xf32>
          %get3A_1520 = arith.constant 1 : i32
          %get3A_1521 = arith.index_cast %get3A_1520 : i32 to index
          %get3A_1522 = arith.index_cast %add3A_1472 : i32 to index
          %get3A_1523 = arith.constant 112 : index
          %get3A_1524 = tpu.vector_load %arg8[%get3A_1521, %get3A_1522, %get3A_1523] {strides = array<i32>} : memref<2x208x128xf32, #tpu.memory_space<vmem>>, vector<16xf32>,
          %mul3A_1525 = arith.mulf %get3A_575, %get3A_1524 : vector<16xf32>
          %add3A_1526 = arith.addf %add3A_1512, %mul3A_1525 : vector<16xf32>
          %add3A_1527 = arith.addf %add3A_1519, %add3A_1526 : vector<16xf32>
          %pack3A_1528 = tpu.pack_subelements %add3A_1466, %add3A_1527 {pack_format = #tpu.pack_format<interleaved>, positions = array<i32: 0, 1>} : vector<16xf32>, vector<16xf32> -> vector<32xbf16>
          %bitcast3A_1529 = vector.bitcast %pack3A_1528 : vector<32xbf16> to vector<16xf32>
          %mul3A_1530 = arith.constant 16 : i32
          %mul3A_1531 = arith.muli %scan3A_598, %mul3A_1530 : i32
          %add3A_1532 = arith.constant 12 : i32
          %add3A_1533 = arith.addi %mul3A_1531, %add3A_1532 : i32
          %mul3A_1534 = arith.constant 8 : i32
          %mul3A_1535 = arith.muli %add3A_1533, %mul3A_1534 : i32
          %swap3A_1536 = arith.constant 0 : i32
          %swap3A_1537 = arith.index_cast %swap3A_1536 : i32 to index
          %swap3A_1538 = arith.index_cast %select_n3A_591 : i32 to index
          %swap3A_1539 = arith.index_cast %mul3A_1535 : i32 to index
          %swap3A_1540 = tpu.vector_load %arg9[%swap3A_1537, %swap3A_1538, %swap3A_1539] {strides = array<i32>} : memref<2x8x1664xf32, #tpu.memory_space<vmem>>, vector<16xf32>,
          tpu.vector_store %arg9[%swap3A_1537, %swap3A_1538, %swap3A_1539], %bitcast3A_1529 {strides = array<i32>} : memref<2x8x1664xf32, #tpu.memory_space<vmem>>, vector<16xf32>,
          %mul3A_1541 = arith.constant 16 : i32
          %mul3A_1542 = arith.muli %scan3A_598, %mul3A_1541 : i32
          %add3A_1543 = arith.constant 14 : i32
          %add3A_1544 = arith.addi %mul3A_1542, %add3A_1543 : i32
          %add3A_1545 = arith.constant 0 : i32
          %add3A_1546 = arith.addi %add3A_1544, %add3A_1545 : i32
          %get3A_1547 = arith.constant 1 : i32
          %get3A_1548 = arith.index_cast %get3A_1547 : i32 to index
          %get3A_1549 = arith.index_cast %add3A_1546 : i32 to index
          %get3A_1550 = arith.constant 0 : index
          %get3A_1551 = tpu.vector_load %arg8[%get3A_1548, %get3A_1549, %get3A_1550] {strides = array<i32>} : memref<2x208x128xf32, #tpu.memory_space<vmem>>, vector<16xf32>,
          %mul3A_1552 = arith.mulf %get3A_547, %get3A_1551 : vector<16xf32>
          %get3A_1553 = arith.constant 1 : i32
          %get3A_1554 = arith.index_cast %get3A_1553 : i32 to index
          %get3A_1555 = arith.index_cast %add3A_1546 : i32 to index
          %get3A_1556 = arith.constant 16 : index
          %get3A_1557 = tpu.vector_load %arg8[%get3A_1554, %get3A_1555, %get3A_1556] {strides = array<i32>} : memref<2x208x128xf32, #tpu.memory_space<vmem>>, vector<16xf32>,
          %mul3A_1558 = arith.mulf %get3A_551, %get3A_1557 : vector<16xf32>
          %get3A_1559 = arith.constant 1 : i32
          %get3A_1560 = arith.index_cast %get3A_1559 : i32 to index
          %get3A_1561 = arith.index_cast %add3A_1546 : i32 to index
          %get3A_1562 = arith.constant 32 : index
          %get3A_1563 = tpu.vector_load %arg8[%get3A_1560, %get3A_1561, %get3A_1562] {strides = array<i32>} : memref<2x208x128xf32, #tpu.memory_space<vmem>>, vector<16xf32>,
          %mul3A_1564 = arith.mulf %get3A_555, %get3A_1563 : vector<16xf32>
          %add3A_1565 = arith.addf %mul3A_1552, %mul3A_1564 : vector<16xf32>
          %get3A_1566 = arith.constant 1 : i32
          %get3A_1567 = arith.index_cast %get3A_1566 : i32 to index
          %get3A_1568 = arith.index_cast %add3A_1546 : i32 to index
          %get3A_1569 = arith.constant 48 : index
          %get3A_1570 = tpu.vector_load %arg8[%get3A_1567, %get3A_1568, %get3A_1569] {strides = array<i32>} : memref<2x208x128xf32, #tpu.memory_space<vmem>>, vector<16xf32>,
          %mul3A_1571 = arith.mulf %get3A_559, %get3A_1570 : vector<16xf32>
          %add3A_1572 = arith.addf %mul3A_1558, %mul3A_1571 : vector<16xf32>
          %get3A_1573 = arith.constant 1 : i32
          %get3A_1574 = arith.index_cast %get3A_1573 : i32 to index
          %get3A_1575 = arith.index_cast %add3A_1546 : i32 to index
          %get3A_1576 = arith.constant 64 : index
          %get3A_1577 = tpu.vector_load %arg8[%get3A_1574, %get3A_1575, %get3A_1576] {strides = array<i32>} : memref<2x208x128xf32, #tpu.memory_space<vmem>>, vector<16xf32>,
          %mul3A_1578 = arith.mulf %get3A_563, %get3A_1577 : vector<16xf32>
          %add3A_1579 = arith.addf %add3A_1565, %mul3A_1578 : vector<16xf32>
          %get3A_1580 = arith.constant 1 : i32
          %get3A_1581 = arith.index_cast %get3A_1580 : i32 to index
          %get3A_1582 = arith.index_cast %add3A_1546 : i32 to index
          %get3A_1583 = arith.constant 80 : index
          %get3A_1584 = tpu.vector_load %arg8[%get3A_1581, %get3A_1582, %get3A_1583] {strides = array<i32>} : memref<2x208x128xf32, #tpu.memory_space<vmem>>, vector<16xf32>,
          %mul3A_1585 = arith.mulf %get3A_567, %get3A_1584 : vector<16xf32>
          %add3A_1586 = arith.addf %add3A_1572, %mul3A_1585 : vector<16xf32>
          %get3A_1587 = arith.constant 1 : i32
          %get3A_1588 = arith.index_cast %get3A_1587 : i32 to index
          %get3A_1589 = arith.index_cast %add3A_1546 : i32 to index
          %get3A_1590 = arith.constant 96 : index
          %get3A_1591 = tpu.vector_load %arg8[%get3A_1588, %get3A_1589, %get3A_1590] {strides = array<i32>} : memref<2x208x128xf32, #tpu.memory_space<vmem>>, vector<16xf32>,
          %mul3A_1592 = arith.mulf %get3A_571, %get3A_1591 : vector<16xf32>
          %add3A_1593 = arith.addf %add3A_1579, %mul3A_1592 : vector<16xf32>
          %get3A_1594 = arith.constant 1 : i32
          %get3A_1595 = arith.index_cast %get3A_1594 : i32 to index
          %get3A_1596 = arith.index_cast %add3A_1546 : i32 to index
          %get3A_1597 = arith.constant 112 : index
          %get3A_1598 = tpu.vector_load %arg8[%get3A_1595, %get3A_1596, %get3A_1597] {strides = array<i32>} : memref<2x208x128xf32, #tpu.memory_space<vmem>>, vector<16xf32>,
          %mul3A_1599 = arith.mulf %get3A_575, %get3A_1598 : vector<16xf32>
          %add3A_1600 = arith.addf %add3A_1586, %mul3A_1599 : vector<16xf32>
          %add3A_1601 = arith.addf %add3A_1593, %add3A_1600 : vector<16xf32>
          %mul3A_1602 = arith.constant 16 : i32
          %mul3A_1603 = arith.muli %scan3A_598, %mul3A_1602 : i32
          %add3A_1604 = arith.constant 14 : i32
          %add3A_1605 = arith.addi %mul3A_1603, %add3A_1604 : i32
          %add3A_1606 = arith.constant 1 : i32
          %add3A_1607 = arith.addi %add3A_1605, %add3A_1606 : i32
          %get3A_1608 = arith.constant 1 : i32
          %get3A_1609 = arith.index_cast %get3A_1608 : i32 to index
          %get3A_1610 = arith.index_cast %add3A_1607 : i32 to index
          %get3A_1611 = arith.constant 0 : index
          %get3A_1612 = tpu.vector_load %arg8[%get3A_1609, %get3A_1610, %get3A_1611] {strides = array<i32>} : memref<2x208x128xf32, #tpu.memory_space<vmem>>, vector<16xf32>,
          %mul3A_1613 = arith.mulf %get3A_547, %get3A_1612 : vector<16xf32>
          %get3A_1614 = arith.constant 1 : i32
          %get3A_1615 = arith.index_cast %get3A_1614 : i32 to index
          %get3A_1616 = arith.index_cast %add3A_1607 : i32 to index
          %get3A_1617 = arith.constant 16 : index
          %get3A_1618 = tpu.vector_load %arg8[%get3A_1615, %get3A_1616, %get3A_1617] {strides = array<i32>} : memref<2x208x128xf32, #tpu.memory_space<vmem>>, vector<16xf32>,
          %mul3A_1619 = arith.mulf %get3A_551, %get3A_1618 : vector<16xf32>
          %get3A_1620 = arith.constant 1 : i32
          %get3A_1621 = arith.index_cast %get3A_1620 : i32 to index
          %get3A_1622 = arith.index_cast %add3A_1607 : i32 to index
          %get3A_1623 = arith.constant 32 : index
          %get3A_1624 = tpu.vector_load %arg8[%get3A_1621, %get3A_1622, %get3A_1623] {strides = array<i32>} : memref<2x208x128xf32, #tpu.memory_space<vmem>>, vector<16xf32>,
          %mul3A_1625 = arith.mulf %get3A_555, %get3A_1624 : vector<16xf32>
          %add3A_1626 = arith.addf %mul3A_1613, %mul3A_1625 : vector<16xf32>
          %get3A_1627 = arith.constant 1 : i32
          %get3A_1628 = arith.index_cast %get3A_1627 : i32 to index
          %get3A_1629 = arith.index_cast %add3A_1607 : i32 to index
          %get3A_1630 = arith.constant 48 : index
          %get3A_1631 = tpu.vector_load %arg8[%get3A_1628, %get3A_1629, %get3A_1630] {strides = array<i32>} : memref<2x208x128xf32, #tpu.memory_space<vmem>>, vector<16xf32>,
          %mul3A_1632 = arith.mulf %get3A_559, %get3A_1631 : vector<16xf32>
          %add3A_1633 = arith.addf %mul3A_1619, %mul3A_1632 : vector<16xf32>
          %get3A_1634 = arith.constant 1 : i32
          %get3A_1635 = arith.index_cast %get3A_1634 : i32 to index
          %get3A_1636 = arith.index_cast %add3A_1607 : i32 to index
          %get3A_1637 = arith.constant 64 : index
          %get3A_1638 = tpu.vector_load %arg8[%get3A_1635, %get3A_1636, %get3A_1637] {strides = array<i32>} : memref<2x208x128xf32, #tpu.memory_space<vmem>>, vector<16xf32>,
          %mul3A_1639 = arith.mulf %get3A_563, %get3A_1638 : vector<16xf32>
          %add3A_1640 = arith.addf %add3A_1626, %mul3A_1639 : vector<16xf32>
          %get3A_1641 = arith.constant 1 : i32
          %get3A_1642 = arith.index_cast %get3A_1641 : i32 to index
          %get3A_1643 = arith.index_cast %add3A_1607 : i32 to index
          %get3A_1644 = arith.constant 80 : index
          %get3A_1645 = tpu.vector_load %arg8[%get3A_1642, %get3A_1643, %get3A_1644] {strides = array<i32>} : memref<2x208x128xf32, #tpu.memory_space<vmem>>, vector<16xf32>,
          %mul3A_1646 = arith.mulf %get3A_567, %get3A_1645 : vector<16xf32>
          %add3A_1647 = arith.addf %add3A_1633, %mul3A_1646 : vector<16xf32>
          %get3A_1648 = arith.constant 1 : i32
          %get3A_1649 = arith.index_cast %get3A_1648 : i32 to index
          %get3A_1650 = arith.index_cast %add3A_1607 : i32 to index
          %get3A_1651 = arith.constant 96 : index
          %get3A_1652 = tpu.vector_load %arg8[%get3A_1649, %get3A_1650, %get3A_1651] {strides = array<i32>} : memref<2x208x128xf32, #tpu.memory_space<vmem>>, vector<16xf32>,
          %mul3A_1653 = arith.mulf %get3A_571, %get3A_1652 : vector<16xf32>
          %add3A_1654 = arith.addf %add3A_1640, %mul3A_1653 : vector<16xf32>
          %get3A_1655 = arith.constant 1 : i32
          %get3A_1656 = arith.index_cast %get3A_1655 : i32 to index
          %get3A_1657 = arith.index_cast %add3A_1607 : i32 to index
          %get3A_1658 = arith.constant 112 : index
          %get3A_1659 = tpu.vector_load %arg8[%get3A_1656, %get3A_1657, %get3A_1658] {strides = array<i32>} : memref<2x208x128xf32, #tpu.memory_space<vmem>>, vector<16xf32>,
          %mul3A_1660 = arith.mulf %get3A_575, %get3A_1659 : vector<16xf32>
          %add3A_1661 = arith.addf %add3A_1647, %mul3A_1660 : vector<16xf32>
          %add3A_1662 = arith.addf %add3A_1654, %add3A_1661 : vector<16xf32>
          %pack3A_1663 = tpu.pack_subelements %add3A_1601, %add3A_1662 {pack_format = #tpu.pack_format<interleaved>, positions = array<i32: 0, 1>} : vector<16xf32>, vector<16xf32> -> vector<32xbf16>
          %bitcast3A_1664 = vector.bitcast %pack3A_1663 : vector<32xbf16> to vector<16xf32>
          %mul3A_1665 = arith.constant 16 : i32
          %mul3A_1666 = arith.muli %scan3A_598, %mul3A_1665 : i32
          %add3A_1667 = arith.constant 14 : i32
          %add3A_1668 = arith.addi %mul3A_1666, %add3A_1667 : i32
          %mul3A_1669 = arith.constant 8 : i32
          %mul3A_1670 = arith.muli %add3A_1668, %mul3A_1669 : i32
          %swap3A_1671 = arith.constant 0 : i32
          %swap3A_1672 = arith.index_cast %swap3A_1671 : i32 to index
          %swap3A_1673 = arith.index_cast %select_n3A_591 : i32 to index
          %swap3A_1674 = arith.index_cast %mul3A_1670 : i32 to index
          %swap3A_1675 = tpu.vector_load %arg9[%swap3A_1672, %swap3A_1673, %swap3A_1674] {strides = array<i32>} : memref<2x8x1664xf32, #tpu.memory_space<vmem>>, vector<16xf32>,
          tpu.vector_store %arg9[%swap3A_1672, %swap3A_1673, %swap3A_1674], %bitcast3A_1664 {strides = array<i32>} : memref<2x8x1664xf32, #tpu.memory_space<vmem>>, vector<16xf32>,
        }
        %scan3A_597 = arith.constant 13 : i32
      } else {
      }
      %jit3A_460 = arith.constant 8 : i32
      %eq3A_461 = arith.constant 0 : i32
      %eq3A_462 = arith.cmpi eq, %jit3A_460, %eq3A_461 : i32
      %jit3A_463 = arith.constant 1 : i32
      %select_n3A_464 = arith.select %eq3A_462, %jit3A_463, %jit3A_460 : i32
      %rem3A_465 = arith.remsi %add3A_356, %select_n3A_464 : i32
      %ne3A_466 = arith.constant 0 : i32
      %ne3A_467 = arith.cmpi ne, %rem3A_465, %ne3A_466 : i32
      %lt3A_468 = arith.constant 0 : i32
      %lt3A_469 = arith.cmpi slt, %rem3A_465, %lt3A_468 : i32
      %lt3A_470 = arith.constant 0 : i32
      %lt3A_471 = arith.cmpi slt, %select_n3A_464, %lt3A_470 : i32
      %ne3A_472 = arith.xori %lt3A_469, %lt3A_471 : i1
      %and3A_473 = arith.andi %ne3A_472, %ne3A_467 : i1
      %add3A_474 = arith.addi %rem3A_465, %select_n3A_464 : i32
      %select_n3A_475 = arith.select %and3A_473, %add3A_474, %rem3A_465 : i32
      %eq3A_476 = arith.constant 7 : i32
      %eq3A_477 = arith.cmpi eq, %select_n3A_475, %eq3A_476 : i32
      %eq3A_478 = arith.constant 0 : i32
      %eq3A_479 = arith.cmpi eq, %select_n3A_427, %eq3A_478 : i32
      %and3A_480 = arith.andi %eq3A_477, %eq3A_479 : i1
      %convert_element_type3A_481 = arith.extui %and3A_480 : i1 to i32
      %cond3A_482 = arith.constant 0 : i32
      %cond3A_483 = arith.cmpi ne, %convert_element_type3A_481, %cond3A_482 : i32
      scf.if %cond3A_483 {
        %add3A_545 = arith.addi %mul3A_2, %add3A_356 : i32
        %sub3A_546 = arith.constant 7 : i32
        %sub3A_547 = arith.subi %add3A_545, %sub3A_546 : i32
        %multiple_of3A_548 = tpu.assume_multiple %sub3A_547, 8 : i32
        %dma_start3A_549 = arith.constant 0 : i32
        %dma_start3A_550 = arith.constant 0 : i32
        %dma_start3A_551 = arith.constant 0 : i32
        %dma_start3A_552 = tpu.memref_slice %arg9[%dma_start3A_549, %dma_start3A_550, %dma_start3A_551] : memref<2x8x1664xf32, #tpu.memory_space<vmem>> -> memref<1x8x1664xf32, #tpu.memory_space<vmem>>
        %dma_start3A_553 = tpu.memref_squeeze %dma_start3A_552 : memref<1x8x1664xf32, #tpu.memory_space<vmem>> -> memref<8x1664xf32, #tpu.memory_space<vmem>>
        %dma_start3A_554 = arith.constant 0 : i32
        %dma_start3A_555 = tpu.memref_slice %arg5[%multiple_of3A_548, %dma_start3A_554] : memref<4096x1664xf32, #tpu.memory_space<hbm>> -> memref<8x1664xf32, #tpu.memory_space<hbm>>
        %dma_start3A_556 = arith.constant 0 : i32
        %dma_start3A_557 = tpu.memref_slice %arg5[%multiple_of3A_548, %dma_start3A_556] : memref<4096x1664xf32, #tpu.memory_space<hbm>> -> memref<8x1664xf32, #tpu.memory_space<hbm>>
        %dma_start3A_558 = arith.constant 0 : i32
        %dma_start3A_559 = arith.constant 0 : i32
        %dma_start3A_560 = tpu.memref_slice %arg9[%dma_start3A_549, %dma_start3A_558, %dma_start3A_559] : memref<2x8x1664xf32, #tpu.memory_space<vmem>> -> memref<1x8x1664xf32, #tpu.memory_space<vmem>>
        %dma_start3A_561 = tpu.memref_squeeze %dma_start3A_560 : memref<1x8x1664xf32, #tpu.memory_space<vmem>> -> memref<8x1664xf32, #tpu.memory_space<vmem>>
        tpu.enqueue_dma source(%dma_start3A_561 : memref<8x1664xf32, #tpu.memory_space<vmem>>) target(%dma_start3A_557 : memref<8x1664xf32, #tpu.memory_space<hbm>>) target_semaphore(%arg12 : memref<!tpu.dma_semaphore, #tpu.memory_space<semaphore_mem>>)
      } else {
      }
      %jit3A_484 = arith.constant 8 : i32
      %eq3A_485 = arith.constant 0 : i32
      %eq3A_486 = arith.cmpi eq, %jit3A_484, %eq3A_485 : i32
      %jit3A_487 = arith.constant 1 : i32
      %select_n3A_488 = arith.select %eq3A_486, %jit3A_487, %jit3A_484 : i32
      %rem3A_489 = arith.remsi %add3A_356, %select_n3A_488 : i32
      %ne3A_490 = arith.constant 0 : i32
      %ne3A_491 = arith.cmpi ne, %rem3A_489, %ne3A_490 : i32
      %lt3A_492 = arith.constant 0 : i32
      %lt3A_493 = arith.cmpi slt, %rem3A_489, %lt3A_492 : i32
      %lt3A_494 = arith.constant 0 : i32
      %lt3A_495 = arith.cmpi slt, %select_n3A_488, %lt3A_494 : i32
      %ne3A_496 = arith.xori %lt3A_493, %lt3A_495 : i1
      %and3A_497 = arith.andi %ne3A_496, %ne3A_491 : i1
      %add3A_498 = arith.addi %rem3A_489, %select_n3A_488 : i32
      %select_n3A_499 = arith.select %and3A_497, %add3A_498, %rem3A_489 : i32
      %eq3A_500 = arith.constant 0 : i32
      %eq3A_501 = arith.cmpi eq, %select_n3A_499, %eq3A_500 : i32
      %ge3A_502 = arith.constant 16 : i32
      %ge3A_503 = arith.cmpi sge, %add3A_356, %ge3A_502 : i32
      %and3A_504 = arith.andi %eq3A_501, %ge3A_503 : i1
      %eq3A_505 = arith.constant 1 : i32
      %eq3A_506 = arith.cmpi eq, %select_n3A_427, %eq3A_505 : i32
      %and3A_507 = arith.andi %and3A_504, %eq3A_506 : i1
      %convert_element_type3A_508 = arith.extui %and3A_507 : i1 to i32
      %cond3A_509 = arith.constant 0 : i32
      %cond3A_510 = arith.cmpi ne, %convert_element_type3A_508, %cond3A_509 : i32
      scf.if %cond3A_510 {
        %add3A_545 = arith.addi %mul3A_2, %add3A_356 : i32
        %sub3A_546 = arith.constant 16 : i32
        %sub3A_547 = arith.subi %add3A_545, %sub3A_546 : i32
        %multiple_of3A_548 = tpu.assume_multiple %sub3A_547, 8 : i32
        %dma_wait3A_549 = arith.constant 1 : i32
        %dma_wait3A_550 = arith.constant 0 : i32
        %dma_wait3A_551 = arith.constant 0 : i32
        %dma_wait3A_552 = tpu.memref_slice %arg9[%dma_wait3A_549, %dma_wait3A_550, %dma_wait3A_551] : memref<2x8x1664xf32, #tpu.memory_space<vmem>> -> memref<1x8x1664xf32, #tpu.memory_space<vmem>>
        %dma_wait3A_553 = tpu.memref_squeeze %dma_wait3A_552 : memref<1x8x1664xf32, #tpu.memory_space<vmem>> -> memref<8x1664xf32, #tpu.memory_space<vmem>>
        %dma_wait3A_554 = arith.constant 0 : i32
        %dma_wait3A_555 = tpu.memref_slice %arg5[%multiple_of3A_548, %dma_wait3A_554] : memref<4096x1664xf32, #tpu.memory_space<hbm>> -> memref<8x1664xf32, #tpu.memory_space<hbm>>
        %dma_wait3A_556 = arith.constant 0 : i32
        %dma_wait3A_557 = tpu.memref_slice %arg5[%multiple_of3A_548, %dma_wait3A_556] : memref<4096x1664xf32, #tpu.memory_space<hbm>> -> memref<8x1664xf32, #tpu.memory_space<hbm>>
        %dma_wait3A_558 = arith.constant 0 : i32
        %dma_wait3A_559 = arith.constant 0 : i32
        %dma_wait3A_560 = tpu.memref_slice %arg9[%dma_wait3A_549, %dma_wait3A_558, %dma_wait3A_559] : memref<2x8x1664xf32, #tpu.memory_space<vmem>> -> memref<1x8x1664xf32, #tpu.memory_space<vmem>>
        %dma_wait3A_561 = tpu.memref_squeeze %dma_wait3A_560 : memref<1x8x1664xf32, #tpu.memory_space<vmem>> -> memref<8x1664xf32, #tpu.memory_space<vmem>>
        tpu.wait_dma2 semaphore(%arg13 : memref<!tpu.dma_semaphore, #tpu.memory_space<semaphore_mem>>) src(%dma_wait3A_561 : memref<8x1664xf32, #tpu.memory_space<vmem>>) dst(%dma_wait3A_557 : memref<8x1664xf32, #tpu.memory_space<hbm>>)
      } else {
      }
      %eq3A_511 = arith.constant 1 : i32
      %eq3A_512 = arith.cmpi eq, %select_n3A_427, %eq3A_511 : i32
      %convert_element_type3A_513 = arith.extui %eq3A_512 : i1 to i32
      %cond3A_514 = arith.constant 0 : i32
      %cond3A_515 = arith.cmpi ne, %convert_element_type3A_513, %cond3A_514 : i32
      scf.if %cond3A_515 {
        %get3A = arith.constant 1 : i32
        %get3A_545 = arith.index_cast %get3A : i32 to index
        %get3A_546 = arith.constant 0 : index
        %get3A_547 = tpu.vector_load %arg6[%get3A_545, %get3A_546] {strides = array<i32>} : memref<2x128xf32, #tpu.memory_space<vmem>>, vector<16xf32>,
        %get3A_548 = arith.constant 1 : i32
        %get3A_549 = arith.index_cast %get3A_548 : i32 to index
        %get3A_550 = arith.constant 16 : index
        %get3A_551 = tpu.vector_load %arg6[%get3A_549, %get3A_550] {strides = array<i32>} : memref<2x128xf32, #tpu.memory_space<vmem>>, vector<16xf32>,
        %get3A_552 = arith.constant 1 : i32
        %get3A_553 = arith.index_cast %get3A_552 : i32 to index
        %get3A_554 = arith.constant 32 : index
        %get3A_555 = tpu.vector_load %arg6[%get3A_553, %get3A_554] {strides = array<i32>} : memref<2x128xf32, #tpu.memory_space<vmem>>, vector<16xf32>,
        %get3A_556 = arith.constant 1 : i32
        %get3A_557 = arith.index_cast %get3A_556 : i32 to index
        %get3A_558 = arith.constant 48 : index
        %get3A_559 = tpu.vector_load %arg6[%get3A_557, %get3A_558] {strides = array<i32>} : memref<2x128xf32, #tpu.memory_space<vmem>>, vector<16xf32>,
        %get3A_560 = arith.constant 1 : i32
        %get3A_561 = arith.index_cast %get3A_560 : i32 to index
        %get3A_562 = arith.constant 64 : index
        %get3A_563 = tpu.vector_load %arg6[%get3A_561, %get3A_562] {strides = array<i32>} : memref<2x128xf32, #tpu.memory_space<vmem>>, vector<16xf32>,
        %get3A_564 = arith.constant 1 : i32
        %get3A_565 = arith.index_cast %get3A_564 : i32 to index
        %get3A_566 = arith.constant 80 : index
        %get3A_567 = tpu.vector_load %arg6[%get3A_565, %get3A_566] {strides = array<i32>} : memref<2x128xf32, #tpu.memory_space<vmem>>, vector<16xf32>,
        %get3A_568 = arith.constant 1 : i32
        %get3A_569 = arith.index_cast %get3A_568 : i32 to index
        %get3A_570 = arith.constant 96 : index
        %get3A_571 = tpu.vector_load %arg6[%get3A_569, %get3A_570] {strides = array<i32>} : memref<2x128xf32, #tpu.memory_space<vmem>>, vector<16xf32>,
        %get3A_572 = arith.constant 1 : i32
        %get3A_573 = arith.index_cast %get3A_572 : i32 to index
        %get3A_574 = arith.constant 112 : index
        %get3A_575 = tpu.vector_load %arg6[%get3A_573, %get3A_574] {strides = array<i32>} : memref<2x128xf32, #tpu.memory_space<vmem>>, vector<16xf32>,
        %jit3A_576 = arith.constant 8 : i32
        %eq3A_577 = arith.constant 0 : i32
        %eq3A_578 = arith.cmpi eq, %jit3A_576, %eq3A_577 : i32
        %jit3A_579 = arith.constant 1 : i32
        %select_n3A_580 = arith.select %eq3A_578, %jit3A_579, %jit3A_576 : i32
        %rem3A_581 = arith.remsi %add3A_356, %select_n3A_580 : i32
        %ne3A_582 = arith.constant 0 : i32
        %ne3A_583 = arith.cmpi ne, %rem3A_581, %ne3A_582 : i32
        %lt3A_584 = arith.constant 0 : i32
        %lt3A_585 = arith.cmpi slt, %rem3A_581, %lt3A_584 : i32
        %lt3A_586 = arith.constant 0 : i32
        %lt3A_587 = arith.cmpi slt, %select_n3A_580, %lt3A_586 : i32
        %ne3A_588 = arith.xori %lt3A_585, %lt3A_587 : i1
        %and3A_589 = arith.andi %ne3A_588, %ne3A_583 : i1
        %add3A_590 = arith.addi %rem3A_581, %select_n3A_580 : i32
        %select_n3A_591 = arith.select %and3A_589, %add3A_590, %rem3A_581 : i32
        %scan3A_592 = arith.constant 0 : i32
        %scan3A_593 = arith.constant 0 : i32
        %scan3A_594 = arith.constant 13 : i32
        %scan3A_595 = arith.addi %scan3A_593, %scan3A_594 : i32
        %scan3A_596 = arith.constant 1 : i32
        scf.for %scan3A_598 = %scan3A_593 to %scan3A_595 step %scan3A_596  : i32 {
          %mul3A_599 = arith.constant 16 : i32
          %mul3A_600 = arith.muli %scan3A_598, %mul3A_599 : i32
          %add3A_601 = arith.constant 0 : i32
          %add3A_602 = arith.addi %mul3A_600, %add3A_601 : i32
          %add3A_603 = arith.constant 0 : i32
          %add3A_604 = arith.addi %add3A_602, %add3A_603 : i32
          %get3A_605 = arith.constant 1 : i32
          %get3A_606 = arith.index_cast %get3A_605 : i32 to index
          %get3A_607 = arith.index_cast %add3A_604 : i32 to index
          %get3A_608 = arith.constant 0 : index
          %get3A_609 = tpu.vector_load %arg8[%get3A_606, %get3A_607, %get3A_608] {strides = array<i32>} : memref<2x208x128xf32, #tpu.memory_space<vmem>>, vector<16xf32>,
          %mul3A_610 = arith.mulf %get3A_547, %get3A_609 : vector<16xf32>
          %get3A_611 = arith.constant 1 : i32
          %get3A_612 = arith.index_cast %get3A_611 : i32 to index
          %get3A_613 = arith.index_cast %add3A_604 : i32 to index
          %get3A_614 = arith.constant 16 : index
          %get3A_615 = tpu.vector_load %arg8[%get3A_612, %get3A_613, %get3A_614] {strides = array<i32>} : memref<2x208x128xf32, #tpu.memory_space<vmem>>, vector<16xf32>,
          %mul3A_616 = arith.mulf %get3A_551, %get3A_615 : vector<16xf32>
          %get3A_617 = arith.constant 1 : i32
          %get3A_618 = arith.index_cast %get3A_617 : i32 to index
          %get3A_619 = arith.index_cast %add3A_604 : i32 to index
          %get3A_620 = arith.constant 32 : index
          %get3A_621 = tpu.vector_load %arg8[%get3A_618, %get3A_619, %get3A_620] {strides = array<i32>} : memref<2x208x128xf32, #tpu.memory_space<vmem>>, vector<16xf32>,
          %mul3A_622 = arith.mulf %get3A_555, %get3A_621 : vector<16xf32>
          %add3A_623 = arith.addf %mul3A_610, %mul3A_622 : vector<16xf32>
          %get3A_624 = arith.constant 1 : i32
          %get3A_625 = arith.index_cast %get3A_624 : i32 to index
          %get3A_626 = arith.index_cast %add3A_604 : i32 to index
          %get3A_627 = arith.constant 48 : index
          %get3A_628 = tpu.vector_load %arg8[%get3A_625, %get3A_626, %get3A_627] {strides = array<i32>} : memref<2x208x128xf32, #tpu.memory_space<vmem>>, vector<16xf32>,
          %mul3A_629 = arith.mulf %get3A_559, %get3A_628 : vector<16xf32>
          %add3A_630 = arith.addf %mul3A_616, %mul3A_629 : vector<16xf32>
          %get3A_631 = arith.constant 1 : i32
          %get3A_632 = arith.index_cast %get3A_631 : i32 to index
          %get3A_633 = arith.index_cast %add3A_604 : i32 to index
          %get3A_634 = arith.constant 64 : index
          %get3A_635 = tpu.vector_load %arg8[%get3A_632, %get3A_633, %get3A_634] {strides = array<i32>} : memref<2x208x128xf32, #tpu.memory_space<vmem>>, vector<16xf32>,
          %mul3A_636 = arith.mulf %get3A_563, %get3A_635 : vector<16xf32>
          %add3A_637 = arith.addf %add3A_623, %mul3A_636 : vector<16xf32>
          %get3A_638 = arith.constant 1 : i32
          %get3A_639 = arith.index_cast %get3A_638 : i32 to index
          %get3A_640 = arith.index_cast %add3A_604 : i32 to index
          %get3A_641 = arith.constant 80 : index
          %get3A_642 = tpu.vector_load %arg8[%get3A_639, %get3A_640, %get3A_641] {strides = array<i32>} : memref<2x208x128xf32, #tpu.memory_space<vmem>>, vector<16xf32>,
          %mul3A_643 = arith.mulf %get3A_567, %get3A_642 : vector<16xf32>
          %add3A_644 = arith.addf %add3A_630, %mul3A_643 : vector<16xf32>
          %get3A_645 = arith.constant 1 : i32
          %get3A_646 = arith.index_cast %get3A_645 : i32 to index
          %get3A_647 = arith.index_cast %add3A_604 : i32 to index
          %get3A_648 = arith.constant 96 : index
          %get3A_649 = tpu.vector_load %arg8[%get3A_646, %get3A_647, %get3A_648] {strides = array<i32>} : memref<2x208x128xf32, #tpu.memory_space<vmem>>, vector<16xf32>,
          %mul3A_650 = arith.mulf %get3A_571, %get3A_649 : vector<16xf32>
          %add3A_651 = arith.addf %add3A_637, %mul3A_650 : vector<16xf32>
          %get3A_652 = arith.constant 1 : i32
          %get3A_653 = arith.index_cast %get3A_652 : i32 to index
          %get3A_654 = arith.index_cast %add3A_604 : i32 to index
          %get3A_655 = arith.constant 112 : index
          %get3A_656 = tpu.vector_load %arg8[%get3A_653, %get3A_654, %get3A_655] {strides = array<i32>} : memref<2x208x128xf32, #tpu.memory_space<vmem>>, vector<16xf32>,
          %mul3A_657 = arith.mulf %get3A_575, %get3A_656 : vector<16xf32>
          %add3A_658 = arith.addf %add3A_644, %mul3A_657 : vector<16xf32>
          %add3A_659 = arith.addf %add3A_651, %add3A_658 : vector<16xf32>
          %mul3A_660 = arith.constant 16 : i32
          %mul3A_661 = arith.muli %scan3A_598, %mul3A_660 : i32
          %add3A_662 = arith.constant 0 : i32
          %add3A_663 = arith.addi %mul3A_661, %add3A_662 : i32
          %add3A_664 = arith.constant 1 : i32
          %add3A_665 = arith.addi %add3A_663, %add3A_664 : i32
          %get3A_666 = arith.constant 1 : i32
          %get3A_667 = arith.index_cast %get3A_666 : i32 to index
          %get3A_668 = arith.index_cast %add3A_665 : i32 to index
          %get3A_669 = arith.constant 0 : index
          %get3A_670 = tpu.vector_load %arg8[%get3A_667, %get3A_668, %get3A_669] {strides = array<i32>} : memref<2x208x128xf32, #tpu.memory_space<vmem>>, vector<16xf32>,
          %mul3A_671 = arith.mulf %get3A_547, %get3A_670 : vector<16xf32>
          %get3A_672 = arith.constant 1 : i32
          %get3A_673 = arith.index_cast %get3A_672 : i32 to index
          %get3A_674 = arith.index_cast %add3A_665 : i32 to index
          %get3A_675 = arith.constant 16 : index
          %get3A_676 = tpu.vector_load %arg8[%get3A_673, %get3A_674, %get3A_675] {strides = array<i32>} : memref<2x208x128xf32, #tpu.memory_space<vmem>>, vector<16xf32>,
          %mul3A_677 = arith.mulf %get3A_551, %get3A_676 : vector<16xf32>
          %get3A_678 = arith.constant 1 : i32
          %get3A_679 = arith.index_cast %get3A_678 : i32 to index
          %get3A_680 = arith.index_cast %add3A_665 : i32 to index
          %get3A_681 = arith.constant 32 : index
          %get3A_682 = tpu.vector_load %arg8[%get3A_679, %get3A_680, %get3A_681] {strides = array<i32>} : memref<2x208x128xf32, #tpu.memory_space<vmem>>, vector<16xf32>,
          %mul3A_683 = arith.mulf %get3A_555, %get3A_682 : vector<16xf32>
          %add3A_684 = arith.addf %mul3A_671, %mul3A_683 : vector<16xf32>
          %get3A_685 = arith.constant 1 : i32
          %get3A_686 = arith.index_cast %get3A_685 : i32 to index
          %get3A_687 = arith.index_cast %add3A_665 : i32 to index
          %get3A_688 = arith.constant 48 : index
          %get3A_689 = tpu.vector_load %arg8[%get3A_686, %get3A_687, %get3A_688] {strides = array<i32>} : memref<2x208x128xf32, #tpu.memory_space<vmem>>, vector<16xf32>,
          %mul3A_690 = arith.mulf %get3A_559, %get3A_689 : vector<16xf32>
          %add3A_691 = arith.addf %mul3A_677, %mul3A_690 : vector<16xf32>
          %get3A_692 = arith.constant 1 : i32
          %get3A_693 = arith.index_cast %get3A_692 : i32 to index
          %get3A_694 = arith.index_cast %add3A_665 : i32 to index
          %get3A_695 = arith.constant 64 : index
          %get3A_696 = tpu.vector_load %arg8[%get3A_693, %get3A_694, %get3A_695] {strides = array<i32>} : memref<2x208x128xf32, #tpu.memory_space<vmem>>, vector<16xf32>,
          %mul3A_697 = arith.mulf %get3A_563, %get3A_696 : vector<16xf32>
          %add3A_698 = arith.addf %add3A_684, %mul3A_697 : vector<16xf32>
          %get3A_699 = arith.constant 1 : i32
          %get3A_700 = arith.index_cast %get3A_699 : i32 to index
          %get3A_701 = arith.index_cast %add3A_665 : i32 to index
          %get3A_702 = arith.constant 80 : index
          %get3A_703 = tpu.vector_load %arg8[%get3A_700, %get3A_701, %get3A_702] {strides = array<i32>} : memref<2x208x128xf32, #tpu.memory_space<vmem>>, vector<16xf32>,
          %mul3A_704 = arith.mulf %get3A_567, %get3A_703 : vector<16xf32>
          %add3A_705 = arith.addf %add3A_691, %mul3A_704 : vector<16xf32>
          %get3A_706 = arith.constant 1 : i32
          %get3A_707 = arith.index_cast %get3A_706 : i32 to index
          %get3A_708 = arith.index_cast %add3A_665 : i32 to index
          %get3A_709 = arith.constant 96 : index
          %get3A_710 = tpu.vector_load %arg8[%get3A_707, %get3A_708, %get3A_709] {strides = array<i32>} : memref<2x208x128xf32, #tpu.memory_space<vmem>>, vector<16xf32>,
          %mul3A_711 = arith.mulf %get3A_571, %get3A_710 : vector<16xf32>
          %add3A_712 = arith.addf %add3A_698, %mul3A_711 : vector<16xf32>
          %get3A_713 = arith.constant 1 : i32
          %get3A_714 = arith.index_cast %get3A_713 : i32 to index
          %get3A_715 = arith.index_cast %add3A_665 : i32 to index
          %get3A_716 = arith.constant 112 : index
          %get3A_717 = tpu.vector_load %arg8[%get3A_714, %get3A_715, %get3A_716] {strides = array<i32>} : memref<2x208x128xf32, #tpu.memory_space<vmem>>, vector<16xf32>,
          %mul3A_718 = arith.mulf %get3A_575, %get3A_717 : vector<16xf32>
          %add3A_719 = arith.addf %add3A_705, %mul3A_718 : vector<16xf32>
          %add3A_720 = arith.addf %add3A_712, %add3A_719 : vector<16xf32>
          %pack3A = tpu.pack_subelements %add3A_659, %add3A_720 {pack_format = #tpu.pack_format<interleaved>, positions = array<i32: 0, 1>} : vector<16xf32>, vector<16xf32> -> vector<32xbf16>
          %bitcast3A = vector.bitcast %pack3A : vector<32xbf16> to vector<16xf32>
          %mul3A_721 = arith.constant 16 : i32
          %mul3A_722 = arith.muli %scan3A_598, %mul3A_721 : i32
          %add3A_723 = arith.constant 0 : i32
          %add3A_724 = arith.addi %mul3A_722, %add3A_723 : i32
          %mul3A_725 = arith.constant 8 : i32
          %mul3A_726 = arith.muli %add3A_724, %mul3A_725 : i32
          %swap3A = arith.constant 1 : i32
          %swap3A_727 = arith.index_cast %swap3A : i32 to index
          %swap3A_728 = arith.index_cast %select_n3A_591 : i32 to index
          %swap3A_729 = arith.index_cast %mul3A_726 : i32 to index
          %swap3A_730 = tpu.vector_load %arg9[%swap3A_727, %swap3A_728, %swap3A_729] {strides = array<i32>} : memref<2x8x1664xf32, #tpu.memory_space<vmem>>, vector<16xf32>,
          tpu.vector_store %arg9[%swap3A_727, %swap3A_728, %swap3A_729], %bitcast3A {strides = array<i32>} : memref<2x8x1664xf32, #tpu.memory_space<vmem>>, vector<16xf32>,
          %mul3A_731 = arith.constant 16 : i32
          %mul3A_732 = arith.muli %scan3A_598, %mul3A_731 : i32
          %add3A_733 = arith.constant 2 : i32
          %add3A_734 = arith.addi %mul3A_732, %add3A_733 : i32
          %add3A_735 = arith.constant 0 : i32
          %add3A_736 = arith.addi %add3A_734, %add3A_735 : i32
          %get3A_737 = arith.constant 1 : i32
          %get3A_738 = arith.index_cast %get3A_737 : i32 to index
          %get3A_739 = arith.index_cast %add3A_736 : i32 to index
          %get3A_740 = arith.constant 0 : index
          %get3A_741 = tpu.vector_load %arg8[%get3A_738, %get3A_739, %get3A_740] {strides = array<i32>} : memref<2x208x128xf32, #tpu.memory_space<vmem>>, vector<16xf32>,
          %mul3A_742 = arith.mulf %get3A_547, %get3A_741 : vector<16xf32>
          %get3A_743 = arith.constant 1 : i32
          %get3A_744 = arith.index_cast %get3A_743 : i32 to index
          %get3A_745 = arith.index_cast %add3A_736 : i32 to index
          %get3A_746 = arith.constant 16 : index
          %get3A_747 = tpu.vector_load %arg8[%get3A_744, %get3A_745, %get3A_746] {strides = array<i32>} : memref<2x208x128xf32, #tpu.memory_space<vmem>>, vector<16xf32>,
          %mul3A_748 = arith.mulf %get3A_551, %get3A_747 : vector<16xf32>
          %get3A_749 = arith.constant 1 : i32
          %get3A_750 = arith.index_cast %get3A_749 : i32 to index
          %get3A_751 = arith.index_cast %add3A_736 : i32 to index
          %get3A_752 = arith.constant 32 : index
          %get3A_753 = tpu.vector_load %arg8[%get3A_750, %get3A_751, %get3A_752] {strides = array<i32>} : memref<2x208x128xf32, #tpu.memory_space<vmem>>, vector<16xf32>,
          %mul3A_754 = arith.mulf %get3A_555, %get3A_753 : vector<16xf32>
          %add3A_755 = arith.addf %mul3A_742, %mul3A_754 : vector<16xf32>
          %get3A_756 = arith.constant 1 : i32
          %get3A_757 = arith.index_cast %get3A_756 : i32 to index
          %get3A_758 = arith.index_cast %add3A_736 : i32 to index
          %get3A_759 = arith.constant 48 : index
          %get3A_760 = tpu.vector_load %arg8[%get3A_757, %get3A_758, %get3A_759] {strides = array<i32>} : memref<2x208x128xf32, #tpu.memory_space<vmem>>, vector<16xf32>,
          %mul3A_761 = arith.mulf %get3A_559, %get3A_760 : vector<16xf32>
          %add3A_762 = arith.addf %mul3A_748, %mul3A_761 : vector<16xf32>
          %get3A_763 = arith.constant 1 : i32
          %get3A_764 = arith.index_cast %get3A_763 : i32 to index
          %get3A_765 = arith.index_cast %add3A_736 : i32 to index
          %get3A_766 = arith.constant 64 : index
          %get3A_767 = tpu.vector_load %arg8[%get3A_764, %get3A_765, %get3A_766] {strides = array<i32>} : memref<2x208x128xf32, #tpu.memory_space<vmem>>, vector<16xf32>,
          %mul3A_768 = arith.mulf %get3A_563, %get3A_767 : vector<16xf32>
          %add3A_769 = arith.addf %add3A_755, %mul3A_768 : vector<16xf32>
          %get3A_770 = arith.constant 1 : i32
          %get3A_771 = arith.index_cast %get3A_770 : i32 to index
          %get3A_772 = arith.index_cast %add3A_736 : i32 to index
          %get3A_773 = arith.constant 80 : index
          %get3A_774 = tpu.vector_load %arg8[%get3A_771, %get3A_772, %get3A_773] {strides = array<i32>} : memref<2x208x128xf32, #tpu.memory_space<vmem>>, vector<16xf32>,
          %mul3A_775 = arith.mulf %get3A_567, %get3A_774 : vector<16xf32>
          %add3A_776 = arith.addf %add3A_762, %mul3A_775 : vector<16xf32>
          %get3A_777 = arith.constant 1 : i32
          %get3A_778 = arith.index_cast %get3A_777 : i32 to index
          %get3A_779 = arith.index_cast %add3A_736 : i32 to index
          %get3A_780 = arith.constant 96 : index
          %get3A_781 = tpu.vector_load %arg8[%get3A_778, %get3A_779, %get3A_780] {strides = array<i32>} : memref<2x208x128xf32, #tpu.memory_space<vmem>>, vector<16xf32>,
          %mul3A_782 = arith.mulf %get3A_571, %get3A_781 : vector<16xf32>
          %add3A_783 = arith.addf %add3A_769, %mul3A_782 : vector<16xf32>
          %get3A_784 = arith.constant 1 : i32
          %get3A_785 = arith.index_cast %get3A_784 : i32 to index
          %get3A_786 = arith.index_cast %add3A_736 : i32 to index
          %get3A_787 = arith.constant 112 : index
          %get3A_788 = tpu.vector_load %arg8[%get3A_785, %get3A_786, %get3A_787] {strides = array<i32>} : memref<2x208x128xf32, #tpu.memory_space<vmem>>, vector<16xf32>,
          %mul3A_789 = arith.mulf %get3A_575, %get3A_788 : vector<16xf32>
          %add3A_790 = arith.addf %add3A_776, %mul3A_789 : vector<16xf32>
          %add3A_791 = arith.addf %add3A_783, %add3A_790 : vector<16xf32>
          %mul3A_792 = arith.constant 16 : i32
          %mul3A_793 = arith.muli %scan3A_598, %mul3A_792 : i32
          %add3A_794 = arith.constant 2 : i32
          %add3A_795 = arith.addi %mul3A_793, %add3A_794 : i32
          %add3A_796 = arith.constant 1 : i32
          %add3A_797 = arith.addi %add3A_795, %add3A_796 : i32
          %get3A_798 = arith.constant 1 : i32
          %get3A_799 = arith.index_cast %get3A_798 : i32 to index
          %get3A_800 = arith.index_cast %add3A_797 : i32 to index
          %get3A_801 = arith.constant 0 : index
          %get3A_802 = tpu.vector_load %arg8[%get3A_799, %get3A_800, %get3A_801] {strides = array<i32>} : memref<2x208x128xf32, #tpu.memory_space<vmem>>, vector<16xf32>,
          %mul3A_803 = arith.mulf %get3A_547, %get3A_802 : vector<16xf32>
          %get3A_804 = arith.constant 1 : i32
          %get3A_805 = arith.index_cast %get3A_804 : i32 to index
          %get3A_806 = arith.index_cast %add3A_797 : i32 to index
          %get3A_807 = arith.constant 16 : index
          %get3A_808 = tpu.vector_load %arg8[%get3A_805, %get3A_806, %get3A_807] {strides = array<i32>} : memref<2x208x128xf32, #tpu.memory_space<vmem>>, vector<16xf32>,
          %mul3A_809 = arith.mulf %get3A_551, %get3A_808 : vector<16xf32>
          %get3A_810 = arith.constant 1 : i32
          %get3A_811 = arith.index_cast %get3A_810 : i32 to index
          %get3A_812 = arith.index_cast %add3A_797 : i32 to index
          %get3A_813 = arith.constant 32 : index
          %get3A_814 = tpu.vector_load %arg8[%get3A_811, %get3A_812, %get3A_813] {strides = array<i32>} : memref<2x208x128xf32, #tpu.memory_space<vmem>>, vector<16xf32>,
          %mul3A_815 = arith.mulf %get3A_555, %get3A_814 : vector<16xf32>
          %add3A_816 = arith.addf %mul3A_803, %mul3A_815 : vector<16xf32>
          %get3A_817 = arith.constant 1 : i32
          %get3A_818 = arith.index_cast %get3A_817 : i32 to index
          %get3A_819 = arith.index_cast %add3A_797 : i32 to index
          %get3A_820 = arith.constant 48 : index
          %get3A_821 = tpu.vector_load %arg8[%get3A_818, %get3A_819, %get3A_820] {strides = array<i32>} : memref<2x208x128xf32, #tpu.memory_space<vmem>>, vector<16xf32>,
          %mul3A_822 = arith.mulf %get3A_559, %get3A_821 : vector<16xf32>
          %add3A_823 = arith.addf %mul3A_809, %mul3A_822 : vector<16xf32>
          %get3A_824 = arith.constant 1 : i32
          %get3A_825 = arith.index_cast %get3A_824 : i32 to index
          %get3A_826 = arith.index_cast %add3A_797 : i32 to index
          %get3A_827 = arith.constant 64 : index
          %get3A_828 = tpu.vector_load %arg8[%get3A_825, %get3A_826, %get3A_827] {strides = array<i32>} : memref<2x208x128xf32, #tpu.memory_space<vmem>>, vector<16xf32>,
          %mul3A_829 = arith.mulf %get3A_563, %get3A_828 : vector<16xf32>
          %add3A_830 = arith.addf %add3A_816, %mul3A_829 : vector<16xf32>
          %get3A_831 = arith.constant 1 : i32
          %get3A_832 = arith.index_cast %get3A_831 : i32 to index
          %get3A_833 = arith.index_cast %add3A_797 : i32 to index
          %get3A_834 = arith.constant 80 : index
          %get3A_835 = tpu.vector_load %arg8[%get3A_832, %get3A_833, %get3A_834] {strides = array<i32>} : memref<2x208x128xf32, #tpu.memory_space<vmem>>, vector<16xf32>,
          %mul3A_836 = arith.mulf %get3A_567, %get3A_835 : vector<16xf32>
          %add3A_837 = arith.addf %add3A_823, %mul3A_836 : vector<16xf32>
          %get3A_838 = arith.constant 1 : i32
          %get3A_839 = arith.index_cast %get3A_838 : i32 to index
          %get3A_840 = arith.index_cast %add3A_797 : i32 to index
          %get3A_841 = arith.constant 96 : index
          %get3A_842 = tpu.vector_load %arg8[%get3A_839, %get3A_840, %get3A_841] {strides = array<i32>} : memref<2x208x128xf32, #tpu.memory_space<vmem>>, vector<16xf32>,
          %mul3A_843 = arith.mulf %get3A_571, %get3A_842 : vector<16xf32>
          %add3A_844 = arith.addf %add3A_830, %mul3A_843 : vector<16xf32>
          %get3A_845 = arith.constant 1 : i32
          %get3A_846 = arith.index_cast %get3A_845 : i32 to index
          %get3A_847 = arith.index_cast %add3A_797 : i32 to index
          %get3A_848 = arith.constant 112 : index
          %get3A_849 = tpu.vector_load %arg8[%get3A_846, %get3A_847, %get3A_848] {strides = array<i32>} : memref<2x208x128xf32, #tpu.memory_space<vmem>>, vector<16xf32>,
          %mul3A_850 = arith.mulf %get3A_575, %get3A_849 : vector<16xf32>
          %add3A_851 = arith.addf %add3A_837, %mul3A_850 : vector<16xf32>
          %add3A_852 = arith.addf %add3A_844, %add3A_851 : vector<16xf32>
          %pack3A_853 = tpu.pack_subelements %add3A_791, %add3A_852 {pack_format = #tpu.pack_format<interleaved>, positions = array<i32: 0, 1>} : vector<16xf32>, vector<16xf32> -> vector<32xbf16>
          %bitcast3A_854 = vector.bitcast %pack3A_853 : vector<32xbf16> to vector<16xf32>
          %mul3A_855 = arith.constant 16 : i32
          %mul3A_856 = arith.muli %scan3A_598, %mul3A_855 : i32
          %add3A_857 = arith.constant 2 : i32
          %add3A_858 = arith.addi %mul3A_856, %add3A_857 : i32
          %mul3A_859 = arith.constant 8 : i32
          %mul3A_860 = arith.muli %add3A_858, %mul3A_859 : i32
          %swap3A_861 = arith.constant 1 : i32
          %swap3A_862 = arith.index_cast %swap3A_861 : i32 to index
          %swap3A_863 = arith.index_cast %select_n3A_591 : i32 to index
          %swap3A_864 = arith.index_cast %mul3A_860 : i32 to index
          %swap3A_865 = tpu.vector_load %arg9[%swap3A_862, %swap3A_863, %swap3A_864] {strides = array<i32>} : memref<2x8x1664xf32, #tpu.memory_space<vmem>>, vector<16xf32>,
          tpu.vector_store %arg9[%swap3A_862, %swap3A_863, %swap3A_864], %bitcast3A_854 {strides = array<i32>} : memref<2x8x1664xf32, #tpu.memory_space<vmem>>, vector<16xf32>,
          %mul3A_866 = arith.constant 16 : i32
          %mul3A_867 = arith.muli %scan3A_598, %mul3A_866 : i32
          %add3A_868 = arith.constant 4 : i32
          %add3A_869 = arith.addi %mul3A_867, %add3A_868 : i32
          %add3A_870 = arith.constant 0 : i32
          %add3A_871 = arith.addi %add3A_869, %add3A_870 : i32
          %get3A_872 = arith.constant 1 : i32
          %get3A_873 = arith.index_cast %get3A_872 : i32 to index
          %get3A_874 = arith.index_cast %add3A_871 : i32 to index
          %get3A_875 = arith.constant 0 : index
          %get3A_876 = tpu.vector_load %arg8[%get3A_873, %get3A_874, %get3A_875] {strides = array<i32>} : memref<2x208x128xf32, #tpu.memory_space<vmem>>, vector<16xf32>,
          %mul3A_877 = arith.mulf %get3A_547, %get3A_876 : vector<16xf32>
          %get3A_878 = arith.constant 1 : i32
          %get3A_879 = arith.index_cast %get3A_878 : i32 to index
          %get3A_880 = arith.index_cast %add3A_871 : i32 to index
          %get3A_881 = arith.constant 16 : index
          %get3A_882 = tpu.vector_load %arg8[%get3A_879, %get3A_880, %get3A_881] {strides = array<i32>} : memref<2x208x128xf32, #tpu.memory_space<vmem>>, vector<16xf32>,
          %mul3A_883 = arith.mulf %get3A_551, %get3A_882 : vector<16xf32>
          %get3A_884 = arith.constant 1 : i32
          %get3A_885 = arith.index_cast %get3A_884 : i32 to index
          %get3A_886 = arith.index_cast %add3A_871 : i32 to index
          %get3A_887 = arith.constant 32 : index
          %get3A_888 = tpu.vector_load %arg8[%get3A_885, %get3A_886, %get3A_887] {strides = array<i32>} : memref<2x208x128xf32, #tpu.memory_space<vmem>>, vector<16xf32>,
          %mul3A_889 = arith.mulf %get3A_555, %get3A_888 : vector<16xf32>
          %add3A_890 = arith.addf %mul3A_877, %mul3A_889 : vector<16xf32>
          %get3A_891 = arith.constant 1 : i32
          %get3A_892 = arith.index_cast %get3A_891 : i32 to index
          %get3A_893 = arith.index_cast %add3A_871 : i32 to index
          %get3A_894 = arith.constant 48 : index
          %get3A_895 = tpu.vector_load %arg8[%get3A_892, %get3A_893, %get3A_894] {strides = array<i32>} : memref<2x208x128xf32, #tpu.memory_space<vmem>>, vector<16xf32>,
          %mul3A_896 = arith.mulf %get3A_559, %get3A_895 : vector<16xf32>
          %add3A_897 = arith.addf %mul3A_883, %mul3A_896 : vector<16xf32>
          %get3A_898 = arith.constant 1 : i32
          %get3A_899 = arith.index_cast %get3A_898 : i32 to index
          %get3A_900 = arith.index_cast %add3A_871 : i32 to index
          %get3A_901 = arith.constant 64 : index
          %get3A_902 = tpu.vector_load %arg8[%get3A_899, %get3A_900, %get3A_901] {strides = array<i32>} : memref<2x208x128xf32, #tpu.memory_space<vmem>>, vector<16xf32>,
          %mul3A_903 = arith.mulf %get3A_563, %get3A_902 : vector<16xf32>
          %add3A_904 = arith.addf %add3A_890, %mul3A_903 : vector<16xf32>
          %get3A_905 = arith.constant 1 : i32
          %get3A_906 = arith.index_cast %get3A_905 : i32 to index
          %get3A_907 = arith.index_cast %add3A_871 : i32 to index
          %get3A_908 = arith.constant 80 : index
          %get3A_909 = tpu.vector_load %arg8[%get3A_906, %get3A_907, %get3A_908] {strides = array<i32>} : memref<2x208x128xf32, #tpu.memory_space<vmem>>, vector<16xf32>,
          %mul3A_910 = arith.mulf %get3A_567, %get3A_909 : vector<16xf32>
          %add3A_911 = arith.addf %add3A_897, %mul3A_910 : vector<16xf32>
          %get3A_912 = arith.constant 1 : i32
          %get3A_913 = arith.index_cast %get3A_912 : i32 to index
          %get3A_914 = arith.index_cast %add3A_871 : i32 to index
          %get3A_915 = arith.constant 96 : index
          %get3A_916 = tpu.vector_load %arg8[%get3A_913, %get3A_914, %get3A_915] {strides = array<i32>} : memref<2x208x128xf32, #tpu.memory_space<vmem>>, vector<16xf32>,
          %mul3A_917 = arith.mulf %get3A_571, %get3A_916 : vector<16xf32>
          %add3A_918 = arith.addf %add3A_904, %mul3A_917 : vector<16xf32>
          %get3A_919 = arith.constant 1 : i32
          %get3A_920 = arith.index_cast %get3A_919 : i32 to index
          %get3A_921 = arith.index_cast %add3A_871 : i32 to index
          %get3A_922 = arith.constant 112 : index
          %get3A_923 = tpu.vector_load %arg8[%get3A_920, %get3A_921, %get3A_922] {strides = array<i32>} : memref<2x208x128xf32, #tpu.memory_space<vmem>>, vector<16xf32>,
          %mul3A_924 = arith.mulf %get3A_575, %get3A_923 : vector<16xf32>
          %add3A_925 = arith.addf %add3A_911, %mul3A_924 : vector<16xf32>
          %add3A_926 = arith.addf %add3A_918, %add3A_925 : vector<16xf32>
          %mul3A_927 = arith.constant 16 : i32
          %mul3A_928 = arith.muli %scan3A_598, %mul3A_927 : i32
          %add3A_929 = arith.constant 4 : i32
          %add3A_930 = arith.addi %mul3A_928, %add3A_929 : i32
          %add3A_931 = arith.constant 1 : i32
          %add3A_932 = arith.addi %add3A_930, %add3A_931 : i32
          %get3A_933 = arith.constant 1 : i32
          %get3A_934 = arith.index_cast %get3A_933 : i32 to index
          %get3A_935 = arith.index_cast %add3A_932 : i32 to index
          %get3A_936 = arith.constant 0 : index
          %get3A_937 = tpu.vector_load %arg8[%get3A_934, %get3A_935, %get3A_936] {strides = array<i32>} : memref<2x208x128xf32, #tpu.memory_space<vmem>>, vector<16xf32>,
          %mul3A_938 = arith.mulf %get3A_547, %get3A_937 : vector<16xf32>
          %get3A_939 = arith.constant 1 : i32
          %get3A_940 = arith.index_cast %get3A_939 : i32 to index
          %get3A_941 = arith.index_cast %add3A_932 : i32 to index
          %get3A_942 = arith.constant 16 : index
          %get3A_943 = tpu.vector_load %arg8[%get3A_940, %get3A_941, %get3A_942] {strides = array<i32>} : memref<2x208x128xf32, #tpu.memory_space<vmem>>, vector<16xf32>,
          %mul3A_944 = arith.mulf %get3A_551, %get3A_943 : vector<16xf32>
          %get3A_945 = arith.constant 1 : i32
          %get3A_946 = arith.index_cast %get3A_945 : i32 to index
          %get3A_947 = arith.index_cast %add3A_932 : i32 to index
          %get3A_948 = arith.constant 32 : index
          %get3A_949 = tpu.vector_load %arg8[%get3A_946, %get3A_947, %get3A_948] {strides = array<i32>} : memref<2x208x128xf32, #tpu.memory_space<vmem>>, vector<16xf32>,
          %mul3A_950 = arith.mulf %get3A_555, %get3A_949 : vector<16xf32>
          %add3A_951 = arith.addf %mul3A_938, %mul3A_950 : vector<16xf32>
          %get3A_952 = arith.constant 1 : i32
          %get3A_953 = arith.index_cast %get3A_952 : i32 to index
          %get3A_954 = arith.index_cast %add3A_932 : i32 to index
          %get3A_955 = arith.constant 48 : index
          %get3A_956 = tpu.vector_load %arg8[%get3A_953, %get3A_954, %get3A_955] {strides = array<i32>} : memref<2x208x128xf32, #tpu.memory_space<vmem>>, vector<16xf32>,
          %mul3A_957 = arith.mulf %get3A_559, %get3A_956 : vector<16xf32>
          %add3A_958 = arith.addf %mul3A_944, %mul3A_957 : vector<16xf32>
          %get3A_959 = arith.constant 1 : i32
          %get3A_960 = arith.index_cast %get3A_959 : i32 to index
          %get3A_961 = arith.index_cast %add3A_932 : i32 to index
          %get3A_962 = arith.constant 64 : index
          %get3A_963 = tpu.vector_load %arg8[%get3A_960, %get3A_961, %get3A_962] {strides = array<i32>} : memref<2x208x128xf32, #tpu.memory_space<vmem>>, vector<16xf32>,
          %mul3A_964 = arith.mulf %get3A_563, %get3A_963 : vector<16xf32>
          %add3A_965 = arith.addf %add3A_951, %mul3A_964 : vector<16xf32>
          %get3A_966 = arith.constant 1 : i32
          %get3A_967 = arith.index_cast %get3A_966 : i32 to index
          %get3A_968 = arith.index_cast %add3A_932 : i32 to index
          %get3A_969 = arith.constant 80 : index
          %get3A_970 = tpu.vector_load %arg8[%get3A_967, %get3A_968, %get3A_969] {strides = array<i32>} : memref<2x208x128xf32, #tpu.memory_space<vmem>>, vector<16xf32>,
          %mul3A_971 = arith.mulf %get3A_567, %get3A_970 : vector<16xf32>
          %add3A_972 = arith.addf %add3A_958, %mul3A_971 : vector<16xf32>
          %get3A_973 = arith.constant 1 : i32
          %get3A_974 = arith.index_cast %get3A_973 : i32 to index
          %get3A_975 = arith.index_cast %add3A_932 : i32 to index
          %get3A_976 = arith.constant 96 : index
          %get3A_977 = tpu.vector_load %arg8[%get3A_974, %get3A_975, %get3A_976] {strides = array<i32>} : memref<2x208x128xf32, #tpu.memory_space<vmem>>, vector<16xf32>,
          %mul3A_978 = arith.mulf %get3A_571, %get3A_977 : vector<16xf32>
          %add3A_979 = arith.addf %add3A_965, %mul3A_978 : vector<16xf32>
          %get3A_980 = arith.constant 1 : i32
          %get3A_981 = arith.index_cast %get3A_980 : i32 to index
          %get3A_982 = arith.index_cast %add3A_932 : i32 to index
          %get3A_983 = arith.constant 112 : index
          %get3A_984 = tpu.vector_load %arg8[%get3A_981, %get3A_982, %get3A_983] {strides = array<i32>} : memref<2x208x128xf32, #tpu.memory_space<vmem>>, vector<16xf32>,
          %mul3A_985 = arith.mulf %get3A_575, %get3A_984 : vector<16xf32>
          %add3A_986 = arith.addf %add3A_972, %mul3A_985 : vector<16xf32>
          %add3A_987 = arith.addf %add3A_979, %add3A_986 : vector<16xf32>
          %pack3A_988 = tpu.pack_subelements %add3A_926, %add3A_987 {pack_format = #tpu.pack_format<interleaved>, positions = array<i32: 0, 1>} : vector<16xf32>, vector<16xf32> -> vector<32xbf16>
          %bitcast3A_989 = vector.bitcast %pack3A_988 : vector<32xbf16> to vector<16xf32>
          %mul3A_990 = arith.constant 16 : i32
          %mul3A_991 = arith.muli %scan3A_598, %mul3A_990 : i32
          %add3A_992 = arith.constant 4 : i32
          %add3A_993 = arith.addi %mul3A_991, %add3A_992 : i32
          %mul3A_994 = arith.constant 8 : i32
          %mul3A_995 = arith.muli %add3A_993, %mul3A_994 : i32
          %swap3A_996 = arith.constant 1 : i32
          %swap3A_997 = arith.index_cast %swap3A_996 : i32 to index
          %swap3A_998 = arith.index_cast %select_n3A_591 : i32 to index
          %swap3A_999 = arith.index_cast %mul3A_995 : i32 to index
          %swap3A_1000 = tpu.vector_load %arg9[%swap3A_997, %swap3A_998, %swap3A_999] {strides = array<i32>} : memref<2x8x1664xf32, #tpu.memory_space<vmem>>, vector<16xf32>,
          tpu.vector_store %arg9[%swap3A_997, %swap3A_998, %swap3A_999], %bitcast3A_989 {strides = array<i32>} : memref<2x8x1664xf32, #tpu.memory_space<vmem>>, vector<16xf32>,
          %mul3A_1001 = arith.constant 16 : i32
          %mul3A_1002 = arith.muli %scan3A_598, %mul3A_1001 : i32
          %add3A_1003 = arith.constant 6 : i32
          %add3A_1004 = arith.addi %mul3A_1002, %add3A_1003 : i32
          %add3A_1005 = arith.constant 0 : i32
          %add3A_1006 = arith.addi %add3A_1004, %add3A_1005 : i32
          %get3A_1007 = arith.constant 1 : i32
          %get3A_1008 = arith.index_cast %get3A_1007 : i32 to index
          %get3A_1009 = arith.index_cast %add3A_1006 : i32 to index
          %get3A_1010 = arith.constant 0 : index
          %get3A_1011 = tpu.vector_load %arg8[%get3A_1008, %get3A_1009, %get3A_1010] {strides = array<i32>} : memref<2x208x128xf32, #tpu.memory_space<vmem>>, vector<16xf32>,
          %mul3A_1012 = arith.mulf %get3A_547, %get3A_1011 : vector<16xf32>
          %get3A_1013 = arith.constant 1 : i32
          %get3A_1014 = arith.index_cast %get3A_1013 : i32 to index
          %get3A_1015 = arith.index_cast %add3A_1006 : i32 to index
          %get3A_1016 = arith.constant 16 : index
          %get3A_1017 = tpu.vector_load %arg8[%get3A_1014, %get3A_1015, %get3A_1016] {strides = array<i32>} : memref<2x208x128xf32, #tpu.memory_space<vmem>>, vector<16xf32>,
          %mul3A_1018 = arith.mulf %get3A_551, %get3A_1017 : vector<16xf32>
          %get3A_1019 = arith.constant 1 : i32
          %get3A_1020 = arith.index_cast %get3A_1019 : i32 to index
          %get3A_1021 = arith.index_cast %add3A_1006 : i32 to index
          %get3A_1022 = arith.constant 32 : index
          %get3A_1023 = tpu.vector_load %arg8[%get3A_1020, %get3A_1021, %get3A_1022] {strides = array<i32>} : memref<2x208x128xf32, #tpu.memory_space<vmem>>, vector<16xf32>,
          %mul3A_1024 = arith.mulf %get3A_555, %get3A_1023 : vector<16xf32>
          %add3A_1025 = arith.addf %mul3A_1012, %mul3A_1024 : vector<16xf32>
          %get3A_1026 = arith.constant 1 : i32
          %get3A_1027 = arith.index_cast %get3A_1026 : i32 to index
          %get3A_1028 = arith.index_cast %add3A_1006 : i32 to index
          %get3A_1029 = arith.constant 48 : index
          %get3A_1030 = tpu.vector_load %arg8[%get3A_1027, %get3A_1028, %get3A_1029] {strides = array<i32>} : memref<2x208x128xf32, #tpu.memory_space<vmem>>, vector<16xf32>,
          %mul3A_1031 = arith.mulf %get3A_559, %get3A_1030 : vector<16xf32>
          %add3A_1032 = arith.addf %mul3A_1018, %mul3A_1031 : vector<16xf32>
          %get3A_1033 = arith.constant 1 : i32
          %get3A_1034 = arith.index_cast %get3A_1033 : i32 to index
          %get3A_1035 = arith.index_cast %add3A_1006 : i32 to index
          %get3A_1036 = arith.constant 64 : index
          %get3A_1037 = tpu.vector_load %arg8[%get3A_1034, %get3A_1035, %get3A_1036] {strides = array<i32>} : memref<2x208x128xf32, #tpu.memory_space<vmem>>, vector<16xf32>,
          %mul3A_1038 = arith.mulf %get3A_563, %get3A_1037 : vector<16xf32>
          %add3A_1039 = arith.addf %add3A_1025, %mul3A_1038 : vector<16xf32>
          %get3A_1040 = arith.constant 1 : i32
          %get3A_1041 = arith.index_cast %get3A_1040 : i32 to index
          %get3A_1042 = arith.index_cast %add3A_1006 : i32 to index
          %get3A_1043 = arith.constant 80 : index
          %get3A_1044 = tpu.vector_load %arg8[%get3A_1041, %get3A_1042, %get3A_1043] {strides = array<i32>} : memref<2x208x128xf32, #tpu.memory_space<vmem>>, vector<16xf32>,
          %mul3A_1045 = arith.mulf %get3A_567, %get3A_1044 : vector<16xf32>
          %add3A_1046 = arith.addf %add3A_1032, %mul3A_1045 : vector<16xf32>
          %get3A_1047 = arith.constant 1 : i32
          %get3A_1048 = arith.index_cast %get3A_1047 : i32 to index
          %get3A_1049 = arith.index_cast %add3A_1006 : i32 to index
          %get3A_1050 = arith.constant 96 : index
          %get3A_1051 = tpu.vector_load %arg8[%get3A_1048, %get3A_1049, %get3A_1050] {strides = array<i32>} : memref<2x208x128xf32, #tpu.memory_space<vmem>>, vector<16xf32>,
          %mul3A_1052 = arith.mulf %get3A_571, %get3A_1051 : vector<16xf32>
          %add3A_1053 = arith.addf %add3A_1039, %mul3A_1052 : vector<16xf32>
          %get3A_1054 = arith.constant 1 : i32
          %get3A_1055 = arith.index_cast %get3A_1054 : i32 to index
          %get3A_1056 = arith.index_cast %add3A_1006 : i32 to index
          %get3A_1057 = arith.constant 112 : index
          %get3A_1058 = tpu.vector_load %arg8[%get3A_1055, %get3A_1056, %get3A_1057] {strides = array<i32>} : memref<2x208x128xf32, #tpu.memory_space<vmem>>, vector<16xf32>,
          %mul3A_1059 = arith.mulf %get3A_575, %get3A_1058 : vector<16xf32>
          %add3A_1060 = arith.addf %add3A_1046, %mul3A_1059 : vector<16xf32>
          %add3A_1061 = arith.addf %add3A_1053, %add3A_1060 : vector<16xf32>
          %mul3A_1062 = arith.constant 16 : i32
          %mul3A_1063 = arith.muli %scan3A_598, %mul3A_1062 : i32
          %add3A_1064 = arith.constant 6 : i32
          %add3A_1065 = arith.addi %mul3A_1063, %add3A_1064 : i32
          %add3A_1066 = arith.constant 1 : i32
          %add3A_1067 = arith.addi %add3A_1065, %add3A_1066 : i32
          %get3A_1068 = arith.constant 1 : i32
          %get3A_1069 = arith.index_cast %get3A_1068 : i32 to index
          %get3A_1070 = arith.index_cast %add3A_1067 : i32 to index
          %get3A_1071 = arith.constant 0 : index
          %get3A_1072 = tpu.vector_load %arg8[%get3A_1069, %get3A_1070, %get3A_1071] {strides = array<i32>} : memref<2x208x128xf32, #tpu.memory_space<vmem>>, vector<16xf32>,
          %mul3A_1073 = arith.mulf %get3A_547, %get3A_1072 : vector<16xf32>
          %get3A_1074 = arith.constant 1 : i32
          %get3A_1075 = arith.index_cast %get3A_1074 : i32 to index
          %get3A_1076 = arith.index_cast %add3A_1067 : i32 to index
          %get3A_1077 = arith.constant 16 : index
          %get3A_1078 = tpu.vector_load %arg8[%get3A_1075, %get3A_1076, %get3A_1077] {strides = array<i32>} : memref<2x208x128xf32, #tpu.memory_space<vmem>>, vector<16xf32>,
          %mul3A_1079 = arith.mulf %get3A_551, %get3A_1078 : vector<16xf32>
          %get3A_1080 = arith.constant 1 : i32
          %get3A_1081 = arith.index_cast %get3A_1080 : i32 to index
          %get3A_1082 = arith.index_cast %add3A_1067 : i32 to index
          %get3A_1083 = arith.constant 32 : index
          %get3A_1084 = tpu.vector_load %arg8[%get3A_1081, %get3A_1082, %get3A_1083] {strides = array<i32>} : memref<2x208x128xf32, #tpu.memory_space<vmem>>, vector<16xf32>,
          %mul3A_1085 = arith.mulf %get3A_555, %get3A_1084 : vector<16xf32>
          %add3A_1086 = arith.addf %mul3A_1073, %mul3A_1085 : vector<16xf32>
          %get3A_1087 = arith.constant 1 : i32
          %get3A_1088 = arith.index_cast %get3A_1087 : i32 to index
          %get3A_1089 = arith.index_cast %add3A_1067 : i32 to index
          %get3A_1090 = arith.constant 48 : index
          %get3A_1091 = tpu.vector_load %arg8[%get3A_1088, %get3A_1089, %get3A_1090] {strides = array<i32>} : memref<2x208x128xf32, #tpu.memory_space<vmem>>, vector<16xf32>,
          %mul3A_1092 = arith.mulf %get3A_559, %get3A_1091 : vector<16xf32>
          %add3A_1093 = arith.addf %mul3A_1079, %mul3A_1092 : vector<16xf32>
          %get3A_1094 = arith.constant 1 : i32
          %get3A_1095 = arith.index_cast %get3A_1094 : i32 to index
          %get3A_1096 = arith.index_cast %add3A_1067 : i32 to index
          %get3A_1097 = arith.constant 64 : index
          %get3A_1098 = tpu.vector_load %arg8[%get3A_1095, %get3A_1096, %get3A_1097] {strides = array<i32>} : memref<2x208x128xf32, #tpu.memory_space<vmem>>, vector<16xf32>,
          %mul3A_1099 = arith.mulf %get3A_563, %get3A_1098 : vector<16xf32>
          %add3A_1100 = arith.addf %add3A_1086, %mul3A_1099 : vector<16xf32>
          %get3A_1101 = arith.constant 1 : i32
          %get3A_1102 = arith.index_cast %get3A_1101 : i32 to index
          %get3A_1103 = arith.index_cast %add3A_1067 : i32 to index
          %get3A_1104 = arith.constant 80 : index
          %get3A_1105 = tpu.vector_load %arg8[%get3A_1102, %get3A_1103, %get3A_1104] {strides = array<i32>} : memref<2x208x128xf32, #tpu.memory_space<vmem>>, vector<16xf32>,
          %mul3A_1106 = arith.mulf %get3A_567, %get3A_1105 : vector<16xf32>
          %add3A_1107 = arith.addf %add3A_1093, %mul3A_1106 : vector<16xf32>
          %get3A_1108 = arith.constant 1 : i32
          %get3A_1109 = arith.index_cast %get3A_1108 : i32 to index
          %get3A_1110 = arith.index_cast %add3A_1067 : i32 to index
          %get3A_1111 = arith.constant 96 : index
          %get3A_1112 = tpu.vector_load %arg8[%get3A_1109, %get3A_1110, %get3A_1111] {strides = array<i32>} : memref<2x208x128xf32, #tpu.memory_space<vmem>>, vector<16xf32>,
          %mul3A_1113 = arith.mulf %get3A_571, %get3A_1112 : vector<16xf32>
          %add3A_1114 = arith.addf %add3A_1100, %mul3A_1113 : vector<16xf32>
          %get3A_1115 = arith.constant 1 : i32
          %get3A_1116 = arith.index_cast %get3A_1115 : i32 to index
          %get3A_1117 = arith.index_cast %add3A_1067 : i32 to index
          %get3A_1118 = arith.constant 112 : index
          %get3A_1119 = tpu.vector_load %arg8[%get3A_1116, %get3A_1117, %get3A_1118] {strides = array<i32>} : memref<2x208x128xf32, #tpu.memory_space<vmem>>, vector<16xf32>,
          %mul3A_1120 = arith.mulf %get3A_575, %get3A_1119 : vector<16xf32>
          %add3A_1121 = arith.addf %add3A_1107, %mul3A_1120 : vector<16xf32>
          %add3A_1122 = arith.addf %add3A_1114, %add3A_1121 : vector<16xf32>
          %pack3A_1123 = tpu.pack_subelements %add3A_1061, %add3A_1122 {pack_format = #tpu.pack_format<interleaved>, positions = array<i32: 0, 1>} : vector<16xf32>, vector<16xf32> -> vector<32xbf16>
          %bitcast3A_1124 = vector.bitcast %pack3A_1123 : vector<32xbf16> to vector<16xf32>
          %mul3A_1125 = arith.constant 16 : i32
          %mul3A_1126 = arith.muli %scan3A_598, %mul3A_1125 : i32
          %add3A_1127 = arith.constant 6 : i32
          %add3A_1128 = arith.addi %mul3A_1126, %add3A_1127 : i32
          %mul3A_1129 = arith.constant 8 : i32
          %mul3A_1130 = arith.muli %add3A_1128, %mul3A_1129 : i32
          %swap3A_1131 = arith.constant 1 : i32
          %swap3A_1132 = arith.index_cast %swap3A_1131 : i32 to index
          %swap3A_1133 = arith.index_cast %select_n3A_591 : i32 to index
          %swap3A_1134 = arith.index_cast %mul3A_1130 : i32 to index
          %swap3A_1135 = tpu.vector_load %arg9[%swap3A_1132, %swap3A_1133, %swap3A_1134] {strides = array<i32>} : memref<2x8x1664xf32, #tpu.memory_space<vmem>>, vector<16xf32>,
          tpu.vector_store %arg9[%swap3A_1132, %swap3A_1133, %swap3A_1134], %bitcast3A_1124 {strides = array<i32>} : memref<2x8x1664xf32, #tpu.memory_space<vmem>>, vector<16xf32>,
          %mul3A_1136 = arith.constant 16 : i32
          %mul3A_1137 = arith.muli %scan3A_598, %mul3A_1136 : i32
          %add3A_1138 = arith.constant 8 : i32
          %add3A_1139 = arith.addi %mul3A_1137, %add3A_1138 : i32
          %add3A_1140 = arith.constant 0 : i32
          %add3A_1141 = arith.addi %add3A_1139, %add3A_1140 : i32
          %get3A_1142 = arith.constant 1 : i32
          %get3A_1143 = arith.index_cast %get3A_1142 : i32 to index
          %get3A_1144 = arith.index_cast %add3A_1141 : i32 to index
          %get3A_1145 = arith.constant 0 : index
          %get3A_1146 = tpu.vector_load %arg8[%get3A_1143, %get3A_1144, %get3A_1145] {strides = array<i32>} : memref<2x208x128xf32, #tpu.memory_space<vmem>>, vector<16xf32>,
          %mul3A_1147 = arith.mulf %get3A_547, %get3A_1146 : vector<16xf32>
          %get3A_1148 = arith.constant 1 : i32
          %get3A_1149 = arith.index_cast %get3A_1148 : i32 to index
          %get3A_1150 = arith.index_cast %add3A_1141 : i32 to index
          %get3A_1151 = arith.constant 16 : index
          %get3A_1152 = tpu.vector_load %arg8[%get3A_1149, %get3A_1150, %get3A_1151] {strides = array<i32>} : memref<2x208x128xf32, #tpu.memory_space<vmem>>, vector<16xf32>,
          %mul3A_1153 = arith.mulf %get3A_551, %get3A_1152 : vector<16xf32>
          %get3A_1154 = arith.constant 1 : i32
          %get3A_1155 = arith.index_cast %get3A_1154 : i32 to index
          %get3A_1156 = arith.index_cast %add3A_1141 : i32 to index
          %get3A_1157 = arith.constant 32 : index
          %get3A_1158 = tpu.vector_load %arg8[%get3A_1155, %get3A_1156, %get3A_1157] {strides = array<i32>} : memref<2x208x128xf32, #tpu.memory_space<vmem>>, vector<16xf32>,
          %mul3A_1159 = arith.mulf %get3A_555, %get3A_1158 : vector<16xf32>
          %add3A_1160 = arith.addf %mul3A_1147, %mul3A_1159 : vector<16xf32>
          %get3A_1161 = arith.constant 1 : i32
          %get3A_1162 = arith.index_cast %get3A_1161 : i32 to index
          %get3A_1163 = arith.index_cast %add3A_1141 : i32 to index
          %get3A_1164 = arith.constant 48 : index
          %get3A_1165 = tpu.vector_load %arg8[%get3A_1162, %get3A_1163, %get3A_1164] {strides = array<i32>} : memref<2x208x128xf32, #tpu.memory_space<vmem>>, vector<16xf32>,
          %mul3A_1166 = arith.mulf %get3A_559, %get3A_1165 : vector<16xf32>
          %add3A_1167 = arith.addf %mul3A_1153, %mul3A_1166 : vector<16xf32>
          %get3A_1168 = arith.constant 1 : i32
          %get3A_1169 = arith.index_cast %get3A_1168 : i32 to index
          %get3A_1170 = arith.index_cast %add3A_1141 : i32 to index
          %get3A_1171 = arith.constant 64 : index
          %get3A_1172 = tpu.vector_load %arg8[%get3A_1169, %get3A_1170, %get3A_1171] {strides = array<i32>} : memref<2x208x128xf32, #tpu.memory_space<vmem>>, vector<16xf32>,
          %mul3A_1173 = arith.mulf %get3A_563, %get3A_1172 : vector<16xf32>
          %add3A_1174 = arith.addf %add3A_1160, %mul3A_1173 : vector<16xf32>
          %get3A_1175 = arith.constant 1 : i32
          %get3A_1176 = arith.index_cast %get3A_1175 : i32 to index
          %get3A_1177 = arith.index_cast %add3A_1141 : i32 to index
          %get3A_1178 = arith.constant 80 : index
          %get3A_1179 = tpu.vector_load %arg8[%get3A_1176, %get3A_1177, %get3A_1178] {strides = array<i32>} : memref<2x208x128xf32, #tpu.memory_space<vmem>>, vector<16xf32>,
          %mul3A_1180 = arith.mulf %get3A_567, %get3A_1179 : vector<16xf32>
          %add3A_1181 = arith.addf %add3A_1167, %mul3A_1180 : vector<16xf32>
          %get3A_1182 = arith.constant 1 : i32
          %get3A_1183 = arith.index_cast %get3A_1182 : i32 to index
          %get3A_1184 = arith.index_cast %add3A_1141 : i32 to index
          %get3A_1185 = arith.constant 96 : index
          %get3A_1186 = tpu.vector_load %arg8[%get3A_1183, %get3A_1184, %get3A_1185] {strides = array<i32>} : memref<2x208x128xf32, #tpu.memory_space<vmem>>, vector<16xf32>,
          %mul3A_1187 = arith.mulf %get3A_571, %get3A_1186 : vector<16xf32>
          %add3A_1188 = arith.addf %add3A_1174, %mul3A_1187 : vector<16xf32>
          %get3A_1189 = arith.constant 1 : i32
          %get3A_1190 = arith.index_cast %get3A_1189 : i32 to index
          %get3A_1191 = arith.index_cast %add3A_1141 : i32 to index
          %get3A_1192 = arith.constant 112 : index
          %get3A_1193 = tpu.vector_load %arg8[%get3A_1190, %get3A_1191, %get3A_1192] {strides = array<i32>} : memref<2x208x128xf32, #tpu.memory_space<vmem>>, vector<16xf32>,
          %mul3A_1194 = arith.mulf %get3A_575, %get3A_1193 : vector<16xf32>
          %add3A_1195 = arith.addf %add3A_1181, %mul3A_1194 : vector<16xf32>
          %add3A_1196 = arith.addf %add3A_1188, %add3A_1195 : vector<16xf32>
          %mul3A_1197 = arith.constant 16 : i32
          %mul3A_1198 = arith.muli %scan3A_598, %mul3A_1197 : i32
          %add3A_1199 = arith.constant 8 : i32
          %add3A_1200 = arith.addi %mul3A_1198, %add3A_1199 : i32
          %add3A_1201 = arith.constant 1 : i32
          %add3A_1202 = arith.addi %add3A_1200, %add3A_1201 : i32
          %get3A_1203 = arith.constant 1 : i32
          %get3A_1204 = arith.index_cast %get3A_1203 : i32 to index
          %get3A_1205 = arith.index_cast %add3A_1202 : i32 to index
          %get3A_1206 = arith.constant 0 : index
          %get3A_1207 = tpu.vector_load %arg8[%get3A_1204, %get3A_1205, %get3A_1206] {strides = array<i32>} : memref<2x208x128xf32, #tpu.memory_space<vmem>>, vector<16xf32>,
          %mul3A_1208 = arith.mulf %get3A_547, %get3A_1207 : vector<16xf32>
          %get3A_1209 = arith.constant 1 : i32
          %get3A_1210 = arith.index_cast %get3A_1209 : i32 to index
          %get3A_1211 = arith.index_cast %add3A_1202 : i32 to index
          %get3A_1212 = arith.constant 16 : index
          %get3A_1213 = tpu.vector_load %arg8[%get3A_1210, %get3A_1211, %get3A_1212] {strides = array<i32>} : memref<2x208x128xf32, #tpu.memory_space<vmem>>, vector<16xf32>,
          %mul3A_1214 = arith.mulf %get3A_551, %get3A_1213 : vector<16xf32>
          %get3A_1215 = arith.constant 1 : i32
          %get3A_1216 = arith.index_cast %get3A_1215 : i32 to index
          %get3A_1217 = arith.index_cast %add3A_1202 : i32 to index
          %get3A_1218 = arith.constant 32 : index
          %get3A_1219 = tpu.vector_load %arg8[%get3A_1216, %get3A_1217, %get3A_1218] {strides = array<i32>} : memref<2x208x128xf32, #tpu.memory_space<vmem>>, vector<16xf32>,
          %mul3A_1220 = arith.mulf %get3A_555, %get3A_1219 : vector<16xf32>
          %add3A_1221 = arith.addf %mul3A_1208, %mul3A_1220 : vector<16xf32>
          %get3A_1222 = arith.constant 1 : i32
          %get3A_1223 = arith.index_cast %get3A_1222 : i32 to index
          %get3A_1224 = arith.index_cast %add3A_1202 : i32 to index
          %get3A_1225 = arith.constant 48 : index
          %get3A_1226 = tpu.vector_load %arg8[%get3A_1223, %get3A_1224, %get3A_1225] {strides = array<i32>} : memref<2x208x128xf32, #tpu.memory_space<vmem>>, vector<16xf32>,
          %mul3A_1227 = arith.mulf %get3A_559, %get3A_1226 : vector<16xf32>
          %add3A_1228 = arith.addf %mul3A_1214, %mul3A_1227 : vector<16xf32>
          %get3A_1229 = arith.constant 1 : i32
          %get3A_1230 = arith.index_cast %get3A_1229 : i32 to index
          %get3A_1231 = arith.index_cast %add3A_1202 : i32 to index
          %get3A_1232 = arith.constant 64 : index
          %get3A_1233 = tpu.vector_load %arg8[%get3A_1230, %get3A_1231, %get3A_1232] {strides = array<i32>} : memref<2x208x128xf32, #tpu.memory_space<vmem>>, vector<16xf32>,
          %mul3A_1234 = arith.mulf %get3A_563, %get3A_1233 : vector<16xf32>
          %add3A_1235 = arith.addf %add3A_1221, %mul3A_1234 : vector<16xf32>
          %get3A_1236 = arith.constant 1 : i32
          %get3A_1237 = arith.index_cast %get3A_1236 : i32 to index
          %get3A_1238 = arith.index_cast %add3A_1202 : i32 to index
          %get3A_1239 = arith.constant 80 : index
          %get3A_1240 = tpu.vector_load %arg8[%get3A_1237, %get3A_1238, %get3A_1239] {strides = array<i32>} : memref<2x208x128xf32, #tpu.memory_space<vmem>>, vector<16xf32>,
          %mul3A_1241 = arith.mulf %get3A_567, %get3A_1240 : vector<16xf32>
          %add3A_1242 = arith.addf %add3A_1228, %mul3A_1241 : vector<16xf32>
          %get3A_1243 = arith.constant 1 : i32
          %get3A_1244 = arith.index_cast %get3A_1243 : i32 to index
          %get3A_1245 = arith.index_cast %add3A_1202 : i32 to index
          %get3A_1246 = arith.constant 96 : index
          %get3A_1247 = tpu.vector_load %arg8[%get3A_1244, %get3A_1245, %get3A_1246] {strides = array<i32>} : memref<2x208x128xf32, #tpu.memory_space<vmem>>, vector<16xf32>,
          %mul3A_1248 = arith.mulf %get3A_571, %get3A_1247 : vector<16xf32>
          %add3A_1249 = arith.addf %add3A_1235, %mul3A_1248 : vector<16xf32>
          %get3A_1250 = arith.constant 1 : i32
          %get3A_1251 = arith.index_cast %get3A_1250 : i32 to index
          %get3A_1252 = arith.index_cast %add3A_1202 : i32 to index
          %get3A_1253 = arith.constant 112 : index
          %get3A_1254 = tpu.vector_load %arg8[%get3A_1251, %get3A_1252, %get3A_1253] {strides = array<i32>} : memref<2x208x128xf32, #tpu.memory_space<vmem>>, vector<16xf32>,
          %mul3A_1255 = arith.mulf %get3A_575, %get3A_1254 : vector<16xf32>
          %add3A_1256 = arith.addf %add3A_1242, %mul3A_1255 : vector<16xf32>
          %add3A_1257 = arith.addf %add3A_1249, %add3A_1256 : vector<16xf32>
          %pack3A_1258 = tpu.pack_subelements %add3A_1196, %add3A_1257 {pack_format = #tpu.pack_format<interleaved>, positions = array<i32: 0, 1>} : vector<16xf32>, vector<16xf32> -> vector<32xbf16>
          %bitcast3A_1259 = vector.bitcast %pack3A_1258 : vector<32xbf16> to vector<16xf32>
          %mul3A_1260 = arith.constant 16 : i32
          %mul3A_1261 = arith.muli %scan3A_598, %mul3A_1260 : i32
          %add3A_1262 = arith.constant 8 : i32
          %add3A_1263 = arith.addi %mul3A_1261, %add3A_1262 : i32
          %mul3A_1264 = arith.constant 8 : i32
          %mul3A_1265 = arith.muli %add3A_1263, %mul3A_1264 : i32
          %swap3A_1266 = arith.constant 1 : i32
          %swap3A_1267 = arith.index_cast %swap3A_1266 : i32 to index
          %swap3A_1268 = arith.index_cast %select_n3A_591 : i32 to index
          %swap3A_1269 = arith.index_cast %mul3A_1265 : i32 to index
          %swap3A_1270 = tpu.vector_load %arg9[%swap3A_1267, %swap3A_1268, %swap3A_1269] {strides = array<i32>} : memref<2x8x1664xf32, #tpu.memory_space<vmem>>, vector<16xf32>,
          tpu.vector_store %arg9[%swap3A_1267, %swap3A_1268, %swap3A_1269], %bitcast3A_1259 {strides = array<i32>} : memref<2x8x1664xf32, #tpu.memory_space<vmem>>, vector<16xf32>,
          %mul3A_1271 = arith.constant 16 : i32
          %mul3A_1272 = arith.muli %scan3A_598, %mul3A_1271 : i32
          %add3A_1273 = arith.constant 10 : i32
          %add3A_1274 = arith.addi %mul3A_1272, %add3A_1273 : i32
          %add3A_1275 = arith.constant 0 : i32
          %add3A_1276 = arith.addi %add3A_1274, %add3A_1275 : i32
          %get3A_1277 = arith.constant 1 : i32
          %get3A_1278 = arith.index_cast %get3A_1277 : i32 to index
          %get3A_1279 = arith.index_cast %add3A_1276 : i32 to index
          %get3A_1280 = arith.constant 0 : index
          %get3A_1281 = tpu.vector_load %arg8[%get3A_1278, %get3A_1279, %get3A_1280] {strides = array<i32>} : memref<2x208x128xf32, #tpu.memory_space<vmem>>, vector<16xf32>,
          %mul3A_1282 = arith.mulf %get3A_547, %get3A_1281 : vector<16xf32>
          %get3A_1283 = arith.constant 1 : i32
          %get3A_1284 = arith.index_cast %get3A_1283 : i32 to index
          %get3A_1285 = arith.index_cast %add3A_1276 : i32 to index
          %get3A_1286 = arith.constant 16 : index
          %get3A_1287 = tpu.vector_load %arg8[%get3A_1284, %get3A_1285, %get3A_1286] {strides = array<i32>} : memref<2x208x128xf32, #tpu.memory_space<vmem>>, vector<16xf32>,
          %mul3A_1288 = arith.mulf %get3A_551, %get3A_1287 : vector<16xf32>
          %get3A_1289 = arith.constant 1 : i32
          %get3A_1290 = arith.index_cast %get3A_1289 : i32 to index
          %get3A_1291 = arith.index_cast %add3A_1276 : i32 to index
          %get3A_1292 = arith.constant 32 : index
          %get3A_1293 = tpu.vector_load %arg8[%get3A_1290, %get3A_1291, %get3A_1292] {strides = array<i32>} : memref<2x208x128xf32, #tpu.memory_space<vmem>>, vector<16xf32>,
          %mul3A_1294 = arith.mulf %get3A_555, %get3A_1293 : vector<16xf32>
          %add3A_1295 = arith.addf %mul3A_1282, %mul3A_1294 : vector<16xf32>
          %get3A_1296 = arith.constant 1 : i32
          %get3A_1297 = arith.index_cast %get3A_1296 : i32 to index
          %get3A_1298 = arith.index_cast %add3A_1276 : i32 to index
          %get3A_1299 = arith.constant 48 : index
          %get3A_1300 = tpu.vector_load %arg8[%get3A_1297, %get3A_1298, %get3A_1299] {strides = array<i32>} : memref<2x208x128xf32, #tpu.memory_space<vmem>>, vector<16xf32>,
          %mul3A_1301 = arith.mulf %get3A_559, %get3A_1300 : vector<16xf32>
          %add3A_1302 = arith.addf %mul3A_1288, %mul3A_1301 : vector<16xf32>
          %get3A_1303 = arith.constant 1 : i32
          %get3A_1304 = arith.index_cast %get3A_1303 : i32 to index
          %get3A_1305 = arith.index_cast %add3A_1276 : i32 to index
          %get3A_1306 = arith.constant 64 : index
          %get3A_1307 = tpu.vector_load %arg8[%get3A_1304, %get3A_1305, %get3A_1306] {strides = array<i32>} : memref<2x208x128xf32, #tpu.memory_space<vmem>>, vector<16xf32>,
          %mul3A_1308 = arith.mulf %get3A_563, %get3A_1307 : vector<16xf32>
          %add3A_1309 = arith.addf %add3A_1295, %mul3A_1308 : vector<16xf32>
          %get3A_1310 = arith.constant 1 : i32
          %get3A_1311 = arith.index_cast %get3A_1310 : i32 to index
          %get3A_1312 = arith.index_cast %add3A_1276 : i32 to index
          %get3A_1313 = arith.constant 80 : index
          %get3A_1314 = tpu.vector_load %arg8[%get3A_1311, %get3A_1312, %get3A_1313] {strides = array<i32>} : memref<2x208x128xf32, #tpu.memory_space<vmem>>, vector<16xf32>,
          %mul3A_1315 = arith.mulf %get3A_567, %get3A_1314 : vector<16xf32>
          %add3A_1316 = arith.addf %add3A_1302, %mul3A_1315 : vector<16xf32>
          %get3A_1317 = arith.constant 1 : i32
          %get3A_1318 = arith.index_cast %get3A_1317 : i32 to index
          %get3A_1319 = arith.index_cast %add3A_1276 : i32 to index
          %get3A_1320 = arith.constant 96 : index
          %get3A_1321 = tpu.vector_load %arg8[%get3A_1318, %get3A_1319, %get3A_1320] {strides = array<i32>} : memref<2x208x128xf32, #tpu.memory_space<vmem>>, vector<16xf32>,
          %mul3A_1322 = arith.mulf %get3A_571, %get3A_1321 : vector<16xf32>
          %add3A_1323 = arith.addf %add3A_1309, %mul3A_1322 : vector<16xf32>
          %get3A_1324 = arith.constant 1 : i32
          %get3A_1325 = arith.index_cast %get3A_1324 : i32 to index
          %get3A_1326 = arith.index_cast %add3A_1276 : i32 to index
          %get3A_1327 = arith.constant 112 : index
          %get3A_1328 = tpu.vector_load %arg8[%get3A_1325, %get3A_1326, %get3A_1327] {strides = array<i32>} : memref<2x208x128xf32, #tpu.memory_space<vmem>>, vector<16xf32>,
          %mul3A_1329 = arith.mulf %get3A_575, %get3A_1328 : vector<16xf32>
          %add3A_1330 = arith.addf %add3A_1316, %mul3A_1329 : vector<16xf32>
          %add3A_1331 = arith.addf %add3A_1323, %add3A_1330 : vector<16xf32>
          %mul3A_1332 = arith.constant 16 : i32
          %mul3A_1333 = arith.muli %scan3A_598, %mul3A_1332 : i32
          %add3A_1334 = arith.constant 10 : i32
          %add3A_1335 = arith.addi %mul3A_1333, %add3A_1334 : i32
          %add3A_1336 = arith.constant 1 : i32
          %add3A_1337 = arith.addi %add3A_1335, %add3A_1336 : i32
          %get3A_1338 = arith.constant 1 : i32
          %get3A_1339 = arith.index_cast %get3A_1338 : i32 to index
          %get3A_1340 = arith.index_cast %add3A_1337 : i32 to index
          %get3A_1341 = arith.constant 0 : index
          %get3A_1342 = tpu.vector_load %arg8[%get3A_1339, %get3A_1340, %get3A_1341] {strides = array<i32>} : memref<2x208x128xf32, #tpu.memory_space<vmem>>, vector<16xf32>,
          %mul3A_1343 = arith.mulf %get3A_547, %get3A_1342 : vector<16xf32>
          %get3A_1344 = arith.constant 1 : i32
          %get3A_1345 = arith.index_cast %get3A_1344 : i32 to index
          %get3A_1346 = arith.index_cast %add3A_1337 : i32 to index
          %get3A_1347 = arith.constant 16 : index
          %get3A_1348 = tpu.vector_load %arg8[%get3A_1345, %get3A_1346, %get3A_1347] {strides = array<i32>} : memref<2x208x128xf32, #tpu.memory_space<vmem>>, vector<16xf32>,
          %mul3A_1349 = arith.mulf %get3A_551, %get3A_1348 : vector<16xf32>
          %get3A_1350 = arith.constant 1 : i32
          %get3A_1351 = arith.index_cast %get3A_1350 : i32 to index
          %get3A_1352 = arith.index_cast %add3A_1337 : i32 to index
          %get3A_1353 = arith.constant 32 : index
          %get3A_1354 = tpu.vector_load %arg8[%get3A_1351, %get3A_1352, %get3A_1353] {strides = array<i32>} : memref<2x208x128xf32, #tpu.memory_space<vmem>>, vector<16xf32>,
          %mul3A_1355 = arith.mulf %get3A_555, %get3A_1354 : vector<16xf32>
          %add3A_1356 = arith.addf %mul3A_1343, %mul3A_1355 : vector<16xf32>
          %get3A_1357 = arith.constant 1 : i32
          %get3A_1358 = arith.index_cast %get3A_1357 : i32 to index
          %get3A_1359 = arith.index_cast %add3A_1337 : i32 to index
          %get3A_1360 = arith.constant 48 : index
          %get3A_1361 = tpu.vector_load %arg8[%get3A_1358, %get3A_1359, %get3A_1360] {strides = array<i32>} : memref<2x208x128xf32, #tpu.memory_space<vmem>>, vector<16xf32>,
          %mul3A_1362 = arith.mulf %get3A_559, %get3A_1361 : vector<16xf32>
          %add3A_1363 = arith.addf %mul3A_1349, %mul3A_1362 : vector<16xf32>
          %get3A_1364 = arith.constant 1 : i32
          %get3A_1365 = arith.index_cast %get3A_1364 : i32 to index
          %get3A_1366 = arith.index_cast %add3A_1337 : i32 to index
          %get3A_1367 = arith.constant 64 : index
          %get3A_1368 = tpu.vector_load %arg8[%get3A_1365, %get3A_1366, %get3A_1367] {strides = array<i32>} : memref<2x208x128xf32, #tpu.memory_space<vmem>>, vector<16xf32>,
          %mul3A_1369 = arith.mulf %get3A_563, %get3A_1368 : vector<16xf32>
          %add3A_1370 = arith.addf %add3A_1356, %mul3A_1369 : vector<16xf32>
          %get3A_1371 = arith.constant 1 : i32
          %get3A_1372 = arith.index_cast %get3A_1371 : i32 to index
          %get3A_1373 = arith.index_cast %add3A_1337 : i32 to index
          %get3A_1374 = arith.constant 80 : index
          %get3A_1375 = tpu.vector_load %arg8[%get3A_1372, %get3A_1373, %get3A_1374] {strides = array<i32>} : memref<2x208x128xf32, #tpu.memory_space<vmem>>, vector<16xf32>,
          %mul3A_1376 = arith.mulf %get3A_567, %get3A_1375 : vector<16xf32>
          %add3A_1377 = arith.addf %add3A_1363, %mul3A_1376 : vector<16xf32>
          %get3A_1378 = arith.constant 1 : i32
          %get3A_1379 = arith.index_cast %get3A_1378 : i32 to index
          %get3A_1380 = arith.index_cast %add3A_1337 : i32 to index
          %get3A_1381 = arith.constant 96 : index
          %get3A_1382 = tpu.vector_load %arg8[%get3A_1379, %get3A_1380, %get3A_1381] {strides = array<i32>} : memref<2x208x128xf32, #tpu.memory_space<vmem>>, vector<16xf32>,
          %mul3A_1383 = arith.mulf %get3A_571, %get3A_1382 : vector<16xf32>
          %add3A_1384 = arith.addf %add3A_1370, %mul3A_1383 : vector<16xf32>
          %get3A_1385 = arith.constant 1 : i32
          %get3A_1386 = arith.index_cast %get3A_1385 : i32 to index
          %get3A_1387 = arith.index_cast %add3A_1337 : i32 to index
          %get3A_1388 = arith.constant 112 : index
          %get3A_1389 = tpu.vector_load %arg8[%get3A_1386, %get3A_1387, %get3A_1388] {strides = array<i32>} : memref<2x208x128xf32, #tpu.memory_space<vmem>>, vector<16xf32>,
          %mul3A_1390 = arith.mulf %get3A_575, %get3A_1389 : vector<16xf32>
          %add3A_1391 = arith.addf %add3A_1377, %mul3A_1390 : vector<16xf32>
          %add3A_1392 = arith.addf %add3A_1384, %add3A_1391 : vector<16xf32>
          %pack3A_1393 = tpu.pack_subelements %add3A_1331, %add3A_1392 {pack_format = #tpu.pack_format<interleaved>, positions = array<i32: 0, 1>} : vector<16xf32>, vector<16xf32> -> vector<32xbf16>
          %bitcast3A_1394 = vector.bitcast %pack3A_1393 : vector<32xbf16> to vector<16xf32>
          %mul3A_1395 = arith.constant 16 : i32
          %mul3A_1396 = arith.muli %scan3A_598, %mul3A_1395 : i32
          %add3A_1397 = arith.constant 10 : i32
          %add3A_1398 = arith.addi %mul3A_1396, %add3A_1397 : i32
          %mul3A_1399 = arith.constant 8 : i32
          %mul3A_1400 = arith.muli %add3A_1398, %mul3A_1399 : i32
          %swap3A_1401 = arith.constant 1 : i32
          %swap3A_1402 = arith.index_cast %swap3A_1401 : i32 to index
          %swap3A_1403 = arith.index_cast %select_n3A_591 : i32 to index
          %swap3A_1404 = arith.index_cast %mul3A_1400 : i32 to index
          %swap3A_1405 = tpu.vector_load %arg9[%swap3A_1402, %swap3A_1403, %swap3A_1404] {strides = array<i32>} : memref<2x8x1664xf32, #tpu.memory_space<vmem>>, vector<16xf32>,
          tpu.vector_store %arg9[%swap3A_1402, %swap3A_1403, %swap3A_1404], %bitcast3A_1394 {strides = array<i32>} : memref<2x8x1664xf32, #tpu.memory_space<vmem>>, vector<16xf32>,
          %mul3A_1406 = arith.constant 16 : i32
          %mul3A_1407 = arith.muli %scan3A_598, %mul3A_1406 : i32
          %add3A_1408 = arith.constant 12 : i32
          %add3A_1409 = arith.addi %mul3A_1407, %add3A_1408 : i32
          %add3A_1410 = arith.constant 0 : i32
          %add3A_1411 = arith.addi %add3A_1409, %add3A_1410 : i32
          %get3A_1412 = arith.constant 1 : i32
          %get3A_1413 = arith.index_cast %get3A_1412 : i32 to index
          %get3A_1414 = arith.index_cast %add3A_1411 : i32 to index
          %get3A_1415 = arith.constant 0 : index
          %get3A_1416 = tpu.vector_load %arg8[%get3A_1413, %get3A_1414, %get3A_1415] {strides = array<i32>} : memref<2x208x128xf32, #tpu.memory_space<vmem>>, vector<16xf32>,
          %mul3A_1417 = arith.mulf %get3A_547, %get3A_1416 : vector<16xf32>
          %get3A_1418 = arith.constant 1 : i32
          %get3A_1419 = arith.index_cast %get3A_1418 : i32 to index
          %get3A_1420 = arith.index_cast %add3A_1411 : i32 to index
          %get3A_1421 = arith.constant 16 : index
          %get3A_1422 = tpu.vector_load %arg8[%get3A_1419, %get3A_1420, %get3A_1421] {strides = array<i32>} : memref<2x208x128xf32, #tpu.memory_space<vmem>>, vector<16xf32>,
          %mul3A_1423 = arith.mulf %get3A_551, %get3A_1422 : vector<16xf32>
          %get3A_1424 = arith.constant 1 : i32
          %get3A_1425 = arith.index_cast %get3A_1424 : i32 to index
          %get3A_1426 = arith.index_cast %add3A_1411 : i32 to index
          %get3A_1427 = arith.constant 32 : index
          %get3A_1428 = tpu.vector_load %arg8[%get3A_1425, %get3A_1426, %get3A_1427] {strides = array<i32>} : memref<2x208x128xf32, #tpu.memory_space<vmem>>, vector<16xf32>,
          %mul3A_1429 = arith.mulf %get3A_555, %get3A_1428 : vector<16xf32>
          %add3A_1430 = arith.addf %mul3A_1417, %mul3A_1429 : vector<16xf32>
          %get3A_1431 = arith.constant 1 : i32
          %get3A_1432 = arith.index_cast %get3A_1431 : i32 to index
          %get3A_1433 = arith.index_cast %add3A_1411 : i32 to index
          %get3A_1434 = arith.constant 48 : index
          %get3A_1435 = tpu.vector_load %arg8[%get3A_1432, %get3A_1433, %get3A_1434] {strides = array<i32>} : memref<2x208x128xf32, #tpu.memory_space<vmem>>, vector<16xf32>,
          %mul3A_1436 = arith.mulf %get3A_559, %get3A_1435 : vector<16xf32>
          %add3A_1437 = arith.addf %mul3A_1423, %mul3A_1436 : vector<16xf32>
          %get3A_1438 = arith.constant 1 : i32
          %get3A_1439 = arith.index_cast %get3A_1438 : i32 to index
          %get3A_1440 = arith.index_cast %add3A_1411 : i32 to index
          %get3A_1441 = arith.constant 64 : index
          %get3A_1442 = tpu.vector_load %arg8[%get3A_1439, %get3A_1440, %get3A_1441] {strides = array<i32>} : memref<2x208x128xf32, #tpu.memory_space<vmem>>, vector<16xf32>,
          %mul3A_1443 = arith.mulf %get3A_563, %get3A_1442 : vector<16xf32>
          %add3A_1444 = arith.addf %add3A_1430, %mul3A_1443 : vector<16xf32>
          %get3A_1445 = arith.constant 1 : i32
          %get3A_1446 = arith.index_cast %get3A_1445 : i32 to index
          %get3A_1447 = arith.index_cast %add3A_1411 : i32 to index
          %get3A_1448 = arith.constant 80 : index
          %get3A_1449 = tpu.vector_load %arg8[%get3A_1446, %get3A_1447, %get3A_1448] {strides = array<i32>} : memref<2x208x128xf32, #tpu.memory_space<vmem>>, vector<16xf32>,
          %mul3A_1450 = arith.mulf %get3A_567, %get3A_1449 : vector<16xf32>
          %add3A_1451 = arith.addf %add3A_1437, %mul3A_1450 : vector<16xf32>
          %get3A_1452 = arith.constant 1 : i32
          %get3A_1453 = arith.index_cast %get3A_1452 : i32 to index
          %get3A_1454 = arith.index_cast %add3A_1411 : i32 to index
          %get3A_1455 = arith.constant 96 : index
          %get3A_1456 = tpu.vector_load %arg8[%get3A_1453, %get3A_1454, %get3A_1455] {strides = array<i32>} : memref<2x208x128xf32, #tpu.memory_space<vmem>>, vector<16xf32>,
          %mul3A_1457 = arith.mulf %get3A_571, %get3A_1456 : vector<16xf32>
          %add3A_1458 = arith.addf %add3A_1444, %mul3A_1457 : vector<16xf32>
          %get3A_1459 = arith.constant 1 : i32
          %get3A_1460 = arith.index_cast %get3A_1459 : i32 to index
          %get3A_1461 = arith.index_cast %add3A_1411 : i32 to index
          %get3A_1462 = arith.constant 112 : index
          %get3A_1463 = tpu.vector_load %arg8[%get3A_1460, %get3A_1461, %get3A_1462] {strides = array<i32>} : memref<2x208x128xf32, #tpu.memory_space<vmem>>, vector<16xf32>,
          %mul3A_1464 = arith.mulf %get3A_575, %get3A_1463 : vector<16xf32>
          %add3A_1465 = arith.addf %add3A_1451, %mul3A_1464 : vector<16xf32>
          %add3A_1466 = arith.addf %add3A_1458, %add3A_1465 : vector<16xf32>
          %mul3A_1467 = arith.constant 16 : i32
          %mul3A_1468 = arith.muli %scan3A_598, %mul3A_1467 : i32
          %add3A_1469 = arith.constant 12 : i32
          %add3A_1470 = arith.addi %mul3A_1468, %add3A_1469 : i32
          %add3A_1471 = arith.constant 1 : i32
          %add3A_1472 = arith.addi %add3A_1470, %add3A_1471 : i32
          %get3A_1473 = arith.constant 1 : i32
          %get3A_1474 = arith.index_cast %get3A_1473 : i32 to index
          %get3A_1475 = arith.index_cast %add3A_1472 : i32 to index
          %get3A_1476 = arith.constant 0 : index
          %get3A_1477 = tpu.vector_load %arg8[%get3A_1474, %get3A_1475, %get3A_1476] {strides = array<i32>} : memref<2x208x128xf32, #tpu.memory_space<vmem>>, vector<16xf32>,
          %mul3A_1478 = arith.mulf %get3A_547, %get3A_1477 : vector<16xf32>
          %get3A_1479 = arith.constant 1 : i32
          %get3A_1480 = arith.index_cast %get3A_1479 : i32 to index
          %get3A_1481 = arith.index_cast %add3A_1472 : i32 to index
          %get3A_1482 = arith.constant 16 : index
          %get3A_1483 = tpu.vector_load %arg8[%get3A_1480, %get3A_1481, %get3A_1482] {strides = array<i32>} : memref<2x208x128xf32, #tpu.memory_space<vmem>>, vector<16xf32>,
          %mul3A_1484 = arith.mulf %get3A_551, %get3A_1483 : vector<16xf32>
          %get3A_1485 = arith.constant 1 : i32
          %get3A_1486 = arith.index_cast %get3A_1485 : i32 to index
          %get3A_1487 = arith.index_cast %add3A_1472 : i32 to index
          %get3A_1488 = arith.constant 32 : index
          %get3A_1489 = tpu.vector_load %arg8[%get3A_1486, %get3A_1487, %get3A_1488] {strides = array<i32>} : memref<2x208x128xf32, #tpu.memory_space<vmem>>, vector<16xf32>,
          %mul3A_1490 = arith.mulf %get3A_555, %get3A_1489 : vector<16xf32>
          %add3A_1491 = arith.addf %mul3A_1478, %mul3A_1490 : vector<16xf32>
          %get3A_1492 = arith.constant 1 : i32
          %get3A_1493 = arith.index_cast %get3A_1492 : i32 to index
          %get3A_1494 = arith.index_cast %add3A_1472 : i32 to index
          %get3A_1495 = arith.constant 48 : index
          %get3A_1496 = tpu.vector_load %arg8[%get3A_1493, %get3A_1494, %get3A_1495] {strides = array<i32>} : memref<2x208x128xf32, #tpu.memory_space<vmem>>, vector<16xf32>,
          %mul3A_1497 = arith.mulf %get3A_559, %get3A_1496 : vector<16xf32>
          %add3A_1498 = arith.addf %mul3A_1484, %mul3A_1497 : vector<16xf32>
          %get3A_1499 = arith.constant 1 : i32
          %get3A_1500 = arith.index_cast %get3A_1499 : i32 to index
          %get3A_1501 = arith.index_cast %add3A_1472 : i32 to index
          %get3A_1502 = arith.constant 64 : index
          %get3A_1503 = tpu.vector_load %arg8[%get3A_1500, %get3A_1501, %get3A_1502] {strides = array<i32>} : memref<2x208x128xf32, #tpu.memory_space<vmem>>, vector<16xf32>,
          %mul3A_1504 = arith.mulf %get3A_563, %get3A_1503 : vector<16xf32>
          %add3A_1505 = arith.addf %add3A_1491, %mul3A_1504 : vector<16xf32>
          %get3A_1506 = arith.constant 1 : i32
          %get3A_1507 = arith.index_cast %get3A_1506 : i32 to index
          %get3A_1508 = arith.index_cast %add3A_1472 : i32 to index
          %get3A_1509 = arith.constant 80 : index
          %get3A_1510 = tpu.vector_load %arg8[%get3A_1507, %get3A_1508, %get3A_1509] {strides = array<i32>} : memref<2x208x128xf32, #tpu.memory_space<vmem>>, vector<16xf32>,
          %mul3A_1511 = arith.mulf %get3A_567, %get3A_1510 : vector<16xf32>
          %add3A_1512 = arith.addf %add3A_1498, %mul3A_1511 : vector<16xf32>
          %get3A_1513 = arith.constant 1 : i32
          %get3A_1514 = arith.index_cast %get3A_1513 : i32 to index
          %get3A_1515 = arith.index_cast %add3A_1472 : i32 to index
          %get3A_1516 = arith.constant 96 : index
          %get3A_1517 = tpu.vector_load %arg8[%get3A_1514, %get3A_1515, %get3A_1516] {strides = array<i32>} : memref<2x208x128xf32, #tpu.memory_space<vmem>>, vector<16xf32>,
          %mul3A_1518 = arith.mulf %get3A_571, %get3A_1517 : vector<16xf32>
          %add3A_1519 = arith.addf %add3A_1505, %mul3A_1518 : vector<16xf32>
          %get3A_1520 = arith.constant 1 : i32
          %get3A_1521 = arith.index_cast %get3A_1520 : i32 to index
          %get3A_1522 = arith.index_cast %add3A_1472 : i32 to index
          %get3A_1523 = arith.constant 112 : index
          %get3A_1524 = tpu.vector_load %arg8[%get3A_1521, %get3A_1522, %get3A_1523] {strides = array<i32>} : memref<2x208x128xf32, #tpu.memory_space<vmem>>, vector<16xf32>,
          %mul3A_1525 = arith.mulf %get3A_575, %get3A_1524 : vector<16xf32>
          %add3A_1526 = arith.addf %add3A_1512, %mul3A_1525 : vector<16xf32>
          %add3A_1527 = arith.addf %add3A_1519, %add3A_1526 : vector<16xf32>
          %pack3A_1528 = tpu.pack_subelements %add3A_1466, %add3A_1527 {pack_format = #tpu.pack_format<interleaved>, positions = array<i32: 0, 1>} : vector<16xf32>, vector<16xf32> -> vector<32xbf16>
          %bitcast3A_1529 = vector.bitcast %pack3A_1528 : vector<32xbf16> to vector<16xf32>
          %mul3A_1530 = arith.constant 16 : i32
          %mul3A_1531 = arith.muli %scan3A_598, %mul3A_1530 : i32
          %add3A_1532 = arith.constant 12 : i32
          %add3A_1533 = arith.addi %mul3A_1531, %add3A_1532 : i32
          %mul3A_1534 = arith.constant 8 : i32
          %mul3A_1535 = arith.muli %add3A_1533, %mul3A_1534 : i32
          %swap3A_1536 = arith.constant 1 : i32
          %swap3A_1537 = arith.index_cast %swap3A_1536 : i32 to index
          %swap3A_1538 = arith.index_cast %select_n3A_591 : i32 to index
          %swap3A_1539 = arith.index_cast %mul3A_1535 : i32 to index
          %swap3A_1540 = tpu.vector_load %arg9[%swap3A_1537, %swap3A_1538, %swap3A_1539] {strides = array<i32>} : memref<2x8x1664xf32, #tpu.memory_space<vmem>>, vector<16xf32>,
          tpu.vector_store %arg9[%swap3A_1537, %swap3A_1538, %swap3A_1539], %bitcast3A_1529 {strides = array<i32>} : memref<2x8x1664xf32, #tpu.memory_space<vmem>>, vector<16xf32>,
          %mul3A_1541 = arith.constant 16 : i32
          %mul3A_1542 = arith.muli %scan3A_598, %mul3A_1541 : i32
          %add3A_1543 = arith.constant 14 : i32
          %add3A_1544 = arith.addi %mul3A_1542, %add3A_1543 : i32
          %add3A_1545 = arith.constant 0 : i32
          %add3A_1546 = arith.addi %add3A_1544, %add3A_1545 : i32
          %get3A_1547 = arith.constant 1 : i32
          %get3A_1548 = arith.index_cast %get3A_1547 : i32 to index
          %get3A_1549 = arith.index_cast %add3A_1546 : i32 to index
          %get3A_1550 = arith.constant 0 : index
          %get3A_1551 = tpu.vector_load %arg8[%get3A_1548, %get3A_1549, %get3A_1550] {strides = array<i32>} : memref<2x208x128xf32, #tpu.memory_space<vmem>>, vector<16xf32>,
          %mul3A_1552 = arith.mulf %get3A_547, %get3A_1551 : vector<16xf32>
          %get3A_1553 = arith.constant 1 : i32
          %get3A_1554 = arith.index_cast %get3A_1553 : i32 to index
          %get3A_1555 = arith.index_cast %add3A_1546 : i32 to index
          %get3A_1556 = arith.constant 16 : index
          %get3A_1557 = tpu.vector_load %arg8[%get3A_1554, %get3A_1555, %get3A_1556] {strides = array<i32>} : memref<2x208x128xf32, #tpu.memory_space<vmem>>, vector<16xf32>,
          %mul3A_1558 = arith.mulf %get3A_551, %get3A_1557 : vector<16xf32>
          %get3A_1559 = arith.constant 1 : i32
          %get3A_1560 = arith.index_cast %get3A_1559 : i32 to index
          %get3A_1561 = arith.index_cast %add3A_1546 : i32 to index
          %get3A_1562 = arith.constant 32 : index
          %get3A_1563 = tpu.vector_load %arg8[%get3A_1560, %get3A_1561, %get3A_1562] {strides = array<i32>} : memref<2x208x128xf32, #tpu.memory_space<vmem>>, vector<16xf32>,
          %mul3A_1564 = arith.mulf %get3A_555, %get3A_1563 : vector<16xf32>
          %add3A_1565 = arith.addf %mul3A_1552, %mul3A_1564 : vector<16xf32>
          %get3A_1566 = arith.constant 1 : i32
          %get3A_1567 = arith.index_cast %get3A_1566 : i32 to index
          %get3A_1568 = arith.index_cast %add3A_1546 : i32 to index
          %get3A_1569 = arith.constant 48 : index
          %get3A_1570 = tpu.vector_load %arg8[%get3A_1567, %get3A_1568, %get3A_1569] {strides = array<i32>} : memref<2x208x128xf32, #tpu.memory_space<vmem>>, vector<16xf32>,
          %mul3A_1571 = arith.mulf %get3A_559, %get3A_1570 : vector<16xf32>
          %add3A_1572 = arith.addf %mul3A_1558, %mul3A_1571 : vector<16xf32>
          %get3A_1573 = arith.constant 1 : i32
          %get3A_1574 = arith.index_cast %get3A_1573 : i32 to index
          %get3A_1575 = arith.index_cast %add3A_1546 : i32 to index
          %get3A_1576 = arith.constant 64 : index
          %get3A_1577 = tpu.vector_load %arg8[%get3A_1574, %get3A_1575, %get3A_1576] {strides = array<i32>} : memref<2x208x128xf32, #tpu.memory_space<vmem>>, vector<16xf32>,
          %mul3A_1578 = arith.mulf %get3A_563, %get3A_1577 : vector<16xf32>
          %add3A_1579 = arith.addf %add3A_1565, %mul3A_1578 : vector<16xf32>
          %get3A_1580 = arith.constant 1 : i32
          %get3A_1581 = arith.index_cast %get3A_1580 : i32 to index
          %get3A_1582 = arith.index_cast %add3A_1546 : i32 to index
          %get3A_1583 = arith.constant 80 : index
          %get3A_1584 = tpu.vector_load %arg8[%get3A_1581, %get3A_1582, %get3A_1583] {strides = array<i32>} : memref<2x208x128xf32, #tpu.memory_space<vmem>>, vector<16xf32>,
          %mul3A_1585 = arith.mulf %get3A_567, %get3A_1584 : vector<16xf32>
          %add3A_1586 = arith.addf %add3A_1572, %mul3A_1585 : vector<16xf32>
          %get3A_1587 = arith.constant 1 : i32
          %get3A_1588 = arith.index_cast %get3A_1587 : i32 to index
          %get3A_1589 = arith.index_cast %add3A_1546 : i32 to index
          %get3A_1590 = arith.constant 96 : index
          %get3A_1591 = tpu.vector_load %arg8[%get3A_1588, %get3A_1589, %get3A_1590] {strides = array<i32>} : memref<2x208x128xf32, #tpu.memory_space<vmem>>, vector<16xf32>,
          %mul3A_1592 = arith.mulf %get3A_571, %get3A_1591 : vector<16xf32>
          %add3A_1593 = arith.addf %add3A_1579, %mul3A_1592 : vector<16xf32>
          %get3A_1594 = arith.constant 1 : i32
          %get3A_1595 = arith.index_cast %get3A_1594 : i32 to index
          %get3A_1596 = arith.index_cast %add3A_1546 : i32 to index
          %get3A_1597 = arith.constant 112 : index
          %get3A_1598 = tpu.vector_load %arg8[%get3A_1595, %get3A_1596, %get3A_1597] {strides = array<i32>} : memref<2x208x128xf32, #tpu.memory_space<vmem>>, vector<16xf32>,
          %mul3A_1599 = arith.mulf %get3A_575, %get3A_1598 : vector<16xf32>
          %add3A_1600 = arith.addf %add3A_1586, %mul3A_1599 : vector<16xf32>
          %add3A_1601 = arith.addf %add3A_1593, %add3A_1600 : vector<16xf32>
          %mul3A_1602 = arith.constant 16 : i32
          %mul3A_1603 = arith.muli %scan3A_598, %mul3A_1602 : i32
          %add3A_1604 = arith.constant 14 : i32
          %add3A_1605 = arith.addi %mul3A_1603, %add3A_1604 : i32
          %add3A_1606 = arith.constant 1 : i32
          %add3A_1607 = arith.addi %add3A_1605, %add3A_1606 : i32
          %get3A_1608 = arith.constant 1 : i32
          %get3A_1609 = arith.index_cast %get3A_1608 : i32 to index
          %get3A_1610 = arith.index_cast %add3A_1607 : i32 to index
          %get3A_1611 = arith.constant 0 : index
          %get3A_1612 = tpu.vector_load %arg8[%get3A_1609, %get3A_1610, %get3A_1611] {strides = array<i32>} : memref<2x208x128xf32, #tpu.memory_space<vmem>>, vector<16xf32>,
          %mul3A_1613 = arith.mulf %get3A_547, %get3A_1612 : vector<16xf32>
          %get3A_1614 = arith.constant 1 : i32
          %get3A_1615 = arith.index_cast %get3A_1614 : i32 to index
          %get3A_1616 = arith.index_cast %add3A_1607 : i32 to index
          %get3A_1617 = arith.constant 16 : index
          %get3A_1618 = tpu.vector_load %arg8[%get3A_1615, %get3A_1616, %get3A_1617] {strides = array<i32>} : memref<2x208x128xf32, #tpu.memory_space<vmem>>, vector<16xf32>,
          %mul3A_1619 = arith.mulf %get3A_551, %get3A_1618 : vector<16xf32>
          %get3A_1620 = arith.constant 1 : i32
          %get3A_1621 = arith.index_cast %get3A_1620 : i32 to index
          %get3A_1622 = arith.index_cast %add3A_1607 : i32 to index
          %get3A_1623 = arith.constant 32 : index
          %get3A_1624 = tpu.vector_load %arg8[%get3A_1621, %get3A_1622, %get3A_1623] {strides = array<i32>} : memref<2x208x128xf32, #tpu.memory_space<vmem>>, vector<16xf32>,
          %mul3A_1625 = arith.mulf %get3A_555, %get3A_1624 : vector<16xf32>
          %add3A_1626 = arith.addf %mul3A_1613, %mul3A_1625 : vector<16xf32>
          %get3A_1627 = arith.constant 1 : i32
          %get3A_1628 = arith.index_cast %get3A_1627 : i32 to index
          %get3A_1629 = arith.index_cast %add3A_1607 : i32 to index
          %get3A_1630 = arith.constant 48 : index
          %get3A_1631 = tpu.vector_load %arg8[%get3A_1628, %get3A_1629, %get3A_1630] {strides = array<i32>} : memref<2x208x128xf32, #tpu.memory_space<vmem>>, vector<16xf32>,
          %mul3A_1632 = arith.mulf %get3A_559, %get3A_1631 : vector<16xf32>
          %add3A_1633 = arith.addf %mul3A_1619, %mul3A_1632 : vector<16xf32>
          %get3A_1634 = arith.constant 1 : i32
          %get3A_1635 = arith.index_cast %get3A_1634 : i32 to index
          %get3A_1636 = arith.index_cast %add3A_1607 : i32 to index
          %get3A_1637 = arith.constant 64 : index
          %get3A_1638 = tpu.vector_load %arg8[%get3A_1635, %get3A_1636, %get3A_1637] {strides = array<i32>} : memref<2x208x128xf32, #tpu.memory_space<vmem>>, vector<16xf32>,
          %mul3A_1639 = arith.mulf %get3A_563, %get3A_1638 : vector<16xf32>
          %add3A_1640 = arith.addf %add3A_1626, %mul3A_1639 : vector<16xf32>
          %get3A_1641 = arith.constant 1 : i32
          %get3A_1642 = arith.index_cast %get3A_1641 : i32 to index
          %get3A_1643 = arith.index_cast %add3A_1607 : i32 to index
          %get3A_1644 = arith.constant 80 : index
          %get3A_1645 = tpu.vector_load %arg8[%get3A_1642, %get3A_1643, %get3A_1644] {strides = array<i32>} : memref<2x208x128xf32, #tpu.memory_space<vmem>>, vector<16xf32>,
          %mul3A_1646 = arith.mulf %get3A_567, %get3A_1645 : vector<16xf32>
          %add3A_1647 = arith.addf %add3A_1633, %mul3A_1646 : vector<16xf32>
          %get3A_1648 = arith.constant 1 : i32
          %get3A_1649 = arith.index_cast %get3A_1648 : i32 to index
          %get3A_1650 = arith.index_cast %add3A_1607 : i32 to index
          %get3A_1651 = arith.constant 96 : index
          %get3A_1652 = tpu.vector_load %arg8[%get3A_1649, %get3A_1650, %get3A_1651] {strides = array<i32>} : memref<2x208x128xf32, #tpu.memory_space<vmem>>, vector<16xf32>,
          %mul3A_1653 = arith.mulf %get3A_571, %get3A_1652 : vector<16xf32>
          %add3A_1654 = arith.addf %add3A_1640, %mul3A_1653 : vector<16xf32>
          %get3A_1655 = arith.constant 1 : i32
          %get3A_1656 = arith.index_cast %get3A_1655 : i32 to index
          %get3A_1657 = arith.index_cast %add3A_1607 : i32 to index
          %get3A_1658 = arith.constant 112 : index
          %get3A_1659 = tpu.vector_load %arg8[%get3A_1656, %get3A_1657, %get3A_1658] {strides = array<i32>} : memref<2x208x128xf32, #tpu.memory_space<vmem>>, vector<16xf32>,
          %mul3A_1660 = arith.mulf %get3A_575, %get3A_1659 : vector<16xf32>
          %add3A_1661 = arith.addf %add3A_1647, %mul3A_1660 : vector<16xf32>
          %add3A_1662 = arith.addf %add3A_1654, %add3A_1661 : vector<16xf32>
          %pack3A_1663 = tpu.pack_subelements %add3A_1601, %add3A_1662 {pack_format = #tpu.pack_format<interleaved>, positions = array<i32: 0, 1>} : vector<16xf32>, vector<16xf32> -> vector<32xbf16>
          %bitcast3A_1664 = vector.bitcast %pack3A_1663 : vector<32xbf16> to vector<16xf32>
          %mul3A_1665 = arith.constant 16 : i32
          %mul3A_1666 = arith.muli %scan3A_598, %mul3A_1665 : i32
          %add3A_1667 = arith.constant 14 : i32
          %add3A_1668 = arith.addi %mul3A_1666, %add3A_1667 : i32
          %mul3A_1669 = arith.constant 8 : i32
          %mul3A_1670 = arith.muli %add3A_1668, %mul3A_1669 : i32
          %swap3A_1671 = arith.constant 1 : i32
          %swap3A_1672 = arith.index_cast %swap3A_1671 : i32 to index
          %swap3A_1673 = arith.index_cast %select_n3A_591 : i32 to index
          %swap3A_1674 = arith.index_cast %mul3A_1670 : i32 to index
          %swap3A_1675 = tpu.vector_load %arg9[%swap3A_1672, %swap3A_1673, %swap3A_1674] {strides = array<i32>} : memref<2x8x1664xf32, #tpu.memory_space<vmem>>, vector<16xf32>,
          tpu.vector_store %arg9[%swap3A_1672, %swap3A_1673, %swap3A_1674], %bitcast3A_1664 {strides = array<i32>} : memref<2x8x1664xf32, #tpu.memory_space<vmem>>, vector<16xf32>,
        }
        %scan3A_597 = arith.constant 13 : i32
      } else {
      }
      %jit3A_516 = arith.constant 8 : i32
      %eq3A_517 = arith.constant 0 : i32
      %eq3A_518 = arith.cmpi eq, %jit3A_516, %eq3A_517 : i32
      %jit3A_519 = arith.constant 1 : i32
      %select_n3A_520 = arith.select %eq3A_518, %jit3A_519, %jit3A_516 : i32
      %rem3A_521 = arith.remsi %add3A_356, %select_n3A_520 : i32
      %ne3A_522 = arith.constant 0 : i32
      %ne3A_523 = arith.cmpi ne, %rem3A_521, %ne3A_522 : i32
      %lt3A_524 = arith.constant 0 : i32
      %lt3A_525 = arith.cmpi slt, %rem3A_521, %lt3A_524 : i32
      %lt3A_526 = arith.constant 0 : i32
      %lt3A_527 = arith.cmpi slt, %select_n3A_520, %lt3A_526 : i32
      %ne3A_528 = arith.xori %lt3A_525, %lt3A_527 : i1
      %and3A_529 = arith.andi %ne3A_528, %ne3A_523 : i1
      %add3A_530 = arith.addi %rem3A_521, %select_n3A_520 : i32
      %select_n3A_531 = arith.select %and3A_529, %add3A_530, %rem3A_521 : i32
      %eq3A_532 = arith.constant 7 : i32
      %eq3A_533 = arith.cmpi eq, %select_n3A_531, %eq3A_532 : i32
      %eq3A_534 = arith.constant 1 : i32
      %eq3A_535 = arith.cmpi eq, %select_n3A_427, %eq3A_534 : i32
      %and3A_536 = arith.andi %eq3A_533, %eq3A_535 : i1
      %convert_element_type3A_537 = arith.extui %and3A_536 : i1 to i32
      %cond3A_538 = arith.constant 0 : i32
      %cond3A_539 = arith.cmpi ne, %convert_element_type3A_537, %cond3A_538 : i32
      scf.if %cond3A_539 {
        %add3A_545 = arith.addi %mul3A_2, %add3A_356 : i32
        %sub3A_546 = arith.constant 7 : i32
        %sub3A_547 = arith.subi %add3A_545, %sub3A_546 : i32
        %multiple_of3A_548 = tpu.assume_multiple %sub3A_547, 8 : i32
        %dma_start3A_549 = arith.constant 1 : i32
        %dma_start3A_550 = arith.constant 0 : i32
        %dma_start3A_551 = arith.constant 0 : i32
        %dma_start3A_552 = tpu.memref_slice %arg9[%dma_start3A_549, %dma_start3A_550, %dma_start3A_551] : memref<2x8x1664xf32, #tpu.memory_space<vmem>> -> memref<1x8x1664xf32, #tpu.memory_space<vmem>>
        %dma_start3A_553 = tpu.memref_squeeze %dma_start3A_552 : memref<1x8x1664xf32, #tpu.memory_space<vmem>> -> memref<8x1664xf32, #tpu.memory_space<vmem>>
        %dma_start3A_554 = arith.constant 0 : i32
        %dma_start3A_555 = tpu.memref_slice %arg5[%multiple_of3A_548, %dma_start3A_554] : memref<4096x1664xf32, #tpu.memory_space<hbm>> -> memref<8x1664xf32, #tpu.memory_space<hbm>>
        %dma_start3A_556 = arith.constant 0 : i32
        %dma_start3A_557 = tpu.memref_slice %arg5[%multiple_of3A_548, %dma_start3A_556] : memref<4096x1664xf32, #tpu.memory_space<hbm>> -> memref<8x1664xf32, #tpu.memory_space<hbm>>
        %dma_start3A_558 = arith.constant 0 : i32
        %dma_start3A_559 = arith.constant 0 : i32
        %dma_start3A_560 = tpu.memref_slice %arg9[%dma_start3A_549, %dma_start3A_558, %dma_start3A_559] : memref<2x8x1664xf32, #tpu.memory_space<vmem>> -> memref<1x8x1664xf32, #tpu.memory_space<vmem>>
        %dma_start3A_561 = tpu.memref_squeeze %dma_start3A_560 : memref<1x8x1664xf32, #tpu.memory_space<vmem>> -> memref<8x1664xf32, #tpu.memory_space<vmem>>
        tpu.enqueue_dma source(%dma_start3A_561 : memref<8x1664xf32, #tpu.memory_space<vmem>>) target(%dma_start3A_557 : memref<8x1664xf32, #tpu.memory_space<hbm>>) target_semaphore(%arg13 : memref<!tpu.dma_semaphore, #tpu.memory_space<semaphore_mem>>)
      } else {
      }
      %lt3A_540 = arith.constant 126 : i32
      %lt3A_541 = arith.cmpi slt, %add3A_356, %lt3A_540 : i32
      %convert_element_type3A_542 = arith.extui %lt3A_541 : i1 to i32
      %cond3A_543 = arith.constant 0 : i32
      %cond3A_544 = arith.cmpi ne, %convert_element_type3A_542, %cond3A_543 : i32
      scf.if %cond3A_544 {
        %add3A_545 = arith.constant 2 : i32
        %add3A_546 = arith.addi %add3A_356, %add3A_545 : i32
        %add3A_547 = arith.addi %mul3A_2, %add3A_546 : i32
        %dma_start3A_548 = arith.constant 1 : i32
        %dma_start3A_549 = arith.constant 0 : i32
        %dma_start3A_550 = arith.constant 0 : i32
        %dma_start3A_551 = tpu.memref_slice %arg7[%dma_start3A_548, %dma_start3A_549, %dma_start3A_550] : memref<2x2x104xi32, #tpu.memory_space<vmem>> -> memref<1x2x104xi32, #tpu.memory_space<vmem>>
        %dma_start3A_552 = tpu.memref_squeeze %dma_start3A_551 : memref<1x2x104xi32, #tpu.memory_space<vmem>> -> memref<2x104xi32, #tpu.memory_space<vmem>>
        %dma_start3A_553 = arith.constant 0 : i32
        %dma_start3A_554 = arith.constant 0 : i32
        %dma_start3A_555 = tpu.memref_slice %arg4[%add3A_547, %dma_start3A_553, %dma_start3A_554] : memref<4096x2x104xi32, #tpu.memory_space<hbm>> -> memref<1x2x104xi32, #tpu.memory_space<hbm>>
        %dma_start3A_556 = tpu.memref_squeeze %dma_start3A_555 : memref<1x2x104xi32, #tpu.memory_space<hbm>> -> memref<2x104xi32, #tpu.memory_space<hbm>>
        %dma_start3A_557 = arith.constant 0 : i32
        %dma_start3A_558 = arith.constant 0 : i32
        %dma_start3A_559 = tpu.memref_slice %arg7[%dma_start3A_548, %dma_start3A_557, %dma_start3A_558] : memref<2x2x104xi32, #tpu.memory_space<vmem>> -> memref<1x2x104xi32, #tpu.memory_space<vmem>>
        %dma_start3A_560 = tpu.memref_squeeze %dma_start3A_559 : memref<1x2x104xi32, #tpu.memory_space<vmem>> -> memref<2x104xi32, #tpu.memory_space<vmem>>
        %dma_start3A_561 = arith.constant 0 : i32
        %dma_start3A_562 = arith.constant 0 : i32
        %dma_start3A_563 = tpu.memref_slice %arg4[%add3A_547, %dma_start3A_561, %dma_start3A_562] : memref<4096x2x104xi32, #tpu.memory_space<hbm>> -> memref<1x2x104xi32, #tpu.memory_space<hbm>>
        %dma_start3A_564 = tpu.memref_squeeze %dma_start3A_563 : memref<1x2x104xi32, #tpu.memory_space<hbm>> -> memref<2x104xi32, #tpu.memory_space<hbm>>
        tpu.enqueue_dma source(%dma_start3A_564 : memref<2x104xi32, #tpu.memory_space<hbm>>) target(%dma_start3A_560 : memref<2x104xi32, #tpu.memory_space<vmem>>) target_semaphore(%arg15 : memref<!tpu.dma_semaphore, #tpu.memory_space<semaphore_mem>>)
        %add3A_565 = arith.addi %mul3A_2, %add3A_546 : i32
        %dma_start3A_566 = arith.constant 1 : i32
        %dma_start3A_567 = arith.constant 0 : i32
        %dma_start3A_568 = tpu.memref_slice %arg6[%dma_start3A_566, %dma_start3A_567] : memref<2x128xf32, #tpu.memory_space<vmem>> -> memref<1x128xf32, #tpu.memory_space<vmem>>
        %dma_start3A_569 = tpu.memref_squeeze %dma_start3A_568 : memref<1x128xf32, #tpu.memory_space<vmem>> -> memref<128xf32, #tpu.memory_space<vmem>>
        %dma_start3A_570 = arith.constant 0 : i32
        %dma_start3A_571 = tpu.memref_slice %arg3[%add3A_565, %dma_start3A_570] : memref<4096x128xf32, #tpu.memory_space<hbm>> -> memref<1x128xf32, #tpu.memory_space<hbm>>
        %dma_start3A_572 = tpu.memref_squeeze %dma_start3A_571 : memref<1x128xf32, #tpu.memory_space<hbm>> -> memref<128xf32, #tpu.memory_space<hbm>>
        %dma_start3A_573 = arith.constant 0 : i32
        %dma_start3A_574 = tpu.memref_slice %arg6[%dma_start3A_566, %dma_start3A_573] : memref<2x128xf32, #tpu.memory_space<vmem>> -> memref<1x128xf32, #tpu.memory_space<vmem>>
        %dma_start3A_575 = tpu.memref_squeeze %dma_start3A_574 : memref<1x128xf32, #tpu.memory_space<vmem>> -> memref<128xf32, #tpu.memory_space<vmem>>
        %dma_start3A_576 = arith.constant 0 : i32
        %dma_start3A_577 = tpu.memref_slice %arg3[%add3A_565, %dma_start3A_576] : memref<4096x128xf32, #tpu.memory_space<hbm>> -> memref<1x128xf32, #tpu.memory_space<hbm>>
        %dma_start3A_578 = tpu.memref_squeeze %dma_start3A_577 : memref<1x128xf32, #tpu.memory_space<hbm>> -> memref<128xf32, #tpu.memory_space<hbm>>
        tpu.enqueue_dma source(%dma_start3A_578 : memref<128xf32, #tpu.memory_space<hbm>>) target(%dma_start3A_575 : memref<128xf32, #tpu.memory_space<vmem>>) target_semaphore(%arg15 : memref<!tpu.dma_semaphore, #tpu.memory_space<semaphore_mem>>)
      } else {
      }
    }
    %scan3A_133 = arith.constant 64 : i32
    %add3A_134 = arith.constant 128 : i32
    %add3A_135 = arith.addi %mul3A_2, %add3A_134 : i32
    %sub3A = arith.constant 16 : i32
    %sub3A_136 = arith.subi %add3A_135, %sub3A : i32
    %add3A_137 = arith.constant 0 : i32
    %add3A_138 = arith.addi %sub3A_136, %add3A_137 : i32
    %multiple_of3A = tpu.assume_multiple %add3A_138, 8 : i32
    %dma_wait3A_139 = arith.constant 0 : i32
    %dma_wait3A_140 = arith.constant 0 : i32
    %dma_wait3A_141 = arith.constant 0 : i32
    %dma_wait3A_142 = tpu.memref_slice %arg9[%dma_wait3A_139, %dma_wait3A_140, %dma_wait3A_141] : memref<2x8x1664xf32, #tpu.memory_space<vmem>> -> memref<1x8x1664xf32, #tpu.memory_space<vmem>>
    %dma_wait3A_143 = tpu.memref_squeeze %dma_wait3A_142 : memref<1x8x1664xf32, #tpu.memory_space<vmem>> -> memref<8x1664xf32, #tpu.memory_space<vmem>>
    %dma_wait3A_144 = arith.constant 0 : i32
    %dma_wait3A_145 = tpu.memref_slice %arg5[%multiple_of3A, %dma_wait3A_144] : memref<4096x1664xf32, #tpu.memory_space<hbm>> -> memref<8x1664xf32, #tpu.memory_space<hbm>>
    %dma_wait3A_146 = arith.constant 0 : i32
    %dma_wait3A_147 = tpu.memref_slice %arg5[%multiple_of3A, %dma_wait3A_146] : memref<4096x1664xf32, #tpu.memory_space<hbm>> -> memref<8x1664xf32, #tpu.memory_space<hbm>>
    %dma_wait3A_148 = arith.constant 0 : i32
    %dma_wait3A_149 = arith.constant 0 : i32
    %dma_wait3A_150 = tpu.memref_slice %arg9[%dma_wait3A_139, %dma_wait3A_148, %dma_wait3A_149] : memref<2x8x1664xf32, #tpu.memory_space<vmem>> -> memref<1x8x1664xf32, #tpu.memory_space<vmem>>
    %dma_wait3A_151 = tpu.memref_squeeze %dma_wait3A_150 : memref<1x8x1664xf32, #tpu.memory_space<vmem>> -> memref<8x1664xf32, #tpu.memory_space<vmem>>
    tpu.wait_dma2 semaphore(%arg12 : memref<!tpu.dma_semaphore, #tpu.memory_space<semaphore_mem>>) src(%dma_wait3A_151 : memref<8x1664xf32, #tpu.memory_space<vmem>>) dst(%dma_wait3A_147 : memref<8x1664xf32, #tpu.memory_space<hbm>>)
    %add3A_152 = arith.constant 128 : i32
    %add3A_153 = arith.addi %mul3A_2, %add3A_152 : i32
    %sub3A_154 = arith.constant 16 : i32
    %sub3A_155 = arith.subi %add3A_153, %sub3A_154 : i32
    %add3A_156 = arith.constant 8 : i32
    %add3A_157 = arith.addi %sub3A_155, %add3A_156 : i32
    %multiple_of3A_158 = tpu.assume_multiple %add3A_157, 8 : i32
    %dma_wait3A_159 = arith.constant 1 : i32
    %dma_wait3A_160 = arith.constant 0 : i32
    %dma_wait3A_161 = arith.constant 0 : i32
    %dma_wait3A_162 = tpu.memref_slice %arg9[%dma_wait3A_159, %dma_wait3A_160, %dma_wait3A_161] : memref<2x8x1664xf32, #tpu.memory_space<vmem>> -> memref<1x8x1664xf32, #tpu.memory_space<vmem>>
    %dma_wait3A_163 = tpu.memref_squeeze %dma_wait3A_162 : memref<1x8x1664xf32, #tpu.memory_space<vmem>> -> memref<8x1664xf32, #tpu.memory_space<vmem>>
    %dma_wait3A_164 = arith.constant 0 : i32
    %dma_wait3A_165 = tpu.memref_slice %arg5[%multiple_of3A_158, %dma_wait3A_164] : memref<4096x1664xf32, #tpu.memory_space<hbm>> -> memref<8x1664xf32, #tpu.memory_space<hbm>>
    %dma_wait3A_166 = arith.constant 0 : i32
    %dma_wait3A_167 = tpu.memref_slice %arg5[%multiple_of3A_158, %dma_wait3A_166] : memref<4096x1664xf32, #tpu.memory_space<hbm>> -> memref<8x1664xf32, #tpu.memory_space<hbm>>
    %dma_wait3A_168 = arith.constant 0 : i32
    %dma_wait3A_169 = arith.constant 0 : i32
    %dma_wait3A_170 = tpu.memref_slice %arg9[%dma_wait3A_159, %dma_wait3A_168, %dma_wait3A_169] : memref<2x8x1664xf32, #tpu.memory_space<vmem>> -> memref<1x8x1664xf32, #tpu.memory_space<vmem>>
    %dma_wait3A_171 = tpu.memref_squeeze %dma_wait3A_170 : memref<1x8x1664xf32, #tpu.memory_space<vmem>> -> memref<8x1664xf32, #tpu.memory_space<vmem>>
    tpu.wait_dma2 semaphore(%arg13 : memref<!tpu.dma_semaphore, #tpu.memory_space<semaphore_mem>>) src(%dma_wait3A_171 : memref<8x1664xf32, #tpu.memory_space<vmem>>) dst(%dma_wait3A_167 : memref<8x1664xf32, #tpu.memory_space<hbm>>)
    return
  }
}

module attributes {stable_mosaic.version = 14 : i64} {
  func.func @body(%arg0: i32, %arg1: memref<256x1664xf32, #tpu.memory_space<vmem>>, %arg2: memref<1664x208xbf16, #tpu.memory_space<vmem>>, %arg3: memref<1664x208xbf16, #tpu.memory_space<vmem>>, %arg4: memref<1x1xf32, #tpu.memory_space<smem>>, %arg5: memref<1xf32, #tpu.memory_space<smem>>) attributes {dimension_semantics = [#tpu.dimension_semantics<arbitrary>], iteration_bounds = array<i64: 16>, scalar_prefetch = 0 : i64, scratch_operands = 1 : i64, tpu.core_type = #tpu.core_type<tc>, window_params = [{transform_indices = @transform_0, window_bounds = array<i64: 256, 1664>}, {pipeline_mode = #tpu.pipeline_mode<synchronous>, transform_indices = @transform_1, window_bounds = array<i64: 1664, 208>}, {pipeline_mode = #tpu.pipeline_mode<synchronous>, transform_indices = @transform_2, window_bounds = array<i64: 1664, 208>}, {transform_indices = @transform_3, window_bounds = array<i64: 1, 1>}]} {
    %get3A = arith.constant 0 : index
    %get3A_0 = arith.constant 0 : index
    %get3A_1 = vector.load %arg1[%get3A, %get3A_0] : memref<256x1664xf32, #tpu.memory_space<vmem>>, vector<256x1664xf32>
    %bitcast_convert_type3A = tpu.bitcast %get3A_1 : vector<256x1664xf32> -> vector<256x1664xi32>
    %shift_left3A = arith.constant 16 : i32
    %shift_left3A_2 = vector.broadcast %shift_left3A : i32 to vector<256x1664xi32>
    %shift_left3A_3 = arith.shli %bitcast_convert_type3A, %shift_left3A_2 : vector<256x1664xi32>
    %bitcast_convert_type3A_4 = tpu.bitcast %shift_left3A_3 : vector<256x1664xi32> -> vector<256x1664xf32>
    %and3A = arith.constant -65536 : i32
    %and3A_5 = vector.broadcast %and3A : i32 to vector<256x1664xi32>
    %and3A_6 = arith.andi %bitcast_convert_type3A, %and3A_5 : vector<256x1664xi32>
    %bitcast_convert_type3A_7 = tpu.bitcast %and3A_6 : vector<256x1664xi32> -> vector<256x1664xf32>
    %convert_element_type3A = arith.truncf %bitcast_convert_type3A_4 : vector<256x1664xf32> to vector<256x1664xbf16>
    %get3A_8 = arith.constant 0 : index
    %get3A_9 = arith.constant 0 : index
    %get3A_10 = vector.load %arg2[%get3A_8, %get3A_9] : memref<1664x208xbf16, #tpu.memory_space<vmem>>, vector<1664x208xbf16>
    %dot_general3A = arith.constant dense<0.000000e+00> : vector<256x208xf32>
    %dot_general3A_11 = tpu.matmul %convert_element_type3A, %get3A_10, %dot_general3A {dimension_numbers = #tpu.dot_dimension_numbers<[1], [0], [0], [1], [0, 0, 1, 1], [], []>, transpose_lhs_hint = false} : vector<256x1664xbf16>, vector<1664x208xbf16>, vector<256x208xf32> -> vector<256x208xf32>
    %convert_element_type3A_12 = arith.truncf %bitcast_convert_type3A_7 : vector<256x1664xf32> to vector<256x1664xbf16>
    %get3A_13 = arith.constant 0 : index
    %get3A_14 = arith.constant 0 : index
    %get3A_15 = vector.load %arg3[%get3A_13, %get3A_14] : memref<1664x208xbf16, #tpu.memory_space<vmem>>, vector<1664x208xbf16>
    %dot_general3A_16 = arith.constant dense<0.000000e+00> : vector<256x208xf32>
    %dot_general3A_17 = tpu.matmul %convert_element_type3A_12, %get3A_15, %dot_general3A_16 {dimension_numbers = #tpu.dot_dimension_numbers<[1], [0], [0], [1], [0, 0, 1, 1], [], []>, transpose_lhs_hint = false} : vector<256x1664xbf16>, vector<1664x208xbf16>, vector<256x208xf32> -> vector<256x208xf32>
    %add3A = arith.addf %dot_general3A_11, %dot_general3A_17 : vector<256x208xf32>
    %iota3A = tpu.iota {dimensions = array<i32: 1>} : vector<256x208xi32>
    %eq3A = arith.constant 0 : i32
    %eq3A_18 = vector.broadcast %eq3A : i32 to vector<256x208xi32>
    %eq3A_19 = arith.cmpi eq, %iota3A, %eq3A_18 : vector<256x208xi32>
    %min3A = arith.constant 0.000000e+00 : f32
    %min3A_20 = vector.broadcast %min3A : f32 to vector<256x208xf32>
    %min3A_21 = arith.minimumf %add3A, %min3A_20 : vector<256x208xf32>
    %abs3A = math.absf %add3A : vector<256x208xf32>
    %neg3A = arith.constant 0.000000e+00 : f32
    %neg3A_22 = vector.broadcast %neg3A : f32 to vector<256x208xf32>
    %neg3A_23 = arith.subf %neg3A_22, %abs3A : vector<256x208xf32>
    %exp3A = math.exp %neg3A_23 : vector<256x208xf32>
    %log1p3A = math.log1p %exp3A : vector<256x208xf32>
    %sub3A = arith.subf %min3A_21, %log1p3A : vector<256x208xf32>
    %jit3A = arith.constant 0.000000e+00 : f32
    %broadcast_in_dim3A = vector.broadcast %jit3A : f32 to vector<256x208xf32>
    %select_n3A = arith.select %eq3A_19, %sub3A, %broadcast_in_dim3A : vector<256x208xi1>, vector<256x208xf32>
    %ge3A = arith.constant 1 : i32
    %ge3A_24 = vector.broadcast %ge3A : i32 to vector<256x208xi32>
    %ge3A_25 = arith.cmpi sge, %iota3A, %ge3A_24 : vector<256x208xi32>
    %le3A = arith.constant 200 : i32
    %le3A_26 = vector.broadcast %le3A : i32 to vector<256x208xi32>
    %le3A_27 = arith.cmpi sle, %iota3A, %le3A_26 : vector<256x208xi32>
    %and3A_28 = arith.andi %ge3A_25, %le3A_27 : vector<256x208xi1>
    %neg3A_29 = arith.constant 0.000000e+00 : f32
    %neg3A_30 = vector.broadcast %neg3A_29 : f32 to vector<256x208xf32>
    %neg3A_31 = arith.subf %neg3A_30, %add3A : vector<256x208xf32>
    %min3A_32 = arith.constant 0.000000e+00 : f32
    %min3A_33 = vector.broadcast %min3A_32 : f32 to vector<256x208xf32>
    %min3A_34 = arith.minimumf %neg3A_31, %min3A_33 : vector<256x208xf32>
    %abs3A_35 = math.absf %neg3A_31 : vector<256x208xf32>
    %neg3A_36 = arith.constant 0.000000e+00 : f32
    %neg3A_37 = vector.broadcast %neg3A_36 : f32 to vector<256x208xf32>
    %neg3A_38 = arith.subf %neg3A_37, %abs3A_35 : vector<256x208xf32>
    %exp3A_39 = math.exp %neg3A_38 : vector<256x208xf32>
    %log1p3A_40 = math.log1p %exp3A_39 : vector<256x208xf32>
    %sub3A_41 = arith.subf %min3A_34, %log1p3A_40 : vector<256x208xf32>
    %jit3A_42 = arith.constant 0.000000e+00 : f32
    %broadcast_in_dim3A_43 = vector.broadcast %jit3A_42 : f32 to vector<256x208xf32>
    %select_n3A_44 = arith.select %and3A_28, %sub3A_41, %broadcast_in_dim3A_43 : vector<256x208xi1>, vector<256x208xf32>
    %add3A_45 = arith.addf %select_n3A, %select_n3A_44 : vector<256x208xf32>
    %reduce_sum3A = vector.shape_cast %add3A_45 : vector<256x208xf32> to vector<1x256x208xf32>
    %reduce_sum3A_46 = arith.constant dense<0.000000e+00> : vector<1xf32>
    %reduce_sum3A_47 = vector.multi_reduction <add>, %reduce_sum3A, %reduce_sum3A_46 [1, 2] : vector<1x256x208xf32> to vector<1xf32>
    %reduce_sum3A_48 = vector.shape_cast %reduce_sum3A_47 : vector<1xf32> to vector<1x1x1xf32>
    %reduce_sum3A_49 = vector.extract %reduce_sum3A_48[0, 0, 0] : f32 from vector<1x1x1xf32>
    %eq3A_50 = arith.constant 0 : i32
    %eq3A_51 = arith.cmpi eq, %arg0, %eq3A_50 : i32
    %convert_element_type3A_52 = arith.extui %eq3A_51 : i1 to i32
    %cond3A = arith.constant 0 : i32
    %cond3A_53 = arith.cmpi ne, %convert_element_type3A_52, %cond3A : i32
    scf.if %cond3A_53 {
      %swap3A_63 = arith.constant 0.000000e+00 : f32
      %swap3A_64 = arith.constant 0 : index
      %swap3A_65 = memref.load %arg5[%swap3A_64] : memref<1xf32, #tpu.memory_space<smem>>
      memref.store %swap3A_63, %arg5[%swap3A_64] : memref<1xf32, #tpu.memory_space<smem>>
    } else {
    }
    %get3A_54 = arith.constant 0 : index
    %get3A_55 = memref.load %arg5[%get3A_54] : memref<1xf32, #tpu.memory_space<smem>>
    %add3A_56 = arith.addf %get3A_55, %reduce_sum3A_49 : f32
    %swap3A = arith.constant 0 : index
    %swap3A_57 = memref.load %arg5[%swap3A] : memref<1xf32, #tpu.memory_space<smem>>
    memref.store %add3A_56, %arg5[%swap3A] : memref<1xf32, #tpu.memory_space<smem>>
    %eq3A_58 = arith.constant 15 : i32
    %eq3A_59 = arith.cmpi eq, %arg0, %eq3A_58 : i32
    %convert_element_type3A_60 = arith.extui %eq3A_59 : i1 to i32
    %cond3A_61 = arith.constant 0 : i32
    %cond3A_62 = arith.cmpi ne, %convert_element_type3A_60, %cond3A_61 : i32
    scf.if %cond3A_62 {
      %get3A_63 = arith.constant 0 : index
      %get3A_64 = memref.load %arg5[%get3A_63] : memref<1xf32, #tpu.memory_space<smem>>
      %swap3A_65 = arith.constant 0 : index
      %swap3A_66 = arith.constant 0 : index
      %swap3A_67 = memref.load %arg4[%swap3A_65, %swap3A_66] : memref<1x1xf32, #tpu.memory_space<smem>>
      memref.store %get3A_64, %arg4[%swap3A_65, %swap3A_66] : memref<1x1xf32, #tpu.memory_space<smem>>
    } else {
    }
    return
  }
  func.func @transform_0(%arg0: i32) -> (i32, i32) {
    %c0_i32 = arith.constant 0 : i32
    %c0_i32_0 = arith.constant 0 : i32
    return %arg0, %c0_i32 : i32, i32
  }
  func.func @transform_1(%arg0: i32) -> (i32, i32) {
    %c0_i32 = arith.constant 0 : i32
    %c0_i32_0 = arith.constant 0 : i32
    %c0_i32_1 = arith.constant 0 : i32
    return %c0_i32, %c0_i32_0 : i32, i32
  }
  func.func @transform_2(%arg0: i32) -> (i32, i32) {
    %c0_i32 = arith.constant 0 : i32
    %c0_i32_0 = arith.constant 0 : i32
    %c0_i32_1 = arith.constant 0 : i32
    return %c0_i32, %c0_i32_0 : i32, i32
  }
  func.func @transform_3(%arg0: i32) -> (i32, i32) {
    %c0_i32 = arith.constant 0 : i32
    %c0_i32_0 = arith.constant 0 : i32
    %c0_i32_1 = arith.constant 0 : i32
    return %c0_i32, %c0_i32_0 : i32, i32
  }
}

</mosaic_0001>

<sc_bundles>
// kernel: kernel.4.cloned.1.call-start
scs
__scs_entry_jumppad:
0x0: {  	(pc) =	sbr.rel $0x88, $3  }
0x1: {  	(tag) =	ssettag $0x0;
	lr =	simm.s32 $0x1  }
0x2: {  	[smem:$0x3F9E] =	sst lr;
	_ =	strace $0xD0000000  }
0x3: {  	_ = 	snop  }
0x4: {  	_ = 	snop  }
0x5: {  	_ = 	snop  }
0x6: {  	_ = 	snop  }
0x7: {  	_ = 	snop  }
__scs_overlays_trampoline_lowered:
0x8: {  	[smem:$0x3FAD] =	sst s0  }
0x9: {  	[smem:$0x3FAE] =	sst s1  }
0xa: {  	[smem:$0x3FAF] =	sst s2  }
0xb: {  	[smem:$0x3FB0] =	sst s3  }
0xc: {  	[smem:$0x3FB1] =	sst s4  }
0xd: {  	[smem:$0x3FB2] =	sst s5  }
0xe: {  	[smem:$0x3FB3] =	sst s6  }
0xf: {  	[smem:$0x3FB4] =	sst s7  }
0x10: {  	[smem:$0x3FB5] =	sst s8  }
0x11: {  	[smem:$0x3FB6] =	sst s9;
	s0 =	simm.s32 @!p0 $0x0  }
0x12: {  	s1 =	sld [smem:$0x3F9C];
	s0 =	simm.s32 @p0 $0x1  }
0x13: {  	[smem:$0x3FB7] =	sst s0;
	s0 =	simm.s32 @!p1 $0x0  }
0x14: {  	s2 =	sld [smem:$0x3F9B];
	s0 =	simm.s32 @p1 $0x1  }
0x15: {  	[smem:$0x3FB8] =	sst s0;
	s0 =	simm.s32 @!p2 $0x0  }
0x16: {  	s3 =	sld [smem:$0x3FDB];
	s0 =	simm.s32 @p2 $0x1  }
0x17: {  	s4 =	simm.s32 $0x1BF5;
	[smem:$0x3FBA] =	sst s0  }
0x18: {  	s0 =	sld [smem:$0x3F9D];
	_ =	swait.ge [sflag:s4], $0x0  }
0x19: {  	s7 =	sld [smem:$0x3F9E]  }
0x1a: {  	s8 =	sadd.s32 $0xFFFFE003, lr  }
0x1b: {  	s9 =	sadd.s32 $0xFFFFFEF7, lr;
	s5 =	simm.s32 $0xFFFFFFFF;
	p2 =	slt.u32 s8, $0xFFFFF086  }
0x1c: {  	p1 =	slt.u32 s9, $0xF7A;
	s5 =	simm.s32 @!p2 $0x0  }
0x1d: {  	s5 =	simm.s32 @p1 $0x1;
	p0 =	seq.s32 s7, s2  }
0x1e: {  	s7 =	smul.u32 @!p0 $0xF7A, s2;
	p2 =	seq.s32 @!p0 s5, $0x0  }
0x1f: {  	s9 =	smul.u32 $0xF7A, s1;
	s8 =	simm.s32 @!p0 $0x1BF5;
	p2 =	por !p2, p0  }
0x20: {  	[sflag:s8] =	ssyncset.s32 @!p0 $0xFFFFF086;
	s6 =	sadd.s32 @!p0 s3, s7;
	s7 =	simm.s32 @!p0 $0x108  }
0x21: {  	s3 =	sadd.s32 s3, s9;
	s6 =	sadd.s32 @!p0 $0x88, s6;
	s7 =	simm.s32 @p2 $0x1082  }
0x22: {  	[simem:s7], [sflag:s8] =	dma.local @!p0 [hbm:s6], $0xF7A  }
0x23: {  	s9 =	sor.u32 $0xD0000000, s2;
	s6 =	simm.s32 $0x108;
	_ =	swait.ge @!p0 [sflag:s8], $0x0  }
0x24: {  	s3 =	sadd.s32 $0x88, s3;
	s6 =	simm.s32 @!p1 $0x1082;
	[sflag:s4] =	ssyncset.s32 $0xFFFFF086  }
0x25: {  	[simem:s6], [sflag:s4] =	dma.local [hbm:s3], $0xF7A  }
0x26: {  	[smem:$0x3F9E] =	sst s1;
	(tag) =	ssettag s2;
	_ =	strace s9  }
0x27: {  	s1 =	sld [smem:$0x3FAE]  }
0x28: {  	s2 =	sld [smem:$0x3FAF]  }
0x29: {  	s4 =	sld [smem:$0x3FB1]  }
0x2a: {  	p0 =	seq.s32 s5, $0x0;
	s5 =	sld [smem:$0x3FB2]  }
0x2b: {  	s6 =	sld [smem:$0x3FB3]  }
0x2c: {  	s7 =	sld [smem:$0x3FB4]  }
0x2d: {  	s3 =	simm.s32 $0x108;
	s8 =	sld [smem:$0x3FB5]  }
0x2e: {  	s3 =	simm.s32 @!p0 $0x1082;
	s9 =	sld [smem:$0x3FB6]  }
0x2f: {  	lr =	sadd.s32 s0, s3;
	s0 =	sld [smem:$0x3FAD]  }
0x30: {  	s3 =	sld [smem:$0x3FB0]  }
0x31: {  	[smem:$0x3FB9] =	sst s10  }
0x32: {  	s10 =	sld [smem:$0x3FB7];
	_ =	sdelay $0x3  }
0x33: {  	p0 =	seq.s32 s10, $0x1;
	s10 =	sld [smem:$0x3FB9];
	_ =	sdelay $0x3  }
0x34: {  	[smem:$0x3FB9] =	sst s10  }
0x35: {  	s10 =	sld [smem:$0x3FB8];
	_ =	sdelay $0x3  }
0x36: {  	p1 =	seq.s32 s10, $0x1;
	s10 =	sld [smem:$0x3FB9];
	_ =	sdelay $0x3  }
0x37: {  	[smem:$0x3FB9] =	sst s10  }
0x38: {  	s10 =	sld [smem:$0x3FBA]  }
0x39: {  	_ = 	snop;
	(pc) =	sbr.ind lr, $3  }
0x3a: {  	_ = 	snop  }
0x3b: {  	_ = 	snop  }
0x3c: {  	p2 =	seq.s32 s10, $0x1;
	s10 =	sld [smem:$0x3FB9]  }
0x3d: {  	_ =	shalt  }
0x3e: {  	_ =	shalt  }
0x3f: {  	_ =	shalt  }
0x40: {  	_ =	shalt  }
0x41: {  	_ =	shalt  }
0x42: {  	_ =	shalt  }
0x43: {  	_ =	shalt  }
0x44: {  	_ =	shalt  }
0x45: {  	_ =	shalt  }
0x46: {  	_ =	shalt  }
0x47: {  	_ =	shalt  }
0x48: {  	_ =	shalt  }
0x49: {  	_ =	shalt  }
0x4a: {  	_ =	shalt  }
0x4b: {  	_ =	shalt  }
0x4c: {  	_ =	shalt  }
0x4d: {  	_ =	shalt  }
0x4e: {  	_ =	shalt  }
0x4f: {  	_ =	shalt  }
0x50: {  	_ =	shalt  }
0x51: {  	_ =	shalt  }
0x52: {  	_ =	shalt  }
0x53: {  	_ =	shalt  }
0x54: {  	_ =	shalt  }
0x55: {  	_ =	shalt  }
0x56: {  	_ =	shalt  }
0x57: {  	_ =	shalt  }
0x58: {  	_ =	shalt  }
0x59: {  	_ =	shalt  }
0x5a: {  	_ =	shalt  }
0x5b: {  	_ =	shalt  }
0x5c: {  	_ =	shalt  }
0x5d: {  	_ =	shalt  }
0x5e: {  	_ =	shalt  }
0x5f: {  	_ =	shalt  }
0x60: {  	_ =	shalt  }
0x61: {  	_ =	shalt  }
0x62: {  	_ =	shalt  }
0x63: {  	_ =	shalt  }
0x64: {  	_ =	shalt  }
0x65: {  	_ =	shalt  }
0x66: {  	_ =	shalt  }
0x67: {  	_ =	shalt  }
0x68: {  	_ =	shalt  }
0x69: {  	_ =	shalt  }
0x6a: {  	_ =	shalt  }
0x6b: {  	_ =	shalt  }
0x6c: {  	_ =	shalt  }
0x6d: {  	_ =	shalt  }
0x6e: {  	_ =	shalt  }
0x6f: {  	_ =	shalt  }
0x70: {  	_ =	shalt  }
0x71: {  	_ =	shalt  }
0x72: {  	_ =	shalt  }
0x73: {  	_ =	shalt  }
0x74: {  	_ =	shalt  }
0x75: {  	_ =	shalt  }
0x76: {  	_ =	shalt  }
0x77: {  	_ =	shalt  }
0x78: {  	_ =	shalt  }
0x79: {  	_ =	shalt  }
0x7a: {  	_ =	shalt  }
0x7b: {  	_ =	shalt  }
0x7c: {  	_ =	shalt  }
0x7d: {  	_ =	shalt  }
0x7e: {  	_ =	shalt  }
0x7f: {  	_ =	shalt  }
0x80: {  	_ =	shalt  }
0x81: {  	_ =	shalt  }
0x82: {  	_ =	shalt  }
0x83: {  	_ =	shalt  }
0x84: {  	_ =	shalt  }
0x85: {  	_ =	shalt  }
0x86: {  	_ =	shalt  }
0x87: {  	_ =	shalt  }
.Lfunc_end0:
.L_simem_size_0:
called_computation_lowered:
.L_overlay_start_0:
0x88: {  	s2 =	sld [smem:$0x3FD9]  }
0x89: {  	s3 =	sld [smem:$0x3FFE];
	_ =	sdelay $0x1  }
0x8a: {  	s1 =	srdreg.scid  }
0x8b: {  	s0 =	sand.u32 $0x1, s1  }
0x8c: {  	s17 =	sshll.u32 s0, $0xA;
	s2 =	sadd.s32 s3, s2  }
0x8d: {  	s2 =	sadd.s32 s2, s17  }
0x8e: {  	[smem:$0x3FC5] =	sst s2  }
0x8f: {  	_ = 	snop  }
0x90: {  	s2 =	sld [smem:$0x3FC9]  }
0x91: {  	s18 =	sld [smem:$0x3FC7];
	(tm) =	ssettm $0x1  }
0x92: {  	s4 =	sld [smem:$0x3FFB];
	_ =	sdelay $0x3  }
0x93: {  	_ =	strace s4  }
0x94: {  	s4 =	sld [smem:$0x3FFC];
	_ =	sdelay $0x3  }
0x95: {  	_ =	strace s4  }
0x96: {  	s4 =	sld [smem:$0x3FFD];
	_ =	sdelay $0x3  }
0x97: {  	_ =	strace s4  }
0x98: {  	_ =	strace $0x8FFFFFFF  }
0x99: {  	s19 =	sld [smem:$0x3FDB];
	_ =	sdelay $0x1  }
0x9a: {  	s5 =	simm.s32 $_scs_section_size  }
0x9b: {  	s6 =	simm.s32 $_size__tile_overlayer_lowered;
	s7 =	simm.s32 $_tile_overlayer_lowered  }
0x9c: {  	s22 =	simm.s32 $0x1BFF;
	s21 =	sshll.u32 s7, $0x1;
	s4 =	sadd.s32 s5, s19  }
0x9d: {  	s8 =	simm.s32 $0x0;
	s20 =	sshll.u32 s6, $0x1;
	s6 =	sadd.s32 s21, s4  }
0x9e: {  	[timem:s8], [sflag:s22] =	dma.local [hbm:s6], s20  }
0x9f: {  	_ =	swait.ge [sflag:s22], s20  }
0xa0: {  	s5 =	ssub.s32 $0x0, s20;
	[sflag:s22] =	ssyncset.done $0x0  }
0xa1: {  	[sflag:s22] =	ssyncadd.s32 s5;
	_ =	sdelay $0x1  }
0xa2: {  	s23 =	simm.s32 $0x1B8B  }
0xa3: {  	_ =	swait.ge [sflag:s23], $0x1  }
0xa4: {  	[sflag:s23] =	ssyncset.done $0x0  }
0xa5: {  	s25 =	simm.s32 $0x1B8E;
	s24 =	sld [smem:$0x3FFE];
	[sflag:s23] =	ssyncadd.s32 $0xFFFFFFFF  }
0xa6: {  	s26 =	simm.s32 $execute0_lowered;
	[smem:$0x3FD2] =	sst s25  }
0xa7: {  	s6 =	sshll.u32 s26, $0x1;
	_ =	strace $0x80000046;
	[dreg:$0x1] =	wrdreg $0xFFFFFFFF  }
0xa8: {  	s28 =	simm.s32 $_size_execute0_lowered;
	s4 =	sadd.s32 s4, s6;
	[dreg:$0x0] =	wrdreg $0x0  }
0xa9: {  	s6 =	sshll.u32 s28, $0x1;
	[dreg:$0x2] =	wrdreg s4  }
0xaa: {  	[dreg:$0x3] =	wrdreg s6  }
0xab: {  	[dreg:$0x4] =	wrdreg $0xC0  }
0xac: {  	_ =	task [dreg:s8], $0x5FFFF  }
0xad: {  	[dreg:$0x1] =	wrdreg $0xFFFFFFFF  }
0xae: {  	[dreg:$0x0] =	wrdreg $0x60  }
0xaf: {  	[dreg:$0x2] =	wrdreg s18  }
0xb0: {  	[dreg:$0x3] =	wrdreg s2  }
0xb1: {  	[dreg:$0x4] =	wrdreg s24  }
0xb2: {  	[dreg:$0x5] =	wrdreg $0x9  }
0xb3: {  	_ =	task.clear_ibuf [dreg:s8], $0x6FFFF;
	_ =	strace $0x90000046  }
0xb4: {  	s29 =	simm.s32 $0x9;
	_ =	strace $0x80000048  }
0xb5: {  	_ =	swait.ge [sflag:s29], $0x1  }
0xb6: {  	[sflag:s29] =	ssyncadd.s32 $0xFFFFFFFF  }
0xb7: {  	_ =	strace $0x90000048  }
0xb8: {  	_ =	sfence  }
0xb9: {  	s30 =	sld [smem:$0x0];
	_ =	sdelay $0x2  }
0xba: {  	s31 =	sshll.u32 s1, $0xD;
	s1 =	sshrl.u32 s1, $0x2  }
0xbb: {  	s3 =	sand.u32 $0x4000, s31;
	s1 =	sadd.s32 s1, s30  }
0xbc: {  	s0 =	sor.u32 s3, s0;
	s1 =	sshll.u32 s1, $0x11  }
0xbd: {  	s0 =	sor.u32 s1, s0  }
0xbe: {  	s0 =	sadd.s32 $0x8F2B, s0  }
0xbf: {  	[sflag:s0] =	ssyncadd.remote.s32 $0x1  }
0xc0: {  	_ =	sfence.sel $0xFFFF  }
0xc1: {  	[dreg:$0x0] =	wrdreg $0xFFFFFFFF;
	(pc) =	sbr.abs _section_cstart, $3  }
0xc2: {  	[dreg:$0x1] =	wrdreg $0xFFFFFFFF  }
0xc3: {  	_ =	task.clear_ibuf [dreg:s8], $0x2FFFF;
	_ =	strace $0x9FFFFFFF  }
0xc4: {  	(tm) =	ssettm $0x7FFFFFFF  }
0xc5: {  	_ =	shalt  }
tec
execute0_lowered:
.L_overlay_start_1:
0x0: {  	(tag) =	ssettag $0x1  }
0x1: {  	s1 =	rddreg [dreg:$0x0]  }
0x2: {  	s2 =	rddreg [dreg:$0x1]  }
0x3: {  	s0 =	rddreg [dreg:$0x2];
	s4 =	simm.s32 $0x0  }
0x4: {  	s3 =	srdreg.scid;
	s6 =	stileid.u32;
	s15 =	simm.s32 $0x200  }
0x5: {  	s16 =	simm.s32 $0x80;
	s17 =	simm.s32 $0x5;
	s18 =	simm.s32 $0x68  }
0x6: {  	s22 =	simm.s32 $0x1;
	s23 =	simm.s32 $0x6;
	s28 =	simm.s32 $0x3  }
0x7: {  	s29 =	simm.s32 $0x2;
	s30 =	simm.s32 $0x4;
	s31 =	simm.s32 $0x0  }
0x8: {  	[smem:$0x7FF] =	sst s4;
	s3 =	sand.u32 $0x1, s3;
	s5 =	sadd.s32 $0x800, s0  }
0x9: {  	s7 =	sshll.u32 s6, $0x8;
	s6 =	sadd.s32 $0x20800, s0;
	s8 =	sshll.u32 s3, $0x7  }
0xa: {  	_ =	strace $0x80000047;
	s24 =	ssub.s32 $0x2, s3;
	s7 =	sor.u32 s8, s7  }
0xb: {  	s3 =	sshrl.u32 s24, $0x1;
	s8 =	sshll.u32 s7, $0x5;
	s9 =	sshll.u32 s7, $0x4  }
.Ltmp0:
0xc: {  	s0 =	ssub.s32 s24, s3;
	s25 =	sadd.s32 s5, s8;
	(pc) =	sbr.rel .LBB2_1-.Ltmp0, $4  }
0xd: {  	s12 =	sadd.s32 $0xFFFFFFF9, s7;
	s0 =	smax.u32 s0, $0x1;
	[dreg:$0x4] =	wrdreg s25  }
0xe: {  	s9 =	sadd.s32 s2, s9;
	s3 =	sadd.s32 $0x20, s25;
	[dreg:$0x7] =	wrdreg s0  }
0xf: {  	s24 =	simm.s32 $0x6B00;
	s26 =	sadd.s32 $0x10, s9;
	[dreg:$0x5] =	wrdreg s3  }
0x10: {  	s25 =	simm.s32 $0x280;
	[dreg:$0x6] =	wrdreg s26;
	s26 =	simm.s32 $0x9F00  }
.LBB2_18:
0x11: {  	_ =	swait.ge [sflag:s28], $0x3400  }
0x12: {  	[sflag:s28] =	ssyncset.done $0x0  }
0x13: {  	[sflag:s28] =	ssyncadd.s32 $0xFFFFCC00  }
0x14: {  	_ =	swait.ge [sflag:s30], $0x3400  }
0x15: {  	s31 =	sadd.s32 $0x1, s31;
	s0 =	rddreg [dreg:$0x7]  }
0x16: {  	p0 =	sne.s32 s31, s0  }
.Ltmp1:
0x17: {  	_ = 	snop;
	(pc) =	sbr.rel @!p0 .LBB2_19-.Ltmp1, $3  }
0x18: {  	_ =	sdelay $0x1  }
0x19: {  	[sflag:s30] =	ssyncset.done $0x0  }
0x1a: {  	[sflag:s30] =	ssyncadd.s32 $0xFFFFCC00  }
.LBB2_1:
0x1b: {  	s0 =	rddreg [dreg:$0x4];
	s3 =	simm.s32 $0x100  }
0x1c: {  	[tilespmem:s3], [sflag:$0x5] =	stream.linear.gather [hbm4b:s0+s4], $0x100, $0x38;
	[tilespmem:$0x13B00] =	vst v63  }
0x1d: {  	_ = 	snop  }
0x1e: {  	[tilespmem:s4], [sflag:$0x5] =	stream.linear.gather [hbm4b:s9+s4], $0x80, $0x38;
	[tilespmem:$0x13B00] =	vst v63  }
0x1f: {  	s13 =	rddreg [dreg:$0x5]  }
0x20: {  	[tilespmem:s15], [sflag:$0x6] =	stream.linear.gather [hbm4b:s13+s4], $0x100, $0x38;
	[tilespmem:$0x13B00] =	vst v63  }
0x21: {  	s14 =	rddreg [dreg:$0x6]  }
0x22: {  	[tilespmem:s16], [sflag:$0x6] =	stream.linear.gather [hbm4b:s14+s4], $0x80, $0x38;
	[tilespmem:$0x13B00] =	vst v63  }
0x23: {  	_ =	swait.ge [sflag:s17], $0x100  }
0x24: {  	[sflag:s17] =	ssyncset.done $0x0  }
0x25: {  	[sflag:s17] =	ssyncadd.s32 $0xFFFFFF00  }
0x26: {  	_ =	swait.ge [sflag:s17], $0x80  }
0x27: {  	s19 =	simm.s32 $0x300;
	[sflag:s17] =	ssyncset.done $0x0  }
0x28: {  	s20 =	simm.s32 $0x180;
	s21 =	simm.s32 $0x3700;
	[sflag:s17] =	ssyncadd.s32 $0xFFFFFF80  }
0x29: {  	[tilespmem:s19], [sflag:$0x1] =	stream.indirect.gather [hbm4b:s1+s18], $0x80, s3, s18, $0xb8;
	[tilespmem:$0x13B00] =	vst v63  }
0x2a: {  	s0 =	simm.s32 $0x0;
	s3 =	simm.s32 $0x0;
	s19 =	simm.s32 $0x0  }
0x2b: {  	[tilespmem:s21], [sflag:$0x1] =	stream.indirect.gather [hbm4b:s1+s18], $0x80, s20, s18, $0xb8;
	[tilespmem:$0x13B00] =	vst v63  }
.LBB2_2:
0x2c: {  	_ =	swait.ge [sflag:s22], $0x3400  }
0x2d: {  	[sflag:s22] =	ssyncset.done $0x0  }
0x2e: {  	[sflag:s22] =	ssyncadd.s32 $0xFFFFCC00  }
0x2f: {  	s20 =	sshll.u32 s19, $0x1;
	_ =	swait.ge [sflag:s22], $0x3400  }
0x30: {  	s10 =	sand.u32 $0x6, s20;
	[sflag:s22] =	ssyncset.done $0x0  }
0x31: {  	p1 =	sgt.u32 s19, $0x7;
	p0 =	seq.s32 s10, $0x0;
	[sflag:s22] =	ssyncadd.s32 $0xFFFFCC00  }
0x32: {  	p0 =	por !p1, !p0;
	_ =	swait.ge [sflag:s23], $0x100  }
0x33: {  	s21 =	sand.u32 $0x4, s19;
	p0 =	por !p0, !p0;
	[sflag:s23] =	ssyncset.done $0x0  }
0x34: {  	p1 =	sne.s32 @p0 s21, $0x0;
	[sflag:s23] =	ssyncadd.s32 $0xFFFFFF00  }
0x35: {  	p1 =	por !p0, p1;
	_ =	swait.ge [sflag:s23], $0x80  }
.Ltmp2:
0x36: {  	[sflag:s23] =	ssyncset.done $0x0;
	(pc) =	sbr.rel @p1 .LBB2_4-.Ltmp2, $4  }
0x37: {  	s14 =	sshll.u32 s3, $0x8;
	[sflag:s23] =	ssyncadd.s32 $0xFFFFFF80  }
0x38: {  	[tilespmem:s24], [sflag:$0x2] =	stream.indirect.gather [hbm4b:s1+s18], $0x80, s15, s18, $0xb8;
	[tilespmem:$0x13B00] =	vst v63  }
0x39: {  	s10 =	sand.u32 $0x300, s14  }
0x3a: {  	[tilespmem:s26], [sflag:$0x2] =	stream.indirect.gather [hbm4b:s1+s18], $0x80, s25, s18, $0xb8;
	[tilespmem:$0x13B00] =	vst v63  }
0x3b: {  	_ =	swait.ge [sflag:s28], $0x3400  }
0x3c: {  	[sflag:s28] =	ssyncset.done $0x0  }
0x3d: {  	[sflag:s28] =	ssyncadd.s32 $0xFFFFCC00  }
.LBB2_5:
0x3e: {  	v0 =	vld [tilespmem:$0x0]  }
0x3f: {  	v1 =	vld [tilespmem:$0x10]  }
0x40: {  	v2 =	vld [tilespmem:$0x20]  }
0x41: {  	v3 =	vld [tilespmem:$0x30]  }
0x42: {  	v4 =	vld [tilespmem:$0x40]  }
0x43: {  	v5 =	vld [tilespmem:$0x50]  }
0x44: {  	s11 =	sadd.s32 $0xD370, s10;
	v6 =	vld [tilespmem:$0x60]  }
0x45: {  	s10 =	simm.s32 $0x0;
	s14 =	simm.s32 $0x700;
	v7 =	vld [tilespmem:$0x70];
	v8 =	vmov s11  }
.LBB2_6:
0x46: {  	v9 =	vld [tilespmem:s14+$0xFFFFFC00]  }
0x47: {  	v10 =	vld [tilespmem:s14+$0xFFFFFC10]  }
0x48: {  	v11 =	vld [tilespmem:s14+$0xFFFFFC20]  }
0x49: {  	v12 =	vld [tilespmem:s14+$0xFFFFFC30]  }
0x4a: {  	v13 =	vld [tilespmem:s14+$0xFFFFFC40]  }
0x4b: {  	v14 =	vld [tilespmem:s14+$0xFFFFFC50]  }
0x4c: {  	v15 =	vld [tilespmem:s14+$0xFFFFFC60]  }
0x4d: {  	v17 =	vld [tilespmem:s14+$0xFFFFFC80]  }
0x4e: {  	v18 =	vld [tilespmem:s14+$0xFFFFFC90]  }
0x4f: {  	v19 =	vld [tilespmem:s14+$0xFFFFFCA0]  }
0x50: {  	v20 =	vld [tilespmem:s14+$0xFFFFFCB0]  }
0x51: {  	v21 =	vld [tilespmem:s14+$0xFFFFFCC0];
	v9 =	vmul.f32 v9, v0  }
0x52: {  	v22 =	vld [tilespmem:s14+$0xFFFFFCD0];
	v10 =	vmul.f32 v10, v1;
	v11 =	vmul.f32 v11, v2  }
0x53: {  	v16 =	vld [tilespmem:s14+$0xFFFFFC70];
	v12 =	vmul.f32 v12, v3;
	v13 =	vmul.f32 v13, v4  }
0x54: {  	v23 =	vld [tilespmem:s14+$0xFFFFFCE0];
	v14 =	vmul.f32 v14, v5;
	v34 =	vmul.f32 v19, v2  }
0x55: {  	v35 =	vld [tilespmem:s14+$0xFFFFFCF0];
	v36 =	vmul.f32 v18, v1;
	v37 =	vmul.f32 v20, v3  }
0x56: {  	v38 =	vmul.f32 v21, v4;
	v9 =	vadd.f32 v11, v9;
	v11 =	vmul.f32 v17, v0  }
0x57: {  	v39 =	vmul.f32 v22, v5;
	v15 =	vmul.f32 v15, v6;
	v10 =	vadd.f32 v12, v10  }
0x58: {  	v16 =	vmul.f32 v16, v7;
	v12 =	vadd.f32 v37, v36;
	v11 =	vadd.f32 v34, v11  }
0x59: {  	v40 =	vmul.f32 v23, v6;
	v9 =	vadd.f32 v13, v9;
	v10 =	vadd.f32 v14, v10  }
0x5a: {  	v41 =	vmul.f32 v35, v7;
	v12 =	vadd.f32 v39, v12;
	v11 =	vadd.f32 v38, v11  }
0x5b: {  	v9 =	vadd.f32 v15, v9;
	v10 =	vadd.f32 v16, v10  }
0x5c: {  	v12 =	vadd.f32 v41, v12;
	v11 =	vadd.f32 v40, v11;
	_ =	sdelay $0x1  }
0x5d: {  	v9 =	vadd.f32 v10, v9;
	v10 =	vadd.f32 v12, v11;
	_ =	sdelay $0x1  }
0x5e: {  	s11 =	sshra.s32 s10, $0x2;
	v9 =	vpack.i.f32.bf16 v10, v9  }
0x5f: {  	[tilespmem:v8+s11+$0xFFFFFF90 ss:$0x1] =	vst.idx.msk $0xffff, v9  }
0x60: {  	v9 =	vld [tilespmem:s14+$0xFFFFFD00]  }
0x61: {  	v10 =	vld [tilespmem:s14+$0xFFFFFD10]  }
0x62: {  	v11 =	vld [tilespmem:s14+$0xFFFFFD20]  }
0x63: {  	v42 =	vld [tilespmem:s14+$0xFFFFFD30]  }
0x64: {  	v43 =	vld [tilespmem:s14+$0xFFFFFD40]  }
0x65: {  	v44 =	vld [tilespmem:s14+$0xFFFFFD50]  }
0x66: {  	v45 =	vld [tilespmem:s14+$0xFFFFFD60]  }
0x67: {  	v47 =	vld [tilespmem:s14+$0xFFFFFD80]  }
0x68: {  	v48 =	vld [tilespmem:s14+$0xFFFFFD90]  }
0x69: {  	v49 =	vld [tilespmem:s14+$0xFFFFFDA0]  }
0x6a: {  	v50 =	vld [tilespmem:s14+$0xFFFFFDB0]  }
0x6b: {  	v51 =	vld [tilespmem:s14+$0xFFFFFDC0];
	v9 =	vmul.f32 v9, v0  }
0x6c: {  	v52 =	vld [tilespmem:s14+$0xFFFFFDD0];
	v10 =	vmul.f32 v10, v1;
	v11 =	vmul.f32 v11, v2  }
0x6d: {  	v46 =	vld [tilespmem:s14+$0xFFFFFD70];
	v12 =	vmul.f32 v42, v3;
	v13 =	vmul.f32 v43, v4  }
0x6e: {  	v53 =	vld [tilespmem:s14+$0xFFFFFDE0];
	v14 =	vmul.f32 v44, v5;
	v54 =	vmul.f32 v49, v2  }
0x6f: {  	v55 =	vld [tilespmem:s14+$0xFFFFFDF0];
	v56 =	vmul.f32 v48, v1;
	v57 =	vmul.f32 v50, v3  }
0x70: {  	v58 =	vmul.f32 v51, v4;
	v9 =	vadd.f32 v11, v9;
	v11 =	vmul.f32 v47, v0  }
0x71: {  	v59 =	vmul.f32 v52, v5;
	v15 =	vmul.f32 v45, v6;
	v10 =	vadd.f32 v12, v10  }
0x72: {  	v16 =	vmul.f32 v46, v7;
	v12 =	vadd.f32 v57, v56;
	v11 =	vadd.f32 v54, v11  }
0x73: {  	v60 =	vmul.f32 v53, v6;
	v9 =	vadd.f32 v13, v9;
	v10 =	vadd.f32 v14, v10  }
0x74: {  	v61 =	vmul.f32 v55, v7;
	v12 =	vadd.f32 v59, v12;
	v11 =	vadd.f32 v58, v11  }
0x75: {  	v9 =	vadd.f32 v15, v9;
	v10 =	vadd.f32 v16, v10  }
0x76: {  	v12 =	vadd.f32 v61, v12;
	v11 =	vadd.f32 v60, v11;
	_ =	sdelay $0x1  }
0x77: {  	v9 =	vadd.f32 v10, v9;
	v10 =	vadd.f32 v12, v11;
	_ =	sdelay $0x1  }
0x78: {  	v9 =	vpack.i.f32.bf16 v10, v9  }
0x79: {  	[tilespmem:v8+s11+$0xFFFFFFA0 ss:$0x1] =	vst.idx.msk $0xffff, v9  }
0x7a: {  	v9 =	vld [tilespmem:s14+$0xFFFFFE00]  }
0x7b: {  	v10 =	vld [tilespmem:s14+$0xFFFFFE10]  }
0x7c: {  	v11 =	vld [tilespmem:s14+$0xFFFFFE20]  }
0x7d: {  	v62 =	vld [tilespmem:s14+$0xFFFFFE30]  }
0x7e: {  	v63 =	vld [tilespmem:s14+$0xFFFFFE40]  }
0x7f: {  	v24 =	vld [tilespmem:s14+$0xFFFFFE50]  }
0x80: {  	v25 =	vld [tilespmem:s14+$0xFFFFFE60]  }
0x81: {  	v27 =	vld [tilespmem:s14+$0xFFFFFE80]  }
0x82: {  	v28 =	vld [tilespmem:s14+$0xFFFFFE90]  }
0x83: {  	v29 =	vld [tilespmem:s14+$0xFFFFFEA0]  }
0x84: {  	v30 =	vld [tilespmem:s14+$0xFFFFFEB0]  }
0x85: {  	v31 =	vld [tilespmem:s14+$0xFFFFFEC0];
	v9 =	vmul.f32 v9, v0  }
0x86: {  	v32 =	vld [tilespmem:s14+$0xFFFFFED0];
	v10 =	vmul.f32 v10, v1;
	v11 =	vmul.f32 v11, v2  }
0x87: {  	v26 =	vld [tilespmem:s14+$0xFFFFFE70];
	v12 =	vmul.f32 v62, v3;
	v13 =	vmul.f32 v63, v4  }
0x88: {  	v33 =	vld [tilespmem:s14+$0xFFFFFEE0];
	v14 =	vmul.f32 v24, v5;
	v34 =	vmul.f32 v29, v2  }
0x89: {  	v35 =	vld [tilespmem:s14+$0xFFFFFEF0];
	v36 =	vmul.f32 v28, v1;
	v37 =	vmul.f32 v30, v3  }
0x8a: {  	v38 =	vmul.f32 v31, v4;
	v9 =	vadd.f32 v11, v9;
	v11 =	vmul.f32 v27, v0  }
0x8b: {  	v39 =	vmul.f32 v32, v5;
	v15 =	vmul.f32 v25, v6;
	v10 =	vadd.f32 v12, v10  }
0x8c: {  	v16 =	vmul.f32 v26, v7;
	v12 =	vadd.f32 v37, v36;
	v11 =	vadd.f32 v34, v11  }
0x8d: {  	v40 =	vmul.f32 v33, v6;
	v9 =	vadd.f32 v13, v9;
	v10 =	vadd.f32 v14, v10  }
0x8e: {  	v41 =	vmul.f32 v35, v7;
	v12 =	vadd.f32 v39, v12;
	v11 =	vadd.f32 v38, v11  }
0x8f: {  	v9 =	vadd.f32 v15, v9;
	v10 =	vadd.f32 v16, v10  }
0x90: {  	v12 =	vadd.f32 v41, v12;
	v11 =	vadd.f32 v40, v11;
	_ =	sdelay $0x1  }
0x91: {  	v9 =	vadd.f32 v10, v9;
	v10 =	vadd.f32 v12, v11;
	_ =	sdelay $0x1  }
0x92: {  	v9 =	vpack.i.f32.bf16 v10, v9  }
0x93: {  	[tilespmem:v8+s11+$0xFFFFFFB0 ss:$0x1] =	vst.idx.msk $0xffff, v9  }
0x94: {  	v9 =	vld [tilespmem:s14+$0xFFFFFF00]  }
0x95: {  	v10 =	vld [tilespmem:s14+$0xFFFFFF10]  }
0x96: {  	v11 =	vld [tilespmem:s14+$0xFFFFFF20]  }
0x97: {  	v42 =	vld [tilespmem:s14+$0xFFFFFF30]  }
0x98: {  	v43 =	vld [tilespmem:s14+$0xFFFFFF40]  }
0x99: {  	v44 =	vld [tilespmem:s14+$0xFFFFFF50]  }
0x9a: {  	v45 =	vld [tilespmem:s14+$0xFFFFFF60]  }
0x9b: {  	v47 =	vld [tilespmem:s14+$0xFFFFFF80]  }
0x9c: {  	v48 =	vld [tilespmem:s14+$0xFFFFFF90]  }
0x9d: {  	v49 =	vld [tilespmem:s14+$0xFFFFFFA0]  }
0x9e: {  	v50 =	vld [tilespmem:s14+$0xFFFFFFB0]  }
0x9f: {  	v51 =	vld [tilespmem:s14+$0xFFFFFFC0];
	v9 =	vmul.f32 v9, v0  }
0xa0: {  	v52 =	vld [tilespmem:s14+$0xFFFFFFD0];
	v10 =	vmul.f32 v10, v1;
	v11 =	vmul.f32 v11, v2  }
0xa1: {  	v46 =	vld [tilespmem:s14+$0xFFFFFF70];
	v12 =	vmul.f32 v42, v3;
	v13 =	vmul.f32 v43, v4  }
0xa2: {  	v53 =	vld [tilespmem:s14+$0xFFFFFFE0];
	v14 =	vmul.f32 v44, v5;
	v54 =	vmul.f32 v49, v2  }
0xa3: {  	v55 =	vld [tilespmem:s14+$0xFFFFFFF0];
	v56 =	vmul.f32 v48, v1;
	v57 =	vmul.f32 v50, v3  }
0xa4: {  	v58 =	vmul.f32 v51, v4;
	v9 =	vadd.f32 v11, v9;
	v11 =	vmul.f32 v47, v0  }
0xa5: {  	v59 =	vmul.f32 v52, v5;
	v15 =	vmul.f32 v45, v6;
	v10 =	vadd.f32 v12, v10  }
0xa6: {  	v16 =	vmul.f32 v46, v7;
	v12 =	vadd.f32 v57, v56;
	v11 =	vadd.f32 v54, v11  }
0xa7: {  	v60 =	vmul.f32 v53, v6;
	v9 =	vadd.f32 v13, v9;
	v10 =	vadd.f32 v14, v10  }
0xa8: {  	v61 =	vmul.f32 v55, v7;
	v12 =	vadd.f32 v59, v12;
	v11 =	vadd.f32 v58, v11  }
0xa9: {  	v9 =	vadd.f32 v15, v9;
	v10 =	vadd.f32 v16, v10  }
0xaa: {  	v12 =	vadd.f32 v61, v12;
	v11 =	vadd.f32 v60, v11;
	_ =	sdelay $0x1  }
0xab: {  	v9 =	vadd.f32 v10, v9;
	v10 =	vadd.f32 v12, v11;
	_ =	sdelay $0x1  }
0xac: {  	v9 =	vpack.i.f32.bf16 v10, v9  }
0xad: {  	[tilespmem:v8+s11+$0xFFFFFFC0 ss:$0x1] =	vst.idx.msk $0xffff, v9  }
0xae: {  	v9 =	vld [tilespmem:s14+$0x0]  }
0xaf: {  	v10 =	vld [tilespmem:s14+$0x10]  }
0xb0: {  	v11 =	vld [tilespmem:s14+$0x20]  }
0xb1: {  	v62 =	vld [tilespmem:s14+$0x30]  }
0xb2: {  	v63 =	vld [tilespmem:s14+$0x40]  }
0xb3: {  	v24 =	vld [tilespmem:s14+$0x50]  }
0xb4: {  	v25 =	vld [tilespmem:s14+$0x60]  }
0xb5: {  	v27 =	vld [tilespmem:s14+$0x80]  }
0xb6: {  	v28 =	vld [tilespmem:s14+$0x90]  }
0xb7: {  	v29 =	vld [tilespmem:s14+$0xA0]  }
0xb8: {  	v30 =	vld [tilespmem:s14+$0xB0]  }
0xb9: {  	v31 =	vld [tilespmem:s14+$0xC0];
	v9 =	vmul.f32 v9, v0  }
0xba: {  	v32 =	vld [tilespmem:s14+$0xD0];
	v10 =	vmul.f32 v10, v1;
	v11 =	vmul.f32 v11, v2  }
0xbb: {  	v26 =	vld [tilespmem:s14+$0x70];
	v12 =	vmul.f32 v62, v3;
	v13 =	vmul.f32 v63, v4  }
0xbc: {  	v33 =	vld [tilespmem:s14+$0xE0];
	v14 =	vmul.f32 v24, v5;
	v34 =	vmul.f32 v29, v2  }
0xbd: {  	v35 =	vld [tilespmem:s14+$0xF0];
	v36 =	vmul.f32 v28, v1;
	v37 =	vmul.f32 v30, v3  }
0xbe: {  	v38 =	vmul.f32 v31, v4;
	v9 =	vadd.f32 v11, v9;
	v11 =	vmul.f32 v27, v0  }
0xbf: {  	v39 =	vmul.f32 v32, v5;
	v15 =	vmul.f32 v25, v6;
	v10 =	vadd.f32 v12, v10  }
0xc0: {  	v16 =	vmul.f32 v26, v7;
	v12 =	vadd.f32 v37, v36;
	v11 =	vadd.f32 v34, v11  }
0xc1: {  	v40 =	vmul.f32 v33, v6;
	v9 =	vadd.f32 v13, v9;
	v10 =	vadd.f32 v14, v10  }
0xc2: {  	v41 =	vmul.f32 v35, v7;
	v12 =	vadd.f32 v39, v12;
	v11 =	vadd.f32 v38, v11  }
0xc3: {  	v9 =	vadd.f32 v15, v9;
	v10 =	vadd.f32 v16, v10  }
0xc4: {  	v12 =	vadd.f32 v41, v12;
	v11 =	vadd.f32 v40, v11;
	_ =	sdelay $0x1  }
0xc5: {  	v9 =	vadd.f32 v10, v9;
	v10 =	vadd.f32 v12, v11;
	_ =	sdelay $0x1  }
0xc6: {  	v9 =	vpack.i.f32.bf16 v10, v9  }
0xc7: {  	[tilespmem:v8+s11+$0xFFFFFFD0 ss:$0x1] =	vst.idx.msk $0xffff, v9  }
0xc8: {  	v9 =	vld [tilespmem:s14+$0x100]  }
0xc9: {  	v10 =	vld [tilespmem:s14+$0x110]  }
0xca: {  	v11 =	vld [tilespmem:s14+$0x120]  }
0xcb: {  	v42 =	vld [tilespmem:s14+$0x130]  }
0xcc: {  	v43 =	vld [tilespmem:s14+$0x140]  }
0xcd: {  	v44 =	vld [tilespmem:s14+$0x150]  }
0xce: {  	v45 =	vld [tilespmem:s14+$0x160]  }
0xcf: {  	v47 =	vld [tilespmem:s14+$0x180]  }
0xd0: {  	v48 =	vld [tilespmem:s14+$0x190]  }
0xd1: {  	v49 =	vld [tilespmem:s14+$0x1A0]  }
0xd2: {  	v50 =	vld [tilespmem:s14+$0x1B0]  }
0xd3: {  	v51 =	vld [tilespmem:s14+$0x1C0];
	v9 =	vmul.f32 v9, v0  }
0xd4: {  	v52 =	vld [tilespmem:s14+$0x1D0];
	v10 =	vmul.f32 v10, v1;
	v11 =	vmul.f32 v11, v2  }
0xd5: {  	v46 =	vld [tilespmem:s14+$0x170];
	v12 =	vmul.f32 v42, v3;
	v13 =	vmul.f32 v43, v4  }
0xd6: {  	v53 =	vld [tilespmem:s14+$0x1E0];
	v14 =	vmul.f32 v44, v5;
	v54 =	vmul.f32 v49, v2  }
0xd7: {  	v55 =	vld [tilespmem:s14+$0x1F0];
	v56 =	vmul.f32 v48, v1;
	v57 =	vmul.f32 v50, v3  }
0xd8: {  	v58 =	vmul.f32 v51, v4;
	v9 =	vadd.f32 v11, v9;
	v11 =	vmul.f32 v47, v0  }
0xd9: {  	v59 =	vmul.f32 v52, v5;
	v15 =	vmul.f32 v45, v6;
	v10 =	vadd.f32 v12, v10  }
0xda: {  	v16 =	vmul.f32 v46, v7;
	v12 =	vadd.f32 v57, v56;
	v11 =	vadd.f32 v54, v11  }
0xdb: {  	v60 =	vmul.f32 v53, v6;
	v9 =	vadd.f32 v13, v9;
	v10 =	vadd.f32 v14, v10  }
0xdc: {  	v61 =	vmul.f32 v55, v7;
	v12 =	vadd.f32 v59, v12;
	v11 =	vadd.f32 v58, v11  }
0xdd: {  	v9 =	vadd.f32 v15, v9;
	v10 =	vadd.f32 v16, v10  }
0xde: {  	v12 =	vadd.f32 v61, v12;
	v11 =	vadd.f32 v60, v11;
	_ =	sdelay $0x1  }
0xdf: {  	v9 =	vadd.f32 v10, v9;
	v10 =	vadd.f32 v12, v11;
	_ =	sdelay $0x1  }
0xe0: {  	v9 =	vpack.i.f32.bf16 v10, v9  }
0xe1: {  	[tilespmem:v8+s11+$0xFFFFFFE0 ss:$0x1] =	vst.idx.msk $0xffff, v9  }
0xe2: {  	v9 =	vld [tilespmem:s14+$0x200]  }
0xe3: {  	v10 =	vld [tilespmem:s14+$0x210]  }
0xe4: {  	v11 =	vld [tilespmem:s14+$0x220]  }
0xe5: {  	v62 =	vld [tilespmem:s14+$0x230]  }
0xe6: {  	v63 =	vld [tilespmem:s14+$0x240]  }
0xe7: {  	v24 =	vld [tilespmem:s14+$0x250]  }
0xe8: {  	v25 =	vld [tilespmem:s14+$0x260]  }
0xe9: {  	v27 =	vld [tilespmem:s14+$0x280]  }
0xea: {  	v28 =	vld [tilespmem:s14+$0x290]  }
0xeb: {  	v29 =	vld [tilespmem:s14+$0x2A0]  }
0xec: {  	v30 =	vld [tilespmem:s14+$0x2B0]  }
0xed: {  	v31 =	vld [tilespmem:s14+$0x2C0];
	v9 =	vmul.f32 v9, v0  }
0xee: {  	v32 =	vld [tilespmem:s14+$0x2D0];
	v10 =	vmul.f32 v10, v1;
	v11 =	vmul.f32 v11, v2  }
0xef: {  	v26 =	vld [tilespmem:s14+$0x270];
	v12 =	vmul.f32 v62, v3;
	v13 =	vmul.f32 v63, v4  }
0xf0: {  	v33 =	vld [tilespmem:s14+$0x2E0];
	v14 =	vmul.f32 v24, v5;
	v34 =	vmul.f32 v29, v2  }
0xf1: {  	v35 =	vld [tilespmem:s14+$0x2F0];
	v36 =	vmul.f32 v28, v1;
	v37 =	vmul.f32 v30, v3  }
0xf2: {  	v38 =	vmul.f32 v31, v4;
	v9 =	vadd.f32 v11, v9;
	v11 =	vmul.f32 v27, v0  }
0xf3: {  	v39 =	vmul.f32 v32, v5;
	v15 =	vmul.f32 v25, v6;
	v10 =	vadd.f32 v12, v10  }
0xf4: {  	v16 =	vmul.f32 v26, v7;
	v12 =	vadd.f32 v37, v36;
	v11 =	vadd.f32 v34, v11  }
0xf5: {  	v40 =	vmul.f32 v33, v6;
	v9 =	vadd.f32 v13, v9;
	v10 =	vadd.f32 v14, v10  }
0xf6: {  	v41 =	vmul.f32 v35, v7;
	v12 =	vadd.f32 v39, v12;
	v11 =	vadd.f32 v38, v11  }
0xf7: {  	v9 =	vadd.f32 v15, v9;
	v10 =	vadd.f32 v16, v10  }
0xf8: {  	v12 =	vadd.f32 v41, v12;
	v11 =	vadd.f32 v40, v11;
	_ =	sdelay $0x1  }
0xf9: {  	v9 =	vadd.f32 v10, v9;
	v10 =	vadd.f32 v12, v11;
	_ =	sdelay $0x1  }
0xfa: {  	v9 =	vpack.i.f32.bf16 v10, v9  }
0xfb: {  	[tilespmem:v8+s11+$0xFFFFFFF0 ss:$0x1] =	vst.idx.msk $0xffff, v9  }
0xfc: {  	v9 =	vld [tilespmem:s14+$0x300]  }
0xfd: {  	v10 =	vld [tilespmem:s14+$0x310]  }
0xfe: {  	v11 =	vld [tilespmem:s14+$0x320]  }
0xff: {  	v42 =	vld [tilespmem:s14+$0x330]  }
0x100: {  	v43 =	vld [tilespmem:s14+$0x340]  }
0x101: {  	v44 =	vld [tilespmem:s14+$0x350]  }
0x102: {  	v45 =	vld [tilespmem:s14+$0x360]  }
0x103: {  	v47 =	vld [tilespmem:s14+$0x380]  }
0x104: {  	v48 =	vld [tilespmem:s14+$0x390]  }
0x105: {  	v49 =	vld [tilespmem:s14+$0x3A0]  }
0x106: {  	v50 =	vld [tilespmem:s14+$0x3B0]  }
0x107: {  	v51 =	vld [tilespmem:s14+$0x3C0];
	v9 =	vmul.f32 v9, v0  }
0x108: {  	v52 =	vld [tilespmem:s14+$0x3D0];
	v10 =	vmul.f32 v10, v1;
	v11 =	vmul.f32 v11, v2  }
0x109: {  	v46 =	vld [tilespmem:s14+$0x370];
	v12 =	vmul.f32 v42, v3;
	v13 =	vmul.f32 v43, v4  }
0x10a: {  	v53 =	vld [tilespmem:s14+$0x3E0];
	v14 =	vmul.f32 v44, v5;
	v54 =	vmul.f32 v49, v2  }
0x10b: {  	v55 =	vld [tilespmem:s14+$0x3F0];
	v56 =	vmul.f32 v48, v1;
	v57 =	vmul.f32 v50, v3  }
0x10c: {  	v58 =	vmul.f32 v51, v4;
	v9 =	vadd.f32 v11, v9;
	v11 =	vmul.f32 v47, v0  }
0x10d: {  	v59 =	vmul.f32 v52, v5;
	v60 =	vmul.f32 v45, v6;
	v10 =	vadd.f32 v12, v10  }
0x10e: {  	v61 =	vmul.f32 v46, v7;
	v12 =	vadd.f32 v57, v56;
	v11 =	vadd.f32 v54, v11  }
0x10f: {  	v62 =	vmul.f32 v53, v6;
	v9 =	vadd.f32 v13, v9;
	v10 =	vadd.f32 v14, v10  }
0x110: {  	v63 =	vmul.f32 v55, v7;
	v12 =	vadd.f32 v59, v12;
	v11 =	vadd.f32 v58, v11  }
0x111: {  	v9 =	vadd.f32 v60, v9;
	v10 =	vadd.f32 v61, v10  }
0x112: {  	p0 =	seq.s32 s10, $0xC000;
	v12 =	vadd.f32 v63, v12;
	v11 =	vadd.f32 v62, v11  }
.Ltmp3:
0x113: {  	_ = 	snop;
	(pc) =	sbr.rel @!p0 .LBB2_6-.Ltmp3, $3  }
0x114: {  	v9 =	vadd.f32 v10, v9;
	v10 =	vadd.f32 v12, v11;
	_ =	sdelay $0x1  }
0x115: {  	v9 =	vpack.i.f32.bf16 v10, v9  }
0x116: {  	s10 =	sadd.s32 $0x1000, s10;
	s14 =	sadd.s32 $0x800, s14;
	[tilespmem:v8+s11+$0x0 ss:$0x1] =	vst.idx.msk $0xffff, v9  }
.LBB2_9:
0x117: {  	p0 =	seq.s32 s19, $0x3F  }
0x118: {  	s10 =	sadd.s32 @!p0 $0x2, s20  }
0x119: {  	s11 =	sadd.s32 @!p0 s7, s10  }
0x11a: {  	s13 =	sshll.u32 @!p0 s11, $0x5  }
0x11b: {  	s14 =	simm.s32 @!p0 $0x0;
	s8 =	simm.s32 @!p0 $0x100;
	s13 =	sadd.s32 @!p0 s5, s13  }
0x11c: {  	[tilespmem:s8], [sflag:$0x5] =	stream.linear.gather @!p0 [hbm4b:s13+s14], $0x100, $0x38;
	[tilespmem:$0x13B00] =	vst v63  }
0x11d: {  	s8 =	sshll.u32 @!p0 s10, $0x4  }
0x11e: {  	s10 =	sshll.u32 @!p0 s11, $0x4;
	s8 =	sand.u32 @!p0 $0x60, s8  }
0x11f: {  	s10 =	sand.u32 @!p0 $0x1FF80, s10;
	s8 =	sadd.s32 @!p0 s2, s8  }
0x120: {  	s8 =	sadd.s32 @!p0 s10, s8  }
0x121: {  	[tilespmem:s14], [sflag:$0x5] =	stream.linear.gather @!p0 [hbm4b:s8+s14], $0x80, $0x38;
	[tilespmem:$0x13B00] =	vst v63  }
0x122: {  	_ =	swait.ge [sflag:s29], $0x3400  }
0x123: {  	[sflag:s29] =	ssyncset.done $0x0  }
0x124: {  	[sflag:s29] =	ssyncadd.s32 $0xFFFFCC00  }
0x125: {  	s14 =	sor.u32 $0x1, s20;
	_ =	swait.ge [sflag:s29], $0x3400  }
0x126: {  	p1 =	sgt.u32 s14, $0x7E;
	[sflag:s29] =	ssyncset.done $0x0  }
0x127: {  	s8 =	simm.s32 @!p1 $0x5;
	[sflag:s29] =	ssyncadd.s32 $0xFFFFCC00  }
0x128: {  	_ =	swait.ge @!p1 [sflag:s8], $0x100  }
0x129: {  	[sflag:s8] =	ssyncset.done @!p1 $0x0  }
0x12a: {  	[sflag:s8] =	ssyncadd.s32 @!p1 $0xFFFFFF00  }
0x12b: {  	_ =	swait.ge @!p1 [sflag:s8], $0x80  }
0x12c: {  	s10 =	simm.s32 @!p1 $0x100;
	[sflag:s8] =	ssyncset.done @!p1 $0x0  }
0x12d: {  	s11 =	simm.s32 @!p1 $0x300;
	[sflag:s8] =	ssyncadd.s32 @!p1 $0xFFFFFF80;
	s8 =	simm.s32 @!p1 $0x68  }
0x12e: {  	[tilespmem:s11], [sflag:$0x1] =	stream.indirect.gather @!p1 [hbm4b:s1+s8], $0x80, s10, s8, $0xb8;
	[tilespmem:$0x13B00] =	vst v63  }
0x12f: {  	s10 =	simm.s32 @!p1 $0x180;
	s11 =	simm.s32 @!p1 $0x3700  }
0x130: {  	[tilespmem:s11], [sflag:$0x1] =	stream.indirect.gather @!p1 [hbm4b:s1+s8], $0x80, s10, s8, $0xb8;
	[tilespmem:$0x13B00] =	vst v63  }
0x131: {  	v0 =	vld [tilespmem:$0x80]  }
0x132: {  	v1 =	vld [tilespmem:$0x90]  }
0x133: {  	p1 =	sne.s32 s21, $0x0;
	v2 =	vld [tilespmem:$0xA0]  }
.Ltmp4:
0x134: {  	v3 =	vld [tilespmem:$0xB0];
	(pc) =	sbr.rel @p1 .LBB2_13-.Ltmp4, $4  }
0x135: {  	v4 =	vld [tilespmem:$0xC0]  }
0x136: {  	v5 =	vld [tilespmem:$0xD0]  }
0x137: {  	s13 =	sshll.u32 s0, $0x7;
	v6 =	vld [tilespmem:$0xE0]  }
0x138: {  	s11 =	sand.u32 $0x380, s13;
	s21 =	sand.u32 $0x7, s14;
	s10 =	simm.s32 $0x0;
	v7 =	vld [tilespmem:$0xF0]  }
0x139: {  	s11 =	sadd.s32 $0xD3F0, s11  }
.LBB2_11:
0x13a: {  	s13 =	sshra.s32 s10, $0x2  }
0x13b: {  	v8 =	vld [tilespmem:s13+$0x6B00]  }
0x13c: {  	v9 =	vld [tilespmem:s13+$0x6B10]  }
0x13d: {  	v10 =	vld [tilespmem:s13+$0x6B20]  }
0x13e: {  	v11 =	vld [tilespmem:s13+$0x6B30]  }
0x13f: {  	v12 =	vld [tilespmem:s13+$0x6B40]  }
0x140: {  	v13 =	vld [tilespmem:s13+$0x6B50]  }
0x141: {  	v16 =	vld [tilespmem:s13+$0x6B80]  }
0x142: {  	v17 =	vld [tilespmem:s13+$0x6B90]  }
0x143: {  	v18 =	vld [tilespmem:s13+$0x6BA0]  }
0x144: {  	v19 =	vld [tilespmem:s13+$0x6BB0]  }
0x145: {  	v20 =	vld [tilespmem:s13+$0x6BC0]  }
0x146: {  	v21 =	vld [tilespmem:s13+$0x6BD0];
	v8 =	vmul.f32 v8, v0;
	v9 =	vmul.f32 v9, v1  }
0x147: {  	v14 =	vld [tilespmem:s13+$0x6B60];
	v10 =	vmul.f32 v10, v2;
	v11 =	vmul.f32 v11, v3  }
0x148: {  	v15 =	vld [tilespmem:s13+$0x6B70];
	v12 =	vmul.f32 v12, v4;
	v13 =	vmul.f32 v13, v5  }
0x149: {  	v22 =	vld [tilespmem:s13+$0x6BE0];
	v50 =	vmul.f32 v16, v0;
	v51 =	vmul.f32 v18, v2  }
0x14a: {  	v52 =	vld [tilespmem:s13+$0x6BF0];
	v53 =	vmul.f32 v17, v1;
	v54 =	vmul.f32 v19, v3  }
0x14b: {  	v55 =	vmul.f32 v20, v4;
	v56 =	vmul.f32 v21, v5  }
0x14c: {  	v14 =	vmul.f32 v14, v6;
	v8 =	vadd.f32 v10, v8;
	v9 =	vadd.f32 v11, v9  }
0x14d: {  	v15 =	vmul.f32 v15, v7;
	v10 =	vadd.f32 v51, v50;
	v11 =	vadd.f32 v54, v53  }
0x14e: {  	v57 =	vmul.f32 v22, v6;
	v8 =	vadd.f32 v12, v8;
	v9 =	vadd.f32 v13, v9  }
0x14f: {  	v58 =	vmul.f32 v52, v7;
	v10 =	vadd.f32 v55, v10;
	v11 =	vadd.f32 v56, v11  }
0x150: {  	v8 =	vadd.f32 v14, v8;
	v9 =	vadd.f32 v15, v9  }
0x151: {  	v10 =	vadd.f32 v57, v10;
	v11 =	vadd.f32 v58, v11;
	_ =	sdelay $0x1  }
0x152: {  	v8 =	vadd.f32 v9, v8;
	v59 =	vadd.f32 v11, v10;
	_ =	sdelay $0x1  }
0x153: {  	v8 =	vpack.i.f32.bf16 v59, v8  }
0x154: {  	[tilespmem:s11+$0xFFFFFF90] =	vst v8  }
0x155: {  	v8 =	vld [tilespmem:s13+$0x6C00]  }
0x156: {  	v60 =	vld [tilespmem:s13+$0x6C10]  }
0x157: {  	v61 =	vld [tilespmem:s13+$0x6C20]  }
0x158: {  	v62 =	vld [tilespmem:s13+$0x6C30]  }
0x159: {  	v63 =	vld [tilespmem:s13+$0x6C40]  }
0x15a: {  	v24 =	vld [tilespmem:s13+$0x6C50]  }
0x15b: {  	v27 =	vld [tilespmem:s13+$0x6C80]  }
0x15c: {  	v28 =	vld [tilespmem:s13+$0x6C90]  }
0x15d: {  	v29 =	vld [tilespmem:s13+$0x6CA0]  }
0x15e: {  	v30 =	vld [tilespmem:s13+$0x6CB0]  }
0x15f: {  	v31 =	vld [tilespmem:s13+$0x6CC0]  }
0x160: {  	v32 =	vld [tilespmem:s13+$0x6CD0];
	v8 =	vmul.f32 v8, v0;
	v9 =	vmul.f32 v60, v1  }
0x161: {  	v25 =	vld [tilespmem:s13+$0x6C60];
	v10 =	vmul.f32 v61, v2;
	v11 =	vmul.f32 v62, v3  }
0x162: {  	v26 =	vld [tilespmem:s13+$0x6C70];
	v12 =	vmul.f32 v63, v4;
	v13 =	vmul.f32 v24, v5  }
0x163: {  	v33 =	vld [tilespmem:s13+$0x6CE0];
	v34 =	vmul.f32 v27, v0;
	v35 =	vmul.f32 v29, v2  }
0x164: {  	v36 =	vld [tilespmem:s13+$0x6CF0];
	v37 =	vmul.f32 v28, v1;
	v38 =	vmul.f32 v30, v3  }
0x165: {  	v39 =	vmul.f32 v31, v4;
	v40 =	vmul.f32 v32, v5  }
0x166: {  	v14 =	vmul.f32 v25, v6;
	v8 =	vadd.f32 v10, v8;
	v9 =	vadd.f32 v11, v9  }
0x167: {  	v15 =	vmul.f32 v26, v7;
	v10 =	vadd.f32 v35, v34;
	v11 =	vadd.f32 v38, v37  }
0x168: {  	v41 =	vmul.f32 v33, v6;
	v8 =	vadd.f32 v12, v8;
	v9 =	vadd.f32 v13, v9  }
0x169: {  	v42 =	vmul.f32 v36, v7;
	v10 =	vadd.f32 v39, v10;
	v11 =	vadd.f32 v40, v11  }
0x16a: {  	v8 =	vadd.f32 v14, v8;
	v9 =	vadd.f32 v15, v9  }
0x16b: {  	v10 =	vadd.f32 v41, v10;
	v11 =	vadd.f32 v42, v11;
	_ =	sdelay $0x1  }
0x16c: {  	v8 =	vadd.f32 v9, v8;
	v43 =	vadd.f32 v11, v10;
	_ =	sdelay $0x1  }
0x16d: {  	v8 =	vpack.i.f32.bf16 v43, v8  }
0x16e: {  	[tilespmem:s11+$0xFFFFFFA0] =	vst v8  }
0x16f: {  	v8 =	vld [tilespmem:s13+$0x6D00]  }
0x170: {  	v44 =	vld [tilespmem:s13+$0x6D10]  }
0x171: {  	v45 =	vld [tilespmem:s13+$0x6D20]  }
0x172: {  	v46 =	vld [tilespmem:s13+$0x6D30]  }
0x173: {  	v47 =	vld [tilespmem:s13+$0x6D40]  }
0x174: {  	v48 =	vld [tilespmem:s13+$0x6D50]  }
0x175: {  	v51 =	vld [tilespmem:s13+$0x6D80]  }
0x176: {  	v52 =	vld [tilespmem:s13+$0x6D90]  }
0x177: {  	v53 =	vld [tilespmem:s13+$0x6DA0]  }
0x178: {  	v54 =	vld [tilespmem:s13+$0x6DB0]  }
0x179: {  	v55 =	vld [tilespmem:s13+$0x6DC0]  }
0x17a: {  	v56 =	vld [tilespmem:s13+$0x6DD0];
	v8 =	vmul.f32 v8, v0;
	v9 =	vmul.f32 v44, v1  }
0x17b: {  	v49 =	vld [tilespmem:s13+$0x6D60];
	v10 =	vmul.f32 v45, v2;
	v11 =	vmul.f32 v46, v3  }
0x17c: {  	v50 =	vld [tilespmem:s13+$0x6D70];
	v12 =	vmul.f32 v47, v4;
	v13 =	vmul.f32 v48, v5  }
0x17d: {  	v57 =	vld [tilespmem:s13+$0x6DE0];
	v58 =	vmul.f32 v51, v0;
	v59 =	vmul.f32 v53, v2  }
0x17e: {  	v60 =	vld [tilespmem:s13+$0x6DF0];
	v61 =	vmul.f32 v52, v1;
	v62 =	vmul.f32 v54, v3  }
0x17f: {  	v63 =	vmul.f32 v55, v4;
	v19 =	vmul.f32 v56, v5  }
0x180: {  	v14 =	vmul.f32 v49, v6;
	v8 =	vadd.f32 v10, v8;
	v9 =	vadd.f32 v11, v9  }
0x181: {  	v15 =	vmul.f32 v50, v7;
	v10 =	vadd.f32 v59, v58;
	v11 =	vadd.f32 v62, v61  }
0x182: {  	v20 =	vmul.f32 v57, v6;
	v8 =	vadd.f32 v12, v8;
	v9 =	vadd.f32 v13, v9  }
0x183: {  	v21 =	vmul.f32 v60, v7;
	v10 =	vadd.f32 v63, v10;
	v11 =	vadd.f32 v19, v11  }
0x184: {  	v8 =	vadd.f32 v14, v8;
	v9 =	vadd.f32 v15, v9  }
0x185: {  	v10 =	vadd.f32 v20, v10;
	v11 =	vadd.f32 v21, v11;
	_ =	sdelay $0x1  }
0x186: {  	v8 =	vadd.f32 v9, v8;
	v22 =	vadd.f32 v11, v10;
	_ =	sdelay $0x1  }
0x187: {  	v8 =	vpack.i.f32.bf16 v22, v8  }
0x188: {  	[tilespmem:s11+$0xFFFFFFB0] =	vst v8  }
0x189: {  	v8 =	vld [tilespmem:s13+$0x6E00]  }
0x18a: {  	v23 =	vld [tilespmem:s13+$0x6E10]  }
0x18b: {  	v24 =	vld [tilespmem:s13+$0x6E20]  }
0x18c: {  	v25 =	vld [tilespmem:s13+$0x6E30]  }
0x18d: {  	v26 =	vld [tilespmem:s13+$0x6E40]  }
0x18e: {  	v27 =	vld [tilespmem:s13+$0x6E50]  }
0x18f: {  	v30 =	vld [tilespmem:s13+$0x6E80]  }
0x190: {  	v31 =	vld [tilespmem:s13+$0x6E90]  }
0x191: {  	v32 =	vld [tilespmem:s13+$0x6EA0]  }
0x192: {  	v33 =	vld [tilespmem:s13+$0x6EB0]  }
0x193: {  	v34 =	vld [tilespmem:s13+$0x6EC0]  }
0x194: {  	v35 =	vld [tilespmem:s13+$0x6ED0];
	v8 =	vmul.f32 v8, v0;
	v9 =	vmul.f32 v23, v1  }
0x195: {  	v28 =	vld [tilespmem:s13+$0x6E60];
	v10 =	vmul.f32 v24, v2;
	v11 =	vmul.f32 v25, v3  }
0x196: {  	v29 =	vld [tilespmem:s13+$0x6E70];
	v12 =	vmul.f32 v26, v4;
	v13 =	vmul.f32 v27, v5  }
0x197: {  	v36 =	vld [tilespmem:s13+$0x6EE0];
	v37 =	vmul.f32 v30, v0;
	v38 =	vmul.f32 v32, v2  }
0x198: {  	v39 =	vld [tilespmem:s13+$0x6EF0];
	v40 =	vmul.f32 v31, v1;
	v41 =	vmul.f32 v33, v3  }
0x199: {  	v42 =	vmul.f32 v34, v4;
	v43 =	vmul.f32 v35, v5  }
0x19a: {  	v14 =	vmul.f32 v28, v6;
	v8 =	vadd.f32 v10, v8;
	v9 =	vadd.f32 v11, v9  }
0x19b: {  	v15 =	vmul.f32 v29, v7;
	v10 =	vadd.f32 v38, v37;
	v11 =	vadd.f32 v41, v40  }
0x19c: {  	v44 =	vmul.f32 v36, v6;
	v8 =	vadd.f32 v12, v8;
	v9 =	vadd.f32 v13, v9  }
0x19d: {  	v45 =	vmul.f32 v39, v7;
	v10 =	vadd.f32 v42, v10;
	v11 =	vadd.f32 v43, v11  }
0x19e: {  	v8 =	vadd.f32 v14, v8;
	v9 =	vadd.f32 v15, v9  }
0x19f: {  	v10 =	vadd.f32 v44, v10;
	v11 =	vadd.f32 v45, v11;
	_ =	sdelay $0x1  }
0x1a0: {  	v8 =	vadd.f32 v9, v8;
	v46 =	vadd.f32 v11, v10;
	_ =	sdelay $0x1  }
0x1a1: {  	v8 =	vpack.i.f32.bf16 v46, v8  }
0x1a2: {  	[tilespmem:s11+$0xFFFFFFC0] =	vst v8  }
0x1a3: {  	v8 =	vld [tilespmem:s13+$0x6F00]  }
0x1a4: {  	v47 =	vld [tilespmem:s13+$0x6F10]  }
0x1a5: {  	v48 =	vld [tilespmem:s13+$0x6F20]  }
0x1a6: {  	v49 =	vld [tilespmem:s13+$0x6F30]  }
0x1a7: {  	v50 =	vld [tilespmem:s13+$0x6F40]  }
0x1a8: {  	v51 =	vld [tilespmem:s13+$0x6F50]  }
0x1a9: {  	v54 =	vld [tilespmem:s13+$0x6F80]  }
0x1aa: {  	v55 =	vld [tilespmem:s13+$0x6F90]  }
0x1ab: {  	v56 =	vld [tilespmem:s13+$0x6FA0]  }
0x1ac: {  	v57 =	vld [tilespmem:s13+$0x6FB0]  }
0x1ad: {  	v58 =	vld [tilespmem:s13+$0x6FC0]  }
0x1ae: {  	v59 =	vld [tilespmem:s13+$0x6FD0];
	v8 =	vmul.f32 v8, v0;
	v9 =	vmul.f32 v47, v1  }
0x1af: {  	v52 =	vld [tilespmem:s13+$0x6F60];
	v10 =	vmul.f32 v48, v2;
	v11 =	vmul.f32 v49, v3  }
0x1b0: {  	v53 =	vld [tilespmem:s13+$0x6F70];
	v12 =	vmul.f32 v50, v4;
	v13 =	vmul.f32 v51, v5  }
0x1b1: {  	v60 =	vld [tilespmem:s13+$0x6FE0];
	v61 =	vmul.f32 v54, v0;
	v62 =	vmul.f32 v56, v2  }
0x1b2: {  	v63 =	vld [tilespmem:s13+$0x6FF0];
	v23 =	vmul.f32 v55, v1;
	v24 =	vmul.f32 v57, v3  }
0x1b3: {  	v25 =	vmul.f32 v58, v4;
	v26 =	vmul.f32 v59, v5  }
0x1b4: {  	v14 =	vmul.f32 v52, v6;
	v8 =	vadd.f32 v10, v8;
	v9 =	vadd.f32 v11, v9  }
0x1b5: {  	v15 =	vmul.f32 v53, v7;
	v10 =	vadd.f32 v62, v61;
	v11 =	vadd.f32 v24, v23  }
0x1b6: {  	v27 =	vmul.f32 v60, v6;
	v8 =	vadd.f32 v12, v8;
	v9 =	vadd.f32 v13, v9  }
0x1b7: {  	v28 =	vmul.f32 v63, v7;
	v10 =	vadd.f32 v25, v10;
	v11 =	vadd.f32 v26, v11  }
0x1b8: {  	v8 =	vadd.f32 v14, v8;
	v9 =	vadd.f32 v15, v9  }
0x1b9: {  	v10 =	vadd.f32 v27, v10;
	v11 =	vadd.f32 v28, v11;
	_ =	sdelay $0x1  }
0x1ba: {  	v8 =	vadd.f32 v9, v8;
	v29 =	vadd.f32 v11, v10;
	_ =	sdelay $0x1  }
0x1bb: {  	v8 =	vpack.i.f32.bf16 v29, v8  }
0x1bc: {  	[tilespmem:s11+$0xFFFFFFD0] =	vst v8  }
0x1bd: {  	v8 =	vld [tilespmem:s13+$0x7000]  }
0x1be: {  	v30 =	vld [tilespmem:s13+$0x7010]  }
0x1bf: {  	v31 =	vld [tilespmem:s13+$0x7020]  }
0x1c0: {  	v32 =	vld [tilespmem:s13+$0x7030]  }
0x1c1: {  	v33 =	vld [tilespmem:s13+$0x7040]  }
0x1c2: {  	v34 =	vld [tilespmem:s13+$0x7050]  }
0x1c3: {  	v37 =	vld [tilespmem:s13+$0x7080]  }
0x1c4: {  	v38 =	vld [tilespmem:s13+$0x7090]  }
0x1c5: {  	v39 =	vld [tilespmem:s13+$0x70A0]  }
0x1c6: {  	v40 =	vld [tilespmem:s13+$0x70B0]  }
0x1c7: {  	v41 =	vld [tilespmem:s13+$0x70C0]  }
0x1c8: {  	v42 =	vld [tilespmem:s13+$0x70D0];
	v8 =	vmul.f32 v8, v0;
	v9 =	vmul.f32 v30, v1  }
0x1c9: {  	v35 =	vld [tilespmem:s13+$0x7060];
	v10 =	vmul.f32 v31, v2;
	v11 =	vmul.f32 v32, v3  }
0x1ca: {  	v36 =	vld [tilespmem:s13+$0x7070];
	v12 =	vmul.f32 v33, v4;
	v13 =	vmul.f32 v34, v5  }
0x1cb: {  	v43 =	vld [tilespmem:s13+$0x70E0];
	v44 =	vmul.f32 v37, v0;
	v45 =	vmul.f32 v39, v2  }
0x1cc: {  	v46 =	vld [tilespmem:s13+$0x70F0];
	v47 =	vmul.f32 v38, v1;
	v48 =	vmul.f32 v40, v3  }
0x1cd: {  	v49 =	vmul.f32 v41, v4;
	v50 =	vmul.f32 v42, v5  }
0x1ce: {  	v14 =	vmul.f32 v35, v6;
	v8 =	vadd.f32 v10, v8;
	v9 =	vadd.f32 v11, v9  }
0x1cf: {  	v15 =	vmul.f32 v36, v7;
	v10 =	vadd.f32 v45, v44;
	v11 =	vadd.f32 v48, v47  }
0x1d0: {  	v51 =	vmul.f32 v43, v6;
	v8 =	vadd.f32 v12, v8;
	v9 =	vadd.f32 v13, v9  }
0x1d1: {  	v52 =	vmul.f32 v46, v7;
	v10 =	vadd.f32 v49, v10;
	v11 =	vadd.f32 v50, v11  }
0x1d2: {  	v8 =	vadd.f32 v14, v8;
	v9 =	vadd.f32 v15, v9  }
0x1d3: {  	v10 =	vadd.f32 v51, v10;
	v11 =	vadd.f32 v52, v11;
	_ =	sdelay $0x1  }
0x1d4: {  	v8 =	vadd.f32 v9, v8;
	v53 =	vadd.f32 v11, v10;
	_ =	sdelay $0x1  }
0x1d5: {  	v8 =	vpack.i.f32.bf16 v53, v8  }
0x1d6: {  	[tilespmem:s11+$0xFFFFFFE0] =	vst v8  }
0x1d7: {  	v8 =	vld [tilespmem:s13+$0x7100]  }
0x1d8: {  	v54 =	vld [tilespmem:s13+$0x7110]  }
0x1d9: {  	v55 =	vld [tilespmem:s13+$0x7120]  }
0x1da: {  	v56 =	vld [tilespmem:s13+$0x7130]  }
0x1db: {  	v57 =	vld [tilespmem:s13+$0x7140]  }
0x1dc: {  	v58 =	vld [tilespmem:s13+$0x7150]  }
0x1dd: {  	v61 =	vld [tilespmem:s13+$0x7180]  }
0x1de: {  	v62 =	vld [tilespmem:s13+$0x7190]  }
0x1df: {  	v63 =	vld [tilespmem:s13+$0x71A0]  }
0x1e0: {  	v24 =	vld [tilespmem:s13+$0x71B0]  }
0x1e1: {  	v25 =	vld [tilespmem:s13+$0x71C0]  }
0x1e2: {  	v26 =	vld [tilespmem:s13+$0x71D0];
	v8 =	vmul.f32 v8, v0;
	v9 =	vmul.f32 v54, v1  }
0x1e3: {  	v59 =	vld [tilespmem:s13+$0x7160];
	v10 =	vmul.f32 v55, v2;
	v11 =	vmul.f32 v56, v3  }
0x1e4: {  	v60 =	vld [tilespmem:s13+$0x7170];
	v12 =	vmul.f32 v57, v4;
	v13 =	vmul.f32 v58, v5  }
0x1e5: {  	v27 =	vld [tilespmem:s13+$0x71E0];
	v28 =	vmul.f32 v61, v0;
	v29 =	vmul.f32 v63, v2  }
0x1e6: {  	v30 =	vld [tilespmem:s13+$0x71F0];
	v31 =	vmul.f32 v62, v1;
	v32 =	vmul.f32 v24, v3  }
0x1e7: {  	v33 =	vmul.f32 v25, v4;
	v34 =	vmul.f32 v26, v5  }
0x1e8: {  	v14 =	vmul.f32 v59, v6;
	v8 =	vadd.f32 v10, v8;
	v9 =	vadd.f32 v11, v9  }
0x1e9: {  	v15 =	vmul.f32 v60, v7;
	v10 =	vadd.f32 v29, v28;
	v11 =	vadd.f32 v32, v31  }
0x1ea: {  	v35 =	vmul.f32 v27, v6;
	v8 =	vadd.f32 v12, v8;
	v9 =	vadd.f32 v13, v9  }
0x1eb: {  	v36 =	vmul.f32 v30, v7;
	v10 =	vadd.f32 v33, v10;
	v11 =	vadd.f32 v34, v11  }
0x1ec: {  	v8 =	vadd.f32 v14, v8;
	v9 =	vadd.f32 v15, v9  }
0x1ed: {  	v10 =	vadd.f32 v35, v10;
	v11 =	vadd.f32 v36, v11;
	_ =	sdelay $0x1  }
0x1ee: {  	v8 =	vadd.f32 v9, v8;
	v37 =	vadd.f32 v11, v10;
	_ =	sdelay $0x1  }
0x1ef: {  	v8 =	vpack.i.f32.bf16 v37, v8  }
0x1f0: {  	[tilespmem:s11+$0xFFFFFFF0] =	vst v8  }
0x1f1: {  	v8 =	vld [tilespmem:s13+$0x7200]  }
0x1f2: {  	v38 =	vld [tilespmem:s13+$0x7210]  }
0x1f3: {  	v39 =	vld [tilespmem:s13+$0x7220]  }
0x1f4: {  	v40 =	vld [tilespmem:s13+$0x7230]  }
0x1f5: {  	v41 =	vld [tilespmem:s13+$0x7240]  }
0x1f6: {  	v42 =	vld [tilespmem:s13+$0x7250]  }
0x1f7: {  	v45 =	vld [tilespmem:s13+$0x7280]  }
0x1f8: {  	v46 =	vld [tilespmem:s13+$0x7290]  }
0x1f9: {  	v47 =	vld [tilespmem:s13+$0x72A0]  }
0x1fa: {  	v48 =	vld [tilespmem:s13+$0x72B0]  }
0x1fb: {  	v49 =	vld [tilespmem:s13+$0x72C0]  }
0x1fc: {  	v50 =	vld [tilespmem:s13+$0x72D0];
	v8 =	vmul.f32 v8, v0;
	v9 =	vmul.f32 v38, v1  }
0x1fd: {  	v43 =	vld [tilespmem:s13+$0x7260];
	v10 =	vmul.f32 v39, v2;
	v11 =	vmul.f32 v40, v3  }
0x1fe: {  	v44 =	vld [tilespmem:s13+$0x7270];
	v12 =	vmul.f32 v41, v4;
	v13 =	vmul.f32 v42, v5  }
0x1ff: {  	v51 =	vld [tilespmem:s13+$0x72E0];
	v52 =	vmul.f32 v45, v0;
	v53 =	vmul.f32 v47, v2  }
0x200: {  	v54 =	vld [tilespmem:s13+$0x72F0];
	v55 =	vmul.f32 v46, v1;
	v56 =	vmul.f32 v48, v3  }
0x201: {  	v57 =	vmul.f32 v49, v4;
	v58 =	vmul.f32 v50, v5  }
0x202: {  	v59 =	vmul.f32 v43, v6;
	v8 =	vadd.f32 v10, v8;
	v9 =	vadd.f32 v11, v9  }
0x203: {  	v60 =	vmul.f32 v44, v7;
	v10 =	vadd.f32 v53, v52;
	v11 =	vadd.f32 v56, v55  }
0x204: {  	v61 =	vmul.f32 v51, v6;
	v8 =	vadd.f32 v12, v8;
	v9 =	vadd.f32 v13, v9  }
0x205: {  	v62 =	vmul.f32 v54, v7;
	v10 =	vadd.f32 v57, v10;
	v11 =	vadd.f32 v58, v11  }
0x206: {  	v8 =	vadd.f32 v59, v8;
	v9 =	vadd.f32 v60, v9  }
0x207: {  	p1 =	sne.s32 s10, $0x18000;
	v10 =	vadd.f32 v61, v10;
	v11 =	vadd.f32 v62, v11  }
.Ltmp5:
0x208: {  	_ = 	snop;
	(pc) =	sbr.rel @p1 .LBB2_11-.Ltmp5, $3  }
0x209: {  	v8 =	vadd.f32 v9, v8;
	v63 =	vadd.f32 v11, v10;
	_ =	sdelay $0x1  }
0x20a: {  	v8 =	vpack.i.f32.bf16 v63, v8  }
0x20b: {  	s10 =	sadd.s32 $0x2000, s10;
	[tilespmem:s11+$0x0] =	vst v8;
	s11 =	sadd.s32 $0x400, s11  }
0x20c: {  	p1 =	sne.s32 s21, $0x7  }
0x20d: {  	s8 =	sadd.s32 @!p1 s14, s12  }
.Ltmp6:
0x20e: {  	s8 =	sshrl.u32 @!p1 s8, $0x3;
	(pc) =	sbr.rel .LBB2_16-.Ltmp6, $3  }
0x20f: {  	s8 =	smul.u32 @!p1 $0x680, s8;
	_ =	sdelay $0x1  }
0x210: {  	s10 =	simm.s32 @!p1 $0x0;
	s11 =	simm.s32 @!p1 $0xD300;
	s8 =	sadd.s32 @!p1 s6, s8  }
0x211: {  	[hbm4b:s8+s10] =	stream.linear.scatter @!p1 [tilespmem:s11], [sflag:$0x3], $0x3400, $0x38;
	[tilespmem:$0x13B00] =	vst v63  }
.LBB2_13:
0x212: {  	s11 =	sadd.s32 $0x107F0, s11  }
.LBB2_14:
0x213: {  	s13 =	sshra.s32 s10, $0x2  }
0x214: {  	v8 =	vld [tilespmem:s13+$0x6B00]  }
0x215: {  	v9 =	vld [tilespmem:s13+$0x6B10]  }
0x216: {  	v10 =	vld [tilespmem:s13+$0x6B20]  }
0x217: {  	v11 =	vld [tilespmem:s13+$0x6B30]  }
0x218: {  	v12 =	vld [tilespmem:s13+$0x6B40]  }
0x219: {  	v13 =	vld [tilespmem:s13+$0x6B50]  }
0x21a: {  	v16 =	vld [tilespmem:s13+$0x6B80]  }
0x21b: {  	v17 =	vld [tilespmem:s13+$0x6B90]  }
0x21c: {  	v18 =	vld [tilespmem:s13+$0x6BA0]  }
0x21d: {  	v19 =	vld [tilespmem:s13+$0x6BB0]  }
0x21e: {  	v20 =	vld [tilespmem:s13+$0x6BC0]  }
0x21f: {  	v21 =	vld [tilespmem:s13+$0x6BD0];
	v8 =	vmul.f32 v8, v0;
	v9 =	vmul.f32 v9, v1  }
0x220: {  	v14 =	vld [tilespmem:s13+$0x6B60];
	v10 =	vmul.f32 v10, v2;
	v11 =	vmul.f32 v11, v3  }
0x221: {  	v15 =	vld [tilespmem:s13+$0x6B70];
	v12 =	vmul.f32 v12, v4;
	v13 =	vmul.f32 v13, v5  }
0x222: {  	v22 =	vld [tilespmem:s13+$0x6BE0];
	v50 =	vmul.f32 v16, v0;
	v51 =	vmul.f32 v18, v2  }
0x223: {  	v52 =	vld [tilespmem:s13+$0x6BF0];
	v53 =	vmul.f32 v17, v1;
	v54 =	vmul.f32 v19, v3  }
0x224: {  	v55 =	vmul.f32 v20, v4;
	v56 =	vmul.f32 v21, v5  }
0x225: {  	v14 =	vmul.f32 v14, v6;
	v8 =	vadd.f32 v10, v8;
	v9 =	vadd.f32 v11, v9  }
0x226: {  	v15 =	vmul.f32 v15, v7;
	v10 =	vadd.f32 v51, v50;
	v11 =	vadd.f32 v54, v53  }
0x227: {  	v57 =	vmul.f32 v22, v6;
	v8 =	vadd.f32 v12, v8;
	v9 =	vadd.f32 v13, v9  }
0x228: {  	v58 =	vmul.f32 v52, v7;
	v10 =	vadd.f32 v55, v10;
	v11 =	vadd.f32 v56, v11  }
0x229: {  	v8 =	vadd.f32 v14, v8;
	v9 =	vadd.f32 v15, v9  }
0x22a: {  	v10 =	vadd.f32 v57, v10;
	v11 =	vadd.f32 v58, v11;
	_ =	sdelay $0x1  }
0x22b: {  	v8 =	vadd.f32 v9, v8;
	v59 =	vadd.f32 v11, v10;
	_ =	sdelay $0x1  }
0x22c: {  	v8 =	vpack.i.f32.bf16 v59, v8  }
0x22d: {  	[tilespmem:s11+$0xFFFFFF90] =	vst v8  }
0x22e: {  	v8 =	vld [tilespmem:s13+$0x6C00]  }
0x22f: {  	v60 =	vld [tilespmem:s13+$0x6C10]  }
0x230: {  	v61 =	vld [tilespmem:s13+$0x6C20]  }
0x231: {  	v62 =	vld [tilespmem:s13+$0x6C30]  }
0x232: {  	v63 =	vld [tilespmem:s13+$0x6C40]  }
0x233: {  	v24 =	vld [tilespmem:s13+$0x6C50]  }
0x234: {  	v27 =	vld [tilespmem:s13+$0x6C80]  }
0x235: {  	v28 =	vld [tilespmem:s13+$0x6C90]  }
0x236: {  	v29 =	vld [tilespmem:s13+$0x6CA0]  }
0x237: {  	v30 =	vld [tilespmem:s13+$0x6CB0]  }
0x238: {  	v31 =	vld [tilespmem:s13+$0x6CC0]  }
0x239: {  	v32 =	vld [tilespmem:s13+$0x6CD0];
	v8 =	vmul.f32 v8, v0;
	v9 =	vmul.f32 v60, v1  }
0x23a: {  	v25 =	vld [tilespmem:s13+$0x6C60];
	v10 =	vmul.f32 v61, v2;
	v11 =	vmul.f32 v62, v3  }
0x23b: {  	v26 =	vld [tilespmem:s13+$0x6C70];
	v12 =	vmul.f32 v63, v4;
	v13 =	vmul.f32 v24, v5  }
0x23c: {  	v33 =	vld [tilespmem:s13+$0x6CE0];
	v34 =	vmul.f32 v27, v0;
	v35 =	vmul.f32 v29, v2  }
0x23d: {  	v36 =	vld [tilespmem:s13+$0x6CF0];
	v37 =	vmul.f32 v28, v1;
	v38 =	vmul.f32 v30, v3  }
0x23e: {  	v39 =	vmul.f32 v31, v4;
	v40 =	vmul.f32 v32, v5  }
0x23f: {  	v14 =	vmul.f32 v25, v6;
	v8 =	vadd.f32 v10, v8;
	v9 =	vadd.f32 v11, v9  }
0x240: {  	v15 =	vmul.f32 v26, v7;
	v10 =	vadd.f32 v35, v34;
	v11 =	vadd.f32 v38, v37  }
0x241: {  	v41 =	vmul.f32 v33, v6;
	v8 =	vadd.f32 v12, v8;
	v9 =	vadd.f32 v13, v9  }
0x242: {  	v42 =	vmul.f32 v36, v7;
	v10 =	vadd.f32 v39, v10;
	v11 =	vadd.f32 v40, v11  }
0x243: {  	v8 =	vadd.f32 v14, v8;
	v9 =	vadd.f32 v15, v9  }
0x244: {  	v10 =	vadd.f32 v41, v10;
	v11 =	vadd.f32 v42, v11;
	_ =	sdelay $0x1  }
0x245: {  	v8 =	vadd.f32 v9, v8;
	v43 =	vadd.f32 v11, v10;
	_ =	sdelay $0x1  }
0x246: {  	v8 =	vpack.i.f32.bf16 v43, v8  }
0x247: {  	[tilespmem:s11+$0xFFFFFFA0] =	vst v8  }
0x248: {  	v8 =	vld [tilespmem:s13+$0x6D00]  }
0x249: {  	v44 =	vld [tilespmem:s13+$0x6D10]  }
0x24a: {  	v45 =	vld [tilespmem:s13+$0x6D20]  }
0x24b: {  	v46 =	vld [tilespmem:s13+$0x6D30]  }
0x24c: {  	v47 =	vld [tilespmem:s13+$0x6D40]  }
0x24d: {  	v48 =	vld [tilespmem:s13+$0x6D50]  }
0x24e: {  	v51 =	vld [tilespmem:s13+$0x6D80]  }
0x24f: {  	v52 =	vld [tilespmem:s13+$0x6D90]  }
0x250: {  	v53 =	vld [tilespmem:s13+$0x6DA0]  }
0x251: {  	v54 =	vld [tilespmem:s13+$0x6DB0]  }
0x252: {  	v55 =	vld [tilespmem:s13+$0x6DC0]  }
0x253: {  	v56 =	vld [tilespmem:s13+$0x6DD0];
	v8 =	vmul.f32 v8, v0;
	v9 =	vmul.f32 v44, v1  }
0x254: {  	v49 =	vld [tilespmem:s13+$0x6D60];
	v10 =	vmul.f32 v45, v2;
	v11 =	vmul.f32 v46, v3  }
0x255: {  	v50 =	vld [tilespmem:s13+$0x6D70];
	v12 =	vmul.f32 v47, v4;
	v13 =	vmul.f32 v48, v5  }
0x256: {  	v57 =	vld [tilespmem:s13+$0x6DE0];
	v58 =	vmul.f32 v51, v0;
	v59 =	vmul.f32 v53, v2  }
0x257: {  	v60 =	vld [tilespmem:s13+$0x6DF0];
	v61 =	vmul.f32 v52, v1;
	v62 =	vmul.f32 v54, v3  }
0x258: {  	v63 =	vmul.f32 v55, v4;
	v19 =	vmul.f32 v56, v5  }
0x259: {  	v14 =	vmul.f32 v49, v6;
	v8 =	vadd.f32 v10, v8;
	v9 =	vadd.f32 v11, v9  }
0x25a: {  	v15 =	vmul.f32 v50, v7;
	v10 =	vadd.f32 v59, v58;
	v11 =	vadd.f32 v62, v61  }
0x25b: {  	v20 =	vmul.f32 v57, v6;
	v8 =	vadd.f32 v12, v8;
	v9 =	vadd.f32 v13, v9  }
0x25c: {  	v21 =	vmul.f32 v60, v7;
	v10 =	vadd.f32 v63, v10;
	v11 =	vadd.f32 v19, v11  }
0x25d: {  	v8 =	vadd.f32 v14, v8;
	v9 =	vadd.f32 v15, v9  }
0x25e: {  	v10 =	vadd.f32 v20, v10;
	v11 =	vadd.f32 v21, v11;
	_ =	sdelay $0x1  }
0x25f: {  	v8 =	vadd.f32 v9, v8;
	v22 =	vadd.f32 v11, v10;
	_ =	sdelay $0x1  }
0x260: {  	v8 =	vpack.i.f32.bf16 v22, v8  }
0x261: {  	[tilespmem:s11+$0xFFFFFFB0] =	vst v8  }
0x262: {  	v8 =	vld [tilespmem:s13+$0x6E00]  }
0x263: {  	v23 =	vld [tilespmem:s13+$0x6E10]  }
0x264: {  	v24 =	vld [tilespmem:s13+$0x6E20]  }
0x265: {  	v25 =	vld [tilespmem:s13+$0x6E30]  }
0x266: {  	v26 =	vld [tilespmem:s13+$0x6E40]  }
0x267: {  	v27 =	vld [tilespmem:s13+$0x6E50]  }
0x268: {  	v30 =	vld [tilespmem:s13+$0x6E80]  }
0x269: {  	v31 =	vld [tilespmem:s13+$0x6E90]  }
0x26a: {  	v32 =	vld [tilespmem:s13+$0x6EA0]  }
0x26b: {  	v33 =	vld [tilespmem:s13+$0x6EB0]  }
0x26c: {  	v34 =	vld [tilespmem:s13+$0x6EC0]  }
0x26d: {  	v35 =	vld [tilespmem:s13+$0x6ED0];
	v8 =	vmul.f32 v8, v0;
	v9 =	vmul.f32 v23, v1  }
0x26e: {  	v28 =	vld [tilespmem:s13+$0x6E60];
	v10 =	vmul.f32 v24, v2;
	v11 =	vmul.f32 v25, v3  }
0x26f: {  	v29 =	vld [tilespmem:s13+$0x6E70];
	v12 =	vmul.f32 v26, v4;
	v13 =	vmul.f32 v27, v5  }
0x270: {  	v36 =	vld [tilespmem:s13+$0x6EE0];
	v37 =	vmul.f32 v30, v0;
	v38 =	vmul.f32 v32, v2  }
0x271: {  	v39 =	vld [tilespmem:s13+$0x6EF0];
	v40 =	vmul.f32 v31, v1;
	v41 =	vmul.f32 v33, v3  }
0x272: {  	v42 =	vmul.f32 v34, v4;
	v43 =	vmul.f32 v35, v5  }
0x273: {  	v14 =	vmul.f32 v28, v6;
	v8 =	vadd.f32 v10, v8;
	v9 =	vadd.f32 v11, v9  }
0x274: {  	v15 =	vmul.f32 v29, v7;
	v10 =	vadd.f32 v38, v37;
	v11 =	vadd.f32 v41, v40  }
0x275: {  	v44 =	vmul.f32 v36, v6;
	v8 =	vadd.f32 v12, v8;
	v9 =	vadd.f32 v13, v9  }
0x276: {  	v45 =	vmul.f32 v39, v7;
	v10 =	vadd.f32 v42, v10;
	v11 =	vadd.f32 v43, v11  }
0x277: {  	v8 =	vadd.f32 v14, v8;
	v9 =	vadd.f32 v15, v9  }
0x278: {  	v10 =	vadd.f32 v44, v10;
	v11 =	vadd.f32 v45, v11;
	_ =	sdelay $0x1  }
0x279: {  	v8 =	vadd.f32 v9, v8;
	v46 =	vadd.f32 v11, v10;
	_ =	sdelay $0x1  }
0x27a: {  	v8 =	vpack.i.f32.bf16 v46, v8  }
0x27b: {  	[tilespmem:s11+$0xFFFFFFC0] =	vst v8  }
0x27c: {  	v8 =	vld [tilespmem:s13+$0x6F00]  }
0x27d: {  	v47 =	vld [tilespmem:s13+$0x6F10]  }
0x27e: {  	v48 =	vld [tilespmem:s13+$0x6F20]  }
0x27f: {  	v49 =	vld [tilespmem:s13+$0x6F30]  }
0x280: {  	v50 =	vld [tilespmem:s13+$0x6F40]  }
0x281: {  	v51 =	vld [tilespmem:s13+$0x6F50]  }
0x282: {  	v54 =	vld [tilespmem:s13+$0x6F80]  }
0x283: {  	v55 =	vld [tilespmem:s13+$0x6F90]  }
0x284: {  	v56 =	vld [tilespmem:s13+$0x6FA0]  }
0x285: {  	v57 =	vld [tilespmem:s13+$0x6FB0]  }
0x286: {  	v58 =	vld [tilespmem:s13+$0x6FC0]  }
0x287: {  	v59 =	vld [tilespmem:s13+$0x6FD0];
	v8 =	vmul.f32 v8, v0;
	v9 =	vmul.f32 v47, v1  }
0x288: {  	v52 =	vld [tilespmem:s13+$0x6F60];
	v10 =	vmul.f32 v48, v2;
	v11 =	vmul.f32 v49, v3  }
0x289: {  	v53 =	vld [tilespmem:s13+$0x6F70];
	v12 =	vmul.f32 v50, v4;
	v13 =	vmul.f32 v51, v5  }
0x28a: {  	v60 =	vld [tilespmem:s13+$0x6FE0];
	v61 =	vmul.f32 v54, v0;
	v62 =	vmul.f32 v56, v2  }
0x28b: {  	v63 =	vld [tilespmem:s13+$0x6FF0];
	v23 =	vmul.f32 v55, v1;
	v24 =	vmul.f32 v57, v3  }
0x28c: {  	v25 =	vmul.f32 v58, v4;
	v26 =	vmul.f32 v59, v5  }
0x28d: {  	v14 =	vmul.f32 v52, v6;
	v8 =	vadd.f32 v10, v8;
	v9 =	vadd.f32 v11, v9  }
0x28e: {  	v15 =	vmul.f32 v53, v7;
	v10 =	vadd.f32 v62, v61;
	v11 =	vadd.f32 v24, v23  }
0x28f: {  	v27 =	vmul.f32 v60, v6;
	v8 =	vadd.f32 v12, v8;
	v9 =	vadd.f32 v13, v9  }
0x290: {  	v28 =	vmul.f32 v63, v7;
	v10 =	vadd.f32 v25, v10;
	v11 =	vadd.f32 v26, v11  }
0x291: {  	v8 =	vadd.f32 v14, v8;
	v9 =	vadd.f32 v15, v9  }
0x292: {  	v10 =	vadd.f32 v27, v10;
	v11 =	vadd.f32 v28, v11;
	_ =	sdelay $0x1  }
0x293: {  	v8 =	vadd.f32 v9, v8;
	v29 =	vadd.f32 v11, v10;
	_ =	sdelay $0x1  }
0x294: {  	v8 =	vpack.i.f32.bf16 v29, v8  }
0x295: {  	[tilespmem:s11+$0xFFFFFFD0] =	vst v8  }
0x296: {  	v8 =	vld [tilespmem:s13+$0x7000]  }
0x297: {  	v30 =	vld [tilespmem:s13+$0x7010]  }
0x298: {  	v31 =	vld [tilespmem:s13+$0x7020]  }
0x299: {  	v32 =	vld [tilespmem:s13+$0x7030]  }
0x29a: {  	v33 =	vld [tilespmem:s13+$0x7040]  }
0x29b: {  	v34 =	vld [tilespmem:s13+$0x7050]  }
0x29c: {  	v37 =	vld [tilespmem:s13+$0x7080]  }
0x29d: {  	v38 =	vld [tilespmem:s13+$0x7090]  }
0x29e: {  	v39 =	vld [tilespmem:s13+$0x70A0]  }
0x29f: {  	v40 =	vld [tilespmem:s13+$0x70B0]  }
0x2a0: {  	v41 =	vld [tilespmem:s13+$0x70C0]  }
0x2a1: {  	v42 =	vld [tilespmem:s13+$0x70D0];
	v8 =	vmul.f32 v8, v0;
	v9 =	vmul.f32 v30, v1  }
0x2a2: {  	v35 =	vld [tilespmem:s13+$0x7060];
	v10 =	vmul.f32 v31, v2;
	v11 =	vmul.f32 v32, v3  }
0x2a3: {  	v36 =	vld [tilespmem:s13+$0x7070];
	v12 =	vmul.f32 v33, v4;
	v13 =	vmul.f32 v34, v5  }
0x2a4: {  	v43 =	vld [tilespmem:s13+$0x70E0];
	v44 =	vmul.f32 v37, v0;
	v45 =	vmul.f32 v39, v2  }
0x2a5: {  	v46 =	vld [tilespmem:s13+$0x70F0];
	v47 =	vmul.f32 v38, v1;
	v48 =	vmul.f32 v40, v3  }
0x2a6: {  	v49 =	vmul.f32 v41, v4;
	v50 =	vmul.f32 v42, v5  }
0x2a7: {  	v14 =	vmul.f32 v35, v6;
	v8 =	vadd.f32 v10, v8;
	v9 =	vadd.f32 v11, v9  }
0x2a8: {  	v15 =	vmul.f32 v36, v7;
	v10 =	vadd.f32 v45, v44;
	v11 =	vadd.f32 v48, v47  }
0x2a9: {  	v51 =	vmul.f32 v43, v6;
	v8 =	vadd.f32 v12, v8;
	v9 =	vadd.f32 v13, v9  }
0x2aa: {  	v52 =	vmul.f32 v46, v7;
	v10 =	vadd.f32 v49, v10;
	v11 =	vadd.f32 v50, v11  }
0x2ab: {  	v8 =	vadd.f32 v14, v8;
	v9 =	vadd.f32 v15, v9  }
0x2ac: {  	v10 =	vadd.f32 v51, v10;
	v11 =	vadd.f32 v52, v11;
	_ =	sdelay $0x1  }
0x2ad: {  	v8 =	vadd.f32 v9, v8;
	v53 =	vadd.f32 v11, v10;
	_ =	sdelay $0x1  }
0x2ae: {  	v8 =	vpack.i.f32.bf16 v53, v8  }
0x2af: {  	[tilespmem:s11+$0xFFFFFFE0] =	vst v8  }
0x2b0: {  	v8 =	vld [tilespmem:s13+$0x7100]  }
0x2b1: {  	v54 =	vld [tilespmem:s13+$0x7110]  }
0x2b2: {  	v55 =	vld [tilespmem:s13+$0x7120]  }
0x2b3: {  	v56 =	vld [tilespmem:s13+$0x7130]  }
0x2b4: {  	v57 =	vld [tilespmem:s13+$0x7140]  }
0x2b5: {  	v58 =	vld [tilespmem:s13+$0x7150]  }
0x2b6: {  	v61 =	vld [tilespmem:s13+$0x7180]  }
0x2b7: {  	v62 =	vld [tilespmem:s13+$0x7190]  }
0x2b8: {  	v63 =	vld [tilespmem:s13+$0x71A0]  }
0x2b9: {  	v24 =	vld [tilespmem:s13+$0x71B0]  }
0x2ba: {  	v25 =	vld [tilespmem:s13+$0x71C0]  }
0x2bb: {  	v26 =	vld [tilespmem:s13+$0x71D0];
	v8 =	vmul.f32 v8, v0;
	v9 =	vmul.f32 v54, v1  }
0x2bc: {  	v59 =	vld [tilespmem:s13+$0x7160];
	v10 =	vmul.f32 v55, v2;
	v11 =	vmul.f32 v56, v3  }
0x2bd: {  	v60 =	vld [tilespmem:s13+$0x7170];
	v12 =	vmul.f32 v57, v4;
	v13 =	vmul.f32 v58, v5  }
0x2be: {  	v27 =	vld [tilespmem:s13+$0x71E0];
	v28 =	vmul.f32 v61, v0;
	v29 =	vmul.f32 v63, v2  }
0x2bf: {  	v30 =	vld [tilespmem:s13+$0x71F0];
	v31 =	vmul.f32 v62, v1;
	v32 =	vmul.f32 v24, v3  }
0x2c0: {  	v33 =	vmul.f32 v25, v4;
	v34 =	vmul.f32 v26, v5  }
0x2c1: {  	v14 =	vmul.f32 v59, v6;
	v8 =	vadd.f32 v10, v8;
	v9 =	vadd.f32 v11, v9  }
0x2c2: {  	v15 =	vmul.f32 v60, v7;
	v10 =	vadd.f32 v29, v28;
	v11 =	vadd.f32 v32, v31  }
0x2c3: {  	v35 =	vmul.f32 v27, v6;
	v8 =	vadd.f32 v12, v8;
	v9 =	vadd.f32 v13, v9  }
0x2c4: {  	v36 =	vmul.f32 v30, v7;
	v10 =	vadd.f32 v33, v10;
	v11 =	vadd.f32 v34, v11  }
0x2c5: {  	v8 =	vadd.f32 v14, v8;
	v9 =	vadd.f32 v15, v9  }
0x2c6: {  	v10 =	vadd.f32 v35, v10;
	v11 =	vadd.f32 v36, v11;
	_ =	sdelay $0x1  }
0x2c7: {  	v8 =	vadd.f32 v9, v8;
	v37 =	vadd.f32 v11, v10;
	_ =	sdelay $0x1  }
0x2c8: {  	v8 =	vpack.i.f32.bf16 v37, v8  }
0x2c9: {  	[tilespmem:s11+$0xFFFFFFF0] =	vst v8  }
0x2ca: {  	v8 =	vld [tilespmem:s13+$0x7200]  }
0x2cb: {  	v38 =	vld [tilespmem:s13+$0x7210]  }
0x2cc: {  	v39 =	vld [tilespmem:s13+$0x7220]  }
0x2cd: {  	v40 =	vld [tilespmem:s13+$0x7230]  }
0x2ce: {  	v41 =	vld [tilespmem:s13+$0x7240]  }
0x2cf: {  	v42 =	vld [tilespmem:s13+$0x7250]  }
0x2d0: {  	v45 =	vld [tilespmem:s13+$0x7280]  }
0x2d1: {  	v46 =	vld [tilespmem:s13+$0x7290]  }
0x2d2: {  	v47 =	vld [tilespmem:s13+$0x72A0]  }
0x2d3: {  	v48 =	vld [tilespmem:s13+$0x72B0]  }
0x2d4: {  	v49 =	vld [tilespmem:s13+$0x72C0]  }
0x2d5: {  	v50 =	vld [tilespmem:s13+$0x72D0];
	v8 =	vmul.f32 v8, v0;
	v9 =	vmul.f32 v38, v1  }
0x2d6: {  	v43 =	vld [tilespmem:s13+$0x7260];
	v10 =	vmul.f32 v39, v2;
	v11 =	vmul.f32 v40, v3  }
0x2d7: {  	v44 =	vld [tilespmem:s13+$0x7270];
	v12 =	vmul.f32 v41, v4;
	v13 =	vmul.f32 v42, v5  }
0x2d8: {  	v51 =	vld [tilespmem:s13+$0x72E0];
	v52 =	vmul.f32 v45, v0;
	v53 =	vmul.f32 v47, v2  }
0x2d9: {  	v54 =	vld [tilespmem:s13+$0x72F0];
	v55 =	vmul.f32 v46, v1;
	v56 =	vmul.f32 v48, v3  }
0x2da: {  	v57 =	vmul.f32 v49, v4;
	v58 =	vmul.f32 v50, v5  }
0x2db: {  	v59 =	vmul.f32 v43, v6;
	v8 =	vadd.f32 v10, v8;
	v9 =	vadd.f32 v11, v9  }
0x2dc: {  	v60 =	vmul.f32 v44, v7;
	v10 =	vadd.f32 v53, v52;
	v11 =	vadd.f32 v56, v55  }
0x2dd: {  	v61 =	vmul.f32 v51, v6;
	v8 =	vadd.f32 v12, v8;
	v9 =	vadd.f32 v13, v9  }
0x2de: {  	v62 =	vmul.f32 v54, v7;
	v10 =	vadd.f32 v57, v10;
	v11 =	vadd.f32 v58, v11  }
0x2df: {  	v8 =	vadd.f32 v59, v8;
	v9 =	vadd.f32 v60, v9  }
0x2e0: {  	p1 =	sne.s32 s10, $0x18000;
	v10 =	vadd.f32 v61, v10;
	v11 =	vadd.f32 v62, v11  }
.Ltmp7:
0x2e1: {  	_ = 	snop;
	(pc) =	sbr.rel @p1 .LBB2_14-.Ltmp7, $3  }
0x2e2: {  	v8 =	vadd.f32 v9, v8;
	v63 =	vadd.f32 v11, v10;
	_ =	sdelay $0x1  }
0x2e3: {  	v8 =	vpack.i.f32.bf16 v63, v8  }
0x2e4: {  	s10 =	sadd.s32 $0x2000, s10;
	[tilespmem:s11+$0x0] =	vst v8;
	s11 =	sadd.s32 $0x400, s11  }
0x2e5: {  	p1 =	sne.s32 s21, $0x7  }
0x2e6: {  	s8 =	sadd.s32 @!p1 s14, s12  }
0x2e7: {  	s8 =	sshrl.u32 @!p1 s8, $0x3  }
0x2e8: {  	s8 =	smul.u32 @!p1 $0x680, s8;
	_ =	sdelay $0x1  }
0x2e9: {  	s10 =	simm.s32 @!p1 $0x0;
	s11 =	simm.s32 @!p1 $0x10700;
	s8 =	sadd.s32 @!p1 s6, s8  }
0x2ea: {  	[hbm4b:s8+s10] =	stream.linear.scatter @!p1 [tilespmem:s11], [sflag:$0x4], $0x3400, $0x38;
	[tilespmem:$0x13B00] =	vst v63  }
.LBB2_16:
.Ltmp8:
0x2eb: {  	(pc) =	sbr.rel @p0 .LBB2_18-.Ltmp8, $1  }
0x2ec: {  	_ =	sdelay $0x3  }
0x2ed: {  	s8 =	sadd.s32 $0x3, s20  }
0x2ee: {  	s10 =	sadd.s32 s7, s8  }
0x2ef: {  	s19 =	sadd.s32 $0x1, s19;
	s8 =	sshll.u32 s8, $0x4;
	s11 =	sshll.u32 s10, $0x5  }
.Ltmp9:
0x2f0: {  	s10 =	sshll.u32 s10, $0x4;
	s8 =	sand.u32 $0x70, s8;
	(pc) =	sbr.rel .LBB2_2-.Ltmp9, $4  }
0x2f1: {  	s11 =	sadd.s32 s5, s11;
	s10 =	sand.u32 $0x1FF80, s10;
	s8 =	sadd.s32 s2, s8  }
0x2f2: {  	[tilespmem:s15], [sflag:$0x6] =	stream.linear.gather [hbm4b:s11+s4], $0x100, $0x38;
	[tilespmem:$0x13B00] =	vst v63  }
0x2f3: {  	s3 =	sadd.s32 $0x1, s3;
	s0 =	sadd.s32 $0x2, s0;
	s8 =	sadd.s32 s10, s8  }
0x2f4: {  	[tilespmem:s16], [sflag:$0x6] =	stream.linear.gather [hbm4b:s8+s4], $0x80, $0x38;
	[tilespmem:$0x13B00] =	vst v63  }
.LBB2_4:
0x2f5: {  	p1 =	sne.s32 s21, $0x0  }
.Ltmp10:
0x2f6: {  	_ = 	snop;
	(pc) =	sbr.rel @!p1 .LBB2_5-.Ltmp10, $1  }
0x2f7: {  	_ =	sdelay $0x3  }
0x2f8: {  	s11 =	simm.s32 @p0 $0x4  }
0x2f9: {  	_ =	swait.ge @p0 [sflag:s11], $0x3400  }
0x2fa: {  	[sflag:s11] =	ssyncset.done @p0 $0x0  }
0x2fb: {  	[sflag:s11] =	ssyncadd.s32 @p0 $0xFFFFCC00  }
0x2fc: {  	v0 =	vld [tilespmem:$0x0]  }
0x2fd: {  	v1 =	vld [tilespmem:$0x10]  }
0x2fe: {  	v2 =	vld [tilespmem:$0x20]  }
0x2ff: {  	v3 =	vld [tilespmem:$0x30]  }
0x300: {  	v4 =	vld [tilespmem:$0x40]  }
0x301: {  	v5 =	vld [tilespmem:$0x50]  }
0x302: {  	s13 =	sadd.s32 $0x10770, s10;
	v6 =	vld [tilespmem:$0x60]  }
0x303: {  	s10 =	simm.s32 $0x0;
	s14 =	simm.s32 $0x700;
	v8 =	vmov s13;
	v7 =	vld [tilespmem:$0x70]  }
.LBB2_8:
0x304: {  	v9 =	vld [tilespmem:s14+$0xFFFFFC00]  }
0x305: {  	v10 =	vld [tilespmem:s14+$0xFFFFFC10]  }
0x306: {  	v11 =	vld [tilespmem:s14+$0xFFFFFC20]  }
0x307: {  	v12 =	vld [tilespmem:s14+$0xFFFFFC30]  }
0x308: {  	v13 =	vld [tilespmem:s14+$0xFFFFFC40]  }
0x309: {  	v14 =	vld [tilespmem:s14+$0xFFFFFC50]  }
0x30a: {  	v15 =	vld [tilespmem:s14+$0xFFFFFC60]  }
0x30b: {  	v17 =	vld [tilespmem:s14+$0xFFFFFC80]  }
0x30c: {  	v18 =	vld [tilespmem:s14+$0xFFFFFC90]  }
0x30d: {  	v19 =	vld [tilespmem:s14+$0xFFFFFCA0]  }
0x30e: {  	v20 =	vld [tilespmem:s14+$0xFFFFFCB0]  }
0x30f: {  	v21 =	vld [tilespmem:s14+$0xFFFFFCC0];
	v9 =	vmul.f32 v9, v0  }
0x310: {  	v22 =	vld [tilespmem:s14+$0xFFFFFCD0];
	v10 =	vmul.f32 v10, v1;
	v11 =	vmul.f32 v11, v2  }
0x311: {  	v16 =	vld [tilespmem:s14+$0xFFFFFC70];
	v12 =	vmul.f32 v12, v3;
	v13 =	vmul.f32 v13, v4  }
0x312: {  	v23 =	vld [tilespmem:s14+$0xFFFFFCE0];
	v14 =	vmul.f32 v14, v5;
	v34 =	vmul.f32 v19, v2  }
0x313: {  	v35 =	vld [tilespmem:s14+$0xFFFFFCF0];
	v36 =	vmul.f32 v18, v1;
	v37 =	vmul.f32 v20, v3  }
0x314: {  	v38 =	vmul.f32 v21, v4;
	v9 =	vadd.f32 v11, v9;
	v11 =	vmul.f32 v17, v0  }
0x315: {  	v39 =	vmul.f32 v22, v5;
	v15 =	vmul.f32 v15, v6;
	v10 =	vadd.f32 v12, v10  }
0x316: {  	v16 =	vmul.f32 v16, v7;
	v12 =	vadd.f32 v37, v36;
	v11 =	vadd.f32 v34, v11  }
0x317: {  	v40 =	vmul.f32 v23, v6;
	v9 =	vadd.f32 v13, v9;
	v10 =	vadd.f32 v14, v10  }
0x318: {  	v41 =	vmul.f32 v35, v7;
	v12 =	vadd.f32 v39, v12;
	v11 =	vadd.f32 v38, v11  }
0x319: {  	v9 =	vadd.f32 v15, v9;
	v10 =	vadd.f32 v16, v10  }
0x31a: {  	v12 =	vadd.f32 v41, v12;
	v11 =	vadd.f32 v40, v11;
	_ =	sdelay $0x1  }
0x31b: {  	v9 =	vadd.f32 v10, v9;
	v10 =	vadd.f32 v12, v11;
	_ =	sdelay $0x1  }
0x31c: {  	s11 =	sshra.s32 s10, $0x2;
	v9 =	vpack.i.f32.bf16 v10, v9  }
0x31d: {  	[tilespmem:v8+s11+$0xFFFFFF90 ss:$0x1] =	vst.idx.msk $0xffff, v9  }
0x31e: {  	v9 =	vld [tilespmem:s14+$0xFFFFFD00]  }
0x31f: {  	v10 =	vld [tilespmem:s14+$0xFFFFFD10]  }
0x320: {  	v11 =	vld [tilespmem:s14+$0xFFFFFD20]  }
0x321: {  	v42 =	vld [tilespmem:s14+$0xFFFFFD30]  }
0x322: {  	v43 =	vld [tilespmem:s14+$0xFFFFFD40]  }
0x323: {  	v44 =	vld [tilespmem:s14+$0xFFFFFD50]  }
0x324: {  	v45 =	vld [tilespmem:s14+$0xFFFFFD60]  }
0x325: {  	v47 =	vld [tilespmem:s14+$0xFFFFFD80]  }
0x326: {  	v48 =	vld [tilespmem:s14+$0xFFFFFD90]  }
0x327: {  	v49 =	vld [tilespmem:s14+$0xFFFFFDA0]  }
0x328: {  	v50 =	vld [tilespmem:s14+$0xFFFFFDB0]  }
0x329: {  	v51 =	vld [tilespmem:s14+$0xFFFFFDC0];
	v9 =	vmul.f32 v9, v0  }
0x32a: {  	v52 =	vld [tilespmem:s14+$0xFFFFFDD0];
	v10 =	vmul.f32 v10, v1;
	v11 =	vmul.f32 v11, v2  }
0x32b: {  	v46 =	vld [tilespmem:s14+$0xFFFFFD70];
	v12 =	vmul.f32 v42, v3;
	v13 =	vmul.f32 v43, v4  }
0x32c: {  	v53 =	vld [tilespmem:s14+$0xFFFFFDE0];
	v14 =	vmul.f32 v44, v5;
	v54 =	vmul.f32 v49, v2  }
0x32d: {  	v55 =	vld [tilespmem:s14+$0xFFFFFDF0];
	v56 =	vmul.f32 v48, v1;
	v57 =	vmul.f32 v50, v3  }
0x32e: {  	v58 =	vmul.f32 v51, v4;
	v9 =	vadd.f32 v11, v9;
	v11 =	vmul.f32 v47, v0  }
0x32f: {  	v59 =	vmul.f32 v52, v5;
	v15 =	vmul.f32 v45, v6;
	v10 =	vadd.f32 v12, v10  }
0x330: {  	v16 =	vmul.f32 v46, v7;
	v12 =	vadd.f32 v57, v56;
	v11 =	vadd.f32 v54, v11  }
0x331: {  	v60 =	vmul.f32 v53, v6;
	v9 =	vadd.f32 v13, v9;
	v10 =	vadd.f32 v14, v10  }
0x332: {  	v61 =	vmul.f32 v55, v7;
	v12 =	vadd.f32 v59, v12;
	v11 =	vadd.f32 v58, v11  }
0x333: {  	v9 =	vadd.f32 v15, v9;
	v10 =	vadd.f32 v16, v10  }
0x334: {  	v12 =	vadd.f32 v61, v12;
	v11 =	vadd.f32 v60, v11;
	_ =	sdelay $0x1  }
0x335: {  	v9 =	vadd.f32 v10, v9;
	v10 =	vadd.f32 v12, v11;
	_ =	sdelay $0x1  }
0x336: {  	v9 =	vpack.i.f32.bf16 v10, v9  }
0x337: {  	[tilespmem:v8+s11+$0xFFFFFFA0 ss:$0x1] =	vst.idx.msk $0xffff, v9  }
0x338: {  	v9 =	vld [tilespmem:s14+$0xFFFFFE00]  }
0x339: {  	v10 =	vld [tilespmem:s14+$0xFFFFFE10]  }
0x33a: {  	v11 =	vld [tilespmem:s14+$0xFFFFFE20]  }
0x33b: {  	v62 =	vld [tilespmem:s14+$0xFFFFFE30]  }
0x33c: {  	v63 =	vld [tilespmem:s14+$0xFFFFFE40]  }
0x33d: {  	v24 =	vld [tilespmem:s14+$0xFFFFFE50]  }
0x33e: {  	v25 =	vld [tilespmem:s14+$0xFFFFFE60]  }
0x33f: {  	v27 =	vld [tilespmem:s14+$0xFFFFFE80]  }
0x340: {  	v28 =	vld [tilespmem:s14+$0xFFFFFE90]  }
0x341: {  	v29 =	vld [tilespmem:s14+$0xFFFFFEA0]  }
0x342: {  	v30 =	vld [tilespmem:s14+$0xFFFFFEB0]  }
0x343: {  	v31 =	vld [tilespmem:s14+$0xFFFFFEC0];
	v9 =	vmul.f32 v9, v0  }
0x344: {  	v32 =	vld [tilespmem:s14+$0xFFFFFED0];
	v10 =	vmul.f32 v10, v1;
	v11 =	vmul.f32 v11, v2  }
0x345: {  	v26 =	vld [tilespmem:s14+$0xFFFFFE70];
	v12 =	vmul.f32 v62, v3;
	v13 =	vmul.f32 v63, v4  }
0x346: {  	v33 =	vld [tilespmem:s14+$0xFFFFFEE0];
	v14 =	vmul.f32 v24, v5;
	v34 =	vmul.f32 v29, v2  }
0x347: {  	v35 =	vld [tilespmem:s14+$0xFFFFFEF0];
	v36 =	vmul.f32 v28, v1;
	v37 =	vmul.f32 v30, v3  }
0x348: {  	v38 =	vmul.f32 v31, v4;
	v9 =	vadd.f32 v11, v9;
	v11 =	vmul.f32 v27, v0  }
0x349: {  	v39 =	vmul.f32 v32, v5;
	v15 =	vmul.f32 v25, v6;
	v10 =	vadd.f32 v12, v10  }
0x34a: {  	v16 =	vmul.f32 v26, v7;
	v12 =	vadd.f32 v37, v36;
	v11 =	vadd.f32 v34, v11  }
0x34b: {  	v40 =	vmul.f32 v33, v6;
	v9 =	vadd.f32 v13, v9;
	v10 =	vadd.f32 v14, v10  }
0x34c: {  	v41 =	vmul.f32 v35, v7;
	v12 =	vadd.f32 v39, v12;
	v11 =	vadd.f32 v38, v11  }
0x34d: {  	v9 =	vadd.f32 v15, v9;
	v10 =	vadd.f32 v16, v10  }
0x34e: {  	v12 =	vadd.f32 v41, v12;
	v11 =	vadd.f32 v40, v11;
	_ =	sdelay $0x1  }
0x34f: {  	v9 =	vadd.f32 v10, v9;
	v10 =	vadd.f32 v12, v11;
	_ =	sdelay $0x1  }
0x350: {  	v9 =	vpack.i.f32.bf16 v10, v9  }
0x351: {  	[tilespmem:v8+s11+$0xFFFFFFB0 ss:$0x1] =	vst.idx.msk $0xffff, v9  }
0x352: {  	v9 =	vld [tilespmem:s14+$0xFFFFFF00]  }
0x353: {  	v10 =	vld [tilespmem:s14+$0xFFFFFF10]  }
0x354: {  	v11 =	vld [tilespmem:s14+$0xFFFFFF20]  }
0x355: {  	v42 =	vld [tilespmem:s14+$0xFFFFFF30]  }
0x356: {  	v43 =	vld [tilespmem:s14+$0xFFFFFF40]  }
0x357: {  	v44 =	vld [tilespmem:s14+$0xFFFFFF50]  }
0x358: {  	v45 =	vld [tilespmem:s14+$0xFFFFFF60]  }
0x359: {  	v47 =	vld [tilespmem:s14+$0xFFFFFF80]  }
0x35a: {  	v48 =	vld [tilespmem:s14+$0xFFFFFF90]  }
0x35b: {  	v49 =	vld [tilespmem:s14+$0xFFFFFFA0]  }
0x35c: {  	v50 =	vld [tilespmem:s14+$0xFFFFFFB0]  }
0x35d: {  	v51 =	vld [tilespmem:s14+$0xFFFFFFC0];
	v9 =	vmul.f32 v9, v0  }
0x35e: {  	v52 =	vld [tilespmem:s14+$0xFFFFFFD0];
	v10 =	vmul.f32 v10, v1;
	v11 =	vmul.f32 v11, v2  }
0x35f: {  	v46 =	vld [tilespmem:s14+$0xFFFFFF70];
	v12 =	vmul.f32 v42, v3;
	v13 =	vmul.f32 v43, v4  }
0x360: {  	v53 =	vld [tilespmem:s14+$0xFFFFFFE0];
	v14 =	vmul.f32 v44, v5;
	v54 =	vmul.f32 v49, v2  }
0x361: {  	v55 =	vld [tilespmem:s14+$0xFFFFFFF0];
	v56 =	vmul.f32 v48, v1;
	v57 =	vmul.f32 v50, v3  }
0x362: {  	v58 =	vmul.f32 v51, v4;
	v9 =	vadd.f32 v11, v9;
	v11 =	vmul.f32 v47, v0  }
0x363: {  	v59 =	vmul.f32 v52, v5;
	v15 =	vmul.f32 v45, v6;
	v10 =	vadd.f32 v12, v10  }
0x364: {  	v16 =	vmul.f32 v46, v7;
	v12 =	vadd.f32 v57, v56;
	v11 =	vadd.f32 v54, v11  }
0x365: {  	v60 =	vmul.f32 v53, v6;
	v9 =	vadd.f32 v13, v9;
	v10 =	vadd.f32 v14, v10  }
0x366: {  	v61 =	vmul.f32 v55, v7;
	v12 =	vadd.f32 v59, v12;
	v11 =	vadd.f32 v58, v11  }
0x367: {  	v9 =	vadd.f32 v15, v9;
	v10 =	vadd.f32 v16, v10  }
0x368: {  	v12 =	vadd.f32 v61, v12;
	v11 =	vadd.f32 v60, v11;
	_ =	sdelay $0x1  }
0x369: {  	v9 =	vadd.f32 v10, v9;
	v10 =	vadd.f32 v12, v11;
	_ =	sdelay $0x1  }
0x36a: {  	v9 =	vpack.i.f32.bf16 v10, v9  }
0x36b: {  	[tilespmem:v8+s11+$0xFFFFFFC0 ss:$0x1] =	vst.idx.msk $0xffff, v9  }
0x36c: {  	v9 =	vld [tilespmem:s14+$0x0]  }
0x36d: {  	v10 =	vld [tilespmem:s14+$0x10]  }
0x36e: {  	v11 =	vld [tilespmem:s14+$0x20]  }
0x36f: {  	v62 =	vld [tilespmem:s14+$0x30]  }
0x370: {  	v63 =	vld [tilespmem:s14+$0x40]  }
0x371: {  	v24 =	vld [tilespmem:s14+$0x50]  }
0x372: {  	v25 =	vld [tilespmem:s14+$0x60]  }
0x373: {  	v27 =	vld [tilespmem:s14+$0x80]  }
0x374: {  	v28 =	vld [tilespmem:s14+$0x90]  }
0x375: {  	v29 =	vld [tilespmem:s14+$0xA0]  }
0x376: {  	v30 =	vld [tilespmem:s14+$0xB0]  }
0x377: {  	v31 =	vld [tilespmem:s14+$0xC0];
	v9 =	vmul.f32 v9, v0  }
0x378: {  	v32 =	vld [tilespmem:s14+$0xD0];
	v10 =	vmul.f32 v10, v1;
	v11 =	vmul.f32 v11, v2  }
0x379: {  	v26 =	vld [tilespmem:s14+$0x70];
	v12 =	vmul.f32 v62, v3;
	v13 =	vmul.f32 v63, v4  }
0x37a: {  	v33 =	vld [tilespmem:s14+$0xE0];
	v14 =	vmul.f32 v24, v5;
	v34 =	vmul.f32 v29, v2  }
0x37b: {  	v35 =	vld [tilespmem:s14+$0xF0];
	v36 =	vmul.f32 v28, v1;
	v37 =	vmul.f32 v30, v3  }
0x37c: {  	v38 =	vmul.f32 v31, v4;
	v9 =	vadd.f32 v11, v9;
	v11 =	vmul.f32 v27, v0  }
0x37d: {  	v39 =	vmul.f32 v32, v5;
	v15 =	vmul.f32 v25, v6;
	v10 =	vadd.f32 v12, v10  }
0x37e: {  	v16 =	vmul.f32 v26, v7;
	v12 =	vadd.f32 v37, v36;
	v11 =	vadd.f32 v34, v11  }
0x37f: {  	v40 =	vmul.f32 v33, v6;
	v9 =	vadd.f32 v13, v9;
	v10 =	vadd.f32 v14, v10  }
0x380: {  	v41 =	vmul.f32 v35, v7;
	v12 =	vadd.f32 v39, v12;
	v11 =	vadd.f32 v38, v11  }
0x381: {  	v9 =	vadd.f32 v15, v9;
	v10 =	vadd.f32 v16, v10  }
0x382: {  	v12 =	vadd.f32 v41, v12;
	v11 =	vadd.f32 v40, v11;
	_ =	sdelay $0x1  }
0x383: {  	v9 =	vadd.f32 v10, v9;
	v10 =	vadd.f32 v12, v11;
	_ =	sdelay $0x1  }
0x384: {  	v9 =	vpack.i.f32.bf16 v10, v9  }
0x385: {  	[tilespmem:v8+s11+$0xFFFFFFD0 ss:$0x1] =	vst.idx.msk $0xffff, v9  }
0x386: {  	v9 =	vld [tilespmem:s14+$0x100]  }
0x387: {  	v10 =	vld [tilespmem:s14+$0x110]  }
0x388: {  	v11 =	vld [tilespmem:s14+$0x120]  }
0x389: {  	v42 =	vld [tilespmem:s14+$0x130]  }
0x38a: {  	v43 =	vld [tilespmem:s14+$0x140]  }
0x38b: {  	v44 =	vld [tilespmem:s14+$0x150]  }
0x38c: {  	v45 =	vld [tilespmem:s14+$0x160]  }
0x38d: {  	v47 =	vld [tilespmem:s14+$0x180]  }
0x38e: {  	v48 =	vld [tilespmem:s14+$0x190]  }
0x38f: {  	v49 =	vld [tilespmem:s14+$0x1A0]  }
0x390: {  	v50 =	vld [tilespmem:s14+$0x1B0]  }
0x391: {  	v51 =	vld [tilespmem:s14+$0x1C0];
	v9 =	vmul.f32 v9, v0  }
0x392: {  	v52 =	vld [tilespmem:s14+$0x1D0];
	v10 =	vmul.f32 v10, v1;
	v11 =	vmul.f32 v11, v2  }
0x393: {  	v46 =	vld [tilespmem:s14+$0x170];
	v12 =	vmul.f32 v42, v3;
	v13 =	vmul.f32 v43, v4  }
0x394: {  	v53 =	vld [tilespmem:s14+$0x1E0];
	v14 =	vmul.f32 v44, v5;
	v54 =	vmul.f32 v49, v2  }
0x395: {  	v55 =	vld [tilespmem:s14+$0x1F0];
	v56 =	vmul.f32 v48, v1;
	v57 =	vmul.f32 v50, v3  }
0x396: {  	v58 =	vmul.f32 v51, v4;
	v9 =	vadd.f32 v11, v9;
	v11 =	vmul.f32 v47, v0  }
0x397: {  	v59 =	vmul.f32 v52, v5;
	v15 =	vmul.f32 v45, v6;
	v10 =	vadd.f32 v12, v10  }
0x398: {  	v16 =	vmul.f32 v46, v7;
	v12 =	vadd.f32 v57, v56;
	v11 =	vadd.f32 v54, v11  }
0x399: {  	v60 =	vmul.f32 v53, v6;
	v9 =	vadd.f32 v13, v9;
	v10 =	vadd.f32 v14, v10  }
0x39a: {  	v61 =	vmul.f32 v55, v7;
	v12 =	vadd.f32 v59, v12;
	v11 =	vadd.f32 v58, v11  }
0x39b: {  	v9 =	vadd.f32 v15, v9;
	v10 =	vadd.f32 v16, v10  }
0x39c: {  	v12 =	vadd.f32 v61, v12;
	v11 =	vadd.f32 v60, v11;
	_ =	sdelay $0x1  }
0x39d: {  	v9 =	vadd.f32 v10, v9;
	v10 =	vadd.f32 v12, v11;
	_ =	sdelay $0x1  }
0x39e: {  	v9 =	vpack.i.f32.bf16 v10, v9  }
0x39f: {  	[tilespmem:v8+s11+$0xFFFFFFE0 ss:$0x1] =	vst.idx.msk $0xffff, v9  }
0x3a0: {  	v9 =	vld [tilespmem:s14+$0x200]  }
0x3a1: {  	v10 =	vld [tilespmem:s14+$0x210]  }
0x3a2: {  	v11 =	vld [tilespmem:s14+$0x220]  }
0x3a3: {  	v62 =	vld [tilespmem:s14+$0x230]  }
0x3a4: {  	v63 =	vld [tilespmem:s14+$0x240]  }
0x3a5: {  	v24 =	vld [tilespmem:s14+$0x250]  }
0x3a6: {  	v25 =	vld [tilespmem:s14+$0x260]  }
0x3a7: {  	v27 =	vld [tilespmem:s14+$0x280]  }
0x3a8: {  	v28 =	vld [tilespmem:s14+$0x290]  }
0x3a9: {  	v29 =	vld [tilespmem:s14+$0x2A0]  }
0x3aa: {  	v30 =	vld [tilespmem:s14+$0x2B0]  }
0x3ab: {  	v31 =	vld [tilespmem:s14+$0x2C0];
	v9 =	vmul.f32 v9, v0  }
0x3ac: {  	v32 =	vld [tilespmem:s14+$0x2D0];
	v10 =	vmul.f32 v10, v1;
	v11 =	vmul.f32 v11, v2  }
0x3ad: {  	v26 =	vld [tilespmem:s14+$0x270];
	v12 =	vmul.f32 v62, v3;
	v13 =	vmul.f32 v63, v4  }
0x3ae: {  	v33 =	vld [tilespmem:s14+$0x2E0];
	v14 =	vmul.f32 v24, v5;
	v34 =	vmul.f32 v29, v2  }
0x3af: {  	v35 =	vld [tilespmem:s14+$0x2F0];
	v36 =	vmul.f32 v28, v1;
	v37 =	vmul.f32 v30, v3  }
0x3b0: {  	v38 =	vmul.f32 v31, v4;
	v9 =	vadd.f32 v11, v9;
	v11 =	vmul.f32 v27, v0  }
0x3b1: {  	v39 =	vmul.f32 v32, v5;
	v15 =	vmul.f32 v25, v6;
	v10 =	vadd.f32 v12, v10  }
0x3b2: {  	v16 =	vmul.f32 v26, v7;
	v12 =	vadd.f32 v37, v36;
	v11 =	vadd.f32 v34, v11  }
0x3b3: {  	v40 =	vmul.f32 v33, v6;
	v9 =	vadd.f32 v13, v9;
	v10 =	vadd.f32 v14, v10  }
0x3b4: {  	v41 =	vmul.f32 v35, v7;
	v12 =	vadd.f32 v39, v12;
	v11 =	vadd.f32 v38, v11  }
0x3b5: {  	v9 =	vadd.f32 v15, v9;
	v10 =	vadd.f32 v16, v10  }
0x3b6: {  	v12 =	vadd.f32 v41, v12;
	v11 =	vadd.f32 v40, v11;
	_ =	sdelay $0x1  }
0x3b7: {  	v9 =	vadd.f32 v10, v9;
	v10 =	vadd.f32 v12, v11;
	_ =	sdelay $0x1  }
0x3b8: {  	v9 =	vpack.i.f32.bf16 v10, v9  }
0x3b9: {  	[tilespmem:v8+s11+$0xFFFFFFF0 ss:$0x1] =	vst.idx.msk $0xffff, v9  }
0x3ba: {  	v9 =	vld [tilespmem:s14+$0x300]  }
0x3bb: {  	v10 =	vld [tilespmem:s14+$0x310]  }
0x3bc: {  	v11 =	vld [tilespmem:s14+$0x320]  }
0x3bd: {  	v42 =	vld [tilespmem:s14+$0x330]  }
0x3be: {  	v43 =	vld [tilespmem:s14+$0x340]  }
0x3bf: {  	v44 =	vld [tilespmem:s14+$0x350]  }
0x3c0: {  	v45 =	vld [tilespmem:s14+$0x360]  }
0x3c1: {  	v47 =	vld [tilespmem:s14+$0x380]  }
0x3c2: {  	v48 =	vld [tilespmem:s14+$0x390]  }
0x3c3: {  	v49 =	vld [tilespmem:s14+$0x3A0]  }
0x3c4: {  	v50 =	vld [tilespmem:s14+$0x3B0]  }
0x3c5: {  	v51 =	vld [tilespmem:s14+$0x3C0];
	v9 =	vmul.f32 v9, v0  }
0x3c6: {  	v52 =	vld [tilespmem:s14+$0x3D0];
	v10 =	vmul.f32 v10, v1;
	v11 =	vmul.f32 v11, v2  }
0x3c7: {  	v46 =	vld [tilespmem:s14+$0x370];
	v12 =	vmul.f32 v42, v3;
	v13 =	vmul.f32 v43, v4  }
0x3c8: {  	v53 =	vld [tilespmem:s14+$0x3E0];
	v14 =	vmul.f32 v44, v5;
	v54 =	vmul.f32 v49, v2  }
0x3c9: {  	v55 =	vld [tilespmem:s14+$0x3F0];
	v56 =	vmul.f32 v48, v1;
	v57 =	vmul.f32 v50, v3  }
0x3ca: {  	v58 =	vmul.f32 v51, v4;
	v9 =	vadd.f32 v11, v9;
	v11 =	vmul.f32 v47, v0  }
0x3cb: {  	v59 =	vmul.f32 v52, v5;
	v60 =	vmul.f32 v45, v6;
	v10 =	vadd.f32 v12, v10  }
0x3cc: {  	v61 =	vmul.f32 v46, v7;
	v12 =	vadd.f32 v57, v56;
	v11 =	vadd.f32 v54, v11  }
0x3cd: {  	v62 =	vmul.f32 v53, v6;
	v9 =	vadd.f32 v13, v9;
	v10 =	vadd.f32 v14, v10  }
0x3ce: {  	v63 =	vmul.f32 v55, v7;
	v12 =	vadd.f32 v59, v12;
	v11 =	vadd.f32 v58, v11  }
0x3cf: {  	v9 =	vadd.f32 v60, v9;
	v10 =	vadd.f32 v61, v10  }
0x3d0: {  	p0 =	sne.s32 s10, $0xC000;
	v12 =	vadd.f32 v63, v12;
	v11 =	vadd.f32 v62, v11  }
.Ltmp11:
0x3d1: {  	_ = 	snop;
	(pc) =	sbr.rel @p0 .LBB2_8-.Ltmp11, $3  }
0x3d2: {  	v9 =	vadd.f32 v10, v9;
	v10 =	vadd.f32 v12, v11;
	_ =	sdelay $0x1  }
0x3d3: {  	v9 =	vpack.i.f32.bf16 v10, v9  }
0x3d4: {  	s10 =	sadd.s32 $0x1000, s10;
	s14 =	sadd.s32 $0x800, s14;
	[tilespmem:v8+s11+$0x0 ss:$0x1] =	vst.idx.msk $0xffff, v9  }
.Ltmp12:
0x3d5: {  	_ = 	snop;
	(pc) =	sbr.rel .LBB2_9-.Ltmp12, $1  }
0x3d6: {  	_ =	sdelay $0x3  }
.LBB2_19:
0x3d7: {  	_ =	sfence.sel $0x180000  }
0x3d8: {  	[bflag:$0x0] =	sbarrier.arrive $0xFFFF  }
0x3d9: {  	_ =	strace $0x90000047  }
0x3da: {  	s0 =	stileid.u32;
	[bflag:$0x2] =	sbarrier.arrive $0xFFFF  }
0x3db: {  	p0 =	sne.s32 s0, $0x0;
	s0 =	rddreg [dreg:$0x3]  }
0x3dc: {  	s0 =	sadd.s32 @!p0 $0x100000, s0  }
0x3dd: {  	[sflag:s0] =	ssyncadd.tile.s32 @!p0 $0x1;
	_ =	shalt  }
.Lfunc_end2:
_tile_overlayer_lowered:
.L_overlay_start_2:
0x3de: {  	(tag) =	ssettag $0x2  }
0x3df: {  	s0 =	rddreg [dreg:$0x0];
	s2 =	stileid.u32  }
0x3e0: {  	s1 =	rddreg [dreg:$0x1];
	p0 =	sne.s32 s2, $0x0  }
0x3e1: {  	s3 =	rddreg [dreg:$0x2];
	[bflag:$0x3] =	sbarrier.arrive $0xFFFF;
	s2 =	simm.s32 @!p0 $0x1C07  }
0x3e2: {  	[timem:s3], [sflag:s2] =	dma.local @!p0 [hbm:s0], s1  }
0x3e3: {  	s0 =	simm.s32 @!p0 $0x7  }
0x3e4: {  	_ =	swait.ge @!p0 [sflag:s0], s1  }
0x3e5: {  	s1 =	ssub.s32 @!p0 $0x0, s1;
	[sflag:s0] =	ssyncset.done @!p0 $0x0  }
0x3e6: {  	[sflag:s0] =	ssyncadd.s32 @!p0 s1  }
0x3e7: {  	[bflag:$0x3] =	sbarrier.arrive $0xFFFF  }
0x3e8: {  	_ =	shalt  }

</sc_bundles>
